<compile_context>
chip_gen: v7x
topology: tpu7x:2x2x1
jax: 0.10.2.dev20260603
libtpu: 0.0.44.dev20260713+nightly
codegen_flags: <defaults>
</compile_context>

<pallas_src>
import functools

import jax
import jax.numpy as jnp
from jax import lax
from jax.experimental import pallas as pl
from jax.experimental.pallas import tpu as pltpu
from jax.experimental.pallas import tpu_sc as plsc

NUM_CLASSES = 100000
FEAT_DIM = 64
BATCH = 16384

_INFO = plsc.get_sparse_core_info()
_NC = _INFO.num_cores
_NS = _INFO.num_subcores
_NW = _NC * _NS
_IPW = BATCH // _NW
_GCH = 128
_NGC = _IPW // _GCH

_sc_mesh = plsc.VectorSubcoreMesh(core_axis_name="c", subcore_axis_name="s")


@functools.partial(
    pl.kernel,
    mesh=_sc_mesh,
    compiler_params=pltpu.CompilerParams(
        needs_layout_passes=False, use_tc_tiling_on_sc=False),
    out_type=jax.ShapeDtypeStruct((_NW, 16), jnp.float32),
    scratch_types=[
        pltpu.VMEM((_NGC, _GCH), jnp.int32),
        pltpu.VMEM((2, _GCH, FEAT_DIM), jnp.float32),
        pltpu.VMEM((2, _GCH, FEAT_DIM), jnp.float32),
        pltpu.VMEM((16,), jnp.float32),
        pltpu.SemaphoreType.DMA,
        pltpu.SemaphoreType.DMA,
    ],
)
def _sc_sw(feat_hbm, y_hbm, centers_hbm, out_sw,
           idx_v, f_v, g_v, sw_v, sem0, sem1):
    wid = lax.axis_index("s") * _NC + lax.axis_index("c")
    base = wid * _IPW
    sems = (sem0, sem1)

    for ch in range(_NGC):
        pltpu.sync_copy(y_hbm.at[pl.ds(base + ch * _GCH, _GCH)],
                        idx_v.at[ch])

    def fire(ch):
        buf = ch % 2
        fd = pltpu.async_copy(
            feat_hbm.at[pl.ds(base + ch * _GCH, _GCH)], f_v.at[buf],
            sems[buf])
        gd = pltpu.async_copy(
            centers_hbm.at[idx_v.at[ch]], g_v.at[buf], sems[buf])
        return (fd, gd)

    pend = [fire(0), fire(1)]

    zero = jnp.zeros((16,), jnp.float32)

    def make_group(buf):
        def group(g, accs):
            a0, a1, a2, a3 = accs
            for l in range(16):
                r = g * 16 + l
                for k in range(4):
                    d = (f_v[buf, r, pl.ds(16 * k, 16)]
                         - g_v[buf, r, pl.ds(16 * k, 16)])
                    if k == 0:
                        a0 = a0 + d * d
                    elif k == 1:
                        a1 = a1 + d * d
                    elif k == 2:
                        a2 = a2 + d * d
                    else:
                        a3 = a3 + d * d
            return (a0, a1, a2, a3)
        return group

    accs = (zero,) * 4
    for ch in range(_NGC):
        buf = ch % 2
        for dma in pend[buf]:
            dma.wait()
        accs = lax.fori_loop(0, _GCH // 16, make_group(buf), accs)
        if ch + 2 < _NGC:
            pend[buf] = fire(ch + 2)

    a0, a1, a2, a3 = accs
    sw_v[...] = (a0 + a1) + (a2 + a3)
    pltpu.sync_copy(sw_v, out_sw.at[wid])


_SB_ROWS = 8192
_SB_GRID = (NUM_CLASSES + _SB_ROWS - 1) // _SB_ROWS


def _tc_sb_body(c_ref, m_ref, sb_ref):
    i = pl.program_id(0)

    @pl.when(i == 0)
    def _():
        sb_ref[0, 0] = 0.0

    blk = c_ref[...]
    row = lax.broadcasted_iota(jnp.int32, blk.shape, 0) + i * _SB_ROWS
    d = blk - m_ref[...]
    d = jnp.where(row < NUM_CLASSES, d, 0.0)
    sb_ref[0, 0] += jnp.sum(d * d)


_tc_sb = pl.pallas_call(
    _tc_sb_body,
    grid=(_SB_GRID,),
    in_specs=[
        pl.BlockSpec((_SB_ROWS, FEAT_DIM), lambda i: (i, 0)),
        pl.BlockSpec((1, FEAT_DIM), lambda i: (0, 0)),
    ],
    out_specs=pl.BlockSpec(memory_space=pltpu.SMEM),
    out_shape=jax.ShapeDtypeStruct((1, 1), jnp.float32),
)


def _combine_body(sw_ref, sb_ref, out_ref):
    sw = jnp.sum(sw_ref[...]) * (1.0 / BATCH)
    sb = (sb_ref[0, 0] * 0.1) * 10.0
    out_ref[0, 0] = jnp.exp(jnp.log(sw) - jnp.log(sb))


_combine = pl.pallas_call(
    _combine_body,
    in_specs=[
        pl.BlockSpec((_NW, 16), lambda: (0, 0)),
        pl.BlockSpec(memory_space=pltpu.SMEM),
    ],
    out_specs=pl.BlockSpec(memory_space=pltpu.SMEM),
    out_shape=jax.ShapeDtypeStruct((1, 1), jnp.float32),
)


def kernel(feat, y, centers, feature_mean):
    sw_p = _sc_sw(feat, y.astype(jnp.int32), centers)
    sb = _tc_sb(centers, feature_mean)
    out = _combine(sw_p, sb)
    return out[0, 0]

# --- scband reference (transcript-rebuilt; emitter-appended) ---
"""Pipeline reference for scband-fisher-loss-89326729822495 (READ-ONLY COPY).

The authoritative reference and input builder live on the scoring server;
editing this copy changes nothing except your own understanding.
"""

import jax, jax.numpy as jnp
import numpy as np

NUM_CLASSES = 100000
FEAT_DIM = 64
BATCH = 16384

def setup_inputs(seed: int = 0) -> dict:
    key = jax.random.key(seed)
    k1, k2, k3, k4 = jax.random.split(key, 4)
    feat = jax.random.normal(k1, (BATCH, FEAT_DIM), dtype=jnp.float32)
    y = jax.random.randint(k2, (BATCH,), 0, NUM_CLASSES, dtype=jnp.int64)
    centers = jax.random.normal(k3, (NUM_CLASSES, FEAT_DIM), dtype=jnp.float32)
    feature_mean = jax.random.normal(k4, (1, FEAT_DIM), dtype=jnp.float32)
    return {"feat": feat, "y": y, "centers": centers, "feature_mean": feature_mean}

def reference(feat, y, centers, feature_mean):
    # feat.view(B,1,1,-1).squeeze() -> [B, feat_dim]
    batch_size = feat.shape[0]
    feat = feat.reshape(batch_size, -1)
    # FisherlossFunction.forward
    centers_pred = jnp.take(centers, y.astype(jnp.int32), axis=0)
    Sw = jnp.mean(jnp.sum((feat - centers_pred) ** 2, axis=1))
    Nk = jnp.array([0.1], dtype=jnp.float32)
    Sb = jnp.sum(jnp.sum((centers - feature_mean) ** 2, axis=1) * Nk[0], axis=0) * 10
    return jnp.exp(jnp.log(Sw) - jnp.log(Sb))

if __name__ == "__main__":
    import jax
    _d = setup_inputs()
    print(jax.jit(kernel)(*tuple(_d.values())))

</pallas_src>

<mosaic_0001>
#map = affine_map<(d0, d1) -> (0, 0)>
#map1 = affine_map<(d0, d1) -> (0)>
module attributes {stable_mosaic.version = 14 : i64} {
  func.func @_sc_sw(%arg0: i32, %arg1: i32, %arg2: memref<16384x64xf32, #tpu.memory_space<hbm>>, %arg3: memref<16384xi32, #tpu.memory_space<hbm>>, %arg4: memref<100000x64xf32, #tpu.memory_space<hbm>>, %arg5: memref<32x16xf32, #tpu.memory_space<hbm>>, %arg6: memref<4x128xi32, #tpu.memory_space<vmem>>, %arg7: memref<2x128x64xf32, #tpu.memory_space<vmem>>, %arg8: memref<2x128x64xf32, #tpu.memory_space<vmem>>, %arg9: memref<16xf32, #tpu.memory_space<vmem>>, %arg10: memref<!tpu.dma_semaphore, #tpu.memory_space<semaphore_mem>>, %arg11: memref<!tpu.dma_semaphore, #tpu.memory_space<semaphore_mem>>) attributes {dimension_semantics = [#tpu.dimension_semantics<core_parallel>, #tpu.dimension_semantics<subcore_parallel>], iteration_bounds = array<i64: 2, 16>, scalar_prefetch = 0 : i64, scratch_operands = 6 : i64, tpu.core_type = #tpu.core_type<sc_vector_subcore>, window_params = [{transform_indices = #map}, {transform_indices = #map1}, {transform_indices = #map}, {transform_indices = #map}]} {
    %mul3A = arith.constant 2 : i32
    %mul3A_0 = arith.muli %arg1, %mul3A : i32
    %add3A = arith.addi %mul3A_0, %arg0 : i32
    %mul3A_1 = arith.constant 512 : i32
    %mul3A_2 = arith.muli %add3A, %mul3A_1 : i32
    %add3A_3 = arith.constant 0 : i32
    %add3A_4 = arith.addi %mul3A_2, %add3A_3 : i32
    %run_scoped3A = arith.constant 0 : i32
    "tpu.region"() ({
      %run_scoped3A_248 = tpu.sem_alloc : memref<!tpu.dma_semaphore, #tpu.memory_space<semaphore_mem>>
      %dma_start3A_249 = arith.constant 0 : i32
      %dma_start3A_250 = tpu.memref_slice %arg6[%run_scoped3A, %dma_start3A_249] : memref<4x128xi32, #tpu.memory_space<vmem>> -> memref<1x128xi32, #tpu.memory_space<vmem>>
      %dma_start3A_251 = tpu.memref_squeeze %dma_start3A_250 : memref<1x128xi32, #tpu.memory_space<vmem>> -> memref<128xi32, #tpu.memory_space<vmem>>
      %dma_start3A_252 = tpu.memref_slice %arg3[%add3A_4] : memref<16384xi32, #tpu.memory_space<hbm>> -> memref<128xi32, #tpu.memory_space<hbm>>
      %dma_start3A_253 = arith.constant 0 : i32
      %dma_start3A_254 = tpu.memref_slice %arg6[%run_scoped3A, %dma_start3A_253] : memref<4x128xi32, #tpu.memory_space<vmem>> -> memref<1x128xi32, #tpu.memory_space<vmem>>
      %dma_start3A_255 = tpu.memref_squeeze %dma_start3A_254 : memref<1x128xi32, #tpu.memory_space<vmem>> -> memref<128xi32, #tpu.memory_space<vmem>>
      %dma_start3A_256 = tpu.memref_slice %arg3[%add3A_4] : memref<16384xi32, #tpu.memory_space<hbm>> -> memref<128xi32, #tpu.memory_space<hbm>>
      tpu.enqueue_dma source(%dma_start3A_256 : memref<128xi32, #tpu.memory_space<hbm>>) target(%dma_start3A_255 : memref<128xi32, #tpu.memory_space<vmem>>) target_semaphore(%run_scoped3A_248 : memref<!tpu.dma_semaphore, #tpu.memory_space<semaphore_mem>>)
      %dma_wait3A_257 = arith.constant 0 : i32
      %dma_wait3A_258 = tpu.memref_slice %arg6[%run_scoped3A, %dma_wait3A_257] : memref<4x128xi32, #tpu.memory_space<vmem>> -> memref<1x128xi32, #tpu.memory_space<vmem>>
      %dma_wait3A_259 = tpu.memref_squeeze %dma_wait3A_258 : memref<1x128xi32, #tpu.memory_space<vmem>> -> memref<128xi32, #tpu.memory_space<vmem>>
      %dma_wait3A_260 = tpu.memref_slice %arg3[%add3A_4] : memref<16384xi32, #tpu.memory_space<hbm>> -> memref<128xi32, #tpu.memory_space<hbm>>
      %dma_wait3A_261 = arith.constant 0 : i32
      %dma_wait3A_262 = tpu.memref_slice %arg6[%run_scoped3A, %dma_wait3A_261] : memref<4x128xi32, #tpu.memory_space<vmem>> -> memref<1x128xi32, #tpu.memory_space<vmem>>
      %dma_wait3A_263 = tpu.memref_squeeze %dma_wait3A_262 : memref<1x128xi32, #tpu.memory_space<vmem>> -> memref<128xi32, #tpu.memory_space<vmem>>
      %dma_wait3A_264 = tpu.memref_slice %arg3[%add3A_4] : memref<16384xi32, #tpu.memory_space<hbm>> -> memref<128xi32, #tpu.memory_space<hbm>>
      tpu.wait_dma2 semaphore(%run_scoped3A_248 : memref<!tpu.dma_semaphore, #tpu.memory_space<semaphore_mem>>) src(%dma_wait3A_264 : memref<128xi32, #tpu.memory_space<hbm>>) dst(%dma_wait3A_263 : memref<128xi32, #tpu.memory_space<vmem>>)
      tpu.yield
    }) : () -> ()
    %add3A_5 = arith.constant 128 : i32
    %add3A_6 = arith.addi %mul3A_2, %add3A_5 : i32
    %run_scoped3A_7 = arith.constant 1 : i32
    "tpu.region"() ({
      %run_scoped3A_248 = tpu.sem_alloc : memref<!tpu.dma_semaphore, #tpu.memory_space<semaphore_mem>>
      %dma_start3A_249 = arith.constant 0 : i32
      %dma_start3A_250 = tpu.memref_slice %arg6[%run_scoped3A_7, %dma_start3A_249] : memref<4x128xi32, #tpu.memory_space<vmem>> -> memref<1x128xi32, #tpu.memory_space<vmem>>
      %dma_start3A_251 = tpu.memref_squeeze %dma_start3A_250 : memref<1x128xi32, #tpu.memory_space<vmem>> -> memref<128xi32, #tpu.memory_space<vmem>>
      %dma_start3A_252 = tpu.memref_slice %arg3[%add3A_6] : memref<16384xi32, #tpu.memory_space<hbm>> -> memref<128xi32, #tpu.memory_space<hbm>>
      %dma_start3A_253 = arith.constant 0 : i32
      %dma_start3A_254 = tpu.memref_slice %arg6[%run_scoped3A_7, %dma_start3A_253] : memref<4x128xi32, #tpu.memory_space<vmem>> -> memref<1x128xi32, #tpu.memory_space<vmem>>
      %dma_start3A_255 = tpu.memref_squeeze %dma_start3A_254 : memref<1x128xi32, #tpu.memory_space<vmem>> -> memref<128xi32, #tpu.memory_space<vmem>>
      %dma_start3A_256 = tpu.memref_slice %arg3[%add3A_6] : memref<16384xi32, #tpu.memory_space<hbm>> -> memref<128xi32, #tpu.memory_space<hbm>>
      tpu.enqueue_dma source(%dma_start3A_256 : memref<128xi32, #tpu.memory_space<hbm>>) target(%dma_start3A_255 : memref<128xi32, #tpu.memory_space<vmem>>) target_semaphore(%run_scoped3A_248 : memref<!tpu.dma_semaphore, #tpu.memory_space<semaphore_mem>>)
      %dma_wait3A_257 = arith.constant 0 : i32
      %dma_wait3A_258 = tpu.memref_slice %arg6[%run_scoped3A_7, %dma_wait3A_257] : memref<4x128xi32, #tpu.memory_space<vmem>> -> memref<1x128xi32, #tpu.memory_space<vmem>>
      %dma_wait3A_259 = tpu.memref_squeeze %dma_wait3A_258 : memref<1x128xi32, #tpu.memory_space<vmem>> -> memref<128xi32, #tpu.memory_space<vmem>>
      %dma_wait3A_260 = tpu.memref_slice %arg3[%add3A_6] : memref<16384xi32, #tpu.memory_space<hbm>> -> memref<128xi32, #tpu.memory_space<hbm>>
      %dma_wait3A_261 = arith.constant 0 : i32
      %dma_wait3A_262 = tpu.memref_slice %arg6[%run_scoped3A_7, %dma_wait3A_261] : memref<4x128xi32, #tpu.memory_space<vmem>> -> memref<1x128xi32, #tpu.memory_space<vmem>>
      %dma_wait3A_263 = tpu.memref_squeeze %dma_wait3A_262 : memref<1x128xi32, #tpu.memory_space<vmem>> -> memref<128xi32, #tpu.memory_space<vmem>>
      %dma_wait3A_264 = tpu.memref_slice %arg3[%add3A_6] : memref<16384xi32, #tpu.memory_space<hbm>> -> memref<128xi32, #tpu.memory_space<hbm>>
      tpu.wait_dma2 semaphore(%run_scoped3A_248 : memref<!tpu.dma_semaphore, #tpu.memory_space<semaphore_mem>>) src(%dma_wait3A_264 : memref<128xi32, #tpu.memory_space<hbm>>) dst(%dma_wait3A_263 : memref<128xi32, #tpu.memory_space<vmem>>)
      tpu.yield
    }) : () -> ()
    %add3A_8 = arith.constant 256 : i32
    %add3A_9 = arith.addi %mul3A_2, %add3A_8 : i32
    %run_scoped3A_10 = arith.constant 2 : i32
    "tpu.region"() ({
      %run_scoped3A_248 = tpu.sem_alloc : memref<!tpu.dma_semaphore, #tpu.memory_space<semaphore_mem>>
      %dma_start3A_249 = arith.constant 0 : i32
      %dma_start3A_250 = tpu.memref_slice %arg6[%run_scoped3A_10, %dma_start3A_249] : memref<4x128xi32, #tpu.memory_space<vmem>> -> memref<1x128xi32, #tpu.memory_space<vmem>>
      %dma_start3A_251 = tpu.memref_squeeze %dma_start3A_250 : memref<1x128xi32, #tpu.memory_space<vmem>> -> memref<128xi32, #tpu.memory_space<vmem>>
      %dma_start3A_252 = tpu.memref_slice %arg3[%add3A_9] : memref<16384xi32, #tpu.memory_space<hbm>> -> memref<128xi32, #tpu.memory_space<hbm>>
      %dma_start3A_253 = arith.constant 0 : i32
      %dma_start3A_254 = tpu.memref_slice %arg6[%run_scoped3A_10, %dma_start3A_253] : memref<4x128xi32, #tpu.memory_space<vmem>> -> memref<1x128xi32, #tpu.memory_space<vmem>>
      %dma_start3A_255 = tpu.memref_squeeze %dma_start3A_254 : memref<1x128xi32, #tpu.memory_space<vmem>> -> memref<128xi32, #tpu.memory_space<vmem>>
      %dma_start3A_256 = tpu.memref_slice %arg3[%add3A_9] : memref<16384xi32, #tpu.memory_space<hbm>> -> memref<128xi32, #tpu.memory_space<hbm>>
      tpu.enqueue_dma source(%dma_start3A_256 : memref<128xi32, #tpu.memory_space<hbm>>) target(%dma_start3A_255 : memref<128xi32, #tpu.memory_space<vmem>>) target_semaphore(%run_scoped3A_248 : memref<!tpu.dma_semaphore, #tpu.memory_space<semaphore_mem>>)
      %dma_wait3A_257 = arith.constant 0 : i32
      %dma_wait3A_258 = tpu.memref_slice %arg6[%run_scoped3A_10, %dma_wait3A_257] : memref<4x128xi32, #tpu.memory_space<vmem>> -> memref<1x128xi32, #tpu.memory_space<vmem>>
      %dma_wait3A_259 = tpu.memref_squeeze %dma_wait3A_258 : memref<1x128xi32, #tpu.memory_space<vmem>> -> memref<128xi32, #tpu.memory_space<vmem>>
      %dma_wait3A_260 = tpu.memref_slice %arg3[%add3A_9] : memref<16384xi32, #tpu.memory_space<hbm>> -> memref<128xi32, #tpu.memory_space<hbm>>
      %dma_wait3A_261 = arith.constant 0 : i32
      %dma_wait3A_262 = tpu.memref_slice %arg6[%run_scoped3A_10, %dma_wait3A_261] : memref<4x128xi32, #tpu.memory_space<vmem>> -> memref<1x128xi32, #tpu.memory_space<vmem>>
      %dma_wait3A_263 = tpu.memref_squeeze %dma_wait3A_262 : memref<1x128xi32, #tpu.memory_space<vmem>> -> memref<128xi32, #tpu.memory_space<vmem>>
      %dma_wait3A_264 = tpu.memref_slice %arg3[%add3A_9] : memref<16384xi32, #tpu.memory_space<hbm>> -> memref<128xi32, #tpu.memory_space<hbm>>
      tpu.wait_dma2 semaphore(%run_scoped3A_248 : memref<!tpu.dma_semaphore, #tpu.memory_space<semaphore_mem>>) src(%dma_wait3A_264 : memref<128xi32, #tpu.memory_space<hbm>>) dst(%dma_wait3A_263 : memref<128xi32, #tpu.memory_space<vmem>>)
      tpu.yield
    }) : () -> ()
    %add3A_11 = arith.constant 384 : i32
    %add3A_12 = arith.addi %mul3A_2, %add3A_11 : i32
    %run_scoped3A_13 = arith.constant 3 : i32
    "tpu.region"() ({
      %run_scoped3A_248 = tpu.sem_alloc : memref<!tpu.dma_semaphore, #tpu.memory_space<semaphore_mem>>
      %dma_start3A_249 = arith.constant 0 : i32
      %dma_start3A_250 = tpu.memref_slice %arg6[%run_scoped3A_13, %dma_start3A_249] : memref<4x128xi32, #tpu.memory_space<vmem>> -> memref<1x128xi32, #tpu.memory_space<vmem>>
      %dma_start3A_251 = tpu.memref_squeeze %dma_start3A_250 : memref<1x128xi32, #tpu.memory_space<vmem>> -> memref<128xi32, #tpu.memory_space<vmem>>
      %dma_start3A_252 = tpu.memref_slice %arg3[%add3A_12] : memref<16384xi32, #tpu.memory_space<hbm>> -> memref<128xi32, #tpu.memory_space<hbm>>
      %dma_start3A_253 = arith.constant 0 : i32
      %dma_start3A_254 = tpu.memref_slice %arg6[%run_scoped3A_13, %dma_start3A_253] : memref<4x128xi32, #tpu.memory_space<vmem>> -> memref<1x128xi32, #tpu.memory_space<vmem>>
      %dma_start3A_255 = tpu.memref_squeeze %dma_start3A_254 : memref<1x128xi32, #tpu.memory_space<vmem>> -> memref<128xi32, #tpu.memory_space<vmem>>
      %dma_start3A_256 = tpu.memref_slice %arg3[%add3A_12] : memref<16384xi32, #tpu.memory_space<hbm>> -> memref<128xi32, #tpu.memory_space<hbm>>
      tpu.enqueue_dma source(%dma_start3A_256 : memref<128xi32, #tpu.memory_space<hbm>>) target(%dma_start3A_255 : memref<128xi32, #tpu.memory_space<vmem>>) target_semaphore(%run_scoped3A_248 : memref<!tpu.dma_semaphore, #tpu.memory_space<semaphore_mem>>)
      %dma_wait3A_257 = arith.constant 0 : i32
      %dma_wait3A_258 = tpu.memref_slice %arg6[%run_scoped3A_13, %dma_wait3A_257] : memref<4x128xi32, #tpu.memory_space<vmem>> -> memref<1x128xi32, #tpu.memory_space<vmem>>
      %dma_wait3A_259 = tpu.memref_squeeze %dma_wait3A_258 : memref<1x128xi32, #tpu.memory_space<vmem>> -> memref<128xi32, #tpu.memory_space<vmem>>
      %dma_wait3A_260 = tpu.memref_slice %arg3[%add3A_12] : memref<16384xi32, #tpu.memory_space<hbm>> -> memref<128xi32, #tpu.memory_space<hbm>>
      %dma_wait3A_261 = arith.constant 0 : i32
      %dma_wait3A_262 = tpu.memref_slice %arg6[%run_scoped3A_13, %dma_wait3A_261] : memref<4x128xi32, #tpu.memory_space<vmem>> -> memref<1x128xi32, #tpu.memory_space<vmem>>
      %dma_wait3A_263 = tpu.memref_squeeze %dma_wait3A_262 : memref<1x128xi32, #tpu.memory_space<vmem>> -> memref<128xi32, #tpu.memory_space<vmem>>
      %dma_wait3A_264 = tpu.memref_slice %arg3[%add3A_12] : memref<16384xi32, #tpu.memory_space<hbm>> -> memref<128xi32, #tpu.memory_space<hbm>>
      tpu.wait_dma2 semaphore(%run_scoped3A_248 : memref<!tpu.dma_semaphore, #tpu.memory_space<semaphore_mem>>) src(%dma_wait3A_264 : memref<128xi32, #tpu.memory_space<hbm>>) dst(%dma_wait3A_263 : memref<128xi32, #tpu.memory_space<vmem>>)
      tpu.yield
    }) : () -> ()
    %add3A_14 = arith.constant 0 : i32
    %add3A_15 = arith.addi %mul3A_2, %add3A_14 : i32
    %dma_start3A = arith.constant 0 : i32
    %dma_start3A_16 = arith.constant 0 : i32
    %dma_start3A_17 = arith.constant 0 : i32
    %dma_start3A_18 = tpu.memref_slice %arg7[%dma_start3A, %dma_start3A_16, %dma_start3A_17] : memref<2x128x64xf32, #tpu.memory_space<vmem>> -> memref<1x128x64xf32, #tpu.memory_space<vmem>>
    %dma_start3A_19 = tpu.memref_squeeze %dma_start3A_18 : memref<1x128x64xf32, #tpu.memory_space<vmem>> -> memref<128x64xf32, #tpu.memory_space<vmem>>
    %dma_start3A_20 = arith.constant 0 : i32
    %dma_start3A_21 = tpu.memref_slice %arg2[%add3A_15, %dma_start3A_20] : memref<16384x64xf32, #tpu.memory_space<hbm>> -> memref<128x64xf32, #tpu.memory_space<hbm>>
    %dma_start3A_22 = arith.constant 0 : i32
    %dma_start3A_23 = arith.constant 0 : i32
    %dma_start3A_24 = tpu.memref_slice %arg7[%dma_start3A, %dma_start3A_22, %dma_start3A_23] : memref<2x128x64xf32, #tpu.memory_space<vmem>> -> memref<1x128x64xf32, #tpu.memory_space<vmem>>
    %dma_start3A_25 = tpu.memref_squeeze %dma_start3A_24 : memref<1x128x64xf32, #tpu.memory_space<vmem>> -> memref<128x64xf32, #tpu.memory_space<vmem>>
    %dma_start3A_26 = arith.constant 0 : i32
    %dma_start3A_27 = tpu.memref_slice %arg2[%add3A_15, %dma_start3A_26] : memref<16384x64xf32, #tpu.memory_space<hbm>> -> memref<128x64xf32, #tpu.memory_space<hbm>>
    tpu.enqueue_dma source(%dma_start3A_27 : memref<128x64xf32, #tpu.memory_space<hbm>>) target(%dma_start3A_25 : memref<128x64xf32, #tpu.memory_space<vmem>>) target_semaphore(%arg10 : memref<!tpu.dma_semaphore, #tpu.memory_space<semaphore_mem>>)
    %dma_start3A_28 = arith.constant 0 : i32
    %dma_start3A_29 = arith.constant 0 : i32
    %dma_start3A_30 = arith.constant 0 : i32
    %dma_start3A_31 = arith.constant 0 : i32
    %dma_start3A_32 = tpu.memref_slice %arg8[%dma_start3A_29, %dma_start3A_30, %dma_start3A_31] : memref<2x128x64xf32, #tpu.memory_space<vmem>> -> memref<1x128x64xf32, #tpu.memory_space<vmem>>
    %dma_start3A_33 = tpu.memref_squeeze %dma_start3A_32 : memref<1x128x64xf32, #tpu.memory_space<vmem>> -> memref<128x64xf32, #tpu.memory_space<vmem>>
    %dma_start3A_34 = arith.constant 0 : i32
    %dma_start3A_35 = tpu.memref_slice %arg6[%dma_start3A_28, %dma_start3A_34] : memref<4x128xi32, #tpu.memory_space<vmem>> -> memref<1x128xi32, #tpu.memory_space<vmem>>
    %dma_start3A_36 = tpu.memref_squeeze %dma_start3A_35 : memref<1x128xi32, #tpu.memory_space<vmem>> -> memref<128xi32, #tpu.memory_space<vmem>>
    %dma_start3A_37 = arith.constant 0 : i32
    %dma_start3A_38 = arith.constant 0 : i32
    %dma_start3A_39 = tpu.memref_slice %arg4[%dma_start3A_37, %dma_start3A_38] : memref<100000x64xf32, #tpu.memory_space<hbm>> -> memref<100000x64xf32, #tpu.memory_space<hbm>>
    tpu.enqueue_indirect_dma source(%dma_start3A_39 : memref<100000x64xf32, #tpu.memory_space<hbm>>) target(%dma_start3A_33 : memref<128x64xf32, #tpu.memory_space<vmem>>) offsets(%dma_start3A_36 : memref<128xi32, #tpu.memory_space<vmem>>) semaphore(%arg10 : memref<!tpu.dma_semaphore, #tpu.memory_space<semaphore_mem>>)
    %add3A_40 = arith.constant 128 : i32
    %add3A_41 = arith.addi %mul3A_2, %add3A_40 : i32
    %dma_start3A_42 = arith.constant 1 : i32
    %dma_start3A_43 = arith.constant 0 : i32
    %dma_start3A_44 = arith.constant 0 : i32
    %dma_start3A_45 = tpu.memref_slice %arg7[%dma_start3A_42, %dma_start3A_43, %dma_start3A_44] : memref<2x128x64xf32, #tpu.memory_space<vmem>> -> memref<1x128x64xf32, #tpu.memory_space<vmem>>
    %dma_start3A_46 = tpu.memref_squeeze %dma_start3A_45 : memref<1x128x64xf32, #tpu.memory_space<vmem>> -> memref<128x64xf32, #tpu.memory_space<vmem>>
    %dma_start3A_47 = arith.constant 0 : i32
    %dma_start3A_48 = tpu.memref_slice %arg2[%add3A_41, %dma_start3A_47] : memref<16384x64xf32, #tpu.memory_space<hbm>> -> memref<128x64xf32, #tpu.memory_space<hbm>>
    %dma_start3A_49 = arith.constant 0 : i32
    %dma_start3A_50 = arith.constant 0 : i32
    %dma_start3A_51 = tpu.memref_slice %arg7[%dma_start3A_42, %dma_start3A_49, %dma_start3A_50] : memref<2x128x64xf32, #tpu.memory_space<vmem>> -> memref<1x128x64xf32, #tpu.memory_space<vmem>>
    %dma_start3A_52 = tpu.memref_squeeze %dma_start3A_51 : memref<1x128x64xf32, #tpu.memory_space<vmem>> -> memref<128x64xf32, #tpu.memory_space<vmem>>
    %dma_start3A_53 = arith.constant 0 : i32
    %dma_start3A_54 = tpu.memref_slice %arg2[%add3A_41, %dma_start3A_53] : memref<16384x64xf32, #tpu.memory_space<hbm>> -> memref<128x64xf32, #tpu.memory_space<hbm>>
    tpu.enqueue_dma source(%dma_start3A_54 : memref<128x64xf32, #tpu.memory_space<hbm>>) target(%dma_start3A_52 : memref<128x64xf32, #tpu.memory_space<vmem>>) target_semaphore(%arg11 : memref<!tpu.dma_semaphore, #tpu.memory_space<semaphore_mem>>)
    %dma_start3A_55 = arith.constant 1 : i32
    %dma_start3A_56 = arith.constant 1 : i32
    %dma_start3A_57 = arith.constant 0 : i32
    %dma_start3A_58 = arith.constant 0 : i32
    %dma_start3A_59 = tpu.memref_slice %arg8[%dma_start3A_56, %dma_start3A_57, %dma_start3A_58] : memref<2x128x64xf32, #tpu.memory_space<vmem>> -> memref<1x128x64xf32, #tpu.memory_space<vmem>>
    %dma_start3A_60 = tpu.memref_squeeze %dma_start3A_59 : memref<1x128x64xf32, #tpu.memory_space<vmem>> -> memref<128x64xf32, #tpu.memory_space<vmem>>
    %dma_start3A_61 = arith.constant 0 : i32
    %dma_start3A_62 = tpu.memref_slice %arg6[%dma_start3A_55, %dma_start3A_61] : memref<4x128xi32, #tpu.memory_space<vmem>> -> memref<1x128xi32, #tpu.memory_space<vmem>>
    %dma_start3A_63 = tpu.memref_squeeze %dma_start3A_62 : memref<1x128xi32, #tpu.memory_space<vmem>> -> memref<128xi32, #tpu.memory_space<vmem>>
    %dma_start3A_64 = arith.constant 0 : i32
    %dma_start3A_65 = arith.constant 0 : i32
    %dma_start3A_66 = tpu.memref_slice %arg4[%dma_start3A_64, %dma_start3A_65] : memref<100000x64xf32, #tpu.memory_space<hbm>> -> memref<100000x64xf32, #tpu.memory_space<hbm>>
    tpu.enqueue_indirect_dma source(%dma_start3A_66 : memref<100000x64xf32, #tpu.memory_space<hbm>>) target(%dma_start3A_60 : memref<128x64xf32, #tpu.memory_space<vmem>>) offsets(%dma_start3A_63 : memref<128xi32, #tpu.memory_space<vmem>>) semaphore(%arg11 : memref<!tpu.dma_semaphore, #tpu.memory_space<semaphore_mem>>)
    %broadcast_in_dim3A = arith.constant 0.000000e+00 : f32
    %broadcast_in_dim3A_67 = vector.broadcast %broadcast_in_dim3A : f32 to vector<16xf32>
    %dma_wait3A = arith.constant 0 : i32
    %dma_wait3A_68 = arith.constant 0 : i32
    %dma_wait3A_69 = arith.constant 0 : i32
    %dma_wait3A_70 = tpu.memref_slice %arg7[%dma_wait3A, %dma_wait3A_68, %dma_wait3A_69] : memref<2x128x64xf32, #tpu.memory_space<vmem>> -> memref<1x128x64xf32, #tpu.memory_space<vmem>>
    %dma_wait3A_71 = tpu.memref_squeeze %dma_wait3A_70 : memref<1x128x64xf32, #tpu.memory_space<vmem>> -> memref<128x64xf32, #tpu.memory_space<vmem>>
    %dma_wait3A_72 = arith.constant 0 : i32
    %dma_wait3A_73 = tpu.memref_slice %arg2[%add3A_15, %dma_wait3A_72] : memref<16384x64xf32, #tpu.memory_space<hbm>> -> memref<128x64xf32, #tpu.memory_space<hbm>>
    %dma_wait3A_74 = arith.constant 0 : i32
    %dma_wait3A_75 = arith.constant 0 : i32
    %dma_wait3A_76 = tpu.memref_slice %arg7[%dma_wait3A, %dma_wait3A_74, %dma_wait3A_75] : memref<2x128x64xf32, #tpu.memory_space<vmem>> -> memref<1x128x64xf32, #tpu.memory_space<vmem>>
    %dma_wait3A_77 = tpu.memref_squeeze %dma_wait3A_76 : memref<1x128x64xf32, #tpu.memory_space<vmem>> -> memref<128x64xf32, #tpu.memory_space<vmem>>
    %dma_wait3A_78 = arith.constant 0 : i32
    %dma_wait3A_79 = tpu.memref_slice %arg2[%add3A_15, %dma_wait3A_78] : memref<16384x64xf32, #tpu.memory_space<hbm>> -> memref<128x64xf32, #tpu.memory_space<hbm>>
    tpu.wait_dma2 semaphore(%arg10 : memref<!tpu.dma_semaphore, #tpu.memory_space<semaphore_mem>>) src(%dma_wait3A_79 : memref<128x64xf32, #tpu.memory_space<hbm>>) dst(%dma_wait3A_77 : memref<128x64xf32, #tpu.memory_space<vmem>>)
    %dma_wait3A_80 = arith.constant 0 : i32
    %dma_wait3A_81 = arith.constant 0 : i32
    %dma_wait3A_82 = arith.constant 0 : i32
    %dma_wait3A_83 = arith.constant 0 : i32
    %dma_wait3A_84 = tpu.memref_slice %arg8[%dma_wait3A_81, %dma_wait3A_82, %dma_wait3A_83] : memref<2x128x64xf32, #tpu.memory_space<vmem>> -> memref<1x128x64xf32, #tpu.memory_space<vmem>>
    %dma_wait3A_85 = tpu.memref_squeeze %dma_wait3A_84 : memref<1x128x64xf32, #tpu.memory_space<vmem>> -> memref<128x64xf32, #tpu.memory_space<vmem>>
    %dma_wait3A_86 = arith.constant 0 : i32
    %dma_wait3A_87 = tpu.memref_slice %arg6[%dma_wait3A_80, %dma_wait3A_86] : memref<4x128xi32, #tpu.memory_space<vmem>> -> memref<1x128xi32, #tpu.memory_space<vmem>>
    %dma_wait3A_88 = tpu.memref_squeeze %dma_wait3A_87 : memref<1x128xi32, #tpu.memory_space<vmem>> -> memref<128xi32, #tpu.memory_space<vmem>>
    %dma_wait3A_89 = arith.constant 0 : i32
    %dma_wait3A_90 = arith.constant 0 : i32
    %dma_wait3A_91 = tpu.memref_slice %arg4[%dma_wait3A_89, %dma_wait3A_90] : memref<100000x64xf32, #tpu.memory_space<hbm>> -> memref<100000x64xf32, #tpu.memory_space<hbm>>
    tpu.wait_indirect_dma semaphore(%arg10 : memref<!tpu.dma_semaphore, #tpu.memory_space<semaphore_mem>>) src(%dma_wait3A_91 : memref<100000x64xf32, #tpu.memory_space<hbm>>) dst(%dma_wait3A_85 : memref<128x64xf32, #tpu.memory_space<vmem>>)
    %scan3A = arith.constant 0 : i32
    %scan3A_92 = arith.constant 8 : i32
    %scan3A_93 = arith.addi %scan3A, %scan3A_92 : i32
    %scan3A_94 = arith.constant 1 : i32
    %scan3A_95:4 = scf.for %scan3A_248 = %scan3A to %scan3A_93 step %scan3A_94 iter_args(%scan3A_249 = %broadcast_in_dim3A_67, %scan3A_250 = %broadcast_in_dim3A_67, %scan3A_251 = %broadcast_in_dim3A_67, %scan3A_252 = %broadcast_in_dim3A_67) -> (vector<16xf32>, vector<16xf32>, vector<16xf32>, vector<16xf32>)  : i32 {
      %mul3A_253 = arith.constant 16 : i32
      %mul3A_254 = arith.muli %scan3A_248, %mul3A_253 : i32
      %add3A_255 = arith.constant 0 : i32
      %add3A_256 = arith.addi %mul3A_254, %add3A_255 : i32
      %get3A = arith.constant 0 : i32
      %get3A_257 = arith.index_cast %get3A : i32 to index
      %get3A_258 = arith.index_cast %add3A_256 : i32 to index
      %get3A_259 = arith.constant 0 : index
      %get3A_260 = tpu.vector_load %arg7[%get3A_257, %get3A_258, %get3A_259] {strides = array<i32>} : memref<2x128x64xf32, #tpu.memory_space<vmem>>, vector<16xf32>,
      %get3A_261 = arith.constant 0 : i32
      %get3A_262 = arith.index_cast %get3A_261 : i32 to index
      %get3A_263 = arith.index_cast %add3A_256 : i32 to index
      %get3A_264 = arith.constant 0 : index
      %get3A_265 = tpu.vector_load %arg8[%get3A_262, %get3A_263, %get3A_264] {strides = array<i32>} : memref<2x128x64xf32, #tpu.memory_space<vmem>>, vector<16xf32>,
      %sub3A = arith.subf %get3A_260, %get3A_265 : vector<16xf32>
      %mul3A_266 = arith.mulf %sub3A, %sub3A : vector<16xf32>
      %add3A_267 = arith.addf %scan3A_249, %mul3A_266 : vector<16xf32>
      %get3A_268 = arith.constant 0 : i32
      %get3A_269 = arith.index_cast %get3A_268 : i32 to index
      %get3A_270 = arith.index_cast %add3A_256 : i32 to index
      %get3A_271 = arith.constant 16 : index
      %get3A_272 = tpu.vector_load %arg7[%get3A_269, %get3A_270, %get3A_271] {strides = array<i32>} : memref<2x128x64xf32, #tpu.memory_space<vmem>>, vector<16xf32>,
      %get3A_273 = arith.constant 0 : i32
      %get3A_274 = arith.index_cast %get3A_273 : i32 to index
      %get3A_275 = arith.index_cast %add3A_256 : i32 to index
      %get3A_276 = arith.constant 16 : index
      %get3A_277 = tpu.vector_load %arg8[%get3A_274, %get3A_275, %get3A_276] {strides = array<i32>} : memref<2x128x64xf32, #tpu.memory_space<vmem>>, vector<16xf32>,
      %sub3A_278 = arith.subf %get3A_272, %get3A_277 : vector<16xf32>
      %mul3A_279 = arith.mulf %sub3A_278, %sub3A_278 : vector<16xf32>
      %add3A_280 = arith.addf %scan3A_250, %mul3A_279 : vector<16xf32>
      %get3A_281 = arith.constant 0 : i32
      %get3A_282 = arith.index_cast %get3A_281 : i32 to index
      %get3A_283 = arith.index_cast %add3A_256 : i32 to index
      %get3A_284 = arith.constant 32 : index
      %get3A_285 = tpu.vector_load %arg7[%get3A_282, %get3A_283, %get3A_284] {strides = array<i32>} : memref<2x128x64xf32, #tpu.memory_space<vmem>>, vector<16xf32>,
      %get3A_286 = arith.constant 0 : i32
      %get3A_287 = arith.index_cast %get3A_286 : i32 to index
      %get3A_288 = arith.index_cast %add3A_256 : i32 to index
      %get3A_289 = arith.constant 32 : index
      %get3A_290 = tpu.vector_load %arg8[%get3A_287, %get3A_288, %get3A_289] {strides = array<i32>} : memref<2x128x64xf32, #tpu.memory_space<vmem>>, vector<16xf32>,
      %sub3A_291 = arith.subf %get3A_285, %get3A_290 : vector<16xf32>
      %mul3A_292 = arith.mulf %sub3A_291, %sub3A_291 : vector<16xf32>
      %add3A_293 = arith.addf %scan3A_251, %mul3A_292 : vector<16xf32>
      %get3A_294 = arith.constant 0 : i32
      %get3A_295 = arith.index_cast %get3A_294 : i32 to index
      %get3A_296 = arith.index_cast %add3A_256 : i32 to index
      %get3A_297 = arith.constant 48 : index
      %get3A_298 = tpu.vector_load %arg7[%get3A_295, %get3A_296, %get3A_297] {strides = array<i32>} : memref<2x128x64xf32, #tpu.memory_space<vmem>>, vector<16xf32>,
      %get3A_299 = arith.constant 0 : i32
      %get3A_300 = arith.index_cast %get3A_299 : i32 to index
      %get3A_301 = arith.index_cast %add3A_256 : i32 to index
      %get3A_302 = arith.constant 48 : index
      %get3A_303 = tpu.vector_load %arg8[%get3A_300, %get3A_301, %get3A_302] {strides = array<i32>} : memref<2x128x64xf32, #tpu.memory_space<vmem>>, vector<16xf32>,
      %sub3A_304 = arith.subf %get3A_298, %get3A_303 : vector<16xf32>
      %mul3A_305 = arith.mulf %sub3A_304, %sub3A_304 : vector<16xf32>
      %add3A_306 = arith.addf %scan3A_252, %mul3A_305 : vector<16xf32>
      %mul3A_307 = arith.constant 16 : i32
      %mul3A_308 = arith.muli %scan3A_248, %mul3A_307 : i32
      %add3A_309 = arith.constant 1 : i32
      %add3A_310 = arith.addi %mul3A_308, %add3A_309 : i32
      %get3A_311 = arith.constant 0 : i32
      %get3A_312 = arith.index_cast %get3A_311 : i32 to index
      %get3A_313 = arith.index_cast %add3A_310 : i32 to index
      %get3A_314 = arith.constant 0 : index
      %get3A_315 = tpu.vector_load %arg7[%get3A_312, %get3A_313, %get3A_314] {strides = array<i32>} : memref<2x128x64xf32, #tpu.memory_space<vmem>>, vector<16xf32>,
      %get3A_316 = arith.constant 0 : i32
      %get3A_317 = arith.index_cast %get3A_316 : i32 to index
      %get3A_318 = arith.index_cast %add3A_310 : i32 to index
      %get3A_319 = arith.constant 0 : index
      %get3A_320 = tpu.vector_load %arg8[%get3A_317, %get3A_318, %get3A_319] {strides = array<i32>} : memref<2x128x64xf32, #tpu.memory_space<vmem>>, vector<16xf32>,
      %sub3A_321 = arith.subf %get3A_315, %get3A_320 : vector<16xf32>
      %mul3A_322 = arith.mulf %sub3A_321, %sub3A_321 : vector<16xf32>
      %add3A_323 = arith.addf %add3A_267, %mul3A_322 : vector<16xf32>
      %get3A_324 = arith.constant 0 : i32
      %get3A_325 = arith.index_cast %get3A_324 : i32 to index
      %get3A_326 = arith.index_cast %add3A_310 : i32 to index
      %get3A_327 = arith.constant 16 : index
      %get3A_328 = tpu.vector_load %arg7[%get3A_325, %get3A_326, %get3A_327] {strides = array<i32>} : memref<2x128x64xf32, #tpu.memory_space<vmem>>, vector<16xf32>,
      %get3A_329 = arith.constant 0 : i32
      %get3A_330 = arith.index_cast %get3A_329 : i32 to index
      %get3A_331 = arith.index_cast %add3A_310 : i32 to index
      %get3A_332 = arith.constant 16 : index
      %get3A_333 = tpu.vector_load %arg8[%get3A_330, %get3A_331, %get3A_332] {strides = array<i32>} : memref<2x128x64xf32, #tpu.memory_space<vmem>>, vector<16xf32>,
      %sub3A_334 = arith.subf %get3A_328, %get3A_333 : vector<16xf32>
      %mul3A_335 = arith.mulf %sub3A_334, %sub3A_334 : vector<16xf32>
      %add3A_336 = arith.addf %add3A_280, %mul3A_335 : vector<16xf32>
      %get3A_337 = arith.constant 0 : i32
      %get3A_338 = arith.index_cast %get3A_337 : i32 to index
      %get3A_339 = arith.index_cast %add3A_310 : i32 to index
      %get3A_340 = arith.constant 32 : index
      %get3A_341 = tpu.vector_load %arg7[%get3A_338, %get3A_339, %get3A_340] {strides = array<i32>} : memref<2x128x64xf32, #tpu.memory_space<vmem>>, vector<16xf32>,
      %get3A_342 = arith.constant 0 : i32
      %get3A_343 = arith.index_cast %get3A_342 : i32 to index
      %get3A_344 = arith.index_cast %add3A_310 : i32 to index
      %get3A_345 = arith.constant 32 : index
      %get3A_346 = tpu.vector_load %arg8[%get3A_343, %get3A_344, %get3A_345] {strides = array<i32>} : memref<2x128x64xf32, #tpu.memory_space<vmem>>, vector<16xf32>,
      %sub3A_347 = arith.subf %get3A_341, %get3A_346 : vector<16xf32>
      %mul3A_348 = arith.mulf %sub3A_347, %sub3A_347 : vector<16xf32>
      %add3A_349 = arith.addf %add3A_293, %mul3A_348 : vector<16xf32>
      %get3A_350 = arith.constant 0 : i32
      %get3A_351 = arith.index_cast %get3A_350 : i32 to index
      %get3A_352 = arith.index_cast %add3A_310 : i32 to index
      %get3A_353 = arith.constant 48 : index
      %get3A_354 = tpu.vector_load %arg7[%get3A_351, %get3A_352, %get3A_353] {strides = array<i32>} : memref<2x128x64xf32, #tpu.memory_space<vmem>>, vector<16xf32>,
      %get3A_355 = arith.constant 0 : i32
      %get3A_356 = arith.index_cast %get3A_355 : i32 to index
      %get3A_357 = arith.index_cast %add3A_310 : i32 to index
      %get3A_358 = arith.constant 48 : index
      %get3A_359 = tpu.vector_load %arg8[%get3A_356, %get3A_357, %get3A_358] {strides = array<i32>} : memref<2x128x64xf32, #tpu.memory_space<vmem>>, vector<16xf32>,
      %sub3A_360 = arith.subf %get3A_354, %get3A_359 : vector<16xf32>
      %mul3A_361 = arith.mulf %sub3A_360, %sub3A_360 : vector<16xf32>
      %add3A_362 = arith.addf %add3A_306, %mul3A_361 : vector<16xf32>
      %mul3A_363 = arith.constant 16 : i32
      %mul3A_364 = arith.muli %scan3A_248, %mul3A_363 : i32
      %add3A_365 = arith.constant 2 : i32
      %add3A_366 = arith.addi %mul3A_364, %add3A_365 : i32
      %get3A_367 = arith.constant 0 : i32
      %get3A_368 = arith.index_cast %get3A_367 : i32 to index
      %get3A_369 = arith.index_cast %add3A_366 : i32 to index
      %get3A_370 = arith.constant 0 : index
      %get3A_371 = tpu.vector_load %arg7[%get3A_368, %get3A_369, %get3A_370] {strides = array<i32>} : memref<2x128x64xf32, #tpu.memory_space<vmem>>, vector<16xf32>,
      %get3A_372 = arith.constant 0 : i32
      %get3A_373 = arith.index_cast %get3A_372 : i32 to index
      %get3A_374 = arith.index_cast %add3A_366 : i32 to index
      %get3A_375 = arith.constant 0 : index
      %get3A_376 = tpu.vector_load %arg8[%get3A_373, %get3A_374, %get3A_375] {strides = array<i32>} : memref<2x128x64xf32, #tpu.memory_space<vmem>>, vector<16xf32>,
      %sub3A_377 = arith.subf %get3A_371, %get3A_376 : vector<16xf32>
      %mul3A_378 = arith.mulf %sub3A_377, %sub3A_377 : vector<16xf32>
      %add3A_379 = arith.addf %add3A_323, %mul3A_378 : vector<16xf32>
      %get3A_380 = arith.constant 0 : i32
      %get3A_381 = arith.index_cast %get3A_380 : i32 to index
      %get3A_382 = arith.index_cast %add3A_366 : i32 to index
      %get3A_383 = arith.constant 16 : index
      %get3A_384 = tpu.vector_load %arg7[%get3A_381, %get3A_382, %get3A_383] {strides = array<i32>} : memref<2x128x64xf32, #tpu.memory_space<vmem>>, vector<16xf32>,
      %get3A_385 = arith.constant 0 : i32
      %get3A_386 = arith.index_cast %get3A_385 : i32 to index
      %get3A_387 = arith.index_cast %add3A_366 : i32 to index
      %get3A_388 = arith.constant 16 : index
      %get3A_389 = tpu.vector_load %arg8[%get3A_386, %get3A_387, %get3A_388] {strides = array<i32>} : memref<2x128x64xf32, #tpu.memory_space<vmem>>, vector<16xf32>,
      %sub3A_390 = arith.subf %get3A_384, %get3A_389 : vector<16xf32>
      %mul3A_391 = arith.mulf %sub3A_390, %sub3A_390 : vector<16xf32>
      %add3A_392 = arith.addf %add3A_336, %mul3A_391 : vector<16xf32>
      %get3A_393 = arith.constant 0 : i32
      %get3A_394 = arith.index_cast %get3A_393 : i32 to index
      %get3A_395 = arith.index_cast %add3A_366 : i32 to index
      %get3A_396 = arith.constant 32 : index
      %get3A_397 = tpu.vector_load %arg7[%get3A_394, %get3A_395, %get3A_396] {strides = array<i32>} : memref<2x128x64xf32, #tpu.memory_space<vmem>>, vector<16xf32>,
      %get3A_398 = arith.constant 0 : i32
      %get3A_399 = arith.index_cast %get3A_398 : i32 to index
      %get3A_400 = arith.index_cast %add3A_366 : i32 to index
      %get3A_401 = arith.constant 32 : index
      %get3A_402 = tpu.vector_load %arg8[%get3A_399, %get3A_400, %get3A_401] {strides = array<i32>} : memref<2x128x64xf32, #tpu.memory_space<vmem>>, vector<16xf32>,
      %sub3A_403 = arith.subf %get3A_397, %get3A_402 : vector<16xf32>
      %mul3A_404 = arith.mulf %sub3A_403, %sub3A_403 : vector<16xf32>
      %add3A_405 = arith.addf %add3A_349, %mul3A_404 : vector<16xf32>
      %get3A_406 = arith.constant 0 : i32
      %get3A_407 = arith.index_cast %get3A_406 : i32 to index
      %get3A_408 = arith.index_cast %add3A_366 : i32 to index
      %get3A_409 = arith.constant 48 : index
      %get3A_410 = tpu.vector_load %arg7[%get3A_407, %get3A_408, %get3A_409] {strides = array<i32>} : memref<2x128x64xf32, #tpu.memory_space<vmem>>, vector<16xf32>,
      %get3A_411 = arith.constant 0 : i32
      %get3A_412 = arith.index_cast %get3A_411 : i32 to index
      %get3A_413 = arith.index_cast %add3A_366 : i32 to index
      %get3A_414 = arith.constant 48 : index
      %get3A_415 = tpu.vector_load %arg8[%get3A_412, %get3A_413, %get3A_414] {strides = array<i32>} : memref<2x128x64xf32, #tpu.memory_space<vmem>>, vector<16xf32>,
      %sub3A_416 = arith.subf %get3A_410, %get3A_415 : vector<16xf32>
      %mul3A_417 = arith.mulf %sub3A_416, %sub3A_416 : vector<16xf32>
      %add3A_418 = arith.addf %add3A_362, %mul3A_417 : vector<16xf32>
      %mul3A_419 = arith.constant 16 : i32
      %mul3A_420 = arith.muli %scan3A_248, %mul3A_419 : i32
      %add3A_421 = arith.constant 3 : i32
      %add3A_422 = arith.addi %mul3A_420, %add3A_421 : i32
      %get3A_423 = arith.constant 0 : i32
      %get3A_424 = arith.index_cast %get3A_423 : i32 to index
      %get3A_425 = arith.index_cast %add3A_422 : i32 to index
      %get3A_426 = arith.constant 0 : index
      %get3A_427 = tpu.vector_load %arg7[%get3A_424, %get3A_425, %get3A_426] {strides = array<i32>} : memref<2x128x64xf32, #tpu.memory_space<vmem>>, vector<16xf32>,
      %get3A_428 = arith.constant 0 : i32
      %get3A_429 = arith.index_cast %get3A_428 : i32 to index
      %get3A_430 = arith.index_cast %add3A_422 : i32 to index
      %get3A_431 = arith.constant 0 : index
      %get3A_432 = tpu.vector_load %arg8[%get3A_429, %get3A_430, %get3A_431] {strides = array<i32>} : memref<2x128x64xf32, #tpu.memory_space<vmem>>, vector<16xf32>,
      %sub3A_433 = arith.subf %get3A_427, %get3A_432 : vector<16xf32>
      %mul3A_434 = arith.mulf %sub3A_433, %sub3A_433 : vector<16xf32>
      %add3A_435 = arith.addf %add3A_379, %mul3A_434 : vector<16xf32>
      %get3A_436 = arith.constant 0 : i32
      %get3A_437 = arith.index_cast %get3A_436 : i32 to index
      %get3A_438 = arith.index_cast %add3A_422 : i32 to index
      %get3A_439 = arith.constant 16 : index
      %get3A_440 = tpu.vector_load %arg7[%get3A_437, %get3A_438, %get3A_439] {strides = array<i32>} : memref<2x128x64xf32, #tpu.memory_space<vmem>>, vector<16xf32>,
      %get3A_441 = arith.constant 0 : i32
      %get3A_442 = arith.index_cast %get3A_441 : i32 to index
      %get3A_443 = arith.index_cast %add3A_422 : i32 to index
      %get3A_444 = arith.constant 16 : index
      %get3A_445 = tpu.vector_load %arg8[%get3A_442, %get3A_443, %get3A_444] {strides = array<i32>} : memref<2x128x64xf32, #tpu.memory_space<vmem>>, vector<16xf32>,
      %sub3A_446 = arith.subf %get3A_440, %get3A_445 : vector<16xf32>
      %mul3A_447 = arith.mulf %sub3A_446, %sub3A_446 : vector<16xf32>
      %add3A_448 = arith.addf %add3A_392, %mul3A_447 : vector<16xf32>
      %get3A_449 = arith.constant 0 : i32
      %get3A_450 = arith.index_cast %get3A_449 : i32 to index
      %get3A_451 = arith.index_cast %add3A_422 : i32 to index
      %get3A_452 = arith.constant 32 : index
      %get3A_453 = tpu.vector_load %arg7[%get3A_450, %get3A_451, %get3A_452] {strides = array<i32>} : memref<2x128x64xf32, #tpu.memory_space<vmem>>, vector<16xf32>,
      %get3A_454 = arith.constant 0 : i32
      %get3A_455 = arith.index_cast %get3A_454 : i32 to index
      %get3A_456 = arith.index_cast %add3A_422 : i32 to index
      %get3A_457 = arith.constant 32 : index
      %get3A_458 = tpu.vector_load %arg8[%get3A_455, %get3A_456, %get3A_457] {strides = array<i32>} : memref<2x128x64xf32, #tpu.memory_space<vmem>>, vector<16xf32>,
      %sub3A_459 = arith.subf %get3A_453, %get3A_458 : vector<16xf32>
      %mul3A_460 = arith.mulf %sub3A_459, %sub3A_459 : vector<16xf32>
      %add3A_461 = arith.addf %add3A_405, %mul3A_460 : vector<16xf32>
      %get3A_462 = arith.constant 0 : i32
      %get3A_463 = arith.index_cast %get3A_462 : i32 to index
      %get3A_464 = arith.index_cast %add3A_422 : i32 to index
      %get3A_465 = arith.constant 48 : index
      %get3A_466 = tpu.vector_load %arg7[%get3A_463, %get3A_464, %get3A_465] {strides = array<i32>} : memref<2x128x64xf32, #tpu.memory_space<vmem>>, vector<16xf32>,
      %get3A_467 = arith.constant 0 : i32
      %get3A_468 = arith.index_cast %get3A_467 : i32 to index
      %get3A_469 = arith.index_cast %add3A_422 : i32 to index
      %get3A_470 = arith.constant 48 : index
      %get3A_471 = tpu.vector_load %arg8[%get3A_468, %get3A_469, %get3A_470] {strides = array<i32>} : memref<2x128x64xf32, #tpu.memory_space<vmem>>, vector<16xf32>,
      %sub3A_472 = arith.subf %get3A_466, %get3A_471 : vector<16xf32>
      %mul3A_473 = arith.mulf %sub3A_472, %sub3A_472 : vector<16xf32>
      %add3A_474 = arith.addf %add3A_418, %mul3A_473 : vector<16xf32>
      %mul3A_475 = arith.constant 16 : i32
      %mul3A_476 = arith.muli %scan3A_248, %mul3A_475 : i32
      %add3A_477 = arith.constant 4 : i32
      %add3A_478 = arith.addi %mul3A_476, %add3A_477 : i32
      %get3A_479 = arith.constant 0 : i32
      %get3A_480 = arith.index_cast %get3A_479 : i32 to index
      %get3A_481 = arith.index_cast %add3A_478 : i32 to index
      %get3A_482 = arith.constant 0 : index
      %get3A_483 = tpu.vector_load %arg7[%get3A_480, %get3A_481, %get3A_482] {strides = array<i32>} : memref<2x128x64xf32, #tpu.memory_space<vmem>>, vector<16xf32>,
      %get3A_484 = arith.constant 0 : i32
      %get3A_485 = arith.index_cast %get3A_484 : i32 to index
      %get3A_486 = arith.index_cast %add3A_478 : i32 to index
      %get3A_487 = arith.constant 0 : index
      %get3A_488 = tpu.vector_load %arg8[%get3A_485, %get3A_486, %get3A_487] {strides = array<i32>} : memref<2x128x64xf32, #tpu.memory_space<vmem>>, vector<16xf32>,
      %sub3A_489 = arith.subf %get3A_483, %get3A_488 : vector<16xf32>
      %mul3A_490 = arith.mulf %sub3A_489, %sub3A_489 : vector<16xf32>
      %add3A_491 = arith.addf %add3A_435, %mul3A_490 : vector<16xf32>
      %get3A_492 = arith.constant 0 : i32
      %get3A_493 = arith.index_cast %get3A_492 : i32 to index
      %get3A_494 = arith.index_cast %add3A_478 : i32 to index
      %get3A_495 = arith.constant 16 : index
      %get3A_496 = tpu.vector_load %arg7[%get3A_493, %get3A_494, %get3A_495] {strides = array<i32>} : memref<2x128x64xf32, #tpu.memory_space<vmem>>, vector<16xf32>,
      %get3A_497 = arith.constant 0 : i32
      %get3A_498 = arith.index_cast %get3A_497 : i32 to index
      %get3A_499 = arith.index_cast %add3A_478 : i32 to index
      %get3A_500 = arith.constant 16 : index
      %get3A_501 = tpu.vector_load %arg8[%get3A_498, %get3A_499, %get3A_500] {strides = array<i32>} : memref<2x128x64xf32, #tpu.memory_space<vmem>>, vector<16xf32>,
      %sub3A_502 = arith.subf %get3A_496, %get3A_501 : vector<16xf32>
      %mul3A_503 = arith.mulf %sub3A_502, %sub3A_502 : vector<16xf32>
      %add3A_504 = arith.addf %add3A_448, %mul3A_503 : vector<16xf32>
      %get3A_505 = arith.constant 0 : i32
      %get3A_506 = arith.index_cast %get3A_505 : i32 to index
      %get3A_507 = arith.index_cast %add3A_478 : i32 to index
      %get3A_508 = arith.constant 32 : index
      %get3A_509 = tpu.vector_load %arg7[%get3A_506, %get3A_507, %get3A_508] {strides = array<i32>} : memref<2x128x64xf32, #tpu.memory_space<vmem>>, vector<16xf32>,
      %get3A_510 = arith.constant 0 : i32
      %get3A_511 = arith.index_cast %get3A_510 : i32 to index
      %get3A_512 = arith.index_cast %add3A_478 : i32 to index
      %get3A_513 = arith.constant 32 : index
      %get3A_514 = tpu.vector_load %arg8[%get3A_511, %get3A_512, %get3A_513] {strides = array<i32>} : memref<2x128x64xf32, #tpu.memory_space<vmem>>, vector<16xf32>,
      %sub3A_515 = arith.subf %get3A_509, %get3A_514 : vector<16xf32>
      %mul3A_516 = arith.mulf %sub3A_515, %sub3A_515 : vector<16xf32>
      %add3A_517 = arith.addf %add3A_461, %mul3A_516 : vector<16xf32>
      %get3A_518 = arith.constant 0 : i32
      %get3A_519 = arith.index_cast %get3A_518 : i32 to index
      %get3A_520 = arith.index_cast %add3A_478 : i32 to index
      %get3A_521 = arith.constant 48 : index
      %get3A_522 = tpu.vector_load %arg7[%get3A_519, %get3A_520, %get3A_521] {strides = array<i32>} : memref<2x128x64xf32, #tpu.memory_space<vmem>>, vector<16xf32>,
      %get3A_523 = arith.constant 0 : i32
      %get3A_524 = arith.index_cast %get3A_523 : i32 to index
      %get3A_525 = arith.index_cast %add3A_478 : i32 to index
      %get3A_526 = arith.constant 48 : index
      %get3A_527 = tpu.vector_load %arg8[%get3A_524, %get3A_525, %get3A_526] {strides = array<i32>} : memref<2x128x64xf32, #tpu.memory_space<vmem>>, vector<16xf32>,
      %sub3A_528 = arith.subf %get3A_522, %get3A_527 : vector<16xf32>
      %mul3A_529 = arith.mulf %sub3A_528, %sub3A_528 : vector<16xf32>
      %add3A_530 = arith.addf %add3A_474, %mul3A_529 : vector<16xf32>
      %mul3A_531 = arith.constant 16 : i32
      %mul3A_532 = arith.muli %scan3A_248, %mul3A_531 : i32
      %add3A_533 = arith.constant 5 : i32
      %add3A_534 = arith.addi %mul3A_532, %add3A_533 : i32
      %get3A_535 = arith.constant 0 : i32
      %get3A_536 = arith.index_cast %get3A_535 : i32 to index
      %get3A_537 = arith.index_cast %add3A_534 : i32 to index
      %get3A_538 = arith.constant 0 : index
      %get3A_539 = tpu.vector_load %arg7[%get3A_536, %get3A_537, %get3A_538] {strides = array<i32>} : memref<2x128x64xf32, #tpu.memory_space<vmem>>, vector<16xf32>,
      %get3A_540 = arith.constant 0 : i32
      %get3A_541 = arith.index_cast %get3A_540 : i32 to index
      %get3A_542 = arith.index_cast %add3A_534 : i32 to index
      %get3A_543 = arith.constant 0 : index
      %get3A_544 = tpu.vector_load %arg8[%get3A_541, %get3A_542, %get3A_543] {strides = array<i32>} : memref<2x128x64xf32, #tpu.memory_space<vmem>>, vector<16xf32>,
      %sub3A_545 = arith.subf %get3A_539, %get3A_544 : vector<16xf32>
      %mul3A_546 = arith.mulf %sub3A_545, %sub3A_545 : vector<16xf32>
      %add3A_547 = arith.addf %add3A_491, %mul3A_546 : vector<16xf32>
      %get3A_548 = arith.constant 0 : i32
      %get3A_549 = arith.index_cast %get3A_548 : i32 to index
      %get3A_550 = arith.index_cast %add3A_534 : i32 to index
      %get3A_551 = arith.constant 16 : index
      %get3A_552 = tpu.vector_load %arg7[%get3A_549, %get3A_550, %get3A_551] {strides = array<i32>} : memref<2x128x64xf32, #tpu.memory_space<vmem>>, vector<16xf32>,
      %get3A_553 = arith.constant 0 : i32
      %get3A_554 = arith.index_cast %get3A_553 : i32 to index
      %get3A_555 = arith.index_cast %add3A_534 : i32 to index
      %get3A_556 = arith.constant 16 : index
      %get3A_557 = tpu.vector_load %arg8[%get3A_554, %get3A_555, %get3A_556] {strides = array<i32>} : memref<2x128x64xf32, #tpu.memory_space<vmem>>, vector<16xf32>,
      %sub3A_558 = arith.subf %get3A_552, %get3A_557 : vector<16xf32>
      %mul3A_559 = arith.mulf %sub3A_558, %sub3A_558 : vector<16xf32>
      %add3A_560 = arith.addf %add3A_504, %mul3A_559 : vector<16xf32>
      %get3A_561 = arith.constant 0 : i32
      %get3A_562 = arith.index_cast %get3A_561 : i32 to index
      %get3A_563 = arith.index_cast %add3A_534 : i32 to index
      %get3A_564 = arith.constant 32 : index
      %get3A_565 = tpu.vector_load %arg7[%get3A_562, %get3A_563, %get3A_564] {strides = array<i32>} : memref<2x128x64xf32, #tpu.memory_space<vmem>>, vector<16xf32>,
      %get3A_566 = arith.constant 0 : i32
      %get3A_567 = arith.index_cast %get3A_566 : i32 to index
      %get3A_568 = arith.index_cast %add3A_534 : i32 to index
      %get3A_569 = arith.constant 32 : index
      %get3A_570 = tpu.vector_load %arg8[%get3A_567, %get3A_568, %get3A_569] {strides = array<i32>} : memref<2x128x64xf32, #tpu.memory_space<vmem>>, vector<16xf32>,
      %sub3A_571 = arith.subf %get3A_565, %get3A_570 : vector<16xf32>
      %mul3A_572 = arith.mulf %sub3A_571, %sub3A_571 : vector<16xf32>
      %add3A_573 = arith.addf %add3A_517, %mul3A_572 : vector<16xf32>
      %get3A_574 = arith.constant 0 : i32
      %get3A_575 = arith.index_cast %get3A_574 : i32 to index
      %get3A_576 = arith.index_cast %add3A_534 : i32 to index
      %get3A_577 = arith.constant 48 : index
      %get3A_578 = tpu.vector_load %arg7[%get3A_575, %get3A_576, %get3A_577] {strides = array<i32>} : memref<2x128x64xf32, #tpu.memory_space<vmem>>, vector<16xf32>,
      %get3A_579 = arith.constant 0 : i32
      %get3A_580 = arith.index_cast %get3A_579 : i32 to index
      %get3A_581 = arith.index_cast %add3A_534 : i32 to index
      %get3A_582 = arith.constant 48 : index
      %get3A_583 = tpu.vector_load %arg8[%get3A_580, %get3A_581, %get3A_582] {strides = array<i32>} : memref<2x128x64xf32, #tpu.memory_space<vmem>>, vector<16xf32>,
      %sub3A_584 = arith.subf %get3A_578, %get3A_583 : vector<16xf32>
      %mul3A_585 = arith.mulf %sub3A_584, %sub3A_584 : vector<16xf32>
      %add3A_586 = arith.addf %add3A_530, %mul3A_585 : vector<16xf32>
      %mul3A_587 = arith.constant 16 : i32
      %mul3A_588 = arith.muli %scan3A_248, %mul3A_587 : i32
      %add3A_589 = arith.constant 6 : i32
      %add3A_590 = arith.addi %mul3A_588, %add3A_589 : i32
      %get3A_591 = arith.constant 0 : i32
      %get3A_592 = arith.index_cast %get3A_591 : i32 to index
      %get3A_593 = arith.index_cast %add3A_590 : i32 to index
      %get3A_594 = arith.constant 0 : index
      %get3A_595 = tpu.vector_load %arg7[%get3A_592, %get3A_593, %get3A_594] {strides = array<i32>} : memref<2x128x64xf32, #tpu.memory_space<vmem>>, vector<16xf32>,
      %get3A_596 = arith.constant 0 : i32
      %get3A_597 = arith.index_cast %get3A_596 : i32 to index
      %get3A_598 = arith.index_cast %add3A_590 : i32 to index
      %get3A_599 = arith.constant 0 : index
      %get3A_600 = tpu.vector_load %arg8[%get3A_597, %get3A_598, %get3A_599] {strides = array<i32>} : memref<2x128x64xf32, #tpu.memory_space<vmem>>, vector<16xf32>,
      %sub3A_601 = arith.subf %get3A_595, %get3A_600 : vector<16xf32>
      %mul3A_602 = arith.mulf %sub3A_601, %sub3A_601 : vector<16xf32>
      %add3A_603 = arith.addf %add3A_547, %mul3A_602 : vector<16xf32>
      %get3A_604 = arith.constant 0 : i32
      %get3A_605 = arith.index_cast %get3A_604 : i32 to index
      %get3A_606 = arith.index_cast %add3A_590 : i32 to index
      %get3A_607 = arith.constant 16 : index
      %get3A_608 = tpu.vector_load %arg7[%get3A_605, %get3A_606, %get3A_607] {strides = array<i32>} : memref<2x128x64xf32, #tpu.memory_space<vmem>>, vector<16xf32>,
      %get3A_609 = arith.constant 0 : i32
      %get3A_610 = arith.index_cast %get3A_609 : i32 to index
      %get3A_611 = arith.index_cast %add3A_590 : i32 to index
      %get3A_612 = arith.constant 16 : index
      %get3A_613 = tpu.vector_load %arg8[%get3A_610, %get3A_611, %get3A_612] {strides = array<i32>} : memref<2x128x64xf32, #tpu.memory_space<vmem>>, vector<16xf32>,
      %sub3A_614 = arith.subf %get3A_608, %get3A_613 : vector<16xf32>
      %mul3A_615 = arith.mulf %sub3A_614, %sub3A_614 : vector<16xf32>
      %add3A_616 = arith.addf %add3A_560, %mul3A_615 : vector<16xf32>
      %get3A_617 = arith.constant 0 : i32
      %get3A_618 = arith.index_cast %get3A_617 : i32 to index
      %get3A_619 = arith.index_cast %add3A_590 : i32 to index
      %get3A_620 = arith.constant 32 : index
      %get3A_621 = tpu.vector_load %arg7[%get3A_618, %get3A_619, %get3A_620] {strides = array<i32>} : memref<2x128x64xf32, #tpu.memory_space<vmem>>, vector<16xf32>,
      %get3A_622 = arith.constant 0 : i32
      %get3A_623 = arith.index_cast %get3A_622 : i32 to index
      %get3A_624 = arith.index_cast %add3A_590 : i32 to index
      %get3A_625 = arith.constant 32 : index
      %get3A_626 = tpu.vector_load %arg8[%get3A_623, %get3A_624, %get3A_625] {strides = array<i32>} : memref<2x128x64xf32, #tpu.memory_space<vmem>>, vector<16xf32>,
      %sub3A_627 = arith.subf %get3A_621, %get3A_626 : vector<16xf32>
      %mul3A_628 = arith.mulf %sub3A_627, %sub3A_627 : vector<16xf32>
      %add3A_629 = arith.addf %add3A_573, %mul3A_628 : vector<16xf32>
      %get3A_630 = arith.constant 0 : i32
      %get3A_631 = arith.index_cast %get3A_630 : i32 to index
      %get3A_632 = arith.index_cast %add3A_590 : i32 to index
      %get3A_633 = arith.constant 48 : index
      %get3A_634 = tpu.vector_load %arg7[%get3A_631, %get3A_632, %get3A_633] {strides = array<i32>} : memref<2x128x64xf32, #tpu.memory_space<vmem>>, vector<16xf32>,
      %get3A_635 = arith.constant 0 : i32
      %get3A_636 = arith.index_cast %get3A_635 : i32 to index
      %get3A_637 = arith.index_cast %add3A_590 : i32 to index
      %get3A_638 = arith.constant 48 : index
      %get3A_639 = tpu.vector_load %arg8[%get3A_636, %get3A_637, %get3A_638] {strides = array<i32>} : memref<2x128x64xf32, #tpu.memory_space<vmem>>, vector<16xf32>,
      %sub3A_640 = arith.subf %get3A_634, %get3A_639 : vector<16xf32>
      %mul3A_641 = arith.mulf %sub3A_640, %sub3A_640 : vector<16xf32>
      %add3A_642 = arith.addf %add3A_586, %mul3A_641 : vector<16xf32>
      %mul3A_643 = arith.constant 16 : i32
      %mul3A_644 = arith.muli %scan3A_248, %mul3A_643 : i32
      %add3A_645 = arith.constant 7 : i32
      %add3A_646 = arith.addi %mul3A_644, %add3A_645 : i32
      %get3A_647 = arith.constant 0 : i32
      %get3A_648 = arith.index_cast %get3A_647 : i32 to index
      %get3A_649 = arith.index_cast %add3A_646 : i32 to index
      %get3A_650 = arith.constant 0 : index
      %get3A_651 = tpu.vector_load %arg7[%get3A_648, %get3A_649, %get3A_650] {strides = array<i32>} : memref<2x128x64xf32, #tpu.memory_space<vmem>>, vector<16xf32>,
      %get3A_652 = arith.constant 0 : i32
      %get3A_653 = arith.index_cast %get3A_652 : i32 to index
      %get3A_654 = arith.index_cast %add3A_646 : i32 to index
      %get3A_655 = arith.constant 0 : index
      %get3A_656 = tpu.vector_load %arg8[%get3A_653, %get3A_654, %get3A_655] {strides = array<i32>} : memref<2x128x64xf32, #tpu.memory_space<vmem>>, vector<16xf32>,
      %sub3A_657 = arith.subf %get3A_651, %get3A_656 : vector<16xf32>
      %mul3A_658 = arith.mulf %sub3A_657, %sub3A_657 : vector<16xf32>
      %add3A_659 = arith.addf %add3A_603, %mul3A_658 : vector<16xf32>
      %get3A_660 = arith.constant 0 : i32
      %get3A_661 = arith.index_cast %get3A_660 : i32 to index
      %get3A_662 = arith.index_cast %add3A_646 : i32 to index
      %get3A_663 = arith.constant 16 : index
      %get3A_664 = tpu.vector_load %arg7[%get3A_661, %get3A_662, %get3A_663] {strides = array<i32>} : memref<2x128x64xf32, #tpu.memory_space<vmem>>, vector<16xf32>,
      %get3A_665 = arith.constant 0 : i32
      %get3A_666 = arith.index_cast %get3A_665 : i32 to index
      %get3A_667 = arith.index_cast %add3A_646 : i32 to index
      %get3A_668 = arith.constant 16 : index
      %get3A_669 = tpu.vector_load %arg8[%get3A_666, %get3A_667, %get3A_668] {strides = array<i32>} : memref<2x128x64xf32, #tpu.memory_space<vmem>>, vector<16xf32>,
      %sub3A_670 = arith.subf %get3A_664, %get3A_669 : vector<16xf32>
      %mul3A_671 = arith.mulf %sub3A_670, %sub3A_670 : vector<16xf32>
      %add3A_672 = arith.addf %add3A_616, %mul3A_671 : vector<16xf32>
      %get3A_673 = arith.constant 0 : i32
      %get3A_674 = arith.index_cast %get3A_673 : i32 to index
      %get3A_675 = arith.index_cast %add3A_646 : i32 to index
      %get3A_676 = arith.constant 32 : index
      %get3A_677 = tpu.vector_load %arg7[%get3A_674, %get3A_675, %get3A_676] {strides = array<i32>} : memref<2x128x64xf32, #tpu.memory_space<vmem>>, vector<16xf32>,
      %get3A_678 = arith.constant 0 : i32
      %get3A_679 = arith.index_cast %get3A_678 : i32 to index
      %get3A_680 = arith.index_cast %add3A_646 : i32 to index
      %get3A_681 = arith.constant 32 : index
      %get3A_682 = tpu.vector_load %arg8[%get3A_679, %get3A_680, %get3A_681] {strides = array<i32>} : memref<2x128x64xf32, #tpu.memory_space<vmem>>, vector<16xf32>,
      %sub3A_683 = arith.subf %get3A_677, %get3A_682 : vector<16xf32>
      %mul3A_684 = arith.mulf %sub3A_683, %sub3A_683 : vector<16xf32>
      %add3A_685 = arith.addf %add3A_629, %mul3A_684 : vector<16xf32>
      %get3A_686 = arith.constant 0 : i32
      %get3A_687 = arith.index_cast %get3A_686 : i32 to index
      %get3A_688 = arith.index_cast %add3A_646 : i32 to index
      %get3A_689 = arith.constant 48 : index
      %get3A_690 = tpu.vector_load %arg7[%get3A_687, %get3A_688, %get3A_689] {strides = array<i32>} : memref<2x128x64xf32, #tpu.memory_space<vmem>>, vector<16xf32>,
      %get3A_691 = arith.constant 0 : i32
      %get3A_692 = arith.index_cast %get3A_691 : i32 to index
      %get3A_693 = arith.index_cast %add3A_646 : i32 to index
      %get3A_694 = arith.constant 48 : index
      %get3A_695 = tpu.vector_load %arg8[%get3A_692, %get3A_693, %get3A_694] {strides = array<i32>} : memref<2x128x64xf32, #tpu.memory_space<vmem>>, vector<16xf32>,
      %sub3A_696 = arith.subf %get3A_690, %get3A_695 : vector<16xf32>
      %mul3A_697 = arith.mulf %sub3A_696, %sub3A_696 : vector<16xf32>
      %add3A_698 = arith.addf %add3A_642, %mul3A_697 : vector<16xf32>
      %mul3A_699 = arith.constant 16 : i32
      %mul3A_700 = arith.muli %scan3A_248, %mul3A_699 : i32
      %add3A_701 = arith.constant 8 : i32
      %add3A_702 = arith.addi %mul3A_700, %add3A_701 : i32
      %get3A_703 = arith.constant 0 : i32
      %get3A_704 = arith.index_cast %get3A_703 : i32 to index
      %get3A_705 = arith.index_cast %add3A_702 : i32 to index
      %get3A_706 = arith.constant 0 : index
      %get3A_707 = tpu.vector_load %arg7[%get3A_704, %get3A_705, %get3A_706] {strides = array<i32>} : memref<2x128x64xf32, #tpu.memory_space<vmem>>, vector<16xf32>,
      %get3A_708 = arith.constant 0 : i32
      %get3A_709 = arith.index_cast %get3A_708 : i32 to index
      %get3A_710 = arith.index_cast %add3A_702 : i32 to index
      %get3A_711 = arith.constant 0 : index
      %get3A_712 = tpu.vector_load %arg8[%get3A_709, %get3A_710, %get3A_711] {strides = array<i32>} : memref<2x128x64xf32, #tpu.memory_space<vmem>>, vector<16xf32>,
      %sub3A_713 = arith.subf %get3A_707, %get3A_712 : vector<16xf32>
      %mul3A_714 = arith.mulf %sub3A_713, %sub3A_713 : vector<16xf32>
      %add3A_715 = arith.addf %add3A_659, %mul3A_714 : vector<16xf32>
      %get3A_716 = arith.constant 0 : i32
      %get3A_717 = arith.index_cast %get3A_716 : i32 to index
      %get3A_718 = arith.index_cast %add3A_702 : i32 to index
      %get3A_719 = arith.constant 16 : index
      %get3A_720 = tpu.vector_load %arg7[%get3A_717, %get3A_718, %get3A_719] {strides = array<i32>} : memref<2x128x64xf32, #tpu.memory_space<vmem>>, vector<16xf32>,
      %get3A_721 = arith.constant 0 : i32
      %get3A_722 = arith.index_cast %get3A_721 : i32 to index
      %get3A_723 = arith.index_cast %add3A_702 : i32 to index
      %get3A_724 = arith.constant 16 : index
      %get3A_725 = tpu.vector_load %arg8[%get3A_722, %get3A_723, %get3A_724] {strides = array<i32>} : memref<2x128x64xf32, #tpu.memory_space<vmem>>, vector<16xf32>,
      %sub3A_726 = arith.subf %get3A_720, %get3A_725 : vector<16xf32>
      %mul3A_727 = arith.mulf %sub3A_726, %sub3A_726 : vector<16xf32>
      %add3A_728 = arith.addf %add3A_672, %mul3A_727 : vector<16xf32>
      %get3A_729 = arith.constant 0 : i32
      %get3A_730 = arith.index_cast %get3A_729 : i32 to index
      %get3A_731 = arith.index_cast %add3A_702 : i32 to index
      %get3A_732 = arith.constant 32 : index
      %get3A_733 = tpu.vector_load %arg7[%get3A_730, %get3A_731, %get3A_732] {strides = array<i32>} : memref<2x128x64xf32, #tpu.memory_space<vmem>>, vector<16xf32>,
      %get3A_734 = arith.constant 0 : i32
      %get3A_735 = arith.index_cast %get3A_734 : i32 to index
      %get3A_736 = arith.index_cast %add3A_702 : i32 to index
      %get3A_737 = arith.constant 32 : index
      %get3A_738 = tpu.vector_load %arg8[%get3A_735, %get3A_736, %get3A_737] {strides = array<i32>} : memref<2x128x64xf32, #tpu.memory_space<vmem>>, vector<16xf32>,
      %sub3A_739 = arith.subf %get3A_733, %get3A_738 : vector<16xf32>
      %mul3A_740 = arith.mulf %sub3A_739, %sub3A_739 : vector<16xf32>
      %add3A_741 = arith.addf %add3A_685, %mul3A_740 : vector<16xf32>
      %get3A_742 = arith.constant 0 : i32
      %get3A_743 = arith.index_cast %get3A_742 : i32 to index
      %get3A_744 = arith.index_cast %add3A_702 : i32 to index
      %get3A_745 = arith.constant 48 : index
      %get3A_746 = tpu.vector_load %arg7[%get3A_743, %get3A_744, %get3A_745] {strides = array<i32>} : memref<2x128x64xf32, #tpu.memory_space<vmem>>, vector<16xf32>,
      %get3A_747 = arith.constant 0 : i32
      %get3A_748 = arith.index_cast %get3A_747 : i32 to index
      %get3A_749 = arith.index_cast %add3A_702 : i32 to index
      %get3A_750 = arith.constant 48 : index
      %get3A_751 = tpu.vector_load %arg8[%get3A_748, %get3A_749, %get3A_750] {strides = array<i32>} : memref<2x128x64xf32, #tpu.memory_space<vmem>>, vector<16xf32>,
      %sub3A_752 = arith.subf %get3A_746, %get3A_751 : vector<16xf32>
      %mul3A_753 = arith.mulf %sub3A_752, %sub3A_752 : vector<16xf32>
      %add3A_754 = arith.addf %add3A_698, %mul3A_753 : vector<16xf32>
      %mul3A_755 = arith.constant 16 : i32
      %mul3A_756 = arith.muli %scan3A_248, %mul3A_755 : i32
      %add3A_757 = arith.constant 9 : i32
      %add3A_758 = arith.addi %mul3A_756, %add3A_757 : i32
      %get3A_759 = arith.constant 0 : i32
      %get3A_760 = arith.index_cast %get3A_759 : i32 to index
      %get3A_761 = arith.index_cast %add3A_758 : i32 to index
      %get3A_762 = arith.constant 0 : index
      %get3A_763 = tpu.vector_load %arg7[%get3A_760, %get3A_761, %get3A_762] {strides = array<i32>} : memref<2x128x64xf32, #tpu.memory_space<vmem>>, vector<16xf32>,
      %get3A_764 = arith.constant 0 : i32
      %get3A_765 = arith.index_cast %get3A_764 : i32 to index
      %get3A_766 = arith.index_cast %add3A_758 : i32 to index
      %get3A_767 = arith.constant 0 : index
      %get3A_768 = tpu.vector_load %arg8[%get3A_765, %get3A_766, %get3A_767] {strides = array<i32>} : memref<2x128x64xf32, #tpu.memory_space<vmem>>, vector<16xf32>,
      %sub3A_769 = arith.subf %get3A_763, %get3A_768 : vector<16xf32>
      %mul3A_770 = arith.mulf %sub3A_769, %sub3A_769 : vector<16xf32>
      %add3A_771 = arith.addf %add3A_715, %mul3A_770 : vector<16xf32>
      %get3A_772 = arith.constant 0 : i32
      %get3A_773 = arith.index_cast %get3A_772 : i32 to index
      %get3A_774 = arith.index_cast %add3A_758 : i32 to index
      %get3A_775 = arith.constant 16 : index
      %get3A_776 = tpu.vector_load %arg7[%get3A_773, %get3A_774, %get3A_775] {strides = array<i32>} : memref<2x128x64xf32, #tpu.memory_space<vmem>>, vector<16xf32>,
      %get3A_777 = arith.constant 0 : i32
      %get3A_778 = arith.index_cast %get3A_777 : i32 to index
      %get3A_779 = arith.index_cast %add3A_758 : i32 to index
      %get3A_780 = arith.constant 16 : index
      %get3A_781 = tpu.vector_load %arg8[%get3A_778, %get3A_779, %get3A_780] {strides = array<i32>} : memref<2x128x64xf32, #tpu.memory_space<vmem>>, vector<16xf32>,
      %sub3A_782 = arith.subf %get3A_776, %get3A_781 : vector<16xf32>
      %mul3A_783 = arith.mulf %sub3A_782, %sub3A_782 : vector<16xf32>
      %add3A_784 = arith.addf %add3A_728, %mul3A_783 : vector<16xf32>
      %get3A_785 = arith.constant 0 : i32
      %get3A_786 = arith.index_cast %get3A_785 : i32 to index
      %get3A_787 = arith.index_cast %add3A_758 : i32 to index
      %get3A_788 = arith.constant 32 : index
      %get3A_789 = tpu.vector_load %arg7[%get3A_786, %get3A_787, %get3A_788] {strides = array<i32>} : memref<2x128x64xf32, #tpu.memory_space<vmem>>, vector<16xf32>,
      %get3A_790 = arith.constant 0 : i32
      %get3A_791 = arith.index_cast %get3A_790 : i32 to index
      %get3A_792 = arith.index_cast %add3A_758 : i32 to index
      %get3A_793 = arith.constant 32 : index
      %get3A_794 = tpu.vector_load %arg8[%get3A_791, %get3A_792, %get3A_793] {strides = array<i32>} : memref<2x128x64xf32, #tpu.memory_space<vmem>>, vector<16xf32>,
      %sub3A_795 = arith.subf %get3A_789, %get3A_794 : vector<16xf32>
      %mul3A_796 = arith.mulf %sub3A_795, %sub3A_795 : vector<16xf32>
      %add3A_797 = arith.addf %add3A_741, %mul3A_796 : vector<16xf32>
      %get3A_798 = arith.constant 0 : i32
      %get3A_799 = arith.index_cast %get3A_798 : i32 to index
      %get3A_800 = arith.index_cast %add3A_758 : i32 to index
      %get3A_801 = arith.constant 48 : index
      %get3A_802 = tpu.vector_load %arg7[%get3A_799, %get3A_800, %get3A_801] {strides = array<i32>} : memref<2x128x64xf32, #tpu.memory_space<vmem>>, vector<16xf32>,
      %get3A_803 = arith.constant 0 : i32
      %get3A_804 = arith.index_cast %get3A_803 : i32 to index
      %get3A_805 = arith.index_cast %add3A_758 : i32 to index
      %get3A_806 = arith.constant 48 : index
      %get3A_807 = tpu.vector_load %arg8[%get3A_804, %get3A_805, %get3A_806] {strides = array<i32>} : memref<2x128x64xf32, #tpu.memory_space<vmem>>, vector<16xf32>,
      %sub3A_808 = arith.subf %get3A_802, %get3A_807 : vector<16xf32>
      %mul3A_809 = arith.mulf %sub3A_808, %sub3A_808 : vector<16xf32>
      %add3A_810 = arith.addf %add3A_754, %mul3A_809 : vector<16xf32>
      %mul3A_811 = arith.constant 16 : i32
      %mul3A_812 = arith.muli %scan3A_248, %mul3A_811 : i32
      %add3A_813 = arith.constant 10 : i32
      %add3A_814 = arith.addi %mul3A_812, %add3A_813 : i32
      %get3A_815 = arith.constant 0 : i32
      %get3A_816 = arith.index_cast %get3A_815 : i32 to index
      %get3A_817 = arith.index_cast %add3A_814 : i32 to index
      %get3A_818 = arith.constant 0 : index
      %get3A_819 = tpu.vector_load %arg7[%get3A_816, %get3A_817, %get3A_818] {strides = array<i32>} : memref<2x128x64xf32, #tpu.memory_space<vmem>>, vector<16xf32>,
      %get3A_820 = arith.constant 0 : i32
      %get3A_821 = arith.index_cast %get3A_820 : i32 to index
      %get3A_822 = arith.index_cast %add3A_814 : i32 to index
      %get3A_823 = arith.constant 0 : index
      %get3A_824 = tpu.vector_load %arg8[%get3A_821, %get3A_822, %get3A_823] {strides = array<i32>} : memref<2x128x64xf32, #tpu.memory_space<vmem>>, vector<16xf32>,
      %sub3A_825 = arith.subf %get3A_819, %get3A_824 : vector<16xf32>
      %mul3A_826 = arith.mulf %sub3A_825, %sub3A_825 : vector<16xf32>
      %add3A_827 = arith.addf %add3A_771, %mul3A_826 : vector<16xf32>
      %get3A_828 = arith.constant 0 : i32
      %get3A_829 = arith.index_cast %get3A_828 : i32 to index
      %get3A_830 = arith.index_cast %add3A_814 : i32 to index
      %get3A_831 = arith.constant 16 : index
      %get3A_832 = tpu.vector_load %arg7[%get3A_829, %get3A_830, %get3A_831] {strides = array<i32>} : memref<2x128x64xf32, #tpu.memory_space<vmem>>, vector<16xf32>,
      %get3A_833 = arith.constant 0 : i32
      %get3A_834 = arith.index_cast %get3A_833 : i32 to index
      %get3A_835 = arith.index_cast %add3A_814 : i32 to index
      %get3A_836 = arith.constant 16 : index
      %get3A_837 = tpu.vector_load %arg8[%get3A_834, %get3A_835, %get3A_836] {strides = array<i32>} : memref<2x128x64xf32, #tpu.memory_space<vmem>>, vector<16xf32>,
      %sub3A_838 = arith.subf %get3A_832, %get3A_837 : vector<16xf32>
      %mul3A_839 = arith.mulf %sub3A_838, %sub3A_838 : vector<16xf32>
      %add3A_840 = arith.addf %add3A_784, %mul3A_839 : vector<16xf32>
      %get3A_841 = arith.constant 0 : i32
      %get3A_842 = arith.index_cast %get3A_841 : i32 to index
      %get3A_843 = arith.index_cast %add3A_814 : i32 to index
      %get3A_844 = arith.constant 32 : index
      %get3A_845 = tpu.vector_load %arg7[%get3A_842, %get3A_843, %get3A_844] {strides = array<i32>} : memref<2x128x64xf32, #tpu.memory_space<vmem>>, vector<16xf32>,
      %get3A_846 = arith.constant 0 : i32
      %get3A_847 = arith.index_cast %get3A_846 : i32 to index
      %get3A_848 = arith.index_cast %add3A_814 : i32 to index
      %get3A_849 = arith.constant 32 : index
      %get3A_850 = tpu.vector_load %arg8[%get3A_847, %get3A_848, %get3A_849] {strides = array<i32>} : memref<2x128x64xf32, #tpu.memory_space<vmem>>, vector<16xf32>,
      %sub3A_851 = arith.subf %get3A_845, %get3A_850 : vector<16xf32>
      %mul3A_852 = arith.mulf %sub3A_851, %sub3A_851 : vector<16xf32>
      %add3A_853 = arith.addf %add3A_797, %mul3A_852 : vector<16xf32>
      %get3A_854 = arith.constant 0 : i32
      %get3A_855 = arith.index_cast %get3A_854 : i32 to index
      %get3A_856 = arith.index_cast %add3A_814 : i32 to index
      %get3A_857 = arith.constant 48 : index
      %get3A_858 = tpu.vector_load %arg7[%get3A_855, %get3A_856, %get3A_857] {strides = array<i32>} : memref<2x128x64xf32, #tpu.memory_space<vmem>>, vector<16xf32>,
      %get3A_859 = arith.constant 0 : i32
      %get3A_860 = arith.index_cast %get3A_859 : i32 to index
      %get3A_861 = arith.index_cast %add3A_814 : i32 to index
      %get3A_862 = arith.constant 48 : index
      %get3A_863 = tpu.vector_load %arg8[%get3A_860, %get3A_861, %get3A_862] {strides = array<i32>} : memref<2x128x64xf32, #tpu.memory_space<vmem>>, vector<16xf32>,
      %sub3A_864 = arith.subf %get3A_858, %get3A_863 : vector<16xf32>
      %mul3A_865 = arith.mulf %sub3A_864, %sub3A_864 : vector<16xf32>
      %add3A_866 = arith.addf %add3A_810, %mul3A_865 : vector<16xf32>
      %mul3A_867 = arith.constant 16 : i32
      %mul3A_868 = arith.muli %scan3A_248, %mul3A_867 : i32
      %add3A_869 = arith.constant 11 : i32
      %add3A_870 = arith.addi %mul3A_868, %add3A_869 : i32
      %get3A_871 = arith.constant 0 : i32
      %get3A_872 = arith.index_cast %get3A_871 : i32 to index
      %get3A_873 = arith.index_cast %add3A_870 : i32 to index
      %get3A_874 = arith.constant 0 : index
      %get3A_875 = tpu.vector_load %arg7[%get3A_872, %get3A_873, %get3A_874] {strides = array<i32>} : memref<2x128x64xf32, #tpu.memory_space<vmem>>, vector<16xf32>,
      %get3A_876 = arith.constant 0 : i32
      %get3A_877 = arith.index_cast %get3A_876 : i32 to index
      %get3A_878 = arith.index_cast %add3A_870 : i32 to index
      %get3A_879 = arith.constant 0 : index
      %get3A_880 = tpu.vector_load %arg8[%get3A_877, %get3A_878, %get3A_879] {strides = array<i32>} : memref<2x128x64xf32, #tpu.memory_space<vmem>>, vector<16xf32>,
      %sub3A_881 = arith.subf %get3A_875, %get3A_880 : vector<16xf32>
      %mul3A_882 = arith.mulf %sub3A_881, %sub3A_881 : vector<16xf32>
      %add3A_883 = arith.addf %add3A_827, %mul3A_882 : vector<16xf32>
      %get3A_884 = arith.constant 0 : i32
      %get3A_885 = arith.index_cast %get3A_884 : i32 to index
      %get3A_886 = arith.index_cast %add3A_870 : i32 to index
      %get3A_887 = arith.constant 16 : index
      %get3A_888 = tpu.vector_load %arg7[%get3A_885, %get3A_886, %get3A_887] {strides = array<i32>} : memref<2x128x64xf32, #tpu.memory_space<vmem>>, vector<16xf32>,
      %get3A_889 = arith.constant 0 : i32
      %get3A_890 = arith.index_cast %get3A_889 : i32 to index
      %get3A_891 = arith.index_cast %add3A_870 : i32 to index
      %get3A_892 = arith.constant 16 : index
      %get3A_893 = tpu.vector_load %arg8[%get3A_890, %get3A_891, %get3A_892] {strides = array<i32>} : memref<2x128x64xf32, #tpu.memory_space<vmem>>, vector<16xf32>,
      %sub3A_894 = arith.subf %get3A_888, %get3A_893 : vector<16xf32>
      %mul3A_895 = arith.mulf %sub3A_894, %sub3A_894 : vector<16xf32>
      %add3A_896 = arith.addf %add3A_840, %mul3A_895 : vector<16xf32>
      %get3A_897 = arith.constant 0 : i32
      %get3A_898 = arith.index_cast %get3A_897 : i32 to index
      %get3A_899 = arith.index_cast %add3A_870 : i32 to index
      %get3A_900 = arith.constant 32 : index
      %get3A_901 = tpu.vector_load %arg7[%get3A_898, %get3A_899, %get3A_900] {strides = array<i32>} : memref<2x128x64xf32, #tpu.memory_space<vmem>>, vector<16xf32>,
      %get3A_902 = arith.constant 0 : i32
      %get3A_903 = arith.index_cast %get3A_902 : i32 to index
      %get3A_904 = arith.index_cast %add3A_870 : i32 to index
      %get3A_905 = arith.constant 32 : index
      %get3A_906 = tpu.vector_load %arg8[%get3A_903, %get3A_904, %get3A_905] {strides = array<i32>} : memref<2x128x64xf32, #tpu.memory_space<vmem>>, vector<16xf32>,
      %sub3A_907 = arith.subf %get3A_901, %get3A_906 : vector<16xf32>
      %mul3A_908 = arith.mulf %sub3A_907, %sub3A_907 : vector<16xf32>
      %add3A_909 = arith.addf %add3A_853, %mul3A_908 : vector<16xf32>
      %get3A_910 = arith.constant 0 : i32
      %get3A_911 = arith.index_cast %get3A_910 : i32 to index
      %get3A_912 = arith.index_cast %add3A_870 : i32 to index
      %get3A_913 = arith.constant 48 : index
      %get3A_914 = tpu.vector_load %arg7[%get3A_911, %get3A_912, %get3A_913] {strides = array<i32>} : memref<2x128x64xf32, #tpu.memory_space<vmem>>, vector<16xf32>,
      %get3A_915 = arith.constant 0 : i32
      %get3A_916 = arith.index_cast %get3A_915 : i32 to index
      %get3A_917 = arith.index_cast %add3A_870 : i32 to index
      %get3A_918 = arith.constant 48 : index
      %get3A_919 = tpu.vector_load %arg8[%get3A_916, %get3A_917, %get3A_918] {strides = array<i32>} : memref<2x128x64xf32, #tpu.memory_space<vmem>>, vector<16xf32>,
      %sub3A_920 = arith.subf %get3A_914, %get3A_919 : vector<16xf32>
      %mul3A_921 = arith.mulf %sub3A_920, %sub3A_920 : vector<16xf32>
      %add3A_922 = arith.addf %add3A_866, %mul3A_921 : vector<16xf32>
      %mul3A_923 = arith.constant 16 : i32
      %mul3A_924 = arith.muli %scan3A_248, %mul3A_923 : i32
      %add3A_925 = arith.constant 12 : i32
      %add3A_926 = arith.addi %mul3A_924, %add3A_925 : i32
      %get3A_927 = arith.constant 0 : i32
      %get3A_928 = arith.index_cast %get3A_927 : i32 to index
      %get3A_929 = arith.index_cast %add3A_926 : i32 to index
      %get3A_930 = arith.constant 0 : index
      %get3A_931 = tpu.vector_load %arg7[%get3A_928, %get3A_929, %get3A_930] {strides = array<i32>} : memref<2x128x64xf32, #tpu.memory_space<vmem>>, vector<16xf32>,
      %get3A_932 = arith.constant 0 : i32
      %get3A_933 = arith.index_cast %get3A_932 : i32 to index
      %get3A_934 = arith.index_cast %add3A_926 : i32 to index
      %get3A_935 = arith.constant 0 : index
      %get3A_936 = tpu.vector_load %arg8[%get3A_933, %get3A_934, %get3A_935] {strides = array<i32>} : memref<2x128x64xf32, #tpu.memory_space<vmem>>, vector<16xf32>,
      %sub3A_937 = arith.subf %get3A_931, %get3A_936 : vector<16xf32>
      %mul3A_938 = arith.mulf %sub3A_937, %sub3A_937 : vector<16xf32>
      %add3A_939 = arith.addf %add3A_883, %mul3A_938 : vector<16xf32>
      %get3A_940 = arith.constant 0 : i32
      %get3A_941 = arith.index_cast %get3A_940 : i32 to index
      %get3A_942 = arith.index_cast %add3A_926 : i32 to index
      %get3A_943 = arith.constant 16 : index
      %get3A_944 = tpu.vector_load %arg7[%get3A_941, %get3A_942, %get3A_943] {strides = array<i32>} : memref<2x128x64xf32, #tpu.memory_space<vmem>>, vector<16xf32>,
      %get3A_945 = arith.constant 0 : i32
      %get3A_946 = arith.index_cast %get3A_945 : i32 to index
      %get3A_947 = arith.index_cast %add3A_926 : i32 to index
      %get3A_948 = arith.constant 16 : index
      %get3A_949 = tpu.vector_load %arg8[%get3A_946, %get3A_947, %get3A_948] {strides = array<i32>} : memref<2x128x64xf32, #tpu.memory_space<vmem>>, vector<16xf32>,
      %sub3A_950 = arith.subf %get3A_944, %get3A_949 : vector<16xf32>
      %mul3A_951 = arith.mulf %sub3A_950, %sub3A_950 : vector<16xf32>
      %add3A_952 = arith.addf %add3A_896, %mul3A_951 : vector<16xf32>
      %get3A_953 = arith.constant 0 : i32
      %get3A_954 = arith.index_cast %get3A_953 : i32 to index
      %get3A_955 = arith.index_cast %add3A_926 : i32 to index
      %get3A_956 = arith.constant 32 : index
      %get3A_957 = tpu.vector_load %arg7[%get3A_954, %get3A_955, %get3A_956] {strides = array<i32>} : memref<2x128x64xf32, #tpu.memory_space<vmem>>, vector<16xf32>,
      %get3A_958 = arith.constant 0 : i32
      %get3A_959 = arith.index_cast %get3A_958 : i32 to index
      %get3A_960 = arith.index_cast %add3A_926 : i32 to index
      %get3A_961 = arith.constant 32 : index
      %get3A_962 = tpu.vector_load %arg8[%get3A_959, %get3A_960, %get3A_961] {strides = array<i32>} : memref<2x128x64xf32, #tpu.memory_space<vmem>>, vector<16xf32>,
      %sub3A_963 = arith.subf %get3A_957, %get3A_962 : vector<16xf32>
      %mul3A_964 = arith.mulf %sub3A_963, %sub3A_963 : vector<16xf32>
      %add3A_965 = arith.addf %add3A_909, %mul3A_964 : vector<16xf32>
      %get3A_966 = arith.constant 0 : i32
      %get3A_967 = arith.index_cast %get3A_966 : i32 to index
      %get3A_968 = arith.index_cast %add3A_926 : i32 to index
      %get3A_969 = arith.constant 48 : index
      %get3A_970 = tpu.vector_load %arg7[%get3A_967, %get3A_968, %get3A_969] {strides = array<i32>} : memref<2x128x64xf32, #tpu.memory_space<vmem>>, vector<16xf32>,
      %get3A_971 = arith.constant 0 : i32
      %get3A_972 = arith.index_cast %get3A_971 : i32 to index
      %get3A_973 = arith.index_cast %add3A_926 : i32 to index
      %get3A_974 = arith.constant 48 : index
      %get3A_975 = tpu.vector_load %arg8[%get3A_972, %get3A_973, %get3A_974] {strides = array<i32>} : memref<2x128x64xf32, #tpu.memory_space<vmem>>, vector<16xf32>,
      %sub3A_976 = arith.subf %get3A_970, %get3A_975 : vector<16xf32>
      %mul3A_977 = arith.mulf %sub3A_976, %sub3A_976 : vector<16xf32>
      %add3A_978 = arith.addf %add3A_922, %mul3A_977 : vector<16xf32>
      %mul3A_979 = arith.constant 16 : i32
      %mul3A_980 = arith.muli %scan3A_248, %mul3A_979 : i32
      %add3A_981 = arith.constant 13 : i32
      %add3A_982 = arith.addi %mul3A_980, %add3A_981 : i32
      %get3A_983 = arith.constant 0 : i32
      %get3A_984 = arith.index_cast %get3A_983 : i32 to index
      %get3A_985 = arith.index_cast %add3A_982 : i32 to index
      %get3A_986 = arith.constant 0 : index
      %get3A_987 = tpu.vector_load %arg7[%get3A_984, %get3A_985, %get3A_986] {strides = array<i32>} : memref<2x128x64xf32, #tpu.memory_space<vmem>>, vector<16xf32>,
      %get3A_988 = arith.constant 0 : i32
      %get3A_989 = arith.index_cast %get3A_988 : i32 to index
      %get3A_990 = arith.index_cast %add3A_982 : i32 to index
      %get3A_991 = arith.constant 0 : index
      %get3A_992 = tpu.vector_load %arg8[%get3A_989, %get3A_990, %get3A_991] {strides = array<i32>} : memref<2x128x64xf32, #tpu.memory_space<vmem>>, vector<16xf32>,
      %sub3A_993 = arith.subf %get3A_987, %get3A_992 : vector<16xf32>
      %mul3A_994 = arith.mulf %sub3A_993, %sub3A_993 : vector<16xf32>
      %add3A_995 = arith.addf %add3A_939, %mul3A_994 : vector<16xf32>
      %get3A_996 = arith.constant 0 : i32
      %get3A_997 = arith.index_cast %get3A_996 : i32 to index
      %get3A_998 = arith.index_cast %add3A_982 : i32 to index
      %get3A_999 = arith.constant 16 : index
      %get3A_1000 = tpu.vector_load %arg7[%get3A_997, %get3A_998, %get3A_999] {strides = array<i32>} : memref<2x128x64xf32, #tpu.memory_space<vmem>>, vector<16xf32>,
      %get3A_1001 = arith.constant 0 : i32
      %get3A_1002 = arith.index_cast %get3A_1001 : i32 to index
      %get3A_1003 = arith.index_cast %add3A_982 : i32 to index
      %get3A_1004 = arith.constant 16 : index
      %get3A_1005 = tpu.vector_load %arg8[%get3A_1002, %get3A_1003, %get3A_1004] {strides = array<i32>} : memref<2x128x64xf32, #tpu.memory_space<vmem>>, vector<16xf32>,
      %sub3A_1006 = arith.subf %get3A_1000, %get3A_1005 : vector<16xf32>
      %mul3A_1007 = arith.mulf %sub3A_1006, %sub3A_1006 : vector<16xf32>
      %add3A_1008 = arith.addf %add3A_952, %mul3A_1007 : vector<16xf32>
      %get3A_1009 = arith.constant 0 : i32
      %get3A_1010 = arith.index_cast %get3A_1009 : i32 to index
      %get3A_1011 = arith.index_cast %add3A_982 : i32 to index
      %get3A_1012 = arith.constant 32 : index
      %get3A_1013 = tpu.vector_load %arg7[%get3A_1010, %get3A_1011, %get3A_1012] {strides = array<i32>} : memref<2x128x64xf32, #tpu.memory_space<vmem>>, vector<16xf32>,
      %get3A_1014 = arith.constant 0 : i32
      %get3A_1015 = arith.index_cast %get3A_1014 : i32 to index
      %get3A_1016 = arith.index_cast %add3A_982 : i32 to index
      %get3A_1017 = arith.constant 32 : index
      %get3A_1018 = tpu.vector_load %arg8[%get3A_1015, %get3A_1016, %get3A_1017] {strides = array<i32>} : memref<2x128x64xf32, #tpu.memory_space<vmem>>, vector<16xf32>,
      %sub3A_1019 = arith.subf %get3A_1013, %get3A_1018 : vector<16xf32>
      %mul3A_1020 = arith.mulf %sub3A_1019, %sub3A_1019 : vector<16xf32>
      %add3A_1021 = arith.addf %add3A_965, %mul3A_1020 : vector<16xf32>
      %get3A_1022 = arith.constant 0 : i32
      %get3A_1023 = arith.index_cast %get3A_1022 : i32 to index
      %get3A_1024 = arith.index_cast %add3A_982 : i32 to index
      %get3A_1025 = arith.constant 48 : index
      %get3A_1026 = tpu.vector_load %arg7[%get3A_1023, %get3A_1024, %get3A_1025] {strides = array<i32>} : memref<2x128x64xf32, #tpu.memory_space<vmem>>, vector<16xf32>,
      %get3A_1027 = arith.constant 0 : i32
      %get3A_1028 = arith.index_cast %get3A_1027 : i32 to index
      %get3A_1029 = arith.index_cast %add3A_982 : i32 to index
      %get3A_1030 = arith.constant 48 : index
      %get3A_1031 = tpu.vector_load %arg8[%get3A_1028, %get3A_1029, %get3A_1030] {strides = array<i32>} : memref<2x128x64xf32, #tpu.memory_space<vmem>>, vector<16xf32>,
      %sub3A_1032 = arith.subf %get3A_1026, %get3A_1031 : vector<16xf32>
      %mul3A_1033 = arith.mulf %sub3A_1032, %sub3A_1032 : vector<16xf32>
      %add3A_1034 = arith.addf %add3A_978, %mul3A_1033 : vector<16xf32>
      %mul3A_1035 = arith.constant 16 : i32
      %mul3A_1036 = arith.muli %scan3A_248, %mul3A_1035 : i32
      %add3A_1037 = arith.constant 14 : i32
      %add3A_1038 = arith.addi %mul3A_1036, %add3A_1037 : i32
      %get3A_1039 = arith.constant 0 : i32
      %get3A_1040 = arith.index_cast %get3A_1039 : i32 to index
      %get3A_1041 = arith.index_cast %add3A_1038 : i32 to index
      %get3A_1042 = arith.constant 0 : index
      %get3A_1043 = tpu.vector_load %arg7[%get3A_1040, %get3A_1041, %get3A_1042] {strides = array<i32>} : memref<2x128x64xf32, #tpu.memory_space<vmem>>, vector<16xf32>,
      %get3A_1044 = arith.constant 0 : i32
      %get3A_1045 = arith.index_cast %get3A_1044 : i32 to index
      %get3A_1046 = arith.index_cast %add3A_1038 : i32 to index
      %get3A_1047 = arith.constant 0 : index
      %get3A_1048 = tpu.vector_load %arg8[%get3A_1045, %get3A_1046, %get3A_1047] {strides = array<i32>} : memref<2x128x64xf32, #tpu.memory_space<vmem>>, vector<16xf32>,
      %sub3A_1049 = arith.subf %get3A_1043, %get3A_1048 : vector<16xf32>
      %mul3A_1050 = arith.mulf %sub3A_1049, %sub3A_1049 : vector<16xf32>
      %add3A_1051 = arith.addf %add3A_995, %mul3A_1050 : vector<16xf32>
      %get3A_1052 = arith.constant 0 : i32
      %get3A_1053 = arith.index_cast %get3A_1052 : i32 to index
      %get3A_1054 = arith.index_cast %add3A_1038 : i32 to index
      %get3A_1055 = arith.constant 16 : index
      %get3A_1056 = tpu.vector_load %arg7[%get3A_1053, %get3A_1054, %get3A_1055] {strides = array<i32>} : memref<2x128x64xf32, #tpu.memory_space<vmem>>, vector<16xf32>,
      %get3A_1057 = arith.constant 0 : i32
      %get3A_1058 = arith.index_cast %get3A_1057 : i32 to index
      %get3A_1059 = arith.index_cast %add3A_1038 : i32 to index
      %get3A_1060 = arith.constant 16 : index
      %get3A_1061 = tpu.vector_load %arg8[%get3A_1058, %get3A_1059, %get3A_1060] {strides = array<i32>} : memref<2x128x64xf32, #tpu.memory_space<vmem>>, vector<16xf32>,
      %sub3A_1062 = arith.subf %get3A_1056, %get3A_1061 : vector<16xf32>
      %mul3A_1063 = arith.mulf %sub3A_1062, %sub3A_1062 : vector<16xf32>
      %add3A_1064 = arith.addf %add3A_1008, %mul3A_1063 : vector<16xf32>
      %get3A_1065 = arith.constant 0 : i32
      %get3A_1066 = arith.index_cast %get3A_1065 : i32 to index
      %get3A_1067 = arith.index_cast %add3A_1038 : i32 to index
      %get3A_1068 = arith.constant 32 : index
      %get3A_1069 = tpu.vector_load %arg7[%get3A_1066, %get3A_1067, %get3A_1068] {strides = array<i32>} : memref<2x128x64xf32, #tpu.memory_space<vmem>>, vector<16xf32>,
      %get3A_1070 = arith.constant 0 : i32
      %get3A_1071 = arith.index_cast %get3A_1070 : i32 to index
      %get3A_1072 = arith.index_cast %add3A_1038 : i32 to index
      %get3A_1073 = arith.constant 32 : index
      %get3A_1074 = tpu.vector_load %arg8[%get3A_1071, %get3A_1072, %get3A_1073] {strides = array<i32>} : memref<2x128x64xf32, #tpu.memory_space<vmem>>, vector<16xf32>,
      %sub3A_1075 = arith.subf %get3A_1069, %get3A_1074 : vector<16xf32>
      %mul3A_1076 = arith.mulf %sub3A_1075, %sub3A_1075 : vector<16xf32>
      %add3A_1077 = arith.addf %add3A_1021, %mul3A_1076 : vector<16xf32>
      %get3A_1078 = arith.constant 0 : i32
      %get3A_1079 = arith.index_cast %get3A_1078 : i32 to index
      %get3A_1080 = arith.index_cast %add3A_1038 : i32 to index
      %get3A_1081 = arith.constant 48 : index
      %get3A_1082 = tpu.vector_load %arg7[%get3A_1079, %get3A_1080, %get3A_1081] {strides = array<i32>} : memref<2x128x64xf32, #tpu.memory_space<vmem>>, vector<16xf32>,
      %get3A_1083 = arith.constant 0 : i32
      %get3A_1084 = arith.index_cast %get3A_1083 : i32 to index
      %get3A_1085 = arith.index_cast %add3A_1038 : i32 to index
      %get3A_1086 = arith.constant 48 : index
      %get3A_1087 = tpu.vector_load %arg8[%get3A_1084, %get3A_1085, %get3A_1086] {strides = array<i32>} : memref<2x128x64xf32, #tpu.memory_space<vmem>>, vector<16xf32>,
      %sub3A_1088 = arith.subf %get3A_1082, %get3A_1087 : vector<16xf32>
      %mul3A_1089 = arith.mulf %sub3A_1088, %sub3A_1088 : vector<16xf32>
      %add3A_1090 = arith.addf %add3A_1034, %mul3A_1089 : vector<16xf32>
      %mul3A_1091 = arith.constant 16 : i32
      %mul3A_1092 = arith.muli %scan3A_248, %mul3A_1091 : i32
      %add3A_1093 = arith.constant 15 : i32
      %add3A_1094 = arith.addi %mul3A_1092, %add3A_1093 : i32
      %get3A_1095 = arith.constant 0 : i32
      %get3A_1096 = arith.index_cast %get3A_1095 : i32 to index
      %get3A_1097 = arith.index_cast %add3A_1094 : i32 to index
      %get3A_1098 = arith.constant 0 : index
      %get3A_1099 = tpu.vector_load %arg7[%get3A_1096, %get3A_1097, %get3A_1098] {strides = array<i32>} : memref<2x128x64xf32, #tpu.memory_space<vmem>>, vector<16xf32>,
      %get3A_1100 = arith.constant 0 : i32
      %get3A_1101 = arith.index_cast %get3A_1100 : i32 to index
      %get3A_1102 = arith.index_cast %add3A_1094 : i32 to index
      %get3A_1103 = arith.constant 0 : index
      %get3A_1104 = tpu.vector_load %arg8[%get3A_1101, %get3A_1102, %get3A_1103] {strides = array<i32>} : memref<2x128x64xf32, #tpu.memory_space<vmem>>, vector<16xf32>,
      %sub3A_1105 = arith.subf %get3A_1099, %get3A_1104 : vector<16xf32>
      %mul3A_1106 = arith.mulf %sub3A_1105, %sub3A_1105 : vector<16xf32>
      %add3A_1107 = arith.addf %add3A_1051, %mul3A_1106 : vector<16xf32>
      %get3A_1108 = arith.constant 0 : i32
      %get3A_1109 = arith.index_cast %get3A_1108 : i32 to index
      %get3A_1110 = arith.index_cast %add3A_1094 : i32 to index
      %get3A_1111 = arith.constant 16 : index
      %get3A_1112 = tpu.vector_load %arg7[%get3A_1109, %get3A_1110, %get3A_1111] {strides = array<i32>} : memref<2x128x64xf32, #tpu.memory_space<vmem>>, vector<16xf32>,
      %get3A_1113 = arith.constant 0 : i32
      %get3A_1114 = arith.index_cast %get3A_1113 : i32 to index
      %get3A_1115 = arith.index_cast %add3A_1094 : i32 to index
      %get3A_1116 = arith.constant 16 : index
      %get3A_1117 = tpu.vector_load %arg8[%get3A_1114, %get3A_1115, %get3A_1116] {strides = array<i32>} : memref<2x128x64xf32, #tpu.memory_space<vmem>>, vector<16xf32>,
      %sub3A_1118 = arith.subf %get3A_1112, %get3A_1117 : vector<16xf32>
      %mul3A_1119 = arith.mulf %sub3A_1118, %sub3A_1118 : vector<16xf32>
      %add3A_1120 = arith.addf %add3A_1064, %mul3A_1119 : vector<16xf32>
      %get3A_1121 = arith.constant 0 : i32
      %get3A_1122 = arith.index_cast %get3A_1121 : i32 to index
      %get3A_1123 = arith.index_cast %add3A_1094 : i32 to index
      %get3A_1124 = arith.constant 32 : index
      %get3A_1125 = tpu.vector_load %arg7[%get3A_1122, %get3A_1123, %get3A_1124] {strides = array<i32>} : memref<2x128x64xf32, #tpu.memory_space<vmem>>, vector<16xf32>,
      %get3A_1126 = arith.constant 0 : i32
      %get3A_1127 = arith.index_cast %get3A_1126 : i32 to index
      %get3A_1128 = arith.index_cast %add3A_1094 : i32 to index
      %get3A_1129 = arith.constant 32 : index
      %get3A_1130 = tpu.vector_load %arg8[%get3A_1127, %get3A_1128, %get3A_1129] {strides = array<i32>} : memref<2x128x64xf32, #tpu.memory_space<vmem>>, vector<16xf32>,
      %sub3A_1131 = arith.subf %get3A_1125, %get3A_1130 : vector<16xf32>
      %mul3A_1132 = arith.mulf %sub3A_1131, %sub3A_1131 : vector<16xf32>
      %add3A_1133 = arith.addf %add3A_1077, %mul3A_1132 : vector<16xf32>
      %get3A_1134 = arith.constant 0 : i32
      %get3A_1135 = arith.index_cast %get3A_1134 : i32 to index
      %get3A_1136 = arith.index_cast %add3A_1094 : i32 to index
      %get3A_1137 = arith.constant 48 : index
      %get3A_1138 = tpu.vector_load %arg7[%get3A_1135, %get3A_1136, %get3A_1137] {strides = array<i32>} : memref<2x128x64xf32, #tpu.memory_space<vmem>>, vector<16xf32>,
      %get3A_1139 = arith.constant 0 : i32
      %get3A_1140 = arith.index_cast %get3A_1139 : i32 to index
      %get3A_1141 = arith.index_cast %add3A_1094 : i32 to index
      %get3A_1142 = arith.constant 48 : index
      %get3A_1143 = tpu.vector_load %arg8[%get3A_1140, %get3A_1141, %get3A_1142] {strides = array<i32>} : memref<2x128x64xf32, #tpu.memory_space<vmem>>, vector<16xf32>,
      %sub3A_1144 = arith.subf %get3A_1138, %get3A_1143 : vector<16xf32>
      %mul3A_1145 = arith.mulf %sub3A_1144, %sub3A_1144 : vector<16xf32>
      %add3A_1146 = arith.addf %add3A_1090, %mul3A_1145 : vector<16xf32>
      scf.yield %add3A_1107, %add3A_1120, %add3A_1133, %add3A_1146 : vector<16xf32>, vector<16xf32>, vector<16xf32>, vector<16xf32>
    }
    %scan3A_96 = arith.constant 8 : i32
    %add3A_97 = arith.constant 256 : i32
    %add3A_98 = arith.addi %mul3A_2, %add3A_97 : i32
    %dma_start3A_99 = arith.constant 0 : i32
    %dma_start3A_100 = arith.constant 0 : i32
    %dma_start3A_101 = arith.constant 0 : i32
    %dma_start3A_102 = tpu.memref_slice %arg7[%dma_start3A_99, %dma_start3A_100, %dma_start3A_101] : memref<2x128x64xf32, #tpu.memory_space<vmem>> -> memref<1x128x64xf32, #tpu.memory_space<vmem>>
    %dma_start3A_103 = tpu.memref_squeeze %dma_start3A_102 : memref<1x128x64xf32, #tpu.memory_space<vmem>> -> memref<128x64xf32, #tpu.memory_space<vmem>>
    %dma_start3A_104 = arith.constant 0 : i32
    %dma_start3A_105 = tpu.memref_slice %arg2[%add3A_98, %dma_start3A_104] : memref<16384x64xf32, #tpu.memory_space<hbm>> -> memref<128x64xf32, #tpu.memory_space<hbm>>
    %dma_start3A_106 = arith.constant 0 : i32
    %dma_start3A_107 = arith.constant 0 : i32
    %dma_start3A_108 = tpu.memref_slice %arg7[%dma_start3A_99, %dma_start3A_106, %dma_start3A_107] : memref<2x128x64xf32, #tpu.memory_space<vmem>> -> memref<1x128x64xf32, #tpu.memory_space<vmem>>
    %dma_start3A_109 = tpu.memref_squeeze %dma_start3A_108 : memref<1x128x64xf32, #tpu.memory_space<vmem>> -> memref<128x64xf32, #tpu.memory_space<vmem>>
    %dma_start3A_110 = arith.constant 0 : i32
    %dma_start3A_111 = tpu.memref_slice %arg2[%add3A_98, %dma_start3A_110] : memref<16384x64xf32, #tpu.memory_space<hbm>> -> memref<128x64xf32, #tpu.memory_space<hbm>>
    tpu.enqueue_dma source(%dma_start3A_111 : memref<128x64xf32, #tpu.memory_space<hbm>>) target(%dma_start3A_109 : memref<128x64xf32, #tpu.memory_space<vmem>>) target_semaphore(%arg10 : memref<!tpu.dma_semaphore, #tpu.memory_space<semaphore_mem>>)
    %dma_start3A_112 = arith.constant 2 : i32
    %dma_start3A_113 = arith.constant 0 : i32
    %dma_start3A_114 = arith.constant 0 : i32
    %dma_start3A_115 = arith.constant 0 : i32
    %dma_start3A_116 = tpu.memref_slice %arg8[%dma_start3A_113, %dma_start3A_114, %dma_start3A_115] : memref<2x128x64xf32, #tpu.memory_space<vmem>> -> memref<1x128x64xf32, #tpu.memory_space<vmem>>
    %dma_start3A_117 = tpu.memref_squeeze %dma_start3A_116 : memref<1x128x64xf32, #tpu.memory_space<vmem>> -> memref<128x64xf32, #tpu.memory_space<vmem>>
    %dma_start3A_118 = arith.constant 0 : i32
    %dma_start3A_119 = tpu.memref_slice %arg6[%dma_start3A_112, %dma_start3A_118] : memref<4x128xi32, #tpu.memory_space<vmem>> -> memref<1x128xi32, #tpu.memory_space<vmem>>
    %dma_start3A_120 = tpu.memref_squeeze %dma_start3A_119 : memref<1x128xi32, #tpu.memory_space<vmem>> -> memref<128xi32, #tpu.memory_space<vmem>>
    %dma_start3A_121 = arith.constant 0 : i32
    %dma_start3A_122 = arith.constant 0 : i32
    %dma_start3A_123 = tpu.memref_slice %arg4[%dma_start3A_121, %dma_start3A_122] : memref<100000x64xf32, #tpu.memory_space<hbm>> -> memref<100000x64xf32, #tpu.memory_space<hbm>>
    tpu.enqueue_indirect_dma source(%dma_start3A_123 : memref<100000x64xf32, #tpu.memory_space<hbm>>) target(%dma_start3A_117 : memref<128x64xf32, #tpu.memory_space<vmem>>) offsets(%dma_start3A_120 : memref<128xi32, #tpu.memory_space<vmem>>) semaphore(%arg10 : memref<!tpu.dma_semaphore, #tpu.memory_space<semaphore_mem>>)
    %dma_wait3A_124 = arith.constant 1 : i32
    %dma_wait3A_125 = arith.constant 0 : i32
    %dma_wait3A_126 = arith.constant 0 : i32
    %dma_wait3A_127 = tpu.memref_slice %arg7[%dma_wait3A_124, %dma_wait3A_125, %dma_wait3A_126] : memref<2x128x64xf32, #tpu.memory_space<vmem>> -> memref<1x128x64xf32, #tpu.memory_space<vmem>>
    %dma_wait3A_128 = tpu.memref_squeeze %dma_wait3A_127 : memref<1x128x64xf32, #tpu.memory_space<vmem>> -> memref<128x64xf32, #tpu.memory_space<vmem>>
    %dma_wait3A_129 = arith.constant 0 : i32
    %dma_wait3A_130 = tpu.memref_slice %arg2[%add3A_41, %dma_wait3A_129] : memref<16384x64xf32, #tpu.memory_space<hbm>> -> memref<128x64xf32, #tpu.memory_space<hbm>>
    %dma_wait3A_131 = arith.constant 0 : i32
    %dma_wait3A_132 = arith.constant 0 : i32
    %dma_wait3A_133 = tpu.memref_slice %arg7[%dma_wait3A_124, %dma_wait3A_131, %dma_wait3A_132] : memref<2x128x64xf32, #tpu.memory_space<vmem>> -> memref<1x128x64xf32, #tpu.memory_space<vmem>>
    %dma_wait3A_134 = tpu.memref_squeeze %dma_wait3A_133 : memref<1x128x64xf32, #tpu.memory_space<vmem>> -> memref<128x64xf32, #tpu.memory_space<vmem>>
    %dma_wait3A_135 = arith.constant 0 : i32
    %dma_wait3A_136 = tpu.memref_slice %arg2[%add3A_41, %dma_wait3A_135] : memref<16384x64xf32, #tpu.memory_space<hbm>> -> memref<128x64xf32, #tpu.memory_space<hbm>>
    tpu.wait_dma2 semaphore(%arg11 : memref<!tpu.dma_semaphore, #tpu.memory_space<semaphore_mem>>) src(%dma_wait3A_136 : memref<128x64xf32, #tpu.memory_space<hbm>>) dst(%dma_wait3A_134 : memref<128x64xf32, #tpu.memory_space<vmem>>)
    %dma_wait3A_137 = arith.constant 1 : i32
    %dma_wait3A_138 = arith.constant 1 : i32
    %dma_wait3A_139 = arith.constant 0 : i32
    %dma_wait3A_140 = arith.constant 0 : i32
    %dma_wait3A_141 = tpu.memref_slice %arg8[%dma_wait3A_138, %dma_wait3A_139, %dma_wait3A_140] : memref<2x128x64xf32, #tpu.memory_space<vmem>> -> memref<1x128x64xf32, #tpu.memory_space<vmem>>
    %dma_wait3A_142 = tpu.memref_squeeze %dma_wait3A_141 : memref<1x128x64xf32, #tpu.memory_space<vmem>> -> memref<128x64xf32, #tpu.memory_space<vmem>>
    %dma_wait3A_143 = arith.constant 0 : i32
    %dma_wait3A_144 = tpu.memref_slice %arg6[%dma_wait3A_137, %dma_wait3A_143] : memref<4x128xi32, #tpu.memory_space<vmem>> -> memref<1x128xi32, #tpu.memory_space<vmem>>
    %dma_wait3A_145 = tpu.memref_squeeze %dma_wait3A_144 : memref<1x128xi32, #tpu.memory_space<vmem>> -> memref<128xi32, #tpu.memory_space<vmem>>
    %dma_wait3A_146 = arith.constant 0 : i32
    %dma_wait3A_147 = arith.constant 0 : i32
    %dma_wait3A_148 = tpu.memref_slice %arg4[%dma_wait3A_146, %dma_wait3A_147] : memref<100000x64xf32, #tpu.memory_space<hbm>> -> memref<100000x64xf32, #tpu.memory_space<hbm>>
    tpu.wait_indirect_dma semaphore(%arg11 : memref<!tpu.dma_semaphore, #tpu.memory_space<semaphore_mem>>) src(%dma_wait3A_148 : memref<100000x64xf32, #tpu.memory_space<hbm>>) dst(%dma_wait3A_142 : memref<128x64xf32, #tpu.memory_space<vmem>>)
    %scan3A_149 = arith.constant 0 : i32
    %scan3A_150 = arith.constant 8 : i32
    %scan3A_151 = arith.addi %scan3A_149, %scan3A_150 : i32
    %scan3A_152 = arith.constant 1 : i32
    %scan3A_153:4 = scf.for %scan3A_248 = %scan3A_149 to %scan3A_151 step %scan3A_152 iter_args(%scan3A_249 = %scan3A_95#0, %scan3A_250 = %scan3A_95#1, %scan3A_251 = %scan3A_95#2, %scan3A_252 = %scan3A_95#3) -> (vector<16xf32>, vector<16xf32>, vector<16xf32>, vector<16xf32>)  : i32 {
      %mul3A_253 = arith.constant 16 : i32
      %mul3A_254 = arith.muli %scan3A_248, %mul3A_253 : i32
      %add3A_255 = arith.constant 0 : i32
      %add3A_256 = arith.addi %mul3A_254, %add3A_255 : i32
      %get3A = arith.constant 1 : i32
      %get3A_257 = arith.index_cast %get3A : i32 to index
      %get3A_258 = arith.index_cast %add3A_256 : i32 to index
      %get3A_259 = arith.constant 0 : index
      %get3A_260 = tpu.vector_load %arg7[%get3A_257, %get3A_258, %get3A_259] {strides = array<i32>} : memref<2x128x64xf32, #tpu.memory_space<vmem>>, vector<16xf32>,
      %get3A_261 = arith.constant 1 : i32
      %get3A_262 = arith.index_cast %get3A_261 : i32 to index
      %get3A_263 = arith.index_cast %add3A_256 : i32 to index
      %get3A_264 = arith.constant 0 : index
      %get3A_265 = tpu.vector_load %arg8[%get3A_262, %get3A_263, %get3A_264] {strides = array<i32>} : memref<2x128x64xf32, #tpu.memory_space<vmem>>, vector<16xf32>,
      %sub3A = arith.subf %get3A_260, %get3A_265 : vector<16xf32>
      %mul3A_266 = arith.mulf %sub3A, %sub3A : vector<16xf32>
      %add3A_267 = arith.addf %scan3A_249, %mul3A_266 : vector<16xf32>
      %get3A_268 = arith.constant 1 : i32
      %get3A_269 = arith.index_cast %get3A_268 : i32 to index
      %get3A_270 = arith.index_cast %add3A_256 : i32 to index
      %get3A_271 = arith.constant 16 : index
      %get3A_272 = tpu.vector_load %arg7[%get3A_269, %get3A_270, %get3A_271] {strides = array<i32>} : memref<2x128x64xf32, #tpu.memory_space<vmem>>, vector<16xf32>,
      %get3A_273 = arith.constant 1 : i32
      %get3A_274 = arith.index_cast %get3A_273 : i32 to index
      %get3A_275 = arith.index_cast %add3A_256 : i32 to index
      %get3A_276 = arith.constant 16 : index
      %get3A_277 = tpu.vector_load %arg8[%get3A_274, %get3A_275, %get3A_276] {strides = array<i32>} : memref<2x128x64xf32, #tpu.memory_space<vmem>>, vector<16xf32>,
      %sub3A_278 = arith.subf %get3A_272, %get3A_277 : vector<16xf32>
      %mul3A_279 = arith.mulf %sub3A_278, %sub3A_278 : vector<16xf32>
      %add3A_280 = arith.addf %scan3A_250, %mul3A_279 : vector<16xf32>
      %get3A_281 = arith.constant 1 : i32
      %get3A_282 = arith.index_cast %get3A_281 : i32 to index
      %get3A_283 = arith.index_cast %add3A_256 : i32 to index
      %get3A_284 = arith.constant 32 : index
      %get3A_285 = tpu.vector_load %arg7[%get3A_282, %get3A_283, %get3A_284] {strides = array<i32>} : memref<2x128x64xf32, #tpu.memory_space<vmem>>, vector<16xf32>,
      %get3A_286 = arith.constant 1 : i32
      %get3A_287 = arith.index_cast %get3A_286 : i32 to index
      %get3A_288 = arith.index_cast %add3A_256 : i32 to index
      %get3A_289 = arith.constant 32 : index
      %get3A_290 = tpu.vector_load %arg8[%get3A_287, %get3A_288, %get3A_289] {strides = array<i32>} : memref<2x128x64xf32, #tpu.memory_space<vmem>>, vector<16xf32>,
      %sub3A_291 = arith.subf %get3A_285, %get3A_290 : vector<16xf32>
      %mul3A_292 = arith.mulf %sub3A_291, %sub3A_291 : vector<16xf32>
      %add3A_293 = arith.addf %scan3A_251, %mul3A_292 : vector<16xf32>
      %get3A_294 = arith.constant 1 : i32
      %get3A_295 = arith.index_cast %get3A_294 : i32 to index
      %get3A_296 = arith.index_cast %add3A_256 : i32 to index
      %get3A_297 = arith.constant 48 : index
      %get3A_298 = tpu.vector_load %arg7[%get3A_295, %get3A_296, %get3A_297] {strides = array<i32>} : memref<2x128x64xf32, #tpu.memory_space<vmem>>, vector<16xf32>,
      %get3A_299 = arith.constant 1 : i32
      %get3A_300 = arith.index_cast %get3A_299 : i32 to index
      %get3A_301 = arith.index_cast %add3A_256 : i32 to index
      %get3A_302 = arith.constant 48 : index
      %get3A_303 = tpu.vector_load %arg8[%get3A_300, %get3A_301, %get3A_302] {strides = array<i32>} : memref<2x128x64xf32, #tpu.memory_space<vmem>>, vector<16xf32>,
      %sub3A_304 = arith.subf %get3A_298, %get3A_303 : vector<16xf32>
      %mul3A_305 = arith.mulf %sub3A_304, %sub3A_304 : vector<16xf32>
      %add3A_306 = arith.addf %scan3A_252, %mul3A_305 : vector<16xf32>
      %mul3A_307 = arith.constant 16 : i32
      %mul3A_308 = arith.muli %scan3A_248, %mul3A_307 : i32
      %add3A_309 = arith.constant 1 : i32
      %add3A_310 = arith.addi %mul3A_308, %add3A_309 : i32
      %get3A_311 = arith.constant 1 : i32
      %get3A_312 = arith.index_cast %get3A_311 : i32 to index
      %get3A_313 = arith.index_cast %add3A_310 : i32 to index
      %get3A_314 = arith.constant 0 : index
      %get3A_315 = tpu.vector_load %arg7[%get3A_312, %get3A_313, %get3A_314] {strides = array<i32>} : memref<2x128x64xf32, #tpu.memory_space<vmem>>, vector<16xf32>,
      %get3A_316 = arith.constant 1 : i32
      %get3A_317 = arith.index_cast %get3A_316 : i32 to index
      %get3A_318 = arith.index_cast %add3A_310 : i32 to index
      %get3A_319 = arith.constant 0 : index
      %get3A_320 = tpu.vector_load %arg8[%get3A_317, %get3A_318, %get3A_319] {strides = array<i32>} : memref<2x128x64xf32, #tpu.memory_space<vmem>>, vector<16xf32>,
      %sub3A_321 = arith.subf %get3A_315, %get3A_320 : vector<16xf32>
      %mul3A_322 = arith.mulf %sub3A_321, %sub3A_321 : vector<16xf32>
      %add3A_323 = arith.addf %add3A_267, %mul3A_322 : vector<16xf32>
      %get3A_324 = arith.constant 1 : i32
      %get3A_325 = arith.index_cast %get3A_324 : i32 to index
      %get3A_326 = arith.index_cast %add3A_310 : i32 to index
      %get3A_327 = arith.constant 16 : index
      %get3A_328 = tpu.vector_load %arg7[%get3A_325, %get3A_326, %get3A_327] {strides = array<i32>} : memref<2x128x64xf32, #tpu.memory_space<vmem>>, vector<16xf32>,
      %get3A_329 = arith.constant 1 : i32
      %get3A_330 = arith.index_cast %get3A_329 : i32 to index
      %get3A_331 = arith.index_cast %add3A_310 : i32 to index
      %get3A_332 = arith.constant 16 : index
      %get3A_333 = tpu.vector_load %arg8[%get3A_330, %get3A_331, %get3A_332] {strides = array<i32>} : memref<2x128x64xf32, #tpu.memory_space<vmem>>, vector<16xf32>,
      %sub3A_334 = arith.subf %get3A_328, %get3A_333 : vector<16xf32>
      %mul3A_335 = arith.mulf %sub3A_334, %sub3A_334 : vector<16xf32>
      %add3A_336 = arith.addf %add3A_280, %mul3A_335 : vector<16xf32>
      %get3A_337 = arith.constant 1 : i32
      %get3A_338 = arith.index_cast %get3A_337 : i32 to index
      %get3A_339 = arith.index_cast %add3A_310 : i32 to index
      %get3A_340 = arith.constant 32 : index
      %get3A_341 = tpu.vector_load %arg7[%get3A_338, %get3A_339, %get3A_340] {strides = array<i32>} : memref<2x128x64xf32, #tpu.memory_space<vmem>>, vector<16xf32>,
      %get3A_342 = arith.constant 1 : i32
      %get3A_343 = arith.index_cast %get3A_342 : i32 to index
      %get3A_344 = arith.index_cast %add3A_310 : i32 to index
      %get3A_345 = arith.constant 32 : index
      %get3A_346 = tpu.vector_load %arg8[%get3A_343, %get3A_344, %get3A_345] {strides = array<i32>} : memref<2x128x64xf32, #tpu.memory_space<vmem>>, vector<16xf32>,
      %sub3A_347 = arith.subf %get3A_341, %get3A_346 : vector<16xf32>
      %mul3A_348 = arith.mulf %sub3A_347, %sub3A_347 : vector<16xf32>
      %add3A_349 = arith.addf %add3A_293, %mul3A_348 : vector<16xf32>
      %get3A_350 = arith.constant 1 : i32
      %get3A_351 = arith.index_cast %get3A_350 : i32 to index
      %get3A_352 = arith.index_cast %add3A_310 : i32 to index
      %get3A_353 = arith.constant 48 : index
      %get3A_354 = tpu.vector_load %arg7[%get3A_351, %get3A_352, %get3A_353] {strides = array<i32>} : memref<2x128x64xf32, #tpu.memory_space<vmem>>, vector<16xf32>,
      %get3A_355 = arith.constant 1 : i32
      %get3A_356 = arith.index_cast %get3A_355 : i32 to index
      %get3A_357 = arith.index_cast %add3A_310 : i32 to index
      %get3A_358 = arith.constant 48 : index
      %get3A_359 = tpu.vector_load %arg8[%get3A_356, %get3A_357, %get3A_358] {strides = array<i32>} : memref<2x128x64xf32, #tpu.memory_space<vmem>>, vector<16xf32>,
      %sub3A_360 = arith.subf %get3A_354, %get3A_359 : vector<16xf32>
      %mul3A_361 = arith.mulf %sub3A_360, %sub3A_360 : vector<16xf32>
      %add3A_362 = arith.addf %add3A_306, %mul3A_361 : vector<16xf32>
      %mul3A_363 = arith.constant 16 : i32
      %mul3A_364 = arith.muli %scan3A_248, %mul3A_363 : i32
      %add3A_365 = arith.constant 2 : i32
      %add3A_366 = arith.addi %mul3A_364, %add3A_365 : i32
      %get3A_367 = arith.constant 1 : i32
      %get3A_368 = arith.index_cast %get3A_367 : i32 to index
      %get3A_369 = arith.index_cast %add3A_366 : i32 to index
      %get3A_370 = arith.constant 0 : index
      %get3A_371 = tpu.vector_load %arg7[%get3A_368, %get3A_369, %get3A_370] {strides = array<i32>} : memref<2x128x64xf32, #tpu.memory_space<vmem>>, vector<16xf32>,
      %get3A_372 = arith.constant 1 : i32
      %get3A_373 = arith.index_cast %get3A_372 : i32 to index
      %get3A_374 = arith.index_cast %add3A_366 : i32 to index
      %get3A_375 = arith.constant 0 : index
      %get3A_376 = tpu.vector_load %arg8[%get3A_373, %get3A_374, %get3A_375] {strides = array<i32>} : memref<2x128x64xf32, #tpu.memory_space<vmem>>, vector<16xf32>,
      %sub3A_377 = arith.subf %get3A_371, %get3A_376 : vector<16xf32>
      %mul3A_378 = arith.mulf %sub3A_377, %sub3A_377 : vector<16xf32>
      %add3A_379 = arith.addf %add3A_323, %mul3A_378 : vector<16xf32>
      %get3A_380 = arith.constant 1 : i32
      %get3A_381 = arith.index_cast %get3A_380 : i32 to index
      %get3A_382 = arith.index_cast %add3A_366 : i32 to index
      %get3A_383 = arith.constant 16 : index
      %get3A_384 = tpu.vector_load %arg7[%get3A_381, %get3A_382, %get3A_383] {strides = array<i32>} : memref<2x128x64xf32, #tpu.memory_space<vmem>>, vector<16xf32>,
      %get3A_385 = arith.constant 1 : i32
      %get3A_386 = arith.index_cast %get3A_385 : i32 to index
      %get3A_387 = arith.index_cast %add3A_366 : i32 to index
      %get3A_388 = arith.constant 16 : index
      %get3A_389 = tpu.vector_load %arg8[%get3A_386, %get3A_387, %get3A_388] {strides = array<i32>} : memref<2x128x64xf32, #tpu.memory_space<vmem>>, vector<16xf32>,
      %sub3A_390 = arith.subf %get3A_384, %get3A_389 : vector<16xf32>
      %mul3A_391 = arith.mulf %sub3A_390, %sub3A_390 : vector<16xf32>
      %add3A_392 = arith.addf %add3A_336, %mul3A_391 : vector<16xf32>
      %get3A_393 = arith.constant 1 : i32
      %get3A_394 = arith.index_cast %get3A_393 : i32 to index
      %get3A_395 = arith.index_cast %add3A_366 : i32 to index
      %get3A_396 = arith.constant 32 : index
      %get3A_397 = tpu.vector_load %arg7[%get3A_394, %get3A_395, %get3A_396] {strides = array<i32>} : memref<2x128x64xf32, #tpu.memory_space<vmem>>, vector<16xf32>,
      %get3A_398 = arith.constant 1 : i32
      %get3A_399 = arith.index_cast %get3A_398 : i32 to index
      %get3A_400 = arith.index_cast %add3A_366 : i32 to index
      %get3A_401 = arith.constant 32 : index
      %get3A_402 = tpu.vector_load %arg8[%get3A_399, %get3A_400, %get3A_401] {strides = array<i32>} : memref<2x128x64xf32, #tpu.memory_space<vmem>>, vector<16xf32>,
      %sub3A_403 = arith.subf %get3A_397, %get3A_402 : vector<16xf32>
      %mul3A_404 = arith.mulf %sub3A_403, %sub3A_403 : vector<16xf32>
      %add3A_405 = arith.addf %add3A_349, %mul3A_404 : vector<16xf32>
      %get3A_406 = arith.constant 1 : i32
      %get3A_407 = arith.index_cast %get3A_406 : i32 to index
      %get3A_408 = arith.index_cast %add3A_366 : i32 to index
      %get3A_409 = arith.constant 48 : index
      %get3A_410 = tpu.vector_load %arg7[%get3A_407, %get3A_408, %get3A_409] {strides = array<i32>} : memref<2x128x64xf32, #tpu.memory_space<vmem>>, vector<16xf32>,
      %get3A_411 = arith.constant 1 : i32
      %get3A_412 = arith.index_cast %get3A_411 : i32 to index
      %get3A_413 = arith.index_cast %add3A_366 : i32 to index
      %get3A_414 = arith.constant 48 : index
      %get3A_415 = tpu.vector_load %arg8[%get3A_412, %get3A_413, %get3A_414] {strides = array<i32>} : memref<2x128x64xf32, #tpu.memory_space<vmem>>, vector<16xf32>,
      %sub3A_416 = arith.subf %get3A_410, %get3A_415 : vector<16xf32>
      %mul3A_417 = arith.mulf %sub3A_416, %sub3A_416 : vector<16xf32>
      %add3A_418 = arith.addf %add3A_362, %mul3A_417 : vector<16xf32>
      %mul3A_419 = arith.constant 16 : i32
      %mul3A_420 = arith.muli %scan3A_248, %mul3A_419 : i32
      %add3A_421 = arith.constant 3 : i32
      %add3A_422 = arith.addi %mul3A_420, %add3A_421 : i32
      %get3A_423 = arith.constant 1 : i32
      %get3A_424 = arith.index_cast %get3A_423 : i32 to index
      %get3A_425 = arith.index_cast %add3A_422 : i32 to index
      %get3A_426 = arith.constant 0 : index
      %get3A_427 = tpu.vector_load %arg7[%get3A_424, %get3A_425, %get3A_426] {strides = array<i32>} : memref<2x128x64xf32, #tpu.memory_space<vmem>>, vector<16xf32>,
      %get3A_428 = arith.constant 1 : i32
      %get3A_429 = arith.index_cast %get3A_428 : i32 to index
      %get3A_430 = arith.index_cast %add3A_422 : i32 to index
      %get3A_431 = arith.constant 0 : index
      %get3A_432 = tpu.vector_load %arg8[%get3A_429, %get3A_430, %get3A_431] {strides = array<i32>} : memref<2x128x64xf32, #tpu.memory_space<vmem>>, vector<16xf32>,
      %sub3A_433 = arith.subf %get3A_427, %get3A_432 : vector<16xf32>
      %mul3A_434 = arith.mulf %sub3A_433, %sub3A_433 : vector<16xf32>
      %add3A_435 = arith.addf %add3A_379, %mul3A_434 : vector<16xf32>
      %get3A_436 = arith.constant 1 : i32
      %get3A_437 = arith.index_cast %get3A_436 : i32 to index
      %get3A_438 = arith.index_cast %add3A_422 : i32 to index
      %get3A_439 = arith.constant 16 : index
      %get3A_440 = tpu.vector_load %arg7[%get3A_437, %get3A_438, %get3A_439] {strides = array<i32>} : memref<2x128x64xf32, #tpu.memory_space<vmem>>, vector<16xf32>,
      %get3A_441 = arith.constant 1 : i32
      %get3A_442 = arith.index_cast %get3A_441 : i32 to index
      %get3A_443 = arith.index_cast %add3A_422 : i32 to index
      %get3A_444 = arith.constant 16 : index
      %get3A_445 = tpu.vector_load %arg8[%get3A_442, %get3A_443, %get3A_444] {strides = array<i32>} : memref<2x128x64xf32, #tpu.memory_space<vmem>>, vector<16xf32>,
      %sub3A_446 = arith.subf %get3A_440, %get3A_445 : vector<16xf32>
      %mul3A_447 = arith.mulf %sub3A_446, %sub3A_446 : vector<16xf32>
      %add3A_448 = arith.addf %add3A_392, %mul3A_447 : vector<16xf32>
      %get3A_449 = arith.constant 1 : i32
      %get3A_450 = arith.index_cast %get3A_449 : i32 to index
      %get3A_451 = arith.index_cast %add3A_422 : i32 to index
      %get3A_452 = arith.constant 32 : index
      %get3A_453 = tpu.vector_load %arg7[%get3A_450, %get3A_451, %get3A_452] {strides = array<i32>} : memref<2x128x64xf32, #tpu.memory_space<vmem>>, vector<16xf32>,
      %get3A_454 = arith.constant 1 : i32
      %get3A_455 = arith.index_cast %get3A_454 : i32 to index
      %get3A_456 = arith.index_cast %add3A_422 : i32 to index
      %get3A_457 = arith.constant 32 : index
      %get3A_458 = tpu.vector_load %arg8[%get3A_455, %get3A_456, %get3A_457] {strides = array<i32>} : memref<2x128x64xf32, #tpu.memory_space<vmem>>, vector<16xf32>,
      %sub3A_459 = arith.subf %get3A_453, %get3A_458 : vector<16xf32>
      %mul3A_460 = arith.mulf %sub3A_459, %sub3A_459 : vector<16xf32>
      %add3A_461 = arith.addf %add3A_405, %mul3A_460 : vector<16xf32>
      %get3A_462 = arith.constant 1 : i32
      %get3A_463 = arith.index_cast %get3A_462 : i32 to index
      %get3A_464 = arith.index_cast %add3A_422 : i32 to index
      %get3A_465 = arith.constant 48 : index
      %get3A_466 = tpu.vector_load %arg7[%get3A_463, %get3A_464, %get3A_465] {strides = array<i32>} : memref<2x128x64xf32, #tpu.memory_space<vmem>>, vector<16xf32>,
      %get3A_467 = arith.constant 1 : i32
      %get3A_468 = arith.index_cast %get3A_467 : i32 to index
      %get3A_469 = arith.index_cast %add3A_422 : i32 to index
      %get3A_470 = arith.constant 48 : index
      %get3A_471 = tpu.vector_load %arg8[%get3A_468, %get3A_469, %get3A_470] {strides = array<i32>} : memref<2x128x64xf32, #tpu.memory_space<vmem>>, vector<16xf32>,
      %sub3A_472 = arith.subf %get3A_466, %get3A_471 : vector<16xf32>
      %mul3A_473 = arith.mulf %sub3A_472, %sub3A_472 : vector<16xf32>
      %add3A_474 = arith.addf %add3A_418, %mul3A_473 : vector<16xf32>
      %mul3A_475 = arith.constant 16 : i32
      %mul3A_476 = arith.muli %scan3A_248, %mul3A_475 : i32
      %add3A_477 = arith.constant 4 : i32
      %add3A_478 = arith.addi %mul3A_476, %add3A_477 : i32
      %get3A_479 = arith.constant 1 : i32
      %get3A_480 = arith.index_cast %get3A_479 : i32 to index
      %get3A_481 = arith.index_cast %add3A_478 : i32 to index
      %get3A_482 = arith.constant 0 : index
      %get3A_483 = tpu.vector_load %arg7[%get3A_480, %get3A_481, %get3A_482] {strides = array<i32>} : memref<2x128x64xf32, #tpu.memory_space<vmem>>, vector<16xf32>,
      %get3A_484 = arith.constant 1 : i32
      %get3A_485 = arith.index_cast %get3A_484 : i32 to index
      %get3A_486 = arith.index_cast %add3A_478 : i32 to index
      %get3A_487 = arith.constant 0 : index
      %get3A_488 = tpu.vector_load %arg8[%get3A_485, %get3A_486, %get3A_487] {strides = array<i32>} : memref<2x128x64xf32, #tpu.memory_space<vmem>>, vector<16xf32>,
      %sub3A_489 = arith.subf %get3A_483, %get3A_488 : vector<16xf32>
      %mul3A_490 = arith.mulf %sub3A_489, %sub3A_489 : vector<16xf32>
      %add3A_491 = arith.addf %add3A_435, %mul3A_490 : vector<16xf32>
      %get3A_492 = arith.constant 1 : i32
      %get3A_493 = arith.index_cast %get3A_492 : i32 to index
      %get3A_494 = arith.index_cast %add3A_478 : i32 to index
      %get3A_495 = arith.constant 16 : index
      %get3A_496 = tpu.vector_load %arg7[%get3A_493, %get3A_494, %get3A_495] {strides = array<i32>} : memref<2x128x64xf32, #tpu.memory_space<vmem>>, vector<16xf32>,
      %get3A_497 = arith.constant 1 : i32
      %get3A_498 = arith.index_cast %get3A_497 : i32 to index
      %get3A_499 = arith.index_cast %add3A_478 : i32 to index
      %get3A_500 = arith.constant 16 : index
      %get3A_501 = tpu.vector_load %arg8[%get3A_498, %get3A_499, %get3A_500] {strides = array<i32>} : memref<2x128x64xf32, #tpu.memory_space<vmem>>, vector<16xf32>,
      %sub3A_502 = arith.subf %get3A_496, %get3A_501 : vector<16xf32>
      %mul3A_503 = arith.mulf %sub3A_502, %sub3A_502 : vector<16xf32>
      %add3A_504 = arith.addf %add3A_448, %mul3A_503 : vector<16xf32>
      %get3A_505 = arith.constant 1 : i32
      %get3A_506 = arith.index_cast %get3A_505 : i32 to index
      %get3A_507 = arith.index_cast %add3A_478 : i32 to index
      %get3A_508 = arith.constant 32 : index
      %get3A_509 = tpu.vector_load %arg7[%get3A_506, %get3A_507, %get3A_508] {strides = array<i32>} : memref<2x128x64xf32, #tpu.memory_space<vmem>>, vector<16xf32>,
      %get3A_510 = arith.constant 1 : i32
      %get3A_511 = arith.index_cast %get3A_510 : i32 to index
      %get3A_512 = arith.index_cast %add3A_478 : i32 to index
      %get3A_513 = arith.constant 32 : index
      %get3A_514 = tpu.vector_load %arg8[%get3A_511, %get3A_512, %get3A_513] {strides = array<i32>} : memref<2x128x64xf32, #tpu.memory_space<vmem>>, vector<16xf32>,
      %sub3A_515 = arith.subf %get3A_509, %get3A_514 : vector<16xf32>
      %mul3A_516 = arith.mulf %sub3A_515, %sub3A_515 : vector<16xf32>
      %add3A_517 = arith.addf %add3A_461, %mul3A_516 : vector<16xf32>
      %get3A_518 = arith.constant 1 : i32
      %get3A_519 = arith.index_cast %get3A_518 : i32 to index
      %get3A_520 = arith.index_cast %add3A_478 : i32 to index
      %get3A_521 = arith.constant 48 : index
      %get3A_522 = tpu.vector_load %arg7[%get3A_519, %get3A_520, %get3A_521] {strides = array<i32>} : memref<2x128x64xf32, #tpu.memory_space<vmem>>, vector<16xf32>,
      %get3A_523 = arith.constant 1 : i32
      %get3A_524 = arith.index_cast %get3A_523 : i32 to index
      %get3A_525 = arith.index_cast %add3A_478 : i32 to index
      %get3A_526 = arith.constant 48 : index
      %get3A_527 = tpu.vector_load %arg8[%get3A_524, %get3A_525, %get3A_526] {strides = array<i32>} : memref<2x128x64xf32, #tpu.memory_space<vmem>>, vector<16xf32>,
      %sub3A_528 = arith.subf %get3A_522, %get3A_527 : vector<16xf32>
      %mul3A_529 = arith.mulf %sub3A_528, %sub3A_528 : vector<16xf32>
      %add3A_530 = arith.addf %add3A_474, %mul3A_529 : vector<16xf32>
      %mul3A_531 = arith.constant 16 : i32
      %mul3A_532 = arith.muli %scan3A_248, %mul3A_531 : i32
      %add3A_533 = arith.constant 5 : i32
      %add3A_534 = arith.addi %mul3A_532, %add3A_533 : i32
      %get3A_535 = arith.constant 1 : i32
      %get3A_536 = arith.index_cast %get3A_535 : i32 to index
      %get3A_537 = arith.index_cast %add3A_534 : i32 to index
      %get3A_538 = arith.constant 0 : index
      %get3A_539 = tpu.vector_load %arg7[%get3A_536, %get3A_537, %get3A_538] {strides = array<i32>} : memref<2x128x64xf32, #tpu.memory_space<vmem>>, vector<16xf32>,
      %get3A_540 = arith.constant 1 : i32
      %get3A_541 = arith.index_cast %get3A_540 : i32 to index
      %get3A_542 = arith.index_cast %add3A_534 : i32 to index
      %get3A_543 = arith.constant 0 : index
      %get3A_544 = tpu.vector_load %arg8[%get3A_541, %get3A_542, %get3A_543] {strides = array<i32>} : memref<2x128x64xf32, #tpu.memory_space<vmem>>, vector<16xf32>,
      %sub3A_545 = arith.subf %get3A_539, %get3A_544 : vector<16xf32>
      %mul3A_546 = arith.mulf %sub3A_545, %sub3A_545 : vector<16xf32>
      %add3A_547 = arith.addf %add3A_491, %mul3A_546 : vector<16xf32>
      %get3A_548 = arith.constant 1 : i32
      %get3A_549 = arith.index_cast %get3A_548 : i32 to index
      %get3A_550 = arith.index_cast %add3A_534 : i32 to index
      %get3A_551 = arith.constant 16 : index
      %get3A_552 = tpu.vector_load %arg7[%get3A_549, %get3A_550, %get3A_551] {strides = array<i32>} : memref<2x128x64xf32, #tpu.memory_space<vmem>>, vector<16xf32>,
      %get3A_553 = arith.constant 1 : i32
      %get3A_554 = arith.index_cast %get3A_553 : i32 to index
      %get3A_555 = arith.index_cast %add3A_534 : i32 to index
      %get3A_556 = arith.constant 16 : index
      %get3A_557 = tpu.vector_load %arg8[%get3A_554, %get3A_555, %get3A_556] {strides = array<i32>} : memref<2x128x64xf32, #tpu.memory_space<vmem>>, vector<16xf32>,
      %sub3A_558 = arith.subf %get3A_552, %get3A_557 : vector<16xf32>
      %mul3A_559 = arith.mulf %sub3A_558, %sub3A_558 : vector<16xf32>
      %add3A_560 = arith.addf %add3A_504, %mul3A_559 : vector<16xf32>
      %get3A_561 = arith.constant 1 : i32
      %get3A_562 = arith.index_cast %get3A_561 : i32 to index
      %get3A_563 = arith.index_cast %add3A_534 : i32 to index
      %get3A_564 = arith.constant 32 : index
      %get3A_565 = tpu.vector_load %arg7[%get3A_562, %get3A_563, %get3A_564] {strides = array<i32>} : memref<2x128x64xf32, #tpu.memory_space<vmem>>, vector<16xf32>,
      %get3A_566 = arith.constant 1 : i32
      %get3A_567 = arith.index_cast %get3A_566 : i32 to index
      %get3A_568 = arith.index_cast %add3A_534 : i32 to index
      %get3A_569 = arith.constant 32 : index
      %get3A_570 = tpu.vector_load %arg8[%get3A_567, %get3A_568, %get3A_569] {strides = array<i32>} : memref<2x128x64xf32, #tpu.memory_space<vmem>>, vector<16xf32>,
      %sub3A_571 = arith.subf %get3A_565, %get3A_570 : vector<16xf32>
      %mul3A_572 = arith.mulf %sub3A_571, %sub3A_571 : vector<16xf32>
      %add3A_573 = arith.addf %add3A_517, %mul3A_572 : vector<16xf32>
      %get3A_574 = arith.constant 1 : i32
      %get3A_575 = arith.index_cast %get3A_574 : i32 to index
      %get3A_576 = arith.index_cast %add3A_534 : i32 to index
      %get3A_577 = arith.constant 48 : index
      %get3A_578 = tpu.vector_load %arg7[%get3A_575, %get3A_576, %get3A_577] {strides = array<i32>} : memref<2x128x64xf32, #tpu.memory_space<vmem>>, vector<16xf32>,
      %get3A_579 = arith.constant 1 : i32
      %get3A_580 = arith.index_cast %get3A_579 : i32 to index
      %get3A_581 = arith.index_cast %add3A_534 : i32 to index
      %get3A_582 = arith.constant 48 : index
      %get3A_583 = tpu.vector_load %arg8[%get3A_580, %get3A_581, %get3A_582] {strides = array<i32>} : memref<2x128x64xf32, #tpu.memory_space<vmem>>, vector<16xf32>,
      %sub3A_584 = arith.subf %get3A_578, %get3A_583 : vector<16xf32>
      %mul3A_585 = arith.mulf %sub3A_584, %sub3A_584 : vector<16xf32>
      %add3A_586 = arith.addf %add3A_530, %mul3A_585 : vector<16xf32>
      %mul3A_587 = arith.constant 16 : i32
      %mul3A_588 = arith.muli %scan3A_248, %mul3A_587 : i32
      %add3A_589 = arith.constant 6 : i32
      %add3A_590 = arith.addi %mul3A_588, %add3A_589 : i32
      %get3A_591 = arith.constant 1 : i32
      %get3A_592 = arith.index_cast %get3A_591 : i32 to index
      %get3A_593 = arith.index_cast %add3A_590 : i32 to index
      %get3A_594 = arith.constant 0 : index
      %get3A_595 = tpu.vector_load %arg7[%get3A_592, %get3A_593, %get3A_594] {strides = array<i32>} : memref<2x128x64xf32, #tpu.memory_space<vmem>>, vector<16xf32>,
      %get3A_596 = arith.constant 1 : i32
      %get3A_597 = arith.index_cast %get3A_596 : i32 to index
      %get3A_598 = arith.index_cast %add3A_590 : i32 to index
      %get3A_599 = arith.constant 0 : index
      %get3A_600 = tpu.vector_load %arg8[%get3A_597, %get3A_598, %get3A_599] {strides = array<i32>} : memref<2x128x64xf32, #tpu.memory_space<vmem>>, vector<16xf32>,
      %sub3A_601 = arith.subf %get3A_595, %get3A_600 : vector<16xf32>
      %mul3A_602 = arith.mulf %sub3A_601, %sub3A_601 : vector<16xf32>
      %add3A_603 = arith.addf %add3A_547, %mul3A_602 : vector<16xf32>
      %get3A_604 = arith.constant 1 : i32
      %get3A_605 = arith.index_cast %get3A_604 : i32 to index
      %get3A_606 = arith.index_cast %add3A_590 : i32 to index
      %get3A_607 = arith.constant 16 : index
      %get3A_608 = tpu.vector_load %arg7[%get3A_605, %get3A_606, %get3A_607] {strides = array<i32>} : memref<2x128x64xf32, #tpu.memory_space<vmem>>, vector<16xf32>,
      %get3A_609 = arith.constant 1 : i32
      %get3A_610 = arith.index_cast %get3A_609 : i32 to index
      %get3A_611 = arith.index_cast %add3A_590 : i32 to index
      %get3A_612 = arith.constant 16 : index
      %get3A_613 = tpu.vector_load %arg8[%get3A_610, %get3A_611, %get3A_612] {strides = array<i32>} : memref<2x128x64xf32, #tpu.memory_space<vmem>>, vector<16xf32>,
      %sub3A_614 = arith.subf %get3A_608, %get3A_613 : vector<16xf32>
      %mul3A_615 = arith.mulf %sub3A_614, %sub3A_614 : vector<16xf32>
      %add3A_616 = arith.addf %add3A_560, %mul3A_615 : vector<16xf32>
      %get3A_617 = arith.constant 1 : i32
      %get3A_618 = arith.index_cast %get3A_617 : i32 to index
      %get3A_619 = arith.index_cast %add3A_590 : i32 to index
      %get3A_620 = arith.constant 32 : index
      %get3A_621 = tpu.vector_load %arg7[%get3A_618, %get3A_619, %get3A_620] {strides = array<i32>} : memref<2x128x64xf32, #tpu.memory_space<vmem>>, vector<16xf32>,
      %get3A_622 = arith.constant 1 : i32
      %get3A_623 = arith.index_cast %get3A_622 : i32 to index
      %get3A_624 = arith.index_cast %add3A_590 : i32 to index
      %get3A_625 = arith.constant 32 : index
      %get3A_626 = tpu.vector_load %arg8[%get3A_623, %get3A_624, %get3A_625] {strides = array<i32>} : memref<2x128x64xf32, #tpu.memory_space<vmem>>, vector<16xf32>,
      %sub3A_627 = arith.subf %get3A_621, %get3A_626 : vector<16xf32>
      %mul3A_628 = arith.mulf %sub3A_627, %sub3A_627 : vector<16xf32>
      %add3A_629 = arith.addf %add3A_573, %mul3A_628 : vector<16xf32>
      %get3A_630 = arith.constant 1 : i32
      %get3A_631 = arith.index_cast %get3A_630 : i32 to index
      %get3A_632 = arith.index_cast %add3A_590 : i32 to index
      %get3A_633 = arith.constant 48 : index
      %get3A_634 = tpu.vector_load %arg7[%get3A_631, %get3A_632, %get3A_633] {strides = array<i32>} : memref<2x128x64xf32, #tpu.memory_space<vmem>>, vector<16xf32>,
      %get3A_635 = arith.constant 1 : i32
      %get3A_636 = arith.index_cast %get3A_635 : i32 to index
      %get3A_637 = arith.index_cast %add3A_590 : i32 to index
      %get3A_638 = arith.constant 48 : index
      %get3A_639 = tpu.vector_load %arg8[%get3A_636, %get3A_637, %get3A_638] {strides = array<i32>} : memref<2x128x64xf32, #tpu.memory_space<vmem>>, vector<16xf32>,
      %sub3A_640 = arith.subf %get3A_634, %get3A_639 : vector<16xf32>
      %mul3A_641 = arith.mulf %sub3A_640, %sub3A_640 : vector<16xf32>
      %add3A_642 = arith.addf %add3A_586, %mul3A_641 : vector<16xf32>
      %mul3A_643 = arith.constant 16 : i32
      %mul3A_644 = arith.muli %scan3A_248, %mul3A_643 : i32
      %add3A_645 = arith.constant 7 : i32
      %add3A_646 = arith.addi %mul3A_644, %add3A_645 : i32
      %get3A_647 = arith.constant 1 : i32
      %get3A_648 = arith.index_cast %get3A_647 : i32 to index
      %get3A_649 = arith.index_cast %add3A_646 : i32 to index
      %get3A_650 = arith.constant 0 : index
      %get3A_651 = tpu.vector_load %arg7[%get3A_648, %get3A_649, %get3A_650] {strides = array<i32>} : memref<2x128x64xf32, #tpu.memory_space<vmem>>, vector<16xf32>,
      %get3A_652 = arith.constant 1 : i32
      %get3A_653 = arith.index_cast %get3A_652 : i32 to index
      %get3A_654 = arith.index_cast %add3A_646 : i32 to index
      %get3A_655 = arith.constant 0 : index
      %get3A_656 = tpu.vector_load %arg8[%get3A_653, %get3A_654, %get3A_655] {strides = array<i32>} : memref<2x128x64xf32, #tpu.memory_space<vmem>>, vector<16xf32>,
      %sub3A_657 = arith.subf %get3A_651, %get3A_656 : vector<16xf32>
      %mul3A_658 = arith.mulf %sub3A_657, %sub3A_657 : vector<16xf32>
      %add3A_659 = arith.addf %add3A_603, %mul3A_658 : vector<16xf32>
      %get3A_660 = arith.constant 1 : i32
      %get3A_661 = arith.index_cast %get3A_660 : i32 to index
      %get3A_662 = arith.index_cast %add3A_646 : i32 to index
      %get3A_663 = arith.constant 16 : index
      %get3A_664 = tpu.vector_load %arg7[%get3A_661, %get3A_662, %get3A_663] {strides = array<i32>} : memref<2x128x64xf32, #tpu.memory_space<vmem>>, vector<16xf32>,
      %get3A_665 = arith.constant 1 : i32
      %get3A_666 = arith.index_cast %get3A_665 : i32 to index
      %get3A_667 = arith.index_cast %add3A_646 : i32 to index
      %get3A_668 = arith.constant 16 : index
      %get3A_669 = tpu.vector_load %arg8[%get3A_666, %get3A_667, %get3A_668] {strides = array<i32>} : memref<2x128x64xf32, #tpu.memory_space<vmem>>, vector<16xf32>,
      %sub3A_670 = arith.subf %get3A_664, %get3A_669 : vector<16xf32>
      %mul3A_671 = arith.mulf %sub3A_670, %sub3A_670 : vector<16xf32>
      %add3A_672 = arith.addf %add3A_616, %mul3A_671 : vector<16xf32>
      %get3A_673 = arith.constant 1 : i32
      %get3A_674 = arith.index_cast %get3A_673 : i32 to index
      %get3A_675 = arith.index_cast %add3A_646 : i32 to index
      %get3A_676 = arith.constant 32 : index
      %get3A_677 = tpu.vector_load %arg7[%get3A_674, %get3A_675, %get3A_676] {strides = array<i32>} : memref<2x128x64xf32, #tpu.memory_space<vmem>>, vector<16xf32>,
      %get3A_678 = arith.constant 1 : i32
      %get3A_679 = arith.index_cast %get3A_678 : i32 to index
      %get3A_680 = arith.index_cast %add3A_646 : i32 to index
      %get3A_681 = arith.constant 32 : index
      %get3A_682 = tpu.vector_load %arg8[%get3A_679, %get3A_680, %get3A_681] {strides = array<i32>} : memref<2x128x64xf32, #tpu.memory_space<vmem>>, vector<16xf32>,
      %sub3A_683 = arith.subf %get3A_677, %get3A_682 : vector<16xf32>
      %mul3A_684 = arith.mulf %sub3A_683, %sub3A_683 : vector<16xf32>
      %add3A_685 = arith.addf %add3A_629, %mul3A_684 : vector<16xf32>
      %get3A_686 = arith.constant 1 : i32
      %get3A_687 = arith.index_cast %get3A_686 : i32 to index
      %get3A_688 = arith.index_cast %add3A_646 : i32 to index
      %get3A_689 = arith.constant 48 : index
      %get3A_690 = tpu.vector_load %arg7[%get3A_687, %get3A_688, %get3A_689] {strides = array<i32>} : memref<2x128x64xf32, #tpu.memory_space<vmem>>, vector<16xf32>,
      %get3A_691 = arith.constant 1 : i32
      %get3A_692 = arith.index_cast %get3A_691 : i32 to index
      %get3A_693 = arith.index_cast %add3A_646 : i32 to index
      %get3A_694 = arith.constant 48 : index
      %get3A_695 = tpu.vector_load %arg8[%get3A_692, %get3A_693, %get3A_694] {strides = array<i32>} : memref<2x128x64xf32, #tpu.memory_space<vmem>>, vector<16xf32>,
      %sub3A_696 = arith.subf %get3A_690, %get3A_695 : vector<16xf32>
      %mul3A_697 = arith.mulf %sub3A_696, %sub3A_696 : vector<16xf32>
      %add3A_698 = arith.addf %add3A_642, %mul3A_697 : vector<16xf32>
      %mul3A_699 = arith.constant 16 : i32
      %mul3A_700 = arith.muli %scan3A_248, %mul3A_699 : i32
      %add3A_701 = arith.constant 8 : i32
      %add3A_702 = arith.addi %mul3A_700, %add3A_701 : i32
      %get3A_703 = arith.constant 1 : i32
      %get3A_704 = arith.index_cast %get3A_703 : i32 to index
      %get3A_705 = arith.index_cast %add3A_702 : i32 to index
      %get3A_706 = arith.constant 0 : index
      %get3A_707 = tpu.vector_load %arg7[%get3A_704, %get3A_705, %get3A_706] {strides = array<i32>} : memref<2x128x64xf32, #tpu.memory_space<vmem>>, vector<16xf32>,
      %get3A_708 = arith.constant 1 : i32
      %get3A_709 = arith.index_cast %get3A_708 : i32 to index
      %get3A_710 = arith.index_cast %add3A_702 : i32 to index
      %get3A_711 = arith.constant 0 : index
      %get3A_712 = tpu.vector_load %arg8[%get3A_709, %get3A_710, %get3A_711] {strides = array<i32>} : memref<2x128x64xf32, #tpu.memory_space<vmem>>, vector<16xf32>,
      %sub3A_713 = arith.subf %get3A_707, %get3A_712 : vector<16xf32>
      %mul3A_714 = arith.mulf %sub3A_713, %sub3A_713 : vector<16xf32>
      %add3A_715 = arith.addf %add3A_659, %mul3A_714 : vector<16xf32>
      %get3A_716 = arith.constant 1 : i32
      %get3A_717 = arith.index_cast %get3A_716 : i32 to index
      %get3A_718 = arith.index_cast %add3A_702 : i32 to index
      %get3A_719 = arith.constant 16 : index
      %get3A_720 = tpu.vector_load %arg7[%get3A_717, %get3A_718, %get3A_719] {strides = array<i32>} : memref<2x128x64xf32, #tpu.memory_space<vmem>>, vector<16xf32>,
      %get3A_721 = arith.constant 1 : i32
      %get3A_722 = arith.index_cast %get3A_721 : i32 to index
      %get3A_723 = arith.index_cast %add3A_702 : i32 to index
      %get3A_724 = arith.constant 16 : index
      %get3A_725 = tpu.vector_load %arg8[%get3A_722, %get3A_723, %get3A_724] {strides = array<i32>} : memref<2x128x64xf32, #tpu.memory_space<vmem>>, vector<16xf32>,
      %sub3A_726 = arith.subf %get3A_720, %get3A_725 : vector<16xf32>
      %mul3A_727 = arith.mulf %sub3A_726, %sub3A_726 : vector<16xf32>
      %add3A_728 = arith.addf %add3A_672, %mul3A_727 : vector<16xf32>
      %get3A_729 = arith.constant 1 : i32
      %get3A_730 = arith.index_cast %get3A_729 : i32 to index
      %get3A_731 = arith.index_cast %add3A_702 : i32 to index
      %get3A_732 = arith.constant 32 : index
      %get3A_733 = tpu.vector_load %arg7[%get3A_730, %get3A_731, %get3A_732] {strides = array<i32>} : memref<2x128x64xf32, #tpu.memory_space<vmem>>, vector<16xf32>,
      %get3A_734 = arith.constant 1 : i32
      %get3A_735 = arith.index_cast %get3A_734 : i32 to index
      %get3A_736 = arith.index_cast %add3A_702 : i32 to index
      %get3A_737 = arith.constant 32 : index
      %get3A_738 = tpu.vector_load %arg8[%get3A_735, %get3A_736, %get3A_737] {strides = array<i32>} : memref<2x128x64xf32, #tpu.memory_space<vmem>>, vector<16xf32>,
      %sub3A_739 = arith.subf %get3A_733, %get3A_738 : vector<16xf32>
      %mul3A_740 = arith.mulf %sub3A_739, %sub3A_739 : vector<16xf32>
      %add3A_741 = arith.addf %add3A_685, %mul3A_740 : vector<16xf32>
      %get3A_742 = arith.constant 1 : i32
      %get3A_743 = arith.index_cast %get3A_742 : i32 to index
      %get3A_744 = arith.index_cast %add3A_702 : i32 to index
      %get3A_745 = arith.constant 48 : index
      %get3A_746 = tpu.vector_load %arg7[%get3A_743, %get3A_744, %get3A_745] {strides = array<i32>} : memref<2x128x64xf32, #tpu.memory_space<vmem>>, vector<16xf32>,
      %get3A_747 = arith.constant 1 : i32
      %get3A_748 = arith.index_cast %get3A_747 : i32 to index
      %get3A_749 = arith.index_cast %add3A_702 : i32 to index
      %get3A_750 = arith.constant 48 : index
      %get3A_751 = tpu.vector_load %arg8[%get3A_748, %get3A_749, %get3A_750] {strides = array<i32>} : memref<2x128x64xf32, #tpu.memory_space<vmem>>, vector<16xf32>,
      %sub3A_752 = arith.subf %get3A_746, %get3A_751 : vector<16xf32>
      %mul3A_753 = arith.mulf %sub3A_752, %sub3A_752 : vector<16xf32>
      %add3A_754 = arith.addf %add3A_698, %mul3A_753 : vector<16xf32>
      %mul3A_755 = arith.constant 16 : i32
      %mul3A_756 = arith.muli %scan3A_248, %mul3A_755 : i32
      %add3A_757 = arith.constant 9 : i32
      %add3A_758 = arith.addi %mul3A_756, %add3A_757 : i32
      %get3A_759 = arith.constant 1 : i32
      %get3A_760 = arith.index_cast %get3A_759 : i32 to index
      %get3A_761 = arith.index_cast %add3A_758 : i32 to index
      %get3A_762 = arith.constant 0 : index
      %get3A_763 = tpu.vector_load %arg7[%get3A_760, %get3A_761, %get3A_762] {strides = array<i32>} : memref<2x128x64xf32, #tpu.memory_space<vmem>>, vector<16xf32>,
      %get3A_764 = arith.constant 1 : i32
      %get3A_765 = arith.index_cast %get3A_764 : i32 to index
      %get3A_766 = arith.index_cast %add3A_758 : i32 to index
      %get3A_767 = arith.constant 0 : index
      %get3A_768 = tpu.vector_load %arg8[%get3A_765, %get3A_766, %get3A_767] {strides = array<i32>} : memref<2x128x64xf32, #tpu.memory_space<vmem>>, vector<16xf32>,
      %sub3A_769 = arith.subf %get3A_763, %get3A_768 : vector<16xf32>
      %mul3A_770 = arith.mulf %sub3A_769, %sub3A_769 : vector<16xf32>
      %add3A_771 = arith.addf %add3A_715, %mul3A_770 : vector<16xf32>
      %get3A_772 = arith.constant 1 : i32
      %get3A_773 = arith.index_cast %get3A_772 : i32 to index
      %get3A_774 = arith.index_cast %add3A_758 : i32 to index
      %get3A_775 = arith.constant 16 : index
      %get3A_776 = tpu.vector_load %arg7[%get3A_773, %get3A_774, %get3A_775] {strides = array<i32>} : memref<2x128x64xf32, #tpu.memory_space<vmem>>, vector<16xf32>,
      %get3A_777 = arith.constant 1 : i32
      %get3A_778 = arith.index_cast %get3A_777 : i32 to index
      %get3A_779 = arith.index_cast %add3A_758 : i32 to index
      %get3A_780 = arith.constant 16 : index
      %get3A_781 = tpu.vector_load %arg8[%get3A_778, %get3A_779, %get3A_780] {strides = array<i32>} : memref<2x128x64xf32, #tpu.memory_space<vmem>>, vector<16xf32>,
      %sub3A_782 = arith.subf %get3A_776, %get3A_781 : vector<16xf32>
      %mul3A_783 = arith.mulf %sub3A_782, %sub3A_782 : vector<16xf32>
      %add3A_784 = arith.addf %add3A_728, %mul3A_783 : vector<16xf32>
      %get3A_785 = arith.constant 1 : i32
      %get3A_786 = arith.index_cast %get3A_785 : i32 to index
      %get3A_787 = arith.index_cast %add3A_758 : i32 to index
      %get3A_788 = arith.constant 32 : index
      %get3A_789 = tpu.vector_load %arg7[%get3A_786, %get3A_787, %get3A_788] {strides = array<i32>} : memref<2x128x64xf32, #tpu.memory_space<vmem>>, vector<16xf32>,
      %get3A_790 = arith.constant 1 : i32
      %get3A_791 = arith.index_cast %get3A_790 : i32 to index
      %get3A_792 = arith.index_cast %add3A_758 : i32 to index
      %get3A_793 = arith.constant 32 : index
      %get3A_794 = tpu.vector_load %arg8[%get3A_791, %get3A_792, %get3A_793] {strides = array<i32>} : memref<2x128x64xf32, #tpu.memory_space<vmem>>, vector<16xf32>,
      %sub3A_795 = arith.subf %get3A_789, %get3A_794 : vector<16xf32>
      %mul3A_796 = arith.mulf %sub3A_795, %sub3A_795 : vector<16xf32>
      %add3A_797 = arith.addf %add3A_741, %mul3A_796 : vector<16xf32>
      %get3A_798 = arith.constant 1 : i32
      %get3A_799 = arith.index_cast %get3A_798 : i32 to index
      %get3A_800 = arith.index_cast %add3A_758 : i32 to index
      %get3A_801 = arith.constant 48 : index
      %get3A_802 = tpu.vector_load %arg7[%get3A_799, %get3A_800, %get3A_801] {strides = array<i32>} : memref<2x128x64xf32, #tpu.memory_space<vmem>>, vector<16xf32>,
      %get3A_803 = arith.constant 1 : i32
      %get3A_804 = arith.index_cast %get3A_803 : i32 to index
      %get3A_805 = arith.index_cast %add3A_758 : i32 to index
      %get3A_806 = arith.constant 48 : index
      %get3A_807 = tpu.vector_load %arg8[%get3A_804, %get3A_805, %get3A_806] {strides = array<i32>} : memref<2x128x64xf32, #tpu.memory_space<vmem>>, vector<16xf32>,
      %sub3A_808 = arith.subf %get3A_802, %get3A_807 : vector<16xf32>
      %mul3A_809 = arith.mulf %sub3A_808, %sub3A_808 : vector<16xf32>
      %add3A_810 = arith.addf %add3A_754, %mul3A_809 : vector<16xf32>
      %mul3A_811 = arith.constant 16 : i32
      %mul3A_812 = arith.muli %scan3A_248, %mul3A_811 : i32
      %add3A_813 = arith.constant 10 : i32
      %add3A_814 = arith.addi %mul3A_812, %add3A_813 : i32
      %get3A_815 = arith.constant 1 : i32
      %get3A_816 = arith.index_cast %get3A_815 : i32 to index
      %get3A_817 = arith.index_cast %add3A_814 : i32 to index
      %get3A_818 = arith.constant 0 : index
      %get3A_819 = tpu.vector_load %arg7[%get3A_816, %get3A_817, %get3A_818] {strides = array<i32>} : memref<2x128x64xf32, #tpu.memory_space<vmem>>, vector<16xf32>,
      %get3A_820 = arith.constant 1 : i32
      %get3A_821 = arith.index_cast %get3A_820 : i32 to index
      %get3A_822 = arith.index_cast %add3A_814 : i32 to index
      %get3A_823 = arith.constant 0 : index
      %get3A_824 = tpu.vector_load %arg8[%get3A_821, %get3A_822, %get3A_823] {strides = array<i32>} : memref<2x128x64xf32, #tpu.memory_space<vmem>>, vector<16xf32>,
      %sub3A_825 = arith.subf %get3A_819, %get3A_824 : vector<16xf32>
      %mul3A_826 = arith.mulf %sub3A_825, %sub3A_825 : vector<16xf32>
      %add3A_827 = arith.addf %add3A_771, %mul3A_826 : vector<16xf32>
      %get3A_828 = arith.constant 1 : i32
      %get3A_829 = arith.index_cast %get3A_828 : i32 to index
      %get3A_830 = arith.index_cast %add3A_814 : i32 to index
      %get3A_831 = arith.constant 16 : index
      %get3A_832 = tpu.vector_load %arg7[%get3A_829, %get3A_830, %get3A_831] {strides = array<i32>} : memref<2x128x64xf32, #tpu.memory_space<vmem>>, vector<16xf32>,
      %get3A_833 = arith.constant 1 : i32
      %get3A_834 = arith.index_cast %get3A_833 : i32 to index
      %get3A_835 = arith.index_cast %add3A_814 : i32 to index
      %get3A_836 = arith.constant 16 : index
      %get3A_837 = tpu.vector_load %arg8[%get3A_834, %get3A_835, %get3A_836] {strides = array<i32>} : memref<2x128x64xf32, #tpu.memory_space<vmem>>, vector<16xf32>,
      %sub3A_838 = arith.subf %get3A_832, %get3A_837 : vector<16xf32>
      %mul3A_839 = arith.mulf %sub3A_838, %sub3A_838 : vector<16xf32>
      %add3A_840 = arith.addf %add3A_784, %mul3A_839 : vector<16xf32>
      %get3A_841 = arith.constant 1 : i32
      %get3A_842 = arith.index_cast %get3A_841 : i32 to index
      %get3A_843 = arith.index_cast %add3A_814 : i32 to index
      %get3A_844 = arith.constant 32 : index
      %get3A_845 = tpu.vector_load %arg7[%get3A_842, %get3A_843, %get3A_844] {strides = array<i32>} : memref<2x128x64xf32, #tpu.memory_space<vmem>>, vector<16xf32>,
      %get3A_846 = arith.constant 1 : i32
      %get3A_847 = arith.index_cast %get3A_846 : i32 to index
      %get3A_848 = arith.index_cast %add3A_814 : i32 to index
      %get3A_849 = arith.constant 32 : index
      %get3A_850 = tpu.vector_load %arg8[%get3A_847, %get3A_848, %get3A_849] {strides = array<i32>} : memref<2x128x64xf32, #tpu.memory_space<vmem>>, vector<16xf32>,
      %sub3A_851 = arith.subf %get3A_845, %get3A_850 : vector<16xf32>
      %mul3A_852 = arith.mulf %sub3A_851, %sub3A_851 : vector<16xf32>
      %add3A_853 = arith.addf %add3A_797, %mul3A_852 : vector<16xf32>
      %get3A_854 = arith.constant 1 : i32
      %get3A_855 = arith.index_cast %get3A_854 : i32 to index
      %get3A_856 = arith.index_cast %add3A_814 : i32 to index
      %get3A_857 = arith.constant 48 : index
      %get3A_858 = tpu.vector_load %arg7[%get3A_855, %get3A_856, %get3A_857] {strides = array<i32>} : memref<2x128x64xf32, #tpu.memory_space<vmem>>, vector<16xf32>,
      %get3A_859 = arith.constant 1 : i32
      %get3A_860 = arith.index_cast %get3A_859 : i32 to index
      %get3A_861 = arith.index_cast %add3A_814 : i32 to index
      %get3A_862 = arith.constant 48 : index
      %get3A_863 = tpu.vector_load %arg8[%get3A_860, %get3A_861, %get3A_862] {strides = array<i32>} : memref<2x128x64xf32, #tpu.memory_space<vmem>>, vector<16xf32>,
      %sub3A_864 = arith.subf %get3A_858, %get3A_863 : vector<16xf32>
      %mul3A_865 = arith.mulf %sub3A_864, %sub3A_864 : vector<16xf32>
      %add3A_866 = arith.addf %add3A_810, %mul3A_865 : vector<16xf32>
      %mul3A_867 = arith.constant 16 : i32
      %mul3A_868 = arith.muli %scan3A_248, %mul3A_867 : i32
      %add3A_869 = arith.constant 11 : i32
      %add3A_870 = arith.addi %mul3A_868, %add3A_869 : i32
      %get3A_871 = arith.constant 1 : i32
      %get3A_872 = arith.index_cast %get3A_871 : i32 to index
      %get3A_873 = arith.index_cast %add3A_870 : i32 to index
      %get3A_874 = arith.constant 0 : index
      %get3A_875 = tpu.vector_load %arg7[%get3A_872, %get3A_873, %get3A_874] {strides = array<i32>} : memref<2x128x64xf32, #tpu.memory_space<vmem>>, vector<16xf32>,
      %get3A_876 = arith.constant 1 : i32
      %get3A_877 = arith.index_cast %get3A_876 : i32 to index
      %get3A_878 = arith.index_cast %add3A_870 : i32 to index
      %get3A_879 = arith.constant 0 : index
      %get3A_880 = tpu.vector_load %arg8[%get3A_877, %get3A_878, %get3A_879] {strides = array<i32>} : memref<2x128x64xf32, #tpu.memory_space<vmem>>, vector<16xf32>,
      %sub3A_881 = arith.subf %get3A_875, %get3A_880 : vector<16xf32>
      %mul3A_882 = arith.mulf %sub3A_881, %sub3A_881 : vector<16xf32>
      %add3A_883 = arith.addf %add3A_827, %mul3A_882 : vector<16xf32>
      %get3A_884 = arith.constant 1 : i32
      %get3A_885 = arith.index_cast %get3A_884 : i32 to index
      %get3A_886 = arith.index_cast %add3A_870 : i32 to index
      %get3A_887 = arith.constant 16 : index
      %get3A_888 = tpu.vector_load %arg7[%get3A_885, %get3A_886, %get3A_887] {strides = array<i32>} : memref<2x128x64xf32, #tpu.memory_space<vmem>>, vector<16xf32>,
      %get3A_889 = arith.constant 1 : i32
      %get3A_890 = arith.index_cast %get3A_889 : i32 to index
      %get3A_891 = arith.index_cast %add3A_870 : i32 to index
      %get3A_892 = arith.constant 16 : index
      %get3A_893 = tpu.vector_load %arg8[%get3A_890, %get3A_891, %get3A_892] {strides = array<i32>} : memref<2x128x64xf32, #tpu.memory_space<vmem>>, vector<16xf32>,
      %sub3A_894 = arith.subf %get3A_888, %get3A_893 : vector<16xf32>
      %mul3A_895 = arith.mulf %sub3A_894, %sub3A_894 : vector<16xf32>
      %add3A_896 = arith.addf %add3A_840, %mul3A_895 : vector<16xf32>
      %get3A_897 = arith.constant 1 : i32
      %get3A_898 = arith.index_cast %get3A_897 : i32 to index
      %get3A_899 = arith.index_cast %add3A_870 : i32 to index
      %get3A_900 = arith.constant 32 : index
      %get3A_901 = tpu.vector_load %arg7[%get3A_898, %get3A_899, %get3A_900] {strides = array<i32>} : memref<2x128x64xf32, #tpu.memory_space<vmem>>, vector<16xf32>,
      %get3A_902 = arith.constant 1 : i32
      %get3A_903 = arith.index_cast %get3A_902 : i32 to index
      %get3A_904 = arith.index_cast %add3A_870 : i32 to index
      %get3A_905 = arith.constant 32 : index
      %get3A_906 = tpu.vector_load %arg8[%get3A_903, %get3A_904, %get3A_905] {strides = array<i32>} : memref<2x128x64xf32, #tpu.memory_space<vmem>>, vector<16xf32>,
      %sub3A_907 = arith.subf %get3A_901, %get3A_906 : vector<16xf32>
      %mul3A_908 = arith.mulf %sub3A_907, %sub3A_907 : vector<16xf32>
      %add3A_909 = arith.addf %add3A_853, %mul3A_908 : vector<16xf32>
      %get3A_910 = arith.constant 1 : i32
      %get3A_911 = arith.index_cast %get3A_910 : i32 to index
      %get3A_912 = arith.index_cast %add3A_870 : i32 to index
      %get3A_913 = arith.constant 48 : index
      %get3A_914 = tpu.vector_load %arg7[%get3A_911, %get3A_912, %get3A_913] {strides = array<i32>} : memref<2x128x64xf32, #tpu.memory_space<vmem>>, vector<16xf32>,
      %get3A_915 = arith.constant 1 : i32
      %get3A_916 = arith.index_cast %get3A_915 : i32 to index
      %get3A_917 = arith.index_cast %add3A_870 : i32 to index
      %get3A_918 = arith.constant 48 : index
      %get3A_919 = tpu.vector_load %arg8[%get3A_916, %get3A_917, %get3A_918] {strides = array<i32>} : memref<2x128x64xf32, #tpu.memory_space<vmem>>, vector<16xf32>,
      %sub3A_920 = arith.subf %get3A_914, %get3A_919 : vector<16xf32>
      %mul3A_921 = arith.mulf %sub3A_920, %sub3A_920 : vector<16xf32>
      %add3A_922 = arith.addf %add3A_866, %mul3A_921 : vector<16xf32>
      %mul3A_923 = arith.constant 16 : i32
      %mul3A_924 = arith.muli %scan3A_248, %mul3A_923 : i32
      %add3A_925 = arith.constant 12 : i32
      %add3A_926 = arith.addi %mul3A_924, %add3A_925 : i32
      %get3A_927 = arith.constant 1 : i32
      %get3A_928 = arith.index_cast %get3A_927 : i32 to index
      %get3A_929 = arith.index_cast %add3A_926 : i32 to index
      %get3A_930 = arith.constant 0 : index
      %get3A_931 = tpu.vector_load %arg7[%get3A_928, %get3A_929, %get3A_930] {strides = array<i32>} : memref<2x128x64xf32, #tpu.memory_space<vmem>>, vector<16xf32>,
      %get3A_932 = arith.constant 1 : i32
      %get3A_933 = arith.index_cast %get3A_932 : i32 to index
      %get3A_934 = arith.index_cast %add3A_926 : i32 to index
      %get3A_935 = arith.constant 0 : index
      %get3A_936 = tpu.vector_load %arg8[%get3A_933, %get3A_934, %get3A_935] {strides = array<i32>} : memref<2x128x64xf32, #tpu.memory_space<vmem>>, vector<16xf32>,
      %sub3A_937 = arith.subf %get3A_931, %get3A_936 : vector<16xf32>
      %mul3A_938 = arith.mulf %sub3A_937, %sub3A_937 : vector<16xf32>
      %add3A_939 = arith.addf %add3A_883, %mul3A_938 : vector<16xf32>
      %get3A_940 = arith.constant 1 : i32
      %get3A_941 = arith.index_cast %get3A_940 : i32 to index
      %get3A_942 = arith.index_cast %add3A_926 : i32 to index
      %get3A_943 = arith.constant 16 : index
      %get3A_944 = tpu.vector_load %arg7[%get3A_941, %get3A_942, %get3A_943] {strides = array<i32>} : memref<2x128x64xf32, #tpu.memory_space<vmem>>, vector<16xf32>,
      %get3A_945 = arith.constant 1 : i32
      %get3A_946 = arith.index_cast %get3A_945 : i32 to index
      %get3A_947 = arith.index_cast %add3A_926 : i32 to index
      %get3A_948 = arith.constant 16 : index
      %get3A_949 = tpu.vector_load %arg8[%get3A_946, %get3A_947, %get3A_948] {strides = array<i32>} : memref<2x128x64xf32, #tpu.memory_space<vmem>>, vector<16xf32>,
      %sub3A_950 = arith.subf %get3A_944, %get3A_949 : vector<16xf32>
      %mul3A_951 = arith.mulf %sub3A_950, %sub3A_950 : vector<16xf32>
      %add3A_952 = arith.addf %add3A_896, %mul3A_951 : vector<16xf32>
      %get3A_953 = arith.constant 1 : i32
      %get3A_954 = arith.index_cast %get3A_953 : i32 to index
      %get3A_955 = arith.index_cast %add3A_926 : i32 to index
      %get3A_956 = arith.constant 32 : index
      %get3A_957 = tpu.vector_load %arg7[%get3A_954, %get3A_955, %get3A_956] {strides = array<i32>} : memref<2x128x64xf32, #tpu.memory_space<vmem>>, vector<16xf32>,
      %get3A_958 = arith.constant 1 : i32
      %get3A_959 = arith.index_cast %get3A_958 : i32 to index
      %get3A_960 = arith.index_cast %add3A_926 : i32 to index
      %get3A_961 = arith.constant 32 : index
      %get3A_962 = tpu.vector_load %arg8[%get3A_959, %get3A_960, %get3A_961] {strides = array<i32>} : memref<2x128x64xf32, #tpu.memory_space<vmem>>, vector<16xf32>,
      %sub3A_963 = arith.subf %get3A_957, %get3A_962 : vector<16xf32>
      %mul3A_964 = arith.mulf %sub3A_963, %sub3A_963 : vector<16xf32>
      %add3A_965 = arith.addf %add3A_909, %mul3A_964 : vector<16xf32>
      %get3A_966 = arith.constant 1 : i32
      %get3A_967 = arith.index_cast %get3A_966 : i32 to index
      %get3A_968 = arith.index_cast %add3A_926 : i32 to index
      %get3A_969 = arith.constant 48 : index
      %get3A_970 = tpu.vector_load %arg7[%get3A_967, %get3A_968, %get3A_969] {strides = array<i32>} : memref<2x128x64xf32, #tpu.memory_space<vmem>>, vector<16xf32>,
      %get3A_971 = arith.constant 1 : i32
      %get3A_972 = arith.index_cast %get3A_971 : i32 to index
      %get3A_973 = arith.index_cast %add3A_926 : i32 to index
      %get3A_974 = arith.constant 48 : index
      %get3A_975 = tpu.vector_load %arg8[%get3A_972, %get3A_973, %get3A_974] {strides = array<i32>} : memref<2x128x64xf32, #tpu.memory_space<vmem>>, vector<16xf32>,
      %sub3A_976 = arith.subf %get3A_970, %get3A_975 : vector<16xf32>
      %mul3A_977 = arith.mulf %sub3A_976, %sub3A_976 : vector<16xf32>
      %add3A_978 = arith.addf %add3A_922, %mul3A_977 : vector<16xf32>
      %mul3A_979 = arith.constant 16 : i32
      %mul3A_980 = arith.muli %scan3A_248, %mul3A_979 : i32
      %add3A_981 = arith.constant 13 : i32
      %add3A_982 = arith.addi %mul3A_980, %add3A_981 : i32
      %get3A_983 = arith.constant 1 : i32
      %get3A_984 = arith.index_cast %get3A_983 : i32 to index
      %get3A_985 = arith.index_cast %add3A_982 : i32 to index
      %get3A_986 = arith.constant 0 : index
      %get3A_987 = tpu.vector_load %arg7[%get3A_984, %get3A_985, %get3A_986] {strides = array<i32>} : memref<2x128x64xf32, #tpu.memory_space<vmem>>, vector<16xf32>,
      %get3A_988 = arith.constant 1 : i32
      %get3A_989 = arith.index_cast %get3A_988 : i32 to index
      %get3A_990 = arith.index_cast %add3A_982 : i32 to index
      %get3A_991 = arith.constant 0 : index
      %get3A_992 = tpu.vector_load %arg8[%get3A_989, %get3A_990, %get3A_991] {strides = array<i32>} : memref<2x128x64xf32, #tpu.memory_space<vmem>>, vector<16xf32>,
      %sub3A_993 = arith.subf %get3A_987, %get3A_992 : vector<16xf32>
      %mul3A_994 = arith.mulf %sub3A_993, %sub3A_993 : vector<16xf32>
      %add3A_995 = arith.addf %add3A_939, %mul3A_994 : vector<16xf32>
      %get3A_996 = arith.constant 1 : i32
      %get3A_997 = arith.index_cast %get3A_996 : i32 to index
      %get3A_998 = arith.index_cast %add3A_982 : i32 to index
      %get3A_999 = arith.constant 16 : index
      %get3A_1000 = tpu.vector_load %arg7[%get3A_997, %get3A_998, %get3A_999] {strides = array<i32>} : memref<2x128x64xf32, #tpu.memory_space<vmem>>, vector<16xf32>,
      %get3A_1001 = arith.constant 1 : i32
      %get3A_1002 = arith.index_cast %get3A_1001 : i32 to index
      %get3A_1003 = arith.index_cast %add3A_982 : i32 to index
      %get3A_1004 = arith.constant 16 : index
      %get3A_1005 = tpu.vector_load %arg8[%get3A_1002, %get3A_1003, %get3A_1004] {strides = array<i32>} : memref<2x128x64xf32, #tpu.memory_space<vmem>>, vector<16xf32>,
      %sub3A_1006 = arith.subf %get3A_1000, %get3A_1005 : vector<16xf32>
      %mul3A_1007 = arith.mulf %sub3A_1006, %sub3A_1006 : vector<16xf32>
      %add3A_1008 = arith.addf %add3A_952, %mul3A_1007 : vector<16xf32>
      %get3A_1009 = arith.constant 1 : i32
      %get3A_1010 = arith.index_cast %get3A_1009 : i32 to index
      %get3A_1011 = arith.index_cast %add3A_982 : i32 to index
      %get3A_1012 = arith.constant 32 : index
      %get3A_1013 = tpu.vector_load %arg7[%get3A_1010, %get3A_1011, %get3A_1012] {strides = array<i32>} : memref<2x128x64xf32, #tpu.memory_space<vmem>>, vector<16xf32>,
      %get3A_1014 = arith.constant 1 : i32
      %get3A_1015 = arith.index_cast %get3A_1014 : i32 to index
      %get3A_1016 = arith.index_cast %add3A_982 : i32 to index
      %get3A_1017 = arith.constant 32 : index
      %get3A_1018 = tpu.vector_load %arg8[%get3A_1015, %get3A_1016, %get3A_1017] {strides = array<i32>} : memref<2x128x64xf32, #tpu.memory_space<vmem>>, vector<16xf32>,
      %sub3A_1019 = arith.subf %get3A_1013, %get3A_1018 : vector<16xf32>
      %mul3A_1020 = arith.mulf %sub3A_1019, %sub3A_1019 : vector<16xf32>
      %add3A_1021 = arith.addf %add3A_965, %mul3A_1020 : vector<16xf32>
      %get3A_1022 = arith.constant 1 : i32
      %get3A_1023 = arith.index_cast %get3A_1022 : i32 to index
      %get3A_1024 = arith.index_cast %add3A_982 : i32 to index
      %get3A_1025 = arith.constant 48 : index
      %get3A_1026 = tpu.vector_load %arg7[%get3A_1023, %get3A_1024, %get3A_1025] {strides = array<i32>} : memref<2x128x64xf32, #tpu.memory_space<vmem>>, vector<16xf32>,
      %get3A_1027 = arith.constant 1 : i32
      %get3A_1028 = arith.index_cast %get3A_1027 : i32 to index
      %get3A_1029 = arith.index_cast %add3A_982 : i32 to index
      %get3A_1030 = arith.constant 48 : index
      %get3A_1031 = tpu.vector_load %arg8[%get3A_1028, %get3A_1029, %get3A_1030] {strides = array<i32>} : memref<2x128x64xf32, #tpu.memory_space<vmem>>, vector<16xf32>,
      %sub3A_1032 = arith.subf %get3A_1026, %get3A_1031 : vector<16xf32>
      %mul3A_1033 = arith.mulf %sub3A_1032, %sub3A_1032 : vector<16xf32>
      %add3A_1034 = arith.addf %add3A_978, %mul3A_1033 : vector<16xf32>
      %mul3A_1035 = arith.constant 16 : i32
      %mul3A_1036 = arith.muli %scan3A_248, %mul3A_1035 : i32
      %add3A_1037 = arith.constant 14 : i32
      %add3A_1038 = arith.addi %mul3A_1036, %add3A_1037 : i32
      %get3A_1039 = arith.constant 1 : i32
      %get3A_1040 = arith.index_cast %get3A_1039 : i32 to index
      %get3A_1041 = arith.index_cast %add3A_1038 : i32 to index
      %get3A_1042 = arith.constant 0 : index
      %get3A_1043 = tpu.vector_load %arg7[%get3A_1040, %get3A_1041, %get3A_1042] {strides = array<i32>} : memref<2x128x64xf32, #tpu.memory_space<vmem>>, vector<16xf32>,
      %get3A_1044 = arith.constant 1 : i32
      %get3A_1045 = arith.index_cast %get3A_1044 : i32 to index
      %get3A_1046 = arith.index_cast %add3A_1038 : i32 to index
      %get3A_1047 = arith.constant 0 : index
      %get3A_1048 = tpu.vector_load %arg8[%get3A_1045, %get3A_1046, %get3A_1047] {strides = array<i32>} : memref<2x128x64xf32, #tpu.memory_space<vmem>>, vector<16xf32>,
      %sub3A_1049 = arith.subf %get3A_1043, %get3A_1048 : vector<16xf32>
      %mul3A_1050 = arith.mulf %sub3A_1049, %sub3A_1049 : vector<16xf32>
      %add3A_1051 = arith.addf %add3A_995, %mul3A_1050 : vector<16xf32>
      %get3A_1052 = arith.constant 1 : i32
      %get3A_1053 = arith.index_cast %get3A_1052 : i32 to index
      %get3A_1054 = arith.index_cast %add3A_1038 : i32 to index
      %get3A_1055 = arith.constant 16 : index
      %get3A_1056 = tpu.vector_load %arg7[%get3A_1053, %get3A_1054, %get3A_1055] {strides = array<i32>} : memref<2x128x64xf32, #tpu.memory_space<vmem>>, vector<16xf32>,
      %get3A_1057 = arith.constant 1 : i32
      %get3A_1058 = arith.index_cast %get3A_1057 : i32 to index
      %get3A_1059 = arith.index_cast %add3A_1038 : i32 to index
      %get3A_1060 = arith.constant 16 : index
      %get3A_1061 = tpu.vector_load %arg8[%get3A_1058, %get3A_1059, %get3A_1060] {strides = array<i32>} : memref<2x128x64xf32, #tpu.memory_space<vmem>>, vector<16xf32>,
      %sub3A_1062 = arith.subf %get3A_1056, %get3A_1061 : vector<16xf32>
      %mul3A_1063 = arith.mulf %sub3A_1062, %sub3A_1062 : vector<16xf32>
      %add3A_1064 = arith.addf %add3A_1008, %mul3A_1063 : vector<16xf32>
      %get3A_1065 = arith.constant 1 : i32
      %get3A_1066 = arith.index_cast %get3A_1065 : i32 to index
      %get3A_1067 = arith.index_cast %add3A_1038 : i32 to index
      %get3A_1068 = arith.constant 32 : index
      %get3A_1069 = tpu.vector_load %arg7[%get3A_1066, %get3A_1067, %get3A_1068] {strides = array<i32>} : memref<2x128x64xf32, #tpu.memory_space<vmem>>, vector<16xf32>,
      %get3A_1070 = arith.constant 1 : i32
      %get3A_1071 = arith.index_cast %get3A_1070 : i32 to index
      %get3A_1072 = arith.index_cast %add3A_1038 : i32 to index
      %get3A_1073 = arith.constant 32 : index
      %get3A_1074 = tpu.vector_load %arg8[%get3A_1071, %get3A_1072, %get3A_1073] {strides = array<i32>} : memref<2x128x64xf32, #tpu.memory_space<vmem>>, vector<16xf32>,
      %sub3A_1075 = arith.subf %get3A_1069, %get3A_1074 : vector<16xf32>
      %mul3A_1076 = arith.mulf %sub3A_1075, %sub3A_1075 : vector<16xf32>
      %add3A_1077 = arith.addf %add3A_1021, %mul3A_1076 : vector<16xf32>
      %get3A_1078 = arith.constant 1 : i32
      %get3A_1079 = arith.index_cast %get3A_1078 : i32 to index
      %get3A_1080 = arith.index_cast %add3A_1038 : i32 to index
      %get3A_1081 = arith.constant 48 : index
      %get3A_1082 = tpu.vector_load %arg7[%get3A_1079, %get3A_1080, %get3A_1081] {strides = array<i32>} : memref<2x128x64xf32, #tpu.memory_space<vmem>>, vector<16xf32>,
      %get3A_1083 = arith.constant 1 : i32
      %get3A_1084 = arith.index_cast %get3A_1083 : i32 to index
      %get3A_1085 = arith.index_cast %add3A_1038 : i32 to index
      %get3A_1086 = arith.constant 48 : index
      %get3A_1087 = tpu.vector_load %arg8[%get3A_1084, %get3A_1085, %get3A_1086] {strides = array<i32>} : memref<2x128x64xf32, #tpu.memory_space<vmem>>, vector<16xf32>,
      %sub3A_1088 = arith.subf %get3A_1082, %get3A_1087 : vector<16xf32>
      %mul3A_1089 = arith.mulf %sub3A_1088, %sub3A_1088 : vector<16xf32>
      %add3A_1090 = arith.addf %add3A_1034, %mul3A_1089 : vector<16xf32>
      %mul3A_1091 = arith.constant 16 : i32
      %mul3A_1092 = arith.muli %scan3A_248, %mul3A_1091 : i32
      %add3A_1093 = arith.constant 15 : i32
      %add3A_1094 = arith.addi %mul3A_1092, %add3A_1093 : i32
      %get3A_1095 = arith.constant 1 : i32
      %get3A_1096 = arith.index_cast %get3A_1095 : i32 to index
      %get3A_1097 = arith.index_cast %add3A_1094 : i32 to index
      %get3A_1098 = arith.constant 0 : index
      %get3A_1099 = tpu.vector_load %arg7[%get3A_1096, %get3A_1097, %get3A_1098] {strides = array<i32>} : memref<2x128x64xf32, #tpu.memory_space<vmem>>, vector<16xf32>,
      %get3A_1100 = arith.constant 1 : i32
      %get3A_1101 = arith.index_cast %get3A_1100 : i32 to index
      %get3A_1102 = arith.index_cast %add3A_1094 : i32 to index
      %get3A_1103 = arith.constant 0 : index
      %get3A_1104 = tpu.vector_load %arg8[%get3A_1101, %get3A_1102, %get3A_1103] {strides = array<i32>} : memref<2x128x64xf32, #tpu.memory_space<vmem>>, vector<16xf32>,
      %sub3A_1105 = arith.subf %get3A_1099, %get3A_1104 : vector<16xf32>
      %mul3A_1106 = arith.mulf %sub3A_1105, %sub3A_1105 : vector<16xf32>
      %add3A_1107 = arith.addf %add3A_1051, %mul3A_1106 : vector<16xf32>
      %get3A_1108 = arith.constant 1 : i32
      %get3A_1109 = arith.index_cast %get3A_1108 : i32 to index
      %get3A_1110 = arith.index_cast %add3A_1094 : i32 to index
      %get3A_1111 = arith.constant 16 : index
      %get3A_1112 = tpu.vector_load %arg7[%get3A_1109, %get3A_1110, %get3A_1111] {strides = array<i32>} : memref<2x128x64xf32, #tpu.memory_space<vmem>>, vector<16xf32>,
      %get3A_1113 = arith.constant 1 : i32
      %get3A_1114 = arith.index_cast %get3A_1113 : i32 to index
      %get3A_1115 = arith.index_cast %add3A_1094 : i32 to index
      %get3A_1116 = arith.constant 16 : index
      %get3A_1117 = tpu.vector_load %arg8[%get3A_1114, %get3A_1115, %get3A_1116] {strides = array<i32>} : memref<2x128x64xf32, #tpu.memory_space<vmem>>, vector<16xf32>,
      %sub3A_1118 = arith.subf %get3A_1112, %get3A_1117 : vector<16xf32>
      %mul3A_1119 = arith.mulf %sub3A_1118, %sub3A_1118 : vector<16xf32>
      %add3A_1120 = arith.addf %add3A_1064, %mul3A_1119 : vector<16xf32>
      %get3A_1121 = arith.constant 1 : i32
      %get3A_1122 = arith.index_cast %get3A_1121 : i32 to index
      %get3A_1123 = arith.index_cast %add3A_1094 : i32 to index
      %get3A_1124 = arith.constant 32 : index
      %get3A_1125 = tpu.vector_load %arg7[%get3A_1122, %get3A_1123, %get3A_1124] {strides = array<i32>} : memref<2x128x64xf32, #tpu.memory_space<vmem>>, vector<16xf32>,
      %get3A_1126 = arith.constant 1 : i32
      %get3A_1127 = arith.index_cast %get3A_1126 : i32 to index
      %get3A_1128 = arith.index_cast %add3A_1094 : i32 to index
      %get3A_1129 = arith.constant 32 : index
      %get3A_1130 = tpu.vector_load %arg8[%get3A_1127, %get3A_1128, %get3A_1129] {strides = array<i32>} : memref<2x128x64xf32, #tpu.memory_space<vmem>>, vector<16xf32>,
      %sub3A_1131 = arith.subf %get3A_1125, %get3A_1130 : vector<16xf32>
      %mul3A_1132 = arith.mulf %sub3A_1131, %sub3A_1131 : vector<16xf32>
      %add3A_1133 = arith.addf %add3A_1077, %mul3A_1132 : vector<16xf32>
      %get3A_1134 = arith.constant 1 : i32
      %get3A_1135 = arith.index_cast %get3A_1134 : i32 to index
      %get3A_1136 = arith.index_cast %add3A_1094 : i32 to index
      %get3A_1137 = arith.constant 48 : index
      %get3A_1138 = tpu.vector_load %arg7[%get3A_1135, %get3A_1136, %get3A_1137] {strides = array<i32>} : memref<2x128x64xf32, #tpu.memory_space<vmem>>, vector<16xf32>,
      %get3A_1139 = arith.constant 1 : i32
      %get3A_1140 = arith.index_cast %get3A_1139 : i32 to index
      %get3A_1141 = arith.index_cast %add3A_1094 : i32 to index
      %get3A_1142 = arith.constant 48 : index
      %get3A_1143 = tpu.vector_load %arg8[%get3A_1140, %get3A_1141, %get3A_1142] {strides = array<i32>} : memref<2x128x64xf32, #tpu.memory_space<vmem>>, vector<16xf32>,
      %sub3A_1144 = arith.subf %get3A_1138, %get3A_1143 : vector<16xf32>
      %mul3A_1145 = arith.mulf %sub3A_1144, %sub3A_1144 : vector<16xf32>
      %add3A_1146 = arith.addf %add3A_1090, %mul3A_1145 : vector<16xf32>
      scf.yield %add3A_1107, %add3A_1120, %add3A_1133, %add3A_1146 : vector<16xf32>, vector<16xf32>, vector<16xf32>, vector<16xf32>
    }
    %scan3A_154 = arith.constant 8 : i32
    %add3A_155 = arith.constant 384 : i32
    %add3A_156 = arith.addi %mul3A_2, %add3A_155 : i32
    %dma_start3A_157 = arith.constant 1 : i32
    %dma_start3A_158 = arith.constant 0 : i32
    %dma_start3A_159 = arith.constant 0 : i32
    %dma_start3A_160 = tpu.memref_slice %arg7[%dma_start3A_157, %dma_start3A_158, %dma_start3A_159] : memref<2x128x64xf32, #tpu.memory_space<vmem>> -> memref<1x128x64xf32, #tpu.memory_space<vmem>>
    %dma_start3A_161 = tpu.memref_squeeze %dma_start3A_160 : memref<1x128x64xf32, #tpu.memory_space<vmem>> -> memref<128x64xf32, #tpu.memory_space<vmem>>
    %dma_start3A_162 = arith.constant 0 : i32
    %dma_start3A_163 = tpu.memref_slice %arg2[%add3A_156, %dma_start3A_162] : memref<16384x64xf32, #tpu.memory_space<hbm>> -> memref<128x64xf32, #tpu.memory_space<hbm>>
    %dma_start3A_164 = arith.constant 0 : i32
    %dma_start3A_165 = arith.constant 0 : i32
    %dma_start3A_166 = tpu.memref_slice %arg7[%dma_start3A_157, %dma_start3A_164, %dma_start3A_165] : memref<2x128x64xf32, #tpu.memory_space<vmem>> -> memref<1x128x64xf32, #tpu.memory_space<vmem>>
    %dma_start3A_167 = tpu.memref_squeeze %dma_start3A_166 : memref<1x128x64xf32, #tpu.memory_space<vmem>> -> memref<128x64xf32, #tpu.memory_space<vmem>>
    %dma_start3A_168 = arith.constant 0 : i32
    %dma_start3A_169 = tpu.memref_slice %arg2[%add3A_156, %dma_start3A_168] : memref<16384x64xf32, #tpu.memory_space<hbm>> -> memref<128x64xf32, #tpu.memory_space<hbm>>
    tpu.enqueue_dma source(%dma_start3A_169 : memref<128x64xf32, #tpu.memory_space<hbm>>) target(%dma_start3A_167 : memref<128x64xf32, #tpu.memory_space<vmem>>) target_semaphore(%arg11 : memref<!tpu.dma_semaphore, #tpu.memory_space<semaphore_mem>>)
    %dma_start3A_170 = arith.constant 3 : i32
    %dma_start3A_171 = arith.constant 1 : i32
    %dma_start3A_172 = arith.constant 0 : i32
    %dma_start3A_173 = arith.constant 0 : i32
    %dma_start3A_174 = tpu.memref_slice %arg8[%dma_start3A_171, %dma_start3A_172, %dma_start3A_173] : memref<2x128x64xf32, #tpu.memory_space<vmem>> -> memref<1x128x64xf32, #tpu.memory_space<vmem>>
    %dma_start3A_175 = tpu.memref_squeeze %dma_start3A_174 : memref<1x128x64xf32, #tpu.memory_space<vmem>> -> memref<128x64xf32, #tpu.memory_space<vmem>>
    %dma_start3A_176 = arith.constant 0 : i32
    %dma_start3A_177 = tpu.memref_slice %arg6[%dma_start3A_170, %dma_start3A_176] : memref<4x128xi32, #tpu.memory_space<vmem>> -> memref<1x128xi32, #tpu.memory_space<vmem>>
    %dma_start3A_178 = tpu.memref_squeeze %dma_start3A_177 : memref<1x128xi32, #tpu.memory_space<vmem>> -> memref<128xi32, #tpu.memory_space<vmem>>
    %dma_start3A_179 = arith.constant 0 : i32
    %dma_start3A_180 = arith.constant 0 : i32
    %dma_start3A_181 = tpu.memref_slice %arg4[%dma_start3A_179, %dma_start3A_180] : memref<100000x64xf32, #tpu.memory_space<hbm>> -> memref<100000x64xf32, #tpu.memory_space<hbm>>
    tpu.enqueue_indirect_dma source(%dma_start3A_181 : memref<100000x64xf32, #tpu.memory_space<hbm>>) target(%dma_start3A_175 : memref<128x64xf32, #tpu.memory_space<vmem>>) offsets(%dma_start3A_178 : memref<128xi32, #tpu.memory_space<vmem>>) semaphore(%arg11 : memref<!tpu.dma_semaphore, #tpu.memory_space<semaphore_mem>>)
    %dma_wait3A_182 = arith.constant 0 : i32
    %dma_wait3A_183 = arith.constant 0 : i32
    %dma_wait3A_184 = arith.constant 0 : i32
    %dma_wait3A_185 = tpu.memref_slice %arg7[%dma_wait3A_182, %dma_wait3A_183, %dma_wait3A_184] : memref<2x128x64xf32, #tpu.memory_space<vmem>> -> memref<1x128x64xf32, #tpu.memory_space<vmem>>
    %dma_wait3A_186 = tpu.memref_squeeze %dma_wait3A_185 : memref<1x128x64xf32, #tpu.memory_space<vmem>> -> memref<128x64xf32, #tpu.memory_space<vmem>>
    %dma_wait3A_187 = arith.constant 0 : i32
    %dma_wait3A_188 = tpu.memref_slice %arg2[%add3A_98, %dma_wait3A_187] : memref<16384x64xf32, #tpu.memory_space<hbm>> -> memref<128x64xf32, #tpu.memory_space<hbm>>
    %dma_wait3A_189 = arith.constant 0 : i32
    %dma_wait3A_190 = arith.constant 0 : i32
    %dma_wait3A_191 = tpu.memref_slice %arg7[%dma_wait3A_182, %dma_wait3A_189, %dma_wait3A_190] : memref<2x128x64xf32, #tpu.memory_space<vmem>> -> memref<1x128x64xf32, #tpu.memory_space<vmem>>
    %dma_wait3A_192 = tpu.memref_squeeze %dma_wait3A_191 : memref<1x128x64xf32, #tpu.memory_space<vmem>> -> memref<128x64xf32, #tpu.memory_space<vmem>>
    %dma_wait3A_193 = arith.constant 0 : i32
    %dma_wait3A_194 = tpu.memref_slice %arg2[%add3A_98, %dma_wait3A_193] : memref<16384x64xf32, #tpu.memory_space<hbm>> -> memref<128x64xf32, #tpu.memory_space<hbm>>
    tpu.wait_dma2 semaphore(%arg10 : memref<!tpu.dma_semaphore, #tpu.memory_space<semaphore_mem>>) src(%dma_wait3A_194 : memref<128x64xf32, #tpu.memory_space<hbm>>) dst(%dma_wait3A_192 : memref<128x64xf32, #tpu.memory_space<vmem>>)
    %dma_wait3A_195 = arith.constant 2 : i32
    %dma_wait3A_196 = arith.constant 0 : i32
    %dma_wait3A_197 = arith.constant 0 : i32
    %dma_wait3A_198 = arith.constant 0 : i32
    %dma_wait3A_199 = tpu.memref_slice %arg8[%dma_wait3A_196, %dma_wait3A_197, %dma_wait3A_198] : memref<2x128x64xf32, #tpu.memory_space<vmem>> -> memref<1x128x64xf32, #tpu.memory_space<vmem>>
    %dma_wait3A_200 = tpu.memref_squeeze %dma_wait3A_199 : memref<1x128x64xf32, #tpu.memory_space<vmem>> -> memref<128x64xf32, #tpu.memory_space<vmem>>
    %dma_wait3A_201 = arith.constant 0 : i32
    %dma_wait3A_202 = tpu.memref_slice %arg6[%dma_wait3A_195, %dma_wait3A_201] : memref<4x128xi32, #tpu.memory_space<vmem>> -> memref<1x128xi32, #tpu.memory_space<vmem>>
    %dma_wait3A_203 = tpu.memref_squeeze %dma_wait3A_202 : memref<1x128xi32, #tpu.memory_space<vmem>> -> memref<128xi32, #tpu.memory_space<vmem>>
    %dma_wait3A_204 = arith.constant 0 : i32
    %dma_wait3A_205 = arith.constant 0 : i32
    %dma_wait3A_206 = tpu.memref_slice %arg4[%dma_wait3A_204, %dma_wait3A_205] : memref<100000x64xf32, #tpu.memory_space<hbm>> -> memref<100000x64xf32, #tpu.memory_space<hbm>>
    tpu.wait_indirect_dma semaphore(%arg10 : memref<!tpu.dma_semaphore, #tpu.memory_space<semaphore_mem>>) src(%dma_wait3A_206 : memref<100000x64xf32, #tpu.memory_space<hbm>>) dst(%dma_wait3A_200 : memref<128x64xf32, #tpu.memory_space<vmem>>)
    %scan3A_207 = arith.constant 0 : i32
    %scan3A_208 = arith.constant 8 : i32
    %scan3A_209 = arith.addi %scan3A_207, %scan3A_208 : i32
    %scan3A_210 = arith.constant 1 : i32
    %scan3A_211:4 = scf.for %scan3A_248 = %scan3A_207 to %scan3A_209 step %scan3A_210 iter_args(%scan3A_249 = %scan3A_153#0, %scan3A_250 = %scan3A_153#1, %scan3A_251 = %scan3A_153#2, %scan3A_252 = %scan3A_153#3) -> (vector<16xf32>, vector<16xf32>, vector<16xf32>, vector<16xf32>)  : i32 {
      %mul3A_253 = arith.constant 16 : i32
      %mul3A_254 = arith.muli %scan3A_248, %mul3A_253 : i32
      %add3A_255 = arith.constant 0 : i32
      %add3A_256 = arith.addi %mul3A_254, %add3A_255 : i32
      %get3A = arith.constant 0 : i32
      %get3A_257 = arith.index_cast %get3A : i32 to index
      %get3A_258 = arith.index_cast %add3A_256 : i32 to index
      %get3A_259 = arith.constant 0 : index
      %get3A_260 = tpu.vector_load %arg7[%get3A_257, %get3A_258, %get3A_259] {strides = array<i32>} : memref<2x128x64xf32, #tpu.memory_space<vmem>>, vector<16xf32>,
      %get3A_261 = arith.constant 0 : i32
      %get3A_262 = arith.index_cast %get3A_261 : i32 to index
      %get3A_263 = arith.index_cast %add3A_256 : i32 to index
      %get3A_264 = arith.constant 0 : index
      %get3A_265 = tpu.vector_load %arg8[%get3A_262, %get3A_263, %get3A_264] {strides = array<i32>} : memref<2x128x64xf32, #tpu.memory_space<vmem>>, vector<16xf32>,
      %sub3A = arith.subf %get3A_260, %get3A_265 : vector<16xf32>
      %mul3A_266 = arith.mulf %sub3A, %sub3A : vector<16xf32>
      %add3A_267 = arith.addf %scan3A_249, %mul3A_266 : vector<16xf32>
      %get3A_268 = arith.constant 0 : i32
      %get3A_269 = arith.index_cast %get3A_268 : i32 to index
      %get3A_270 = arith.index_cast %add3A_256 : i32 to index
      %get3A_271 = arith.constant 16 : index
      %get3A_272 = tpu.vector_load %arg7[%get3A_269, %get3A_270, %get3A_271] {strides = array<i32>} : memref<2x128x64xf32, #tpu.memory_space<vmem>>, vector<16xf32>,
      %get3A_273 = arith.constant 0 : i32
      %get3A_274 = arith.index_cast %get3A_273 : i32 to index
      %get3A_275 = arith.index_cast %add3A_256 : i32 to index
      %get3A_276 = arith.constant 16 : index
      %get3A_277 = tpu.vector_load %arg8[%get3A_274, %get3A_275, %get3A_276] {strides = array<i32>} : memref<2x128x64xf32, #tpu.memory_space<vmem>>, vector<16xf32>,
      %sub3A_278 = arith.subf %get3A_272, %get3A_277 : vector<16xf32>
      %mul3A_279 = arith.mulf %sub3A_278, %sub3A_278 : vector<16xf32>
      %add3A_280 = arith.addf %scan3A_250, %mul3A_279 : vector<16xf32>
      %get3A_281 = arith.constant 0 : i32
      %get3A_282 = arith.index_cast %get3A_281 : i32 to index
      %get3A_283 = arith.index_cast %add3A_256 : i32 to index
      %get3A_284 = arith.constant 32 : index
      %get3A_285 = tpu.vector_load %arg7[%get3A_282, %get3A_283, %get3A_284] {strides = array<i32>} : memref<2x128x64xf32, #tpu.memory_space<vmem>>, vector<16xf32>,
      %get3A_286 = arith.constant 0 : i32
      %get3A_287 = arith.index_cast %get3A_286 : i32 to index
      %get3A_288 = arith.index_cast %add3A_256 : i32 to index
      %get3A_289 = arith.constant 32 : index
      %get3A_290 = tpu.vector_load %arg8[%get3A_287, %get3A_288, %get3A_289] {strides = array<i32>} : memref<2x128x64xf32, #tpu.memory_space<vmem>>, vector<16xf32>,
      %sub3A_291 = arith.subf %get3A_285, %get3A_290 : vector<16xf32>
      %mul3A_292 = arith.mulf %sub3A_291, %sub3A_291 : vector<16xf32>
      %add3A_293 = arith.addf %scan3A_251, %mul3A_292 : vector<16xf32>
      %get3A_294 = arith.constant 0 : i32
      %get3A_295 = arith.index_cast %get3A_294 : i32 to index
      %get3A_296 = arith.index_cast %add3A_256 : i32 to index
      %get3A_297 = arith.constant 48 : index
      %get3A_298 = tpu.vector_load %arg7[%get3A_295, %get3A_296, %get3A_297] {strides = array<i32>} : memref<2x128x64xf32, #tpu.memory_space<vmem>>, vector<16xf32>,
      %get3A_299 = arith.constant 0 : i32
      %get3A_300 = arith.index_cast %get3A_299 : i32 to index
      %get3A_301 = arith.index_cast %add3A_256 : i32 to index
      %get3A_302 = arith.constant 48 : index
      %get3A_303 = tpu.vector_load %arg8[%get3A_300, %get3A_301, %get3A_302] {strides = array<i32>} : memref<2x128x64xf32, #tpu.memory_space<vmem>>, vector<16xf32>,
      %sub3A_304 = arith.subf %get3A_298, %get3A_303 : vector<16xf32>
      %mul3A_305 = arith.mulf %sub3A_304, %sub3A_304 : vector<16xf32>
      %add3A_306 = arith.addf %scan3A_252, %mul3A_305 : vector<16xf32>
      %mul3A_307 = arith.constant 16 : i32
      %mul3A_308 = arith.muli %scan3A_248, %mul3A_307 : i32
      %add3A_309 = arith.constant 1 : i32
      %add3A_310 = arith.addi %mul3A_308, %add3A_309 : i32
      %get3A_311 = arith.constant 0 : i32
      %get3A_312 = arith.index_cast %get3A_311 : i32 to index
      %get3A_313 = arith.index_cast %add3A_310 : i32 to index
      %get3A_314 = arith.constant 0 : index
      %get3A_315 = tpu.vector_load %arg7[%get3A_312, %get3A_313, %get3A_314] {strides = array<i32>} : memref<2x128x64xf32, #tpu.memory_space<vmem>>, vector<16xf32>,
      %get3A_316 = arith.constant 0 : i32
      %get3A_317 = arith.index_cast %get3A_316 : i32 to index
      %get3A_318 = arith.index_cast %add3A_310 : i32 to index
      %get3A_319 = arith.constant 0 : index
      %get3A_320 = tpu.vector_load %arg8[%get3A_317, %get3A_318, %get3A_319] {strides = array<i32>} : memref<2x128x64xf32, #tpu.memory_space<vmem>>, vector<16xf32>,
      %sub3A_321 = arith.subf %get3A_315, %get3A_320 : vector<16xf32>
      %mul3A_322 = arith.mulf %sub3A_321, %sub3A_321 : vector<16xf32>
      %add3A_323 = arith.addf %add3A_267, %mul3A_322 : vector<16xf32>
      %get3A_324 = arith.constant 0 : i32
      %get3A_325 = arith.index_cast %get3A_324 : i32 to index
      %get3A_326 = arith.index_cast %add3A_310 : i32 to index
      %get3A_327 = arith.constant 16 : index
      %get3A_328 = tpu.vector_load %arg7[%get3A_325, %get3A_326, %get3A_327] {strides = array<i32>} : memref<2x128x64xf32, #tpu.memory_space<vmem>>, vector<16xf32>,
      %get3A_329 = arith.constant 0 : i32
      %get3A_330 = arith.index_cast %get3A_329 : i32 to index
      %get3A_331 = arith.index_cast %add3A_310 : i32 to index
      %get3A_332 = arith.constant 16 : index
      %get3A_333 = tpu.vector_load %arg8[%get3A_330, %get3A_331, %get3A_332] {strides = array<i32>} : memref<2x128x64xf32, #tpu.memory_space<vmem>>, vector<16xf32>,
      %sub3A_334 = arith.subf %get3A_328, %get3A_333 : vector<16xf32>
      %mul3A_335 = arith.mulf %sub3A_334, %sub3A_334 : vector<16xf32>
      %add3A_336 = arith.addf %add3A_280, %mul3A_335 : vector<16xf32>
      %get3A_337 = arith.constant 0 : i32
      %get3A_338 = arith.index_cast %get3A_337 : i32 to index
      %get3A_339 = arith.index_cast %add3A_310 : i32 to index
      %get3A_340 = arith.constant 32 : index
      %get3A_341 = tpu.vector_load %arg7[%get3A_338, %get3A_339, %get3A_340] {strides = array<i32>} : memref<2x128x64xf32, #tpu.memory_space<vmem>>, vector<16xf32>,
      %get3A_342 = arith.constant 0 : i32
      %get3A_343 = arith.index_cast %get3A_342 : i32 to index
      %get3A_344 = arith.index_cast %add3A_310 : i32 to index
      %get3A_345 = arith.constant 32 : index
      %get3A_346 = tpu.vector_load %arg8[%get3A_343, %get3A_344, %get3A_345] {strides = array<i32>} : memref<2x128x64xf32, #tpu.memory_space<vmem>>, vector<16xf32>,
      %sub3A_347 = arith.subf %get3A_341, %get3A_346 : vector<16xf32>
      %mul3A_348 = arith.mulf %sub3A_347, %sub3A_347 : vector<16xf32>
      %add3A_349 = arith.addf %add3A_293, %mul3A_348 : vector<16xf32>
      %get3A_350 = arith.constant 0 : i32
      %get3A_351 = arith.index_cast %get3A_350 : i32 to index
      %get3A_352 = arith.index_cast %add3A_310 : i32 to index
      %get3A_353 = arith.constant 48 : index
      %get3A_354 = tpu.vector_load %arg7[%get3A_351, %get3A_352, %get3A_353] {strides = array<i32>} : memref<2x128x64xf32, #tpu.memory_space<vmem>>, vector<16xf32>,
      %get3A_355 = arith.constant 0 : i32
      %get3A_356 = arith.index_cast %get3A_355 : i32 to index
      %get3A_357 = arith.index_cast %add3A_310 : i32 to index
      %get3A_358 = arith.constant 48 : index
      %get3A_359 = tpu.vector_load %arg8[%get3A_356, %get3A_357, %get3A_358] {strides = array<i32>} : memref<2x128x64xf32, #tpu.memory_space<vmem>>, vector<16xf32>,
      %sub3A_360 = arith.subf %get3A_354, %get3A_359 : vector<16xf32>
      %mul3A_361 = arith.mulf %sub3A_360, %sub3A_360 : vector<16xf32>
      %add3A_362 = arith.addf %add3A_306, %mul3A_361 : vector<16xf32>
      %mul3A_363 = arith.constant 16 : i32
      %mul3A_364 = arith.muli %scan3A_248, %mul3A_363 : i32
      %add3A_365 = arith.constant 2 : i32
      %add3A_366 = arith.addi %mul3A_364, %add3A_365 : i32
      %get3A_367 = arith.constant 0 : i32
      %get3A_368 = arith.index_cast %get3A_367 : i32 to index
      %get3A_369 = arith.index_cast %add3A_366 : i32 to index
      %get3A_370 = arith.constant 0 : index
      %get3A_371 = tpu.vector_load %arg7[%get3A_368, %get3A_369, %get3A_370] {strides = array<i32>} : memref<2x128x64xf32, #tpu.memory_space<vmem>>, vector<16xf32>,
      %get3A_372 = arith.constant 0 : i32
      %get3A_373 = arith.index_cast %get3A_372 : i32 to index
      %get3A_374 = arith.index_cast %add3A_366 : i32 to index
      %get3A_375 = arith.constant 0 : index
      %get3A_376 = tpu.vector_load %arg8[%get3A_373, %get3A_374, %get3A_375] {strides = array<i32>} : memref<2x128x64xf32, #tpu.memory_space<vmem>>, vector<16xf32>,
      %sub3A_377 = arith.subf %get3A_371, %get3A_376 : vector<16xf32>
      %mul3A_378 = arith.mulf %sub3A_377, %sub3A_377 : vector<16xf32>
      %add3A_379 = arith.addf %add3A_323, %mul3A_378 : vector<16xf32>
      %get3A_380 = arith.constant 0 : i32
      %get3A_381 = arith.index_cast %get3A_380 : i32 to index
      %get3A_382 = arith.index_cast %add3A_366 : i32 to index
      %get3A_383 = arith.constant 16 : index
      %get3A_384 = tpu.vector_load %arg7[%get3A_381, %get3A_382, %get3A_383] {strides = array<i32>} : memref<2x128x64xf32, #tpu.memory_space<vmem>>, vector<16xf32>,
      %get3A_385 = arith.constant 0 : i32
      %get3A_386 = arith.index_cast %get3A_385 : i32 to index
      %get3A_387 = arith.index_cast %add3A_366 : i32 to index
      %get3A_388 = arith.constant 16 : index
      %get3A_389 = tpu.vector_load %arg8[%get3A_386, %get3A_387, %get3A_388] {strides = array<i32>} : memref<2x128x64xf32, #tpu.memory_space<vmem>>, vector<16xf32>,
      %sub3A_390 = arith.subf %get3A_384, %get3A_389 : vector<16xf32>
      %mul3A_391 = arith.mulf %sub3A_390, %sub3A_390 : vector<16xf32>
      %add3A_392 = arith.addf %add3A_336, %mul3A_391 : vector<16xf32>
      %get3A_393 = arith.constant 0 : i32
      %get3A_394 = arith.index_cast %get3A_393 : i32 to index
      %get3A_395 = arith.index_cast %add3A_366 : i32 to index
      %get3A_396 = arith.constant 32 : index
      %get3A_397 = tpu.vector_load %arg7[%get3A_394, %get3A_395, %get3A_396] {strides = array<i32>} : memref<2x128x64xf32, #tpu.memory_space<vmem>>, vector<16xf32>,
      %get3A_398 = arith.constant 0 : i32
      %get3A_399 = arith.index_cast %get3A_398 : i32 to index
      %get3A_400 = arith.index_cast %add3A_366 : i32 to index
      %get3A_401 = arith.constant 32 : index
      %get3A_402 = tpu.vector_load %arg8[%get3A_399, %get3A_400, %get3A_401] {strides = array<i32>} : memref<2x128x64xf32, #tpu.memory_space<vmem>>, vector<16xf32>,
      %sub3A_403 = arith.subf %get3A_397, %get3A_402 : vector<16xf32>
      %mul3A_404 = arith.mulf %sub3A_403, %sub3A_403 : vector<16xf32>
      %add3A_405 = arith.addf %add3A_349, %mul3A_404 : vector<16xf32>
      %get3A_406 = arith.constant 0 : i32
      %get3A_407 = arith.index_cast %get3A_406 : i32 to index
      %get3A_408 = arith.index_cast %add3A_366 : i32 to index
      %get3A_409 = arith.constant 48 : index
      %get3A_410 = tpu.vector_load %arg7[%get3A_407, %get3A_408, %get3A_409] {strides = array<i32>} : memref<2x128x64xf32, #tpu.memory_space<vmem>>, vector<16xf32>,
      %get3A_411 = arith.constant 0 : i32
      %get3A_412 = arith.index_cast %get3A_411 : i32 to index
      %get3A_413 = arith.index_cast %add3A_366 : i32 to index
      %get3A_414 = arith.constant 48 : index
      %get3A_415 = tpu.vector_load %arg8[%get3A_412, %get3A_413, %get3A_414] {strides = array<i32>} : memref<2x128x64xf32, #tpu.memory_space<vmem>>, vector<16xf32>,
      %sub3A_416 = arith.subf %get3A_410, %get3A_415 : vector<16xf32>
      %mul3A_417 = arith.mulf %sub3A_416, %sub3A_416 : vector<16xf32>
      %add3A_418 = arith.addf %add3A_362, %mul3A_417 : vector<16xf32>
      %mul3A_419 = arith.constant 16 : i32
      %mul3A_420 = arith.muli %scan3A_248, %mul3A_419 : i32
      %add3A_421 = arith.constant 3 : i32
      %add3A_422 = arith.addi %mul3A_420, %add3A_421 : i32
      %get3A_423 = arith.constant 0 : i32
      %get3A_424 = arith.index_cast %get3A_423 : i32 to index
      %get3A_425 = arith.index_cast %add3A_422 : i32 to index
      %get3A_426 = arith.constant 0 : index
      %get3A_427 = tpu.vector_load %arg7[%get3A_424, %get3A_425, %get3A_426] {strides = array<i32>} : memref<2x128x64xf32, #tpu.memory_space<vmem>>, vector<16xf32>,
      %get3A_428 = arith.constant 0 : i32
      %get3A_429 = arith.index_cast %get3A_428 : i32 to index
      %get3A_430 = arith.index_cast %add3A_422 : i32 to index
      %get3A_431 = arith.constant 0 : index
      %get3A_432 = tpu.vector_load %arg8[%get3A_429, %get3A_430, %get3A_431] {strides = array<i32>} : memref<2x128x64xf32, #tpu.memory_space<vmem>>, vector<16xf32>,
      %sub3A_433 = arith.subf %get3A_427, %get3A_432 : vector<16xf32>
      %mul3A_434 = arith.mulf %sub3A_433, %sub3A_433 : vector<16xf32>
      %add3A_435 = arith.addf %add3A_379, %mul3A_434 : vector<16xf32>
      %get3A_436 = arith.constant 0 : i32
      %get3A_437 = arith.index_cast %get3A_436 : i32 to index
      %get3A_438 = arith.index_cast %add3A_422 : i32 to index
      %get3A_439 = arith.constant 16 : index
      %get3A_440 = tpu.vector_load %arg7[%get3A_437, %get3A_438, %get3A_439] {strides = array<i32>} : memref<2x128x64xf32, #tpu.memory_space<vmem>>, vector<16xf32>,
      %get3A_441 = arith.constant 0 : i32
      %get3A_442 = arith.index_cast %get3A_441 : i32 to index
      %get3A_443 = arith.index_cast %add3A_422 : i32 to index
      %get3A_444 = arith.constant 16 : index
      %get3A_445 = tpu.vector_load %arg8[%get3A_442, %get3A_443, %get3A_444] {strides = array<i32>} : memref<2x128x64xf32, #tpu.memory_space<vmem>>, vector<16xf32>,
      %sub3A_446 = arith.subf %get3A_440, %get3A_445 : vector<16xf32>
      %mul3A_447 = arith.mulf %sub3A_446, %sub3A_446 : vector<16xf32>
      %add3A_448 = arith.addf %add3A_392, %mul3A_447 : vector<16xf32>
      %get3A_449 = arith.constant 0 : i32
      %get3A_450 = arith.index_cast %get3A_449 : i32 to index
      %get3A_451 = arith.index_cast %add3A_422 : i32 to index
      %get3A_452 = arith.constant 32 : index
      %get3A_453 = tpu.vector_load %arg7[%get3A_450, %get3A_451, %get3A_452] {strides = array<i32>} : memref<2x128x64xf32, #tpu.memory_space<vmem>>, vector<16xf32>,
      %get3A_454 = arith.constant 0 : i32
      %get3A_455 = arith.index_cast %get3A_454 : i32 to index
      %get3A_456 = arith.index_cast %add3A_422 : i32 to index
      %get3A_457 = arith.constant 32 : index
      %get3A_458 = tpu.vector_load %arg8[%get3A_455, %get3A_456, %get3A_457] {strides = array<i32>} : memref<2x128x64xf32, #tpu.memory_space<vmem>>, vector<16xf32>,
      %sub3A_459 = arith.subf %get3A_453, %get3A_458 : vector<16xf32>
      %mul3A_460 = arith.mulf %sub3A_459, %sub3A_459 : vector<16xf32>
      %add3A_461 = arith.addf %add3A_405, %mul3A_460 : vector<16xf32>
      %get3A_462 = arith.constant 0 : i32
      %get3A_463 = arith.index_cast %get3A_462 : i32 to index
      %get3A_464 = arith.index_cast %add3A_422 : i32 to index
      %get3A_465 = arith.constant 48 : index
      %get3A_466 = tpu.vector_load %arg7[%get3A_463, %get3A_464, %get3A_465] {strides = array<i32>} : memref<2x128x64xf32, #tpu.memory_space<vmem>>, vector<16xf32>,
      %get3A_467 = arith.constant 0 : i32
      %get3A_468 = arith.index_cast %get3A_467 : i32 to index
      %get3A_469 = arith.index_cast %add3A_422 : i32 to index
      %get3A_470 = arith.constant 48 : index
      %get3A_471 = tpu.vector_load %arg8[%get3A_468, %get3A_469, %get3A_470] {strides = array<i32>} : memref<2x128x64xf32, #tpu.memory_space<vmem>>, vector<16xf32>,
      %sub3A_472 = arith.subf %get3A_466, %get3A_471 : vector<16xf32>
      %mul3A_473 = arith.mulf %sub3A_472, %sub3A_472 : vector<16xf32>
      %add3A_474 = arith.addf %add3A_418, %mul3A_473 : vector<16xf32>
      %mul3A_475 = arith.constant 16 : i32
      %mul3A_476 = arith.muli %scan3A_248, %mul3A_475 : i32
      %add3A_477 = arith.constant 4 : i32
      %add3A_478 = arith.addi %mul3A_476, %add3A_477 : i32
      %get3A_479 = arith.constant 0 : i32
      %get3A_480 = arith.index_cast %get3A_479 : i32 to index
      %get3A_481 = arith.index_cast %add3A_478 : i32 to index
      %get3A_482 = arith.constant 0 : index
      %get3A_483 = tpu.vector_load %arg7[%get3A_480, %get3A_481, %get3A_482] {strides = array<i32>} : memref<2x128x64xf32, #tpu.memory_space<vmem>>, vector<16xf32>,
      %get3A_484 = arith.constant 0 : i32
      %get3A_485 = arith.index_cast %get3A_484 : i32 to index
      %get3A_486 = arith.index_cast %add3A_478 : i32 to index
      %get3A_487 = arith.constant 0 : index
      %get3A_488 = tpu.vector_load %arg8[%get3A_485, %get3A_486, %get3A_487] {strides = array<i32>} : memref<2x128x64xf32, #tpu.memory_space<vmem>>, vector<16xf32>,
      %sub3A_489 = arith.subf %get3A_483, %get3A_488 : vector<16xf32>
      %mul3A_490 = arith.mulf %sub3A_489, %sub3A_489 : vector<16xf32>
      %add3A_491 = arith.addf %add3A_435, %mul3A_490 : vector<16xf32>
      %get3A_492 = arith.constant 0 : i32
      %get3A_493 = arith.index_cast %get3A_492 : i32 to index
      %get3A_494 = arith.index_cast %add3A_478 : i32 to index
      %get3A_495 = arith.constant 16 : index
      %get3A_496 = tpu.vector_load %arg7[%get3A_493, %get3A_494, %get3A_495] {strides = array<i32>} : memref<2x128x64xf32, #tpu.memory_space<vmem>>, vector<16xf32>,
      %get3A_497 = arith.constant 0 : i32
      %get3A_498 = arith.index_cast %get3A_497 : i32 to index
      %get3A_499 = arith.index_cast %add3A_478 : i32 to index
      %get3A_500 = arith.constant 16 : index
      %get3A_501 = tpu.vector_load %arg8[%get3A_498, %get3A_499, %get3A_500] {strides = array<i32>} : memref<2x128x64xf32, #tpu.memory_space<vmem>>, vector<16xf32>,
      %sub3A_502 = arith.subf %get3A_496, %get3A_501 : vector<16xf32>
      %mul3A_503 = arith.mulf %sub3A_502, %sub3A_502 : vector<16xf32>
      %add3A_504 = arith.addf %add3A_448, %mul3A_503 : vector<16xf32>
      %get3A_505 = arith.constant 0 : i32
      %get3A_506 = arith.index_cast %get3A_505 : i32 to index
      %get3A_507 = arith.index_cast %add3A_478 : i32 to index
      %get3A_508 = arith.constant 32 : index
      %get3A_509 = tpu.vector_load %arg7[%get3A_506, %get3A_507, %get3A_508] {strides = array<i32>} : memref<2x128x64xf32, #tpu.memory_space<vmem>>, vector<16xf32>,
      %get3A_510 = arith.constant 0 : i32
      %get3A_511 = arith.index_cast %get3A_510 : i32 to index
      %get3A_512 = arith.index_cast %add3A_478 : i32 to index
      %get3A_513 = arith.constant 32 : index
      %get3A_514 = tpu.vector_load %arg8[%get3A_511, %get3A_512, %get3A_513] {strides = array<i32>} : memref<2x128x64xf32, #tpu.memory_space<vmem>>, vector<16xf32>,
      %sub3A_515 = arith.subf %get3A_509, %get3A_514 : vector<16xf32>
      %mul3A_516 = arith.mulf %sub3A_515, %sub3A_515 : vector<16xf32>
      %add3A_517 = arith.addf %add3A_461, %mul3A_516 : vector<16xf32>
      %get3A_518 = arith.constant 0 : i32
      %get3A_519 = arith.index_cast %get3A_518 : i32 to index
      %get3A_520 = arith.index_cast %add3A_478 : i32 to index
      %get3A_521 = arith.constant 48 : index
      %get3A_522 = tpu.vector_load %arg7[%get3A_519, %get3A_520, %get3A_521] {strides = array<i32>} : memref<2x128x64xf32, #tpu.memory_space<vmem>>, vector<16xf32>,
      %get3A_523 = arith.constant 0 : i32
      %get3A_524 = arith.index_cast %get3A_523 : i32 to index
      %get3A_525 = arith.index_cast %add3A_478 : i32 to index
      %get3A_526 = arith.constant 48 : index
      %get3A_527 = tpu.vector_load %arg8[%get3A_524, %get3A_525, %get3A_526] {strides = array<i32>} : memref<2x128x64xf32, #tpu.memory_space<vmem>>, vector<16xf32>,
      %sub3A_528 = arith.subf %get3A_522, %get3A_527 : vector<16xf32>
      %mul3A_529 = arith.mulf %sub3A_528, %sub3A_528 : vector<16xf32>
      %add3A_530 = arith.addf %add3A_474, %mul3A_529 : vector<16xf32>
      %mul3A_531 = arith.constant 16 : i32
      %mul3A_532 = arith.muli %scan3A_248, %mul3A_531 : i32
      %add3A_533 = arith.constant 5 : i32
      %add3A_534 = arith.addi %mul3A_532, %add3A_533 : i32
      %get3A_535 = arith.constant 0 : i32
      %get3A_536 = arith.index_cast %get3A_535 : i32 to index
      %get3A_537 = arith.index_cast %add3A_534 : i32 to index
      %get3A_538 = arith.constant 0 : index
      %get3A_539 = tpu.vector_load %arg7[%get3A_536, %get3A_537, %get3A_538] {strides = array<i32>} : memref<2x128x64xf32, #tpu.memory_space<vmem>>, vector<16xf32>,
      %get3A_540 = arith.constant 0 : i32
      %get3A_541 = arith.index_cast %get3A_540 : i32 to index
      %get3A_542 = arith.index_cast %add3A_534 : i32 to index
      %get3A_543 = arith.constant 0 : index
      %get3A_544 = tpu.vector_load %arg8[%get3A_541, %get3A_542, %get3A_543] {strides = array<i32>} : memref<2x128x64xf32, #tpu.memory_space<vmem>>, vector<16xf32>,
      %sub3A_545 = arith.subf %get3A_539, %get3A_544 : vector<16xf32>
      %mul3A_546 = arith.mulf %sub3A_545, %sub3A_545 : vector<16xf32>
      %add3A_547 = arith.addf %add3A_491, %mul3A_546 : vector<16xf32>
      %get3A_548 = arith.constant 0 : i32
      %get3A_549 = arith.index_cast %get3A_548 : i32 to index
      %get3A_550 = arith.index_cast %add3A_534 : i32 to index
      %get3A_551 = arith.constant 16 : index
      %get3A_552 = tpu.vector_load %arg7[%get3A_549, %get3A_550, %get3A_551] {strides = array<i32>} : memref<2x128x64xf32, #tpu.memory_space<vmem>>, vector<16xf32>,
      %get3A_553 = arith.constant 0 : i32
      %get3A_554 = arith.index_cast %get3A_553 : i32 to index
      %get3A_555 = arith.index_cast %add3A_534 : i32 to index
      %get3A_556 = arith.constant 16 : index
      %get3A_557 = tpu.vector_load %arg8[%get3A_554, %get3A_555, %get3A_556] {strides = array<i32>} : memref<2x128x64xf32, #tpu.memory_space<vmem>>, vector<16xf32>,
      %sub3A_558 = arith.subf %get3A_552, %get3A_557 : vector<16xf32>
      %mul3A_559 = arith.mulf %sub3A_558, %sub3A_558 : vector<16xf32>
      %add3A_560 = arith.addf %add3A_504, %mul3A_559 : vector<16xf32>
      %get3A_561 = arith.constant 0 : i32
      %get3A_562 = arith.index_cast %get3A_561 : i32 to index
      %get3A_563 = arith.index_cast %add3A_534 : i32 to index
      %get3A_564 = arith.constant 32 : index
      %get3A_565 = tpu.vector_load %arg7[%get3A_562, %get3A_563, %get3A_564] {strides = array<i32>} : memref<2x128x64xf32, #tpu.memory_space<vmem>>, vector<16xf32>,
      %get3A_566 = arith.constant 0 : i32
      %get3A_567 = arith.index_cast %get3A_566 : i32 to index
      %get3A_568 = arith.index_cast %add3A_534 : i32 to index
      %get3A_569 = arith.constant 32 : index
      %get3A_570 = tpu.vector_load %arg8[%get3A_567, %get3A_568, %get3A_569] {strides = array<i32>} : memref<2x128x64xf32, #tpu.memory_space<vmem>>, vector<16xf32>,
      %sub3A_571 = arith.subf %get3A_565, %get3A_570 : vector<16xf32>
      %mul3A_572 = arith.mulf %sub3A_571, %sub3A_571 : vector<16xf32>
      %add3A_573 = arith.addf %add3A_517, %mul3A_572 : vector<16xf32>
      %get3A_574 = arith.constant 0 : i32
      %get3A_575 = arith.index_cast %get3A_574 : i32 to index
      %get3A_576 = arith.index_cast %add3A_534 : i32 to index
      %get3A_577 = arith.constant 48 : index
      %get3A_578 = tpu.vector_load %arg7[%get3A_575, %get3A_576, %get3A_577] {strides = array<i32>} : memref<2x128x64xf32, #tpu.memory_space<vmem>>, vector<16xf32>,
      %get3A_579 = arith.constant 0 : i32
      %get3A_580 = arith.index_cast %get3A_579 : i32 to index
      %get3A_581 = arith.index_cast %add3A_534 : i32 to index
      %get3A_582 = arith.constant 48 : index
      %get3A_583 = tpu.vector_load %arg8[%get3A_580, %get3A_581, %get3A_582] {strides = array<i32>} : memref<2x128x64xf32, #tpu.memory_space<vmem>>, vector<16xf32>,
      %sub3A_584 = arith.subf %get3A_578, %get3A_583 : vector<16xf32>
      %mul3A_585 = arith.mulf %sub3A_584, %sub3A_584 : vector<16xf32>
      %add3A_586 = arith.addf %add3A_530, %mul3A_585 : vector<16xf32>
      %mul3A_587 = arith.constant 16 : i32
      %mul3A_588 = arith.muli %scan3A_248, %mul3A_587 : i32
      %add3A_589 = arith.constant 6 : i32
      %add3A_590 = arith.addi %mul3A_588, %add3A_589 : i32
      %get3A_591 = arith.constant 0 : i32
      %get3A_592 = arith.index_cast %get3A_591 : i32 to index
      %get3A_593 = arith.index_cast %add3A_590 : i32 to index
      %get3A_594 = arith.constant 0 : index
      %get3A_595 = tpu.vector_load %arg7[%get3A_592, %get3A_593, %get3A_594] {strides = array<i32>} : memref<2x128x64xf32, #tpu.memory_space<vmem>>, vector<16xf32>,
      %get3A_596 = arith.constant 0 : i32
      %get3A_597 = arith.index_cast %get3A_596 : i32 to index
      %get3A_598 = arith.index_cast %add3A_590 : i32 to index
      %get3A_599 = arith.constant 0 : index
      %get3A_600 = tpu.vector_load %arg8[%get3A_597, %get3A_598, %get3A_599] {strides = array<i32>} : memref<2x128x64xf32, #tpu.memory_space<vmem>>, vector<16xf32>,
      %sub3A_601 = arith.subf %get3A_595, %get3A_600 : vector<16xf32>
      %mul3A_602 = arith.mulf %sub3A_601, %sub3A_601 : vector<16xf32>
      %add3A_603 = arith.addf %add3A_547, %mul3A_602 : vector<16xf32>
      %get3A_604 = arith.constant 0 : i32
      %get3A_605 = arith.index_cast %get3A_604 : i32 to index
      %get3A_606 = arith.index_cast %add3A_590 : i32 to index
      %get3A_607 = arith.constant 16 : index
      %get3A_608 = tpu.vector_load %arg7[%get3A_605, %get3A_606, %get3A_607] {strides = array<i32>} : memref<2x128x64xf32, #tpu.memory_space<vmem>>, vector<16xf32>,
      %get3A_609 = arith.constant 0 : i32
      %get3A_610 = arith.index_cast %get3A_609 : i32 to index
      %get3A_611 = arith.index_cast %add3A_590 : i32 to index
      %get3A_612 = arith.constant 16 : index
      %get3A_613 = tpu.vector_load %arg8[%get3A_610, %get3A_611, %get3A_612] {strides = array<i32>} : memref<2x128x64xf32, #tpu.memory_space<vmem>>, vector<16xf32>,
      %sub3A_614 = arith.subf %get3A_608, %get3A_613 : vector<16xf32>
      %mul3A_615 = arith.mulf %sub3A_614, %sub3A_614 : vector<16xf32>
      %add3A_616 = arith.addf %add3A_560, %mul3A_615 : vector<16xf32>
      %get3A_617 = arith.constant 0 : i32
      %get3A_618 = arith.index_cast %get3A_617 : i32 to index
      %get3A_619 = arith.index_cast %add3A_590 : i32 to index
      %get3A_620 = arith.constant 32 : index
      %get3A_621 = tpu.vector_load %arg7[%get3A_618, %get3A_619, %get3A_620] {strides = array<i32>} : memref<2x128x64xf32, #tpu.memory_space<vmem>>, vector<16xf32>,
      %get3A_622 = arith.constant 0 : i32
      %get3A_623 = arith.index_cast %get3A_622 : i32 to index
      %get3A_624 = arith.index_cast %add3A_590 : i32 to index
      %get3A_625 = arith.constant 32 : index
      %get3A_626 = tpu.vector_load %arg8[%get3A_623, %get3A_624, %get3A_625] {strides = array<i32>} : memref<2x128x64xf32, #tpu.memory_space<vmem>>, vector<16xf32>,
      %sub3A_627 = arith.subf %get3A_621, %get3A_626 : vector<16xf32>
      %mul3A_628 = arith.mulf %sub3A_627, %sub3A_627 : vector<16xf32>
      %add3A_629 = arith.addf %add3A_573, %mul3A_628 : vector<16xf32>
      %get3A_630 = arith.constant 0 : i32
      %get3A_631 = arith.index_cast %get3A_630 : i32 to index
      %get3A_632 = arith.index_cast %add3A_590 : i32 to index
      %get3A_633 = arith.constant 48 : index
      %get3A_634 = tpu.vector_load %arg7[%get3A_631, %get3A_632, %get3A_633] {strides = array<i32>} : memref<2x128x64xf32, #tpu.memory_space<vmem>>, vector<16xf32>,
      %get3A_635 = arith.constant 0 : i32
      %get3A_636 = arith.index_cast %get3A_635 : i32 to index
      %get3A_637 = arith.index_cast %add3A_590 : i32 to index
      %get3A_638 = arith.constant 48 : index
      %get3A_639 = tpu.vector_load %arg8[%get3A_636, %get3A_637, %get3A_638] {strides = array<i32>} : memref<2x128x64xf32, #tpu.memory_space<vmem>>, vector<16xf32>,
      %sub3A_640 = arith.subf %get3A_634, %get3A_639 : vector<16xf32>
      %mul3A_641 = arith.mulf %sub3A_640, %sub3A_640 : vector<16xf32>
      %add3A_642 = arith.addf %add3A_586, %mul3A_641 : vector<16xf32>
      %mul3A_643 = arith.constant 16 : i32
      %mul3A_644 = arith.muli %scan3A_248, %mul3A_643 : i32
      %add3A_645 = arith.constant 7 : i32
      %add3A_646 = arith.addi %mul3A_644, %add3A_645 : i32
      %get3A_647 = arith.constant 0 : i32
      %get3A_648 = arith.index_cast %get3A_647 : i32 to index
      %get3A_649 = arith.index_cast %add3A_646 : i32 to index
      %get3A_650 = arith.constant 0 : index
      %get3A_651 = tpu.vector_load %arg7[%get3A_648, %get3A_649, %get3A_650] {strides = array<i32>} : memref<2x128x64xf32, #tpu.memory_space<vmem>>, vector<16xf32>,
      %get3A_652 = arith.constant 0 : i32
      %get3A_653 = arith.index_cast %get3A_652 : i32 to index
      %get3A_654 = arith.index_cast %add3A_646 : i32 to index
      %get3A_655 = arith.constant 0 : index
      %get3A_656 = tpu.vector_load %arg8[%get3A_653, %get3A_654, %get3A_655] {strides = array<i32>} : memref<2x128x64xf32, #tpu.memory_space<vmem>>, vector<16xf32>,
      %sub3A_657 = arith.subf %get3A_651, %get3A_656 : vector<16xf32>
      %mul3A_658 = arith.mulf %sub3A_657, %sub3A_657 : vector<16xf32>
      %add3A_659 = arith.addf %add3A_603, %mul3A_658 : vector<16xf32>
      %get3A_660 = arith.constant 0 : i32
      %get3A_661 = arith.index_cast %get3A_660 : i32 to index
      %get3A_662 = arith.index_cast %add3A_646 : i32 to index
      %get3A_663 = arith.constant 16 : index
      %get3A_664 = tpu.vector_load %arg7[%get3A_661, %get3A_662, %get3A_663] {strides = array<i32>} : memref<2x128x64xf32, #tpu.memory_space<vmem>>, vector<16xf32>,
      %get3A_665 = arith.constant 0 : i32
      %get3A_666 = arith.index_cast %get3A_665 : i32 to index
      %get3A_667 = arith.index_cast %add3A_646 : i32 to index
      %get3A_668 = arith.constant 16 : index
      %get3A_669 = tpu.vector_load %arg8[%get3A_666, %get3A_667, %get3A_668] {strides = array<i32>} : memref<2x128x64xf32, #tpu.memory_space<vmem>>, vector<16xf32>,
      %sub3A_670 = arith.subf %get3A_664, %get3A_669 : vector<16xf32>
      %mul3A_671 = arith.mulf %sub3A_670, %sub3A_670 : vector<16xf32>
      %add3A_672 = arith.addf %add3A_616, %mul3A_671 : vector<16xf32>
      %get3A_673 = arith.constant 0 : i32
      %get3A_674 = arith.index_cast %get3A_673 : i32 to index
      %get3A_675 = arith.index_cast %add3A_646 : i32 to index
      %get3A_676 = arith.constant 32 : index
      %get3A_677 = tpu.vector_load %arg7[%get3A_674, %get3A_675, %get3A_676] {strides = array<i32>} : memref<2x128x64xf32, #tpu.memory_space<vmem>>, vector<16xf32>,
      %get3A_678 = arith.constant 0 : i32
      %get3A_679 = arith.index_cast %get3A_678 : i32 to index
      %get3A_680 = arith.index_cast %add3A_646 : i32 to index
      %get3A_681 = arith.constant 32 : index
      %get3A_682 = tpu.vector_load %arg8[%get3A_679, %get3A_680, %get3A_681] {strides = array<i32>} : memref<2x128x64xf32, #tpu.memory_space<vmem>>, vector<16xf32>,
      %sub3A_683 = arith.subf %get3A_677, %get3A_682 : vector<16xf32>
      %mul3A_684 = arith.mulf %sub3A_683, %sub3A_683 : vector<16xf32>
      %add3A_685 = arith.addf %add3A_629, %mul3A_684 : vector<16xf32>
      %get3A_686 = arith.constant 0 : i32
      %get3A_687 = arith.index_cast %get3A_686 : i32 to index
      %get3A_688 = arith.index_cast %add3A_646 : i32 to index
      %get3A_689 = arith.constant 48 : index
      %get3A_690 = tpu.vector_load %arg7[%get3A_687, %get3A_688, %get3A_689] {strides = array<i32>} : memref<2x128x64xf32, #tpu.memory_space<vmem>>, vector<16xf32>,
      %get3A_691 = arith.constant 0 : i32
      %get3A_692 = arith.index_cast %get3A_691 : i32 to index
      %get3A_693 = arith.index_cast %add3A_646 : i32 to index
      %get3A_694 = arith.constant 48 : index
      %get3A_695 = tpu.vector_load %arg8[%get3A_692, %get3A_693, %get3A_694] {strides = array<i32>} : memref<2x128x64xf32, #tpu.memory_space<vmem>>, vector<16xf32>,
      %sub3A_696 = arith.subf %get3A_690, %get3A_695 : vector<16xf32>
      %mul3A_697 = arith.mulf %sub3A_696, %sub3A_696 : vector<16xf32>
      %add3A_698 = arith.addf %add3A_642, %mul3A_697 : vector<16xf32>
      %mul3A_699 = arith.constant 16 : i32
      %mul3A_700 = arith.muli %scan3A_248, %mul3A_699 : i32
      %add3A_701 = arith.constant 8 : i32
      %add3A_702 = arith.addi %mul3A_700, %add3A_701 : i32
      %get3A_703 = arith.constant 0 : i32
      %get3A_704 = arith.index_cast %get3A_703 : i32 to index
      %get3A_705 = arith.index_cast %add3A_702 : i32 to index
      %get3A_706 = arith.constant 0 : index
      %get3A_707 = tpu.vector_load %arg7[%get3A_704, %get3A_705, %get3A_706] {strides = array<i32>} : memref<2x128x64xf32, #tpu.memory_space<vmem>>, vector<16xf32>,
      %get3A_708 = arith.constant 0 : i32
      %get3A_709 = arith.index_cast %get3A_708 : i32 to index
      %get3A_710 = arith.index_cast %add3A_702 : i32 to index
      %get3A_711 = arith.constant 0 : index
      %get3A_712 = tpu.vector_load %arg8[%get3A_709, %get3A_710, %get3A_711] {strides = array<i32>} : memref<2x128x64xf32, #tpu.memory_space<vmem>>, vector<16xf32>,
      %sub3A_713 = arith.subf %get3A_707, %get3A_712 : vector<16xf32>
      %mul3A_714 = arith.mulf %sub3A_713, %sub3A_713 : vector<16xf32>
      %add3A_715 = arith.addf %add3A_659, %mul3A_714 : vector<16xf32>
      %get3A_716 = arith.constant 0 : i32
      %get3A_717 = arith.index_cast %get3A_716 : i32 to index
      %get3A_718 = arith.index_cast %add3A_702 : i32 to index
      %get3A_719 = arith.constant 16 : index
      %get3A_720 = tpu.vector_load %arg7[%get3A_717, %get3A_718, %get3A_719] {strides = array<i32>} : memref<2x128x64xf32, #tpu.memory_space<vmem>>, vector<16xf32>,
      %get3A_721 = arith.constant 0 : i32
      %get3A_722 = arith.index_cast %get3A_721 : i32 to index
      %get3A_723 = arith.index_cast %add3A_702 : i32 to index
      %get3A_724 = arith.constant 16 : index
      %get3A_725 = tpu.vector_load %arg8[%get3A_722, %get3A_723, %get3A_724] {strides = array<i32>} : memref<2x128x64xf32, #tpu.memory_space<vmem>>, vector<16xf32>,
      %sub3A_726 = arith.subf %get3A_720, %get3A_725 : vector<16xf32>
      %mul3A_727 = arith.mulf %sub3A_726, %sub3A_726 : vector<16xf32>
      %add3A_728 = arith.addf %add3A_672, %mul3A_727 : vector<16xf32>
      %get3A_729 = arith.constant 0 : i32
      %get3A_730 = arith.index_cast %get3A_729 : i32 to index
      %get3A_731 = arith.index_cast %add3A_702 : i32 to index
      %get3A_732 = arith.constant 32 : index
      %get3A_733 = tpu.vector_load %arg7[%get3A_730, %get3A_731, %get3A_732] {strides = array<i32>} : memref<2x128x64xf32, #tpu.memory_space<vmem>>, vector<16xf32>,
      %get3A_734 = arith.constant 0 : i32
      %get3A_735 = arith.index_cast %get3A_734 : i32 to index
      %get3A_736 = arith.index_cast %add3A_702 : i32 to index
      %get3A_737 = arith.constant 32 : index
      %get3A_738 = tpu.vector_load %arg8[%get3A_735, %get3A_736, %get3A_737] {strides = array<i32>} : memref<2x128x64xf32, #tpu.memory_space<vmem>>, vector<16xf32>,
      %sub3A_739 = arith.subf %get3A_733, %get3A_738 : vector<16xf32>
      %mul3A_740 = arith.mulf %sub3A_739, %sub3A_739 : vector<16xf32>
      %add3A_741 = arith.addf %add3A_685, %mul3A_740 : vector<16xf32>
      %get3A_742 = arith.constant 0 : i32
      %get3A_743 = arith.index_cast %get3A_742 : i32 to index
      %get3A_744 = arith.index_cast %add3A_702 : i32 to index
      %get3A_745 = arith.constant 48 : index
      %get3A_746 = tpu.vector_load %arg7[%get3A_743, %get3A_744, %get3A_745] {strides = array<i32>} : memref<2x128x64xf32, #tpu.memory_space<vmem>>, vector<16xf32>,
      %get3A_747 = arith.constant 0 : i32
      %get3A_748 = arith.index_cast %get3A_747 : i32 to index
      %get3A_749 = arith.index_cast %add3A_702 : i32 to index
      %get3A_750 = arith.constant 48 : index
      %get3A_751 = tpu.vector_load %arg8[%get3A_748, %get3A_749, %get3A_750] {strides = array<i32>} : memref<2x128x64xf32, #tpu.memory_space<vmem>>, vector<16xf32>,
      %sub3A_752 = arith.subf %get3A_746, %get3A_751 : vector<16xf32>
      %mul3A_753 = arith.mulf %sub3A_752, %sub3A_752 : vector<16xf32>
      %add3A_754 = arith.addf %add3A_698, %mul3A_753 : vector<16xf32>
      %mul3A_755 = arith.constant 16 : i32
      %mul3A_756 = arith.muli %scan3A_248, %mul3A_755 : i32
      %add3A_757 = arith.constant 9 : i32
      %add3A_758 = arith.addi %mul3A_756, %add3A_757 : i32
      %get3A_759 = arith.constant 0 : i32
      %get3A_760 = arith.index_cast %get3A_759 : i32 to index
      %get3A_761 = arith.index_cast %add3A_758 : i32 to index
      %get3A_762 = arith.constant 0 : index
      %get3A_763 = tpu.vector_load %arg7[%get3A_760, %get3A_761, %get3A_762] {strides = array<i32>} : memref<2x128x64xf32, #tpu.memory_space<vmem>>, vector<16xf32>,
      %get3A_764 = arith.constant 0 : i32
      %get3A_765 = arith.index_cast %get3A_764 : i32 to index
      %get3A_766 = arith.index_cast %add3A_758 : i32 to index
      %get3A_767 = arith.constant 0 : index
      %get3A_768 = tpu.vector_load %arg8[%get3A_765, %get3A_766, %get3A_767] {strides = array<i32>} : memref<2x128x64xf32, #tpu.memory_space<vmem>>, vector<16xf32>,
      %sub3A_769 = arith.subf %get3A_763, %get3A_768 : vector<16xf32>
      %mul3A_770 = arith.mulf %sub3A_769, %sub3A_769 : vector<16xf32>
      %add3A_771 = arith.addf %add3A_715, %mul3A_770 : vector<16xf32>
      %get3A_772 = arith.constant 0 : i32
      %get3A_773 = arith.index_cast %get3A_772 : i32 to index
      %get3A_774 = arith.index_cast %add3A_758 : i32 to index
      %get3A_775 = arith.constant 16 : index
      %get3A_776 = tpu.vector_load %arg7[%get3A_773, %get3A_774, %get3A_775] {strides = array<i32>} : memref<2x128x64xf32, #tpu.memory_space<vmem>>, vector<16xf32>,
      %get3A_777 = arith.constant 0 : i32
      %get3A_778 = arith.index_cast %get3A_777 : i32 to index
      %get3A_779 = arith.index_cast %add3A_758 : i32 to index
      %get3A_780 = arith.constant 16 : index
      %get3A_781 = tpu.vector_load %arg8[%get3A_778, %get3A_779, %get3A_780] {strides = array<i32>} : memref<2x128x64xf32, #tpu.memory_space<vmem>>, vector<16xf32>,
      %sub3A_782 = arith.subf %get3A_776, %get3A_781 : vector<16xf32>
      %mul3A_783 = arith.mulf %sub3A_782, %sub3A_782 : vector<16xf32>
      %add3A_784 = arith.addf %add3A_728, %mul3A_783 : vector<16xf32>
      %get3A_785 = arith.constant 0 : i32
      %get3A_786 = arith.index_cast %get3A_785 : i32 to index
      %get3A_787 = arith.index_cast %add3A_758 : i32 to index
      %get3A_788 = arith.constant 32 : index
      %get3A_789 = tpu.vector_load %arg7[%get3A_786, %get3A_787, %get3A_788] {strides = array<i32>} : memref<2x128x64xf32, #tpu.memory_space<vmem>>, vector<16xf32>,
      %get3A_790 = arith.constant 0 : i32
      %get3A_791 = arith.index_cast %get3A_790 : i32 to index
      %get3A_792 = arith.index_cast %add3A_758 : i32 to index
      %get3A_793 = arith.constant 32 : index
      %get3A_794 = tpu.vector_load %arg8[%get3A_791, %get3A_792, %get3A_793] {strides = array<i32>} : memref<2x128x64xf32, #tpu.memory_space<vmem>>, vector<16xf32>,
      %sub3A_795 = arith.subf %get3A_789, %get3A_794 : vector<16xf32>
      %mul3A_796 = arith.mulf %sub3A_795, %sub3A_795 : vector<16xf32>
      %add3A_797 = arith.addf %add3A_741, %mul3A_796 : vector<16xf32>
      %get3A_798 = arith.constant 0 : i32
      %get3A_799 = arith.index_cast %get3A_798 : i32 to index
      %get3A_800 = arith.index_cast %add3A_758 : i32 to index
      %get3A_801 = arith.constant 48 : index
      %get3A_802 = tpu.vector_load %arg7[%get3A_799, %get3A_800, %get3A_801] {strides = array<i32>} : memref<2x128x64xf32, #tpu.memory_space<vmem>>, vector<16xf32>,
      %get3A_803 = arith.constant 0 : i32
      %get3A_804 = arith.index_cast %get3A_803 : i32 to index
      %get3A_805 = arith.index_cast %add3A_758 : i32 to index
      %get3A_806 = arith.constant 48 : index
      %get3A_807 = tpu.vector_load %arg8[%get3A_804, %get3A_805, %get3A_806] {strides = array<i32>} : memref<2x128x64xf32, #tpu.memory_space<vmem>>, vector<16xf32>,
      %sub3A_808 = arith.subf %get3A_802, %get3A_807 : vector<16xf32>
      %mul3A_809 = arith.mulf %sub3A_808, %sub3A_808 : vector<16xf32>
      %add3A_810 = arith.addf %add3A_754, %mul3A_809 : vector<16xf32>
      %mul3A_811 = arith.constant 16 : i32
      %mul3A_812 = arith.muli %scan3A_248, %mul3A_811 : i32
      %add3A_813 = arith.constant 10 : i32
      %add3A_814 = arith.addi %mul3A_812, %add3A_813 : i32
      %get3A_815 = arith.constant 0 : i32
      %get3A_816 = arith.index_cast %get3A_815 : i32 to index
      %get3A_817 = arith.index_cast %add3A_814 : i32 to index
      %get3A_818 = arith.constant 0 : index
      %get3A_819 = tpu.vector_load %arg7[%get3A_816, %get3A_817, %get3A_818] {strides = array<i32>} : memref<2x128x64xf32, #tpu.memory_space<vmem>>, vector<16xf32>,
      %get3A_820 = arith.constant 0 : i32
      %get3A_821 = arith.index_cast %get3A_820 : i32 to index
      %get3A_822 = arith.index_cast %add3A_814 : i32 to index
      %get3A_823 = arith.constant 0 : index
      %get3A_824 = tpu.vector_load %arg8[%get3A_821, %get3A_822, %get3A_823] {strides = array<i32>} : memref<2x128x64xf32, #tpu.memory_space<vmem>>, vector<16xf32>,
      %sub3A_825 = arith.subf %get3A_819, %get3A_824 : vector<16xf32>
      %mul3A_826 = arith.mulf %sub3A_825, %sub3A_825 : vector<16xf32>
      %add3A_827 = arith.addf %add3A_771, %mul3A_826 : vector<16xf32>
      %get3A_828 = arith.constant 0 : i32
      %get3A_829 = arith.index_cast %get3A_828 : i32 to index
      %get3A_830 = arith.index_cast %add3A_814 : i32 to index
      %get3A_831 = arith.constant 16 : index
      %get3A_832 = tpu.vector_load %arg7[%get3A_829, %get3A_830, %get3A_831] {strides = array<i32>} : memref<2x128x64xf32, #tpu.memory_space<vmem>>, vector<16xf32>,
      %get3A_833 = arith.constant 0 : i32
      %get3A_834 = arith.index_cast %get3A_833 : i32 to index
      %get3A_835 = arith.index_cast %add3A_814 : i32 to index
      %get3A_836 = arith.constant 16 : index
      %get3A_837 = tpu.vector_load %arg8[%get3A_834, %get3A_835, %get3A_836] {strides = array<i32>} : memref<2x128x64xf32, #tpu.memory_space<vmem>>, vector<16xf32>,
      %sub3A_838 = arith.subf %get3A_832, %get3A_837 : vector<16xf32>
      %mul3A_839 = arith.mulf %sub3A_838, %sub3A_838 : vector<16xf32>
      %add3A_840 = arith.addf %add3A_784, %mul3A_839 : vector<16xf32>
      %get3A_841 = arith.constant 0 : i32
      %get3A_842 = arith.index_cast %get3A_841 : i32 to index
      %get3A_843 = arith.index_cast %add3A_814 : i32 to index
      %get3A_844 = arith.constant 32 : index
      %get3A_845 = tpu.vector_load %arg7[%get3A_842, %get3A_843, %get3A_844] {strides = array<i32>} : memref<2x128x64xf32, #tpu.memory_space<vmem>>, vector<16xf32>,
      %get3A_846 = arith.constant 0 : i32
      %get3A_847 = arith.index_cast %get3A_846 : i32 to index
      %get3A_848 = arith.index_cast %add3A_814 : i32 to index
      %get3A_849 = arith.constant 32 : index
      %get3A_850 = tpu.vector_load %arg8[%get3A_847, %get3A_848, %get3A_849] {strides = array<i32>} : memref<2x128x64xf32, #tpu.memory_space<vmem>>, vector<16xf32>,
      %sub3A_851 = arith.subf %get3A_845, %get3A_850 : vector<16xf32>
      %mul3A_852 = arith.mulf %sub3A_851, %sub3A_851 : vector<16xf32>
      %add3A_853 = arith.addf %add3A_797, %mul3A_852 : vector<16xf32>
      %get3A_854 = arith.constant 0 : i32
      %get3A_855 = arith.index_cast %get3A_854 : i32 to index
      %get3A_856 = arith.index_cast %add3A_814 : i32 to index
      %get3A_857 = arith.constant 48 : index
      %get3A_858 = tpu.vector_load %arg7[%get3A_855, %get3A_856, %get3A_857] {strides = array<i32>} : memref<2x128x64xf32, #tpu.memory_space<vmem>>, vector<16xf32>,
      %get3A_859 = arith.constant 0 : i32
      %get3A_860 = arith.index_cast %get3A_859 : i32 to index
      %get3A_861 = arith.index_cast %add3A_814 : i32 to index
      %get3A_862 = arith.constant 48 : index
      %get3A_863 = tpu.vector_load %arg8[%get3A_860, %get3A_861, %get3A_862] {strides = array<i32>} : memref<2x128x64xf32, #tpu.memory_space<vmem>>, vector<16xf32>,
      %sub3A_864 = arith.subf %get3A_858, %get3A_863 : vector<16xf32>
      %mul3A_865 = arith.mulf %sub3A_864, %sub3A_864 : vector<16xf32>
      %add3A_866 = arith.addf %add3A_810, %mul3A_865 : vector<16xf32>
      %mul3A_867 = arith.constant 16 : i32
      %mul3A_868 = arith.muli %scan3A_248, %mul3A_867 : i32
      %add3A_869 = arith.constant 11 : i32
      %add3A_870 = arith.addi %mul3A_868, %add3A_869 : i32
      %get3A_871 = arith.constant 0 : i32
      %get3A_872 = arith.index_cast %get3A_871 : i32 to index
      %get3A_873 = arith.index_cast %add3A_870 : i32 to index
      %get3A_874 = arith.constant 0 : index
      %get3A_875 = tpu.vector_load %arg7[%get3A_872, %get3A_873, %get3A_874] {strides = array<i32>} : memref<2x128x64xf32, #tpu.memory_space<vmem>>, vector<16xf32>,
      %get3A_876 = arith.constant 0 : i32
      %get3A_877 = arith.index_cast %get3A_876 : i32 to index
      %get3A_878 = arith.index_cast %add3A_870 : i32 to index
      %get3A_879 = arith.constant 0 : index
      %get3A_880 = tpu.vector_load %arg8[%get3A_877, %get3A_878, %get3A_879] {strides = array<i32>} : memref<2x128x64xf32, #tpu.memory_space<vmem>>, vector<16xf32>,
      %sub3A_881 = arith.subf %get3A_875, %get3A_880 : vector<16xf32>
      %mul3A_882 = arith.mulf %sub3A_881, %sub3A_881 : vector<16xf32>
      %add3A_883 = arith.addf %add3A_827, %mul3A_882 : vector<16xf32>
      %get3A_884 = arith.constant 0 : i32
      %get3A_885 = arith.index_cast %get3A_884 : i32 to index
      %get3A_886 = arith.index_cast %add3A_870 : i32 to index
      %get3A_887 = arith.constant 16 : index
      %get3A_888 = tpu.vector_load %arg7[%get3A_885, %get3A_886, %get3A_887] {strides = array<i32>} : memref<2x128x64xf32, #tpu.memory_space<vmem>>, vector<16xf32>,
      %get3A_889 = arith.constant 0 : i32
      %get3A_890 = arith.index_cast %get3A_889 : i32 to index
      %get3A_891 = arith.index_cast %add3A_870 : i32 to index
      %get3A_892 = arith.constant 16 : index
      %get3A_893 = tpu.vector_load %arg8[%get3A_890, %get3A_891, %get3A_892] {strides = array<i32>} : memref<2x128x64xf32, #tpu.memory_space<vmem>>, vector<16xf32>,
      %sub3A_894 = arith.subf %get3A_888, %get3A_893 : vector<16xf32>
      %mul3A_895 = arith.mulf %sub3A_894, %sub3A_894 : vector<16xf32>
      %add3A_896 = arith.addf %add3A_840, %mul3A_895 : vector<16xf32>
      %get3A_897 = arith.constant 0 : i32
      %get3A_898 = arith.index_cast %get3A_897 : i32 to index
      %get3A_899 = arith.index_cast %add3A_870 : i32 to index
      %get3A_900 = arith.constant 32 : index
      %get3A_901 = tpu.vector_load %arg7[%get3A_898, %get3A_899, %get3A_900] {strides = array<i32>} : memref<2x128x64xf32, #tpu.memory_space<vmem>>, vector<16xf32>,
      %get3A_902 = arith.constant 0 : i32
      %get3A_903 = arith.index_cast %get3A_902 : i32 to index
      %get3A_904 = arith.index_cast %add3A_870 : i32 to index
      %get3A_905 = arith.constant 32 : index
      %get3A_906 = tpu.vector_load %arg8[%get3A_903, %get3A_904, %get3A_905] {strides = array<i32>} : memref<2x128x64xf32, #tpu.memory_space<vmem>>, vector<16xf32>,
      %sub3A_907 = arith.subf %get3A_901, %get3A_906 : vector<16xf32>
      %mul3A_908 = arith.mulf %sub3A_907, %sub3A_907 : vector<16xf32>
      %add3A_909 = arith.addf %add3A_853, %mul3A_908 : vector<16xf32>
      %get3A_910 = arith.constant 0 : i32
      %get3A_911 = arith.index_cast %get3A_910 : i32 to index
      %get3A_912 = arith.index_cast %add3A_870 : i32 to index
      %get3A_913 = arith.constant 48 : index
      %get3A_914 = tpu.vector_load %arg7[%get3A_911, %get3A_912, %get3A_913] {strides = array<i32>} : memref<2x128x64xf32, #tpu.memory_space<vmem>>, vector<16xf32>,
      %get3A_915 = arith.constant 0 : i32
      %get3A_916 = arith.index_cast %get3A_915 : i32 to index
      %get3A_917 = arith.index_cast %add3A_870 : i32 to index
      %get3A_918 = arith.constant 48 : index
      %get3A_919 = tpu.vector_load %arg8[%get3A_916, %get3A_917, %get3A_918] {strides = array<i32>} : memref<2x128x64xf32, #tpu.memory_space<vmem>>, vector<16xf32>,
      %sub3A_920 = arith.subf %get3A_914, %get3A_919 : vector<16xf32>
      %mul3A_921 = arith.mulf %sub3A_920, %sub3A_920 : vector<16xf32>
      %add3A_922 = arith.addf %add3A_866, %mul3A_921 : vector<16xf32>
      %mul3A_923 = arith.constant 16 : i32
      %mul3A_924 = arith.muli %scan3A_248, %mul3A_923 : i32
      %add3A_925 = arith.constant 12 : i32
      %add3A_926 = arith.addi %mul3A_924, %add3A_925 : i32
      %get3A_927 = arith.constant 0 : i32
      %get3A_928 = arith.index_cast %get3A_927 : i32 to index
      %get3A_929 = arith.index_cast %add3A_926 : i32 to index
      %get3A_930 = arith.constant 0 : index
      %get3A_931 = tpu.vector_load %arg7[%get3A_928, %get3A_929, %get3A_930] {strides = array<i32>} : memref<2x128x64xf32, #tpu.memory_space<vmem>>, vector<16xf32>,
      %get3A_932 = arith.constant 0 : i32
      %get3A_933 = arith.index_cast %get3A_932 : i32 to index
      %get3A_934 = arith.index_cast %add3A_926 : i32 to index
      %get3A_935 = arith.constant 0 : index
      %get3A_936 = tpu.vector_load %arg8[%get3A_933, %get3A_934, %get3A_935] {strides = array<i32>} : memref<2x128x64xf32, #tpu.memory_space<vmem>>, vector<16xf32>,
      %sub3A_937 = arith.subf %get3A_931, %get3A_936 : vector<16xf32>
      %mul3A_938 = arith.mulf %sub3A_937, %sub3A_937 : vector<16xf32>
      %add3A_939 = arith.addf %add3A_883, %mul3A_938 : vector<16xf32>
      %get3A_940 = arith.constant 0 : i32
      %get3A_941 = arith.index_cast %get3A_940 : i32 to index
      %get3A_942 = arith.index_cast %add3A_926 : i32 to index
      %get3A_943 = arith.constant 16 : index
      %get3A_944 = tpu.vector_load %arg7[%get3A_941, %get3A_942, %get3A_943] {strides = array<i32>} : memref<2x128x64xf32, #tpu.memory_space<vmem>>, vector<16xf32>,
      %get3A_945 = arith.constant 0 : i32
      %get3A_946 = arith.index_cast %get3A_945 : i32 to index
      %get3A_947 = arith.index_cast %add3A_926 : i32 to index
      %get3A_948 = arith.constant 16 : index
      %get3A_949 = tpu.vector_load %arg8[%get3A_946, %get3A_947, %get3A_948] {strides = array<i32>} : memref<2x128x64xf32, #tpu.memory_space<vmem>>, vector<16xf32>,
      %sub3A_950 = arith.subf %get3A_944, %get3A_949 : vector<16xf32>
      %mul3A_951 = arith.mulf %sub3A_950, %sub3A_950 : vector<16xf32>
      %add3A_952 = arith.addf %add3A_896, %mul3A_951 : vector<16xf32>
      %get3A_953 = arith.constant 0 : i32
      %get3A_954 = arith.index_cast %get3A_953 : i32 to index
      %get3A_955 = arith.index_cast %add3A_926 : i32 to index
      %get3A_956 = arith.constant 32 : index
      %get3A_957 = tpu.vector_load %arg7[%get3A_954, %get3A_955, %get3A_956] {strides = array<i32>} : memref<2x128x64xf32, #tpu.memory_space<vmem>>, vector<16xf32>,
      %get3A_958 = arith.constant 0 : i32
      %get3A_959 = arith.index_cast %get3A_958 : i32 to index
      %get3A_960 = arith.index_cast %add3A_926 : i32 to index
      %get3A_961 = arith.constant 32 : index
      %get3A_962 = tpu.vector_load %arg8[%get3A_959, %get3A_960, %get3A_961] {strides = array<i32>} : memref<2x128x64xf32, #tpu.memory_space<vmem>>, vector<16xf32>,
      %sub3A_963 = arith.subf %get3A_957, %get3A_962 : vector<16xf32>
      %mul3A_964 = arith.mulf %sub3A_963, %sub3A_963 : vector<16xf32>
      %add3A_965 = arith.addf %add3A_909, %mul3A_964 : vector<16xf32>
      %get3A_966 = arith.constant 0 : i32
      %get3A_967 = arith.index_cast %get3A_966 : i32 to index
      %get3A_968 = arith.index_cast %add3A_926 : i32 to index
      %get3A_969 = arith.constant 48 : index
      %get3A_970 = tpu.vector_load %arg7[%get3A_967, %get3A_968, %get3A_969] {strides = array<i32>} : memref<2x128x64xf32, #tpu.memory_space<vmem>>, vector<16xf32>,
      %get3A_971 = arith.constant 0 : i32
      %get3A_972 = arith.index_cast %get3A_971 : i32 to index
      %get3A_973 = arith.index_cast %add3A_926 : i32 to index
      %get3A_974 = arith.constant 48 : index
      %get3A_975 = tpu.vector_load %arg8[%get3A_972, %get3A_973, %get3A_974] {strides = array<i32>} : memref<2x128x64xf32, #tpu.memory_space<vmem>>, vector<16xf32>,
      %sub3A_976 = arith.subf %get3A_970, %get3A_975 : vector<16xf32>
      %mul3A_977 = arith.mulf %sub3A_976, %sub3A_976 : vector<16xf32>
      %add3A_978 = arith.addf %add3A_922, %mul3A_977 : vector<16xf32>
      %mul3A_979 = arith.constant 16 : i32
      %mul3A_980 = arith.muli %scan3A_248, %mul3A_979 : i32
      %add3A_981 = arith.constant 13 : i32
      %add3A_982 = arith.addi %mul3A_980, %add3A_981 : i32
      %get3A_983 = arith.constant 0 : i32
      %get3A_984 = arith.index_cast %get3A_983 : i32 to index
      %get3A_985 = arith.index_cast %add3A_982 : i32 to index
      %get3A_986 = arith.constant 0 : index
      %get3A_987 = tpu.vector_load %arg7[%get3A_984, %get3A_985, %get3A_986] {strides = array<i32>} : memref<2x128x64xf32, #tpu.memory_space<vmem>>, vector<16xf32>,
      %get3A_988 = arith.constant 0 : i32
      %get3A_989 = arith.index_cast %get3A_988 : i32 to index
      %get3A_990 = arith.index_cast %add3A_982 : i32 to index
      %get3A_991 = arith.constant 0 : index
      %get3A_992 = tpu.vector_load %arg8[%get3A_989, %get3A_990, %get3A_991] {strides = array<i32>} : memref<2x128x64xf32, #tpu.memory_space<vmem>>, vector<16xf32>,
      %sub3A_993 = arith.subf %get3A_987, %get3A_992 : vector<16xf32>
      %mul3A_994 = arith.mulf %sub3A_993, %sub3A_993 : vector<16xf32>
      %add3A_995 = arith.addf %add3A_939, %mul3A_994 : vector<16xf32>
      %get3A_996 = arith.constant 0 : i32
      %get3A_997 = arith.index_cast %get3A_996 : i32 to index
      %get3A_998 = arith.index_cast %add3A_982 : i32 to index
      %get3A_999 = arith.constant 16 : index
      %get3A_1000 = tpu.vector_load %arg7[%get3A_997, %get3A_998, %get3A_999] {strides = array<i32>} : memref<2x128x64xf32, #tpu.memory_space<vmem>>, vector<16xf32>,
      %get3A_1001 = arith.constant 0 : i32
      %get3A_1002 = arith.index_cast %get3A_1001 : i32 to index
      %get3A_1003 = arith.index_cast %add3A_982 : i32 to index
      %get3A_1004 = arith.constant 16 : index
      %get3A_1005 = tpu.vector_load %arg8[%get3A_1002, %get3A_1003, %get3A_1004] {strides = array<i32>} : memref<2x128x64xf32, #tpu.memory_space<vmem>>, vector<16xf32>,
      %sub3A_1006 = arith.subf %get3A_1000, %get3A_1005 : vector<16xf32>
      %mul3A_1007 = arith.mulf %sub3A_1006, %sub3A_1006 : vector<16xf32>
      %add3A_1008 = arith.addf %add3A_952, %mul3A_1007 : vector<16xf32>
      %get3A_1009 = arith.constant 0 : i32
      %get3A_1010 = arith.index_cast %get3A_1009 : i32 to index
      %get3A_1011 = arith.index_cast %add3A_982 : i32 to index
      %get3A_1012 = arith.constant 32 : index
      %get3A_1013 = tpu.vector_load %arg7[%get3A_1010, %get3A_1011, %get3A_1012] {strides = array<i32>} : memref<2x128x64xf32, #tpu.memory_space<vmem>>, vector<16xf32>,
      %get3A_1014 = arith.constant 0 : i32
      %get3A_1015 = arith.index_cast %get3A_1014 : i32 to index
      %get3A_1016 = arith.index_cast %add3A_982 : i32 to index
      %get3A_1017 = arith.constant 32 : index
      %get3A_1018 = tpu.vector_load %arg8[%get3A_1015, %get3A_1016, %get3A_1017] {strides = array<i32>} : memref<2x128x64xf32, #tpu.memory_space<vmem>>, vector<16xf32>,
      %sub3A_1019 = arith.subf %get3A_1013, %get3A_1018 : vector<16xf32>
      %mul3A_1020 = arith.mulf %sub3A_1019, %sub3A_1019 : vector<16xf32>
      %add3A_1021 = arith.addf %add3A_965, %mul3A_1020 : vector<16xf32>
      %get3A_1022 = arith.constant 0 : i32
      %get3A_1023 = arith.index_cast %get3A_1022 : i32 to index
      %get3A_1024 = arith.index_cast %add3A_982 : i32 to index
      %get3A_1025 = arith.constant 48 : index
      %get3A_1026 = tpu.vector_load %arg7[%get3A_1023, %get3A_1024, %get3A_1025] {strides = array<i32>} : memref<2x128x64xf32, #tpu.memory_space<vmem>>, vector<16xf32>,
      %get3A_1027 = arith.constant 0 : i32
      %get3A_1028 = arith.index_cast %get3A_1027 : i32 to index
      %get3A_1029 = arith.index_cast %add3A_982 : i32 to index
      %get3A_1030 = arith.constant 48 : index
      %get3A_1031 = tpu.vector_load %arg8[%get3A_1028, %get3A_1029, %get3A_1030] {strides = array<i32>} : memref<2x128x64xf32, #tpu.memory_space<vmem>>, vector<16xf32>,
      %sub3A_1032 = arith.subf %get3A_1026, %get3A_1031 : vector<16xf32>
      %mul3A_1033 = arith.mulf %sub3A_1032, %sub3A_1032 : vector<16xf32>
      %add3A_1034 = arith.addf %add3A_978, %mul3A_1033 : vector<16xf32>
      %mul3A_1035 = arith.constant 16 : i32
      %mul3A_1036 = arith.muli %scan3A_248, %mul3A_1035 : i32
      %add3A_1037 = arith.constant 14 : i32
      %add3A_1038 = arith.addi %mul3A_1036, %add3A_1037 : i32
      %get3A_1039 = arith.constant 0 : i32
      %get3A_1040 = arith.index_cast %get3A_1039 : i32 to index
      %get3A_1041 = arith.index_cast %add3A_1038 : i32 to index
      %get3A_1042 = arith.constant 0 : index
      %get3A_1043 = tpu.vector_load %arg7[%get3A_1040, %get3A_1041, %get3A_1042] {strides = array<i32>} : memref<2x128x64xf32, #tpu.memory_space<vmem>>, vector<16xf32>,
      %get3A_1044 = arith.constant 0 : i32
      %get3A_1045 = arith.index_cast %get3A_1044 : i32 to index
      %get3A_1046 = arith.index_cast %add3A_1038 : i32 to index
      %get3A_1047 = arith.constant 0 : index
      %get3A_1048 = tpu.vector_load %arg8[%get3A_1045, %get3A_1046, %get3A_1047] {strides = array<i32>} : memref<2x128x64xf32, #tpu.memory_space<vmem>>, vector<16xf32>,
      %sub3A_1049 = arith.subf %get3A_1043, %get3A_1048 : vector<16xf32>
      %mul3A_1050 = arith.mulf %sub3A_1049, %sub3A_1049 : vector<16xf32>
      %add3A_1051 = arith.addf %add3A_995, %mul3A_1050 : vector<16xf32>
      %get3A_1052 = arith.constant 0 : i32
      %get3A_1053 = arith.index_cast %get3A_1052 : i32 to index
      %get3A_1054 = arith.index_cast %add3A_1038 : i32 to index
      %get3A_1055 = arith.constant 16 : index
      %get3A_1056 = tpu.vector_load %arg7[%get3A_1053, %get3A_1054, %get3A_1055] {strides = array<i32>} : memref<2x128x64xf32, #tpu.memory_space<vmem>>, vector<16xf32>,
      %get3A_1057 = arith.constant 0 : i32
      %get3A_1058 = arith.index_cast %get3A_1057 : i32 to index
      %get3A_1059 = arith.index_cast %add3A_1038 : i32 to index
      %get3A_1060 = arith.constant 16 : index
      %get3A_1061 = tpu.vector_load %arg8[%get3A_1058, %get3A_1059, %get3A_1060] {strides = array<i32>} : memref<2x128x64xf32, #tpu.memory_space<vmem>>, vector<16xf32>,
      %sub3A_1062 = arith.subf %get3A_1056, %get3A_1061 : vector<16xf32>
      %mul3A_1063 = arith.mulf %sub3A_1062, %sub3A_1062 : vector<16xf32>
      %add3A_1064 = arith.addf %add3A_1008, %mul3A_1063 : vector<16xf32>
      %get3A_1065 = arith.constant 0 : i32
      %get3A_1066 = arith.index_cast %get3A_1065 : i32 to index
      %get3A_1067 = arith.index_cast %add3A_1038 : i32 to index
      %get3A_1068 = arith.constant 32 : index
      %get3A_1069 = tpu.vector_load %arg7[%get3A_1066, %get3A_1067, %get3A_1068] {strides = array<i32>} : memref<2x128x64xf32, #tpu.memory_space<vmem>>, vector<16xf32>,
      %get3A_1070 = arith.constant 0 : i32
      %get3A_1071 = arith.index_cast %get3A_1070 : i32 to index
      %get3A_1072 = arith.index_cast %add3A_1038 : i32 to index
      %get3A_1073 = arith.constant 32 : index
      %get3A_1074 = tpu.vector_load %arg8[%get3A_1071, %get3A_1072, %get3A_1073] {strides = array<i32>} : memref<2x128x64xf32, #tpu.memory_space<vmem>>, vector<16xf32>,
      %sub3A_1075 = arith.subf %get3A_1069, %get3A_1074 : vector<16xf32>
      %mul3A_1076 = arith.mulf %sub3A_1075, %sub3A_1075 : vector<16xf32>
      %add3A_1077 = arith.addf %add3A_1021, %mul3A_1076 : vector<16xf32>
      %get3A_1078 = arith.constant 0 : i32
      %get3A_1079 = arith.index_cast %get3A_1078 : i32 to index
      %get3A_1080 = arith.index_cast %add3A_1038 : i32 to index
      %get3A_1081 = arith.constant 48 : index
      %get3A_1082 = tpu.vector_load %arg7[%get3A_1079, %get3A_1080, %get3A_1081] {strides = array<i32>} : memref<2x128x64xf32, #tpu.memory_space<vmem>>, vector<16xf32>,
      %get3A_1083 = arith.constant 0 : i32
      %get3A_1084 = arith.index_cast %get3A_1083 : i32 to index
      %get3A_1085 = arith.index_cast %add3A_1038 : i32 to index
      %get3A_1086 = arith.constant 48 : index
      %get3A_1087 = tpu.vector_load %arg8[%get3A_1084, %get3A_1085, %get3A_1086] {strides = array<i32>} : memref<2x128x64xf32, #tpu.memory_space<vmem>>, vector<16xf32>,
      %sub3A_1088 = arith.subf %get3A_1082, %get3A_1087 : vector<16xf32>
      %mul3A_1089 = arith.mulf %sub3A_1088, %sub3A_1088 : vector<16xf32>
      %add3A_1090 = arith.addf %add3A_1034, %mul3A_1089 : vector<16xf32>
      %mul3A_1091 = arith.constant 16 : i32
      %mul3A_1092 = arith.muli %scan3A_248, %mul3A_1091 : i32
      %add3A_1093 = arith.constant 15 : i32
      %add3A_1094 = arith.addi %mul3A_1092, %add3A_1093 : i32
      %get3A_1095 = arith.constant 0 : i32
      %get3A_1096 = arith.index_cast %get3A_1095 : i32 to index
      %get3A_1097 = arith.index_cast %add3A_1094 : i32 to index
      %get3A_1098 = arith.constant 0 : index
      %get3A_1099 = tpu.vector_load %arg7[%get3A_1096, %get3A_1097, %get3A_1098] {strides = array<i32>} : memref<2x128x64xf32, #tpu.memory_space<vmem>>, vector<16xf32>,
      %get3A_1100 = arith.constant 0 : i32
      %get3A_1101 = arith.index_cast %get3A_1100 : i32 to index
      %get3A_1102 = arith.index_cast %add3A_1094 : i32 to index
      %get3A_1103 = arith.constant 0 : index
      %get3A_1104 = tpu.vector_load %arg8[%get3A_1101, %get3A_1102, %get3A_1103] {strides = array<i32>} : memref<2x128x64xf32, #tpu.memory_space<vmem>>, vector<16xf32>,
      %sub3A_1105 = arith.subf %get3A_1099, %get3A_1104 : vector<16xf32>
      %mul3A_1106 = arith.mulf %sub3A_1105, %sub3A_1105 : vector<16xf32>
      %add3A_1107 = arith.addf %add3A_1051, %mul3A_1106 : vector<16xf32>
      %get3A_1108 = arith.constant 0 : i32
      %get3A_1109 = arith.index_cast %get3A_1108 : i32 to index
      %get3A_1110 = arith.index_cast %add3A_1094 : i32 to index
      %get3A_1111 = arith.constant 16 : index
      %get3A_1112 = tpu.vector_load %arg7[%get3A_1109, %get3A_1110, %get3A_1111] {strides = array<i32>} : memref<2x128x64xf32, #tpu.memory_space<vmem>>, vector<16xf32>,
      %get3A_1113 = arith.constant 0 : i32
      %get3A_1114 = arith.index_cast %get3A_1113 : i32 to index
      %get3A_1115 = arith.index_cast %add3A_1094 : i32 to index
      %get3A_1116 = arith.constant 16 : index
      %get3A_1117 = tpu.vector_load %arg8[%get3A_1114, %get3A_1115, %get3A_1116] {strides = array<i32>} : memref<2x128x64xf32, #tpu.memory_space<vmem>>, vector<16xf32>,
      %sub3A_1118 = arith.subf %get3A_1112, %get3A_1117 : vector<16xf32>
      %mul3A_1119 = arith.mulf %sub3A_1118, %sub3A_1118 : vector<16xf32>
      %add3A_1120 = arith.addf %add3A_1064, %mul3A_1119 : vector<16xf32>
      %get3A_1121 = arith.constant 0 : i32
      %get3A_1122 = arith.index_cast %get3A_1121 : i32 to index
      %get3A_1123 = arith.index_cast %add3A_1094 : i32 to index
      %get3A_1124 = arith.constant 32 : index
      %get3A_1125 = tpu.vector_load %arg7[%get3A_1122, %get3A_1123, %get3A_1124] {strides = array<i32>} : memref<2x128x64xf32, #tpu.memory_space<vmem>>, vector<16xf32>,
      %get3A_1126 = arith.constant 0 : i32
      %get3A_1127 = arith.index_cast %get3A_1126 : i32 to index
      %get3A_1128 = arith.index_cast %add3A_1094 : i32 to index
      %get3A_1129 = arith.constant 32 : index
      %get3A_1130 = tpu.vector_load %arg8[%get3A_1127, %get3A_1128, %get3A_1129] {strides = array<i32>} : memref<2x128x64xf32, #tpu.memory_space<vmem>>, vector<16xf32>,
      %sub3A_1131 = arith.subf %get3A_1125, %get3A_1130 : vector<16xf32>
      %mul3A_1132 = arith.mulf %sub3A_1131, %sub3A_1131 : vector<16xf32>
      %add3A_1133 = arith.addf %add3A_1077, %mul3A_1132 : vector<16xf32>
      %get3A_1134 = arith.constant 0 : i32
      %get3A_1135 = arith.index_cast %get3A_1134 : i32 to index
      %get3A_1136 = arith.index_cast %add3A_1094 : i32 to index
      %get3A_1137 = arith.constant 48 : index
      %get3A_1138 = tpu.vector_load %arg7[%get3A_1135, %get3A_1136, %get3A_1137] {strides = array<i32>} : memref<2x128x64xf32, #tpu.memory_space<vmem>>, vector<16xf32>,
      %get3A_1139 = arith.constant 0 : i32
      %get3A_1140 = arith.index_cast %get3A_1139 : i32 to index
      %get3A_1141 = arith.index_cast %add3A_1094 : i32 to index
      %get3A_1142 = arith.constant 48 : index
      %get3A_1143 = tpu.vector_load %arg8[%get3A_1140, %get3A_1141, %get3A_1142] {strides = array<i32>} : memref<2x128x64xf32, #tpu.memory_space<vmem>>, vector<16xf32>,
      %sub3A_1144 = arith.subf %get3A_1138, %get3A_1143 : vector<16xf32>
      %mul3A_1145 = arith.mulf %sub3A_1144, %sub3A_1144 : vector<16xf32>
      %add3A_1146 = arith.addf %add3A_1090, %mul3A_1145 : vector<16xf32>
      scf.yield %add3A_1107, %add3A_1120, %add3A_1133, %add3A_1146 : vector<16xf32>, vector<16xf32>, vector<16xf32>, vector<16xf32>
    }
    %scan3A_212 = arith.constant 8 : i32
    %dma_wait3A_213 = arith.constant 1 : i32
    %dma_wait3A_214 = arith.constant 0 : i32
    %dma_wait3A_215 = arith.constant 0 : i32
    %dma_wait3A_216 = tpu.memref_slice %arg7[%dma_wait3A_213, %dma_wait3A_214, %dma_wait3A_215] : memref<2x128x64xf32, #tpu.memory_space<vmem>> -> memref<1x128x64xf32, #tpu.memory_space<vmem>>
    %dma_wait3A_217 = tpu.memref_squeeze %dma_wait3A_216 : memref<1x128x64xf32, #tpu.memory_space<vmem>> -> memref<128x64xf32, #tpu.memory_space<vmem>>
    %dma_wait3A_218 = arith.constant 0 : i32
    %dma_wait3A_219 = tpu.memref_slice %arg2[%add3A_156, %dma_wait3A_218] : memref<16384x64xf32, #tpu.memory_space<hbm>> -> memref<128x64xf32, #tpu.memory_space<hbm>>
    %dma_wait3A_220 = arith.constant 0 : i32
    %dma_wait3A_221 = arith.constant 0 : i32
    %dma_wait3A_222 = tpu.memref_slice %arg7[%dma_wait3A_213, %dma_wait3A_220, %dma_wait3A_221] : memref<2x128x64xf32, #tpu.memory_space<vmem>> -> memref<1x128x64xf32, #tpu.memory_space<vmem>>
    %dma_wait3A_223 = tpu.memref_squeeze %dma_wait3A_222 : memref<1x128x64xf32, #tpu.memory_space<vmem>> -> memref<128x64xf32, #tpu.memory_space<vmem>>
    %dma_wait3A_224 = arith.constant 0 : i32
    %dma_wait3A_225 = tpu.memref_slice %arg2[%add3A_156, %dma_wait3A_224] : memref<16384x64xf32, #tpu.memory_space<hbm>> -> memref<128x64xf32, #tpu.memory_space<hbm>>
    tpu.wait_dma2 semaphore(%arg11 : memref<!tpu.dma_semaphore, #tpu.memory_space<semaphore_mem>>) src(%dma_wait3A_225 : memref<128x64xf32, #tpu.memory_space<hbm>>) dst(%dma_wait3A_223 : memref<128x64xf32, #tpu.memory_space<vmem>>)
    %dma_wait3A_226 = arith.constant 3 : i32
    %dma_wait3A_227 = arith.constant 1 : i32
    %dma_wait3A_228 = arith.constant 0 : i32
    %dma_wait3A_229 = arith.constant 0 : i32
    %dma_wait3A_230 = tpu.memref_slice %arg8[%dma_wait3A_227, %dma_wait3A_228, %dma_wait3A_229] : memref<2x128x64xf32, #tpu.memory_space<vmem>> -> memref<1x128x64xf32, #tpu.memory_space<vmem>>
    %dma_wait3A_231 = tpu.memref_squeeze %dma_wait3A_230 : memref<1x128x64xf32, #tpu.memory_space<vmem>> -> memref<128x64xf32, #tpu.memory_space<vmem>>
    %dma_wait3A_232 = arith.constant 0 : i32
    %dma_wait3A_233 = tpu.memref_slice %arg6[%dma_wait3A_226, %dma_wait3A_232] : memref<4x128xi32, #tpu.memory_space<vmem>> -> memref<1x128xi32, #tpu.memory_space<vmem>>
    %dma_wait3A_234 = tpu.memref_squeeze %dma_wait3A_233 : memref<1x128xi32, #tpu.memory_space<vmem>> -> memref<128xi32, #tpu.memory_space<vmem>>
    %dma_wait3A_235 = arith.constant 0 : i32
    %dma_wait3A_236 = arith.constant 0 : i32
    %dma_wait3A_237 = tpu.memref_slice %arg4[%dma_wait3A_235, %dma_wait3A_236] : memref<100000x64xf32, #tpu.memory_space<hbm>> -> memref<100000x64xf32, #tpu.memory_space<hbm>>
    tpu.wait_indirect_dma semaphore(%arg11 : memref<!tpu.dma_semaphore, #tpu.memory_space<semaphore_mem>>) src(%dma_wait3A_237 : memref<100000x64xf32, #tpu.memory_space<hbm>>) dst(%dma_wait3A_231 : memref<128x64xf32, #tpu.memory_space<vmem>>)
    %scan3A_238 = arith.constant 0 : i32
    %scan3A_239 = arith.constant 8 : i32
    %scan3A_240 = arith.addi %scan3A_238, %scan3A_239 : i32
    %scan3A_241 = arith.constant 1 : i32
    %scan3A_242:4 = scf.for %scan3A_248 = %scan3A_238 to %scan3A_240 step %scan3A_241 iter_args(%scan3A_249 = %scan3A_211#0, %scan3A_250 = %scan3A_211#1, %scan3A_251 = %scan3A_211#2, %scan3A_252 = %scan3A_211#3) -> (vector<16xf32>, vector<16xf32>, vector<16xf32>, vector<16xf32>)  : i32 {
      %mul3A_253 = arith.constant 16 : i32
      %mul3A_254 = arith.muli %scan3A_248, %mul3A_253 : i32
      %add3A_255 = arith.constant 0 : i32
      %add3A_256 = arith.addi %mul3A_254, %add3A_255 : i32
      %get3A = arith.constant 1 : i32
      %get3A_257 = arith.index_cast %get3A : i32 to index
      %get3A_258 = arith.index_cast %add3A_256 : i32 to index
      %get3A_259 = arith.constant 0 : index
      %get3A_260 = tpu.vector_load %arg7[%get3A_257, %get3A_258, %get3A_259] {strides = array<i32>} : memref<2x128x64xf32, #tpu.memory_space<vmem>>, vector<16xf32>,
      %get3A_261 = arith.constant 1 : i32
      %get3A_262 = arith.index_cast %get3A_261 : i32 to index
      %get3A_263 = arith.index_cast %add3A_256 : i32 to index
      %get3A_264 = arith.constant 0 : index
      %get3A_265 = tpu.vector_load %arg8[%get3A_262, %get3A_263, %get3A_264] {strides = array<i32>} : memref<2x128x64xf32, #tpu.memory_space<vmem>>, vector<16xf32>,
      %sub3A = arith.subf %get3A_260, %get3A_265 : vector<16xf32>
      %mul3A_266 = arith.mulf %sub3A, %sub3A : vector<16xf32>
      %add3A_267 = arith.addf %scan3A_249, %mul3A_266 : vector<16xf32>
      %get3A_268 = arith.constant 1 : i32
      %get3A_269 = arith.index_cast %get3A_268 : i32 to index
      %get3A_270 = arith.index_cast %add3A_256 : i32 to index
      %get3A_271 = arith.constant 16 : index
      %get3A_272 = tpu.vector_load %arg7[%get3A_269, %get3A_270, %get3A_271] {strides = array<i32>} : memref<2x128x64xf32, #tpu.memory_space<vmem>>, vector<16xf32>,
      %get3A_273 = arith.constant 1 : i32
      %get3A_274 = arith.index_cast %get3A_273 : i32 to index
      %get3A_275 = arith.index_cast %add3A_256 : i32 to index
      %get3A_276 = arith.constant 16 : index
      %get3A_277 = tpu.vector_load %arg8[%get3A_274, %get3A_275, %get3A_276] {strides = array<i32>} : memref<2x128x64xf32, #tpu.memory_space<vmem>>, vector<16xf32>,
      %sub3A_278 = arith.subf %get3A_272, %get3A_277 : vector<16xf32>
      %mul3A_279 = arith.mulf %sub3A_278, %sub3A_278 : vector<16xf32>
      %add3A_280 = arith.addf %scan3A_250, %mul3A_279 : vector<16xf32>
      %get3A_281 = arith.constant 1 : i32
      %get3A_282 = arith.index_cast %get3A_281 : i32 to index
      %get3A_283 = arith.index_cast %add3A_256 : i32 to index
      %get3A_284 = arith.constant 32 : index
      %get3A_285 = tpu.vector_load %arg7[%get3A_282, %get3A_283, %get3A_284] {strides = array<i32>} : memref<2x128x64xf32, #tpu.memory_space<vmem>>, vector<16xf32>,
      %get3A_286 = arith.constant 1 : i32
      %get3A_287 = arith.index_cast %get3A_286 : i32 to index
      %get3A_288 = arith.index_cast %add3A_256 : i32 to index
      %get3A_289 = arith.constant 32 : index
      %get3A_290 = tpu.vector_load %arg8[%get3A_287, %get3A_288, %get3A_289] {strides = array<i32>} : memref<2x128x64xf32, #tpu.memory_space<vmem>>, vector<16xf32>,
      %sub3A_291 = arith.subf %get3A_285, %get3A_290 : vector<16xf32>
      %mul3A_292 = arith.mulf %sub3A_291, %sub3A_291 : vector<16xf32>
      %add3A_293 = arith.addf %scan3A_251, %mul3A_292 : vector<16xf32>
      %get3A_294 = arith.constant 1 : i32
      %get3A_295 = arith.index_cast %get3A_294 : i32 to index
      %get3A_296 = arith.index_cast %add3A_256 : i32 to index
      %get3A_297 = arith.constant 48 : index
      %get3A_298 = tpu.vector_load %arg7[%get3A_295, %get3A_296, %get3A_297] {strides = array<i32>} : memref<2x128x64xf32, #tpu.memory_space<vmem>>, vector<16xf32>,
      %get3A_299 = arith.constant 1 : i32
      %get3A_300 = arith.index_cast %get3A_299 : i32 to index
      %get3A_301 = arith.index_cast %add3A_256 : i32 to index
      %get3A_302 = arith.constant 48 : index
      %get3A_303 = tpu.vector_load %arg8[%get3A_300, %get3A_301, %get3A_302] {strides = array<i32>} : memref<2x128x64xf32, #tpu.memory_space<vmem>>, vector<16xf32>,
      %sub3A_304 = arith.subf %get3A_298, %get3A_303 : vector<16xf32>
      %mul3A_305 = arith.mulf %sub3A_304, %sub3A_304 : vector<16xf32>
      %add3A_306 = arith.addf %scan3A_252, %mul3A_305 : vector<16xf32>
      %mul3A_307 = arith.constant 16 : i32
      %mul3A_308 = arith.muli %scan3A_248, %mul3A_307 : i32
      %add3A_309 = arith.constant 1 : i32
      %add3A_310 = arith.addi %mul3A_308, %add3A_309 : i32
      %get3A_311 = arith.constant 1 : i32
      %get3A_312 = arith.index_cast %get3A_311 : i32 to index
      %get3A_313 = arith.index_cast %add3A_310 : i32 to index
      %get3A_314 = arith.constant 0 : index
      %get3A_315 = tpu.vector_load %arg7[%get3A_312, %get3A_313, %get3A_314] {strides = array<i32>} : memref<2x128x64xf32, #tpu.memory_space<vmem>>, vector<16xf32>,
      %get3A_316 = arith.constant 1 : i32
      %get3A_317 = arith.index_cast %get3A_316 : i32 to index
      %get3A_318 = arith.index_cast %add3A_310 : i32 to index
      %get3A_319 = arith.constant 0 : index
      %get3A_320 = tpu.vector_load %arg8[%get3A_317, %get3A_318, %get3A_319] {strides = array<i32>} : memref<2x128x64xf32, #tpu.memory_space<vmem>>, vector<16xf32>,
      %sub3A_321 = arith.subf %get3A_315, %get3A_320 : vector<16xf32>
      %mul3A_322 = arith.mulf %sub3A_321, %sub3A_321 : vector<16xf32>
      %add3A_323 = arith.addf %add3A_267, %mul3A_322 : vector<16xf32>
      %get3A_324 = arith.constant 1 : i32
      %get3A_325 = arith.index_cast %get3A_324 : i32 to index
      %get3A_326 = arith.index_cast %add3A_310 : i32 to index
      %get3A_327 = arith.constant 16 : index
      %get3A_328 = tpu.vector_load %arg7[%get3A_325, %get3A_326, %get3A_327] {strides = array<i32>} : memref<2x128x64xf32, #tpu.memory_space<vmem>>, vector<16xf32>,
      %get3A_329 = arith.constant 1 : i32
      %get3A_330 = arith.index_cast %get3A_329 : i32 to index
      %get3A_331 = arith.index_cast %add3A_310 : i32 to index
      %get3A_332 = arith.constant 16 : index
      %get3A_333 = tpu.vector_load %arg8[%get3A_330, %get3A_331, %get3A_332] {strides = array<i32>} : memref<2x128x64xf32, #tpu.memory_space<vmem>>, vector<16xf32>,
      %sub3A_334 = arith.subf %get3A_328, %get3A_333 : vector<16xf32>
      %mul3A_335 = arith.mulf %sub3A_334, %sub3A_334 : vector<16xf32>
      %add3A_336 = arith.addf %add3A_280, %mul3A_335 : vector<16xf32>
      %get3A_337 = arith.constant 1 : i32
      %get3A_338 = arith.index_cast %get3A_337 : i32 to index
      %get3A_339 = arith.index_cast %add3A_310 : i32 to index
      %get3A_340 = arith.constant 32 : index
      %get3A_341 = tpu.vector_load %arg7[%get3A_338, %get3A_339, %get3A_340] {strides = array<i32>} : memref<2x128x64xf32, #tpu.memory_space<vmem>>, vector<16xf32>,
      %get3A_342 = arith.constant 1 : i32
      %get3A_343 = arith.index_cast %get3A_342 : i32 to index
      %get3A_344 = arith.index_cast %add3A_310 : i32 to index
      %get3A_345 = arith.constant 32 : index
      %get3A_346 = tpu.vector_load %arg8[%get3A_343, %get3A_344, %get3A_345] {strides = array<i32>} : memref<2x128x64xf32, #tpu.memory_space<vmem>>, vector<16xf32>,
      %sub3A_347 = arith.subf %get3A_341, %get3A_346 : vector<16xf32>
      %mul3A_348 = arith.mulf %sub3A_347, %sub3A_347 : vector<16xf32>
      %add3A_349 = arith.addf %add3A_293, %mul3A_348 : vector<16xf32>
      %get3A_350 = arith.constant 1 : i32
      %get3A_351 = arith.index_cast %get3A_350 : i32 to index
      %get3A_352 = arith.index_cast %add3A_310 : i32 to index
      %get3A_353 = arith.constant 48 : index
      %get3A_354 = tpu.vector_load %arg7[%get3A_351, %get3A_352, %get3A_353] {strides = array<i32>} : memref<2x128x64xf32, #tpu.memory_space<vmem>>, vector<16xf32>,
      %get3A_355 = arith.constant 1 : i32
      %get3A_356 = arith.index_cast %get3A_355 : i32 to index
      %get3A_357 = arith.index_cast %add3A_310 : i32 to index
      %get3A_358 = arith.constant 48 : index
      %get3A_359 = tpu.vector_load %arg8[%get3A_356, %get3A_357, %get3A_358] {strides = array<i32>} : memref<2x128x64xf32, #tpu.memory_space<vmem>>, vector<16xf32>,
      %sub3A_360 = arith.subf %get3A_354, %get3A_359 : vector<16xf32>
      %mul3A_361 = arith.mulf %sub3A_360, %sub3A_360 : vector<16xf32>
      %add3A_362 = arith.addf %add3A_306, %mul3A_361 : vector<16xf32>
      %mul3A_363 = arith.constant 16 : i32
      %mul3A_364 = arith.muli %scan3A_248, %mul3A_363 : i32
      %add3A_365 = arith.constant 2 : i32
      %add3A_366 = arith.addi %mul3A_364, %add3A_365 : i32
      %get3A_367 = arith.constant 1 : i32
      %get3A_368 = arith.index_cast %get3A_367 : i32 to index
      %get3A_369 = arith.index_cast %add3A_366 : i32 to index
      %get3A_370 = arith.constant 0 : index
      %get3A_371 = tpu.vector_load %arg7[%get3A_368, %get3A_369, %get3A_370] {strides = array<i32>} : memref<2x128x64xf32, #tpu.memory_space<vmem>>, vector<16xf32>,
      %get3A_372 = arith.constant 1 : i32
      %get3A_373 = arith.index_cast %get3A_372 : i32 to index
      %get3A_374 = arith.index_cast %add3A_366 : i32 to index
      %get3A_375 = arith.constant 0 : index
      %get3A_376 = tpu.vector_load %arg8[%get3A_373, %get3A_374, %get3A_375] {strides = array<i32>} : memref<2x128x64xf32, #tpu.memory_space<vmem>>, vector<16xf32>,
      %sub3A_377 = arith.subf %get3A_371, %get3A_376 : vector<16xf32>
      %mul3A_378 = arith.mulf %sub3A_377, %sub3A_377 : vector<16xf32>
      %add3A_379 = arith.addf %add3A_323, %mul3A_378 : vector<16xf32>
      %get3A_380 = arith.constant 1 : i32
      %get3A_381 = arith.index_cast %get3A_380 : i32 to index
      %get3A_382 = arith.index_cast %add3A_366 : i32 to index
      %get3A_383 = arith.constant 16 : index
      %get3A_384 = tpu.vector_load %arg7[%get3A_381, %get3A_382, %get3A_383] {strides = array<i32>} : memref<2x128x64xf32, #tpu.memory_space<vmem>>, vector<16xf32>,
      %get3A_385 = arith.constant 1 : i32
      %get3A_386 = arith.index_cast %get3A_385 : i32 to index
      %get3A_387 = arith.index_cast %add3A_366 : i32 to index
      %get3A_388 = arith.constant 16 : index
      %get3A_389 = tpu.vector_load %arg8[%get3A_386, %get3A_387, %get3A_388] {strides = array<i32>} : memref<2x128x64xf32, #tpu.memory_space<vmem>>, vector<16xf32>,
      %sub3A_390 = arith.subf %get3A_384, %get3A_389 : vector<16xf32>
      %mul3A_391 = arith.mulf %sub3A_390, %sub3A_390 : vector<16xf32>
      %add3A_392 = arith.addf %add3A_336, %mul3A_391 : vector<16xf32>
      %get3A_393 = arith.constant 1 : i32
      %get3A_394 = arith.index_cast %get3A_393 : i32 to index
      %get3A_395 = arith.index_cast %add3A_366 : i32 to index
      %get3A_396 = arith.constant 32 : index
      %get3A_397 = tpu.vector_load %arg7[%get3A_394, %get3A_395, %get3A_396] {strides = array<i32>} : memref<2x128x64xf32, #tpu.memory_space<vmem>>, vector<16xf32>,
      %get3A_398 = arith.constant 1 : i32
      %get3A_399 = arith.index_cast %get3A_398 : i32 to index
      %get3A_400 = arith.index_cast %add3A_366 : i32 to index
      %get3A_401 = arith.constant 32 : index
      %get3A_402 = tpu.vector_load %arg8[%get3A_399, %get3A_400, %get3A_401] {strides = array<i32>} : memref<2x128x64xf32, #tpu.memory_space<vmem>>, vector<16xf32>,
      %sub3A_403 = arith.subf %get3A_397, %get3A_402 : vector<16xf32>
      %mul3A_404 = arith.mulf %sub3A_403, %sub3A_403 : vector<16xf32>
      %add3A_405 = arith.addf %add3A_349, %mul3A_404 : vector<16xf32>
      %get3A_406 = arith.constant 1 : i32
      %get3A_407 = arith.index_cast %get3A_406 : i32 to index
      %get3A_408 = arith.index_cast %add3A_366 : i32 to index
      %get3A_409 = arith.constant 48 : index
      %get3A_410 = tpu.vector_load %arg7[%get3A_407, %get3A_408, %get3A_409] {strides = array<i32>} : memref<2x128x64xf32, #tpu.memory_space<vmem>>, vector<16xf32>,
      %get3A_411 = arith.constant 1 : i32
      %get3A_412 = arith.index_cast %get3A_411 : i32 to index
      %get3A_413 = arith.index_cast %add3A_366 : i32 to index
      %get3A_414 = arith.constant 48 : index
      %get3A_415 = tpu.vector_load %arg8[%get3A_412, %get3A_413, %get3A_414] {strides = array<i32>} : memref<2x128x64xf32, #tpu.memory_space<vmem>>, vector<16xf32>,
      %sub3A_416 = arith.subf %get3A_410, %get3A_415 : vector<16xf32>
      %mul3A_417 = arith.mulf %sub3A_416, %sub3A_416 : vector<16xf32>
      %add3A_418 = arith.addf %add3A_362, %mul3A_417 : vector<16xf32>
      %mul3A_419 = arith.constant 16 : i32
      %mul3A_420 = arith.muli %scan3A_248, %mul3A_419 : i32
      %add3A_421 = arith.constant 3 : i32
      %add3A_422 = arith.addi %mul3A_420, %add3A_421 : i32
      %get3A_423 = arith.constant 1 : i32
      %get3A_424 = arith.index_cast %get3A_423 : i32 to index
      %get3A_425 = arith.index_cast %add3A_422 : i32 to index
      %get3A_426 = arith.constant 0 : index
      %get3A_427 = tpu.vector_load %arg7[%get3A_424, %get3A_425, %get3A_426] {strides = array<i32>} : memref<2x128x64xf32, #tpu.memory_space<vmem>>, vector<16xf32>,
      %get3A_428 = arith.constant 1 : i32
      %get3A_429 = arith.index_cast %get3A_428 : i32 to index
      %get3A_430 = arith.index_cast %add3A_422 : i32 to index
      %get3A_431 = arith.constant 0 : index
      %get3A_432 = tpu.vector_load %arg8[%get3A_429, %get3A_430, %get3A_431] {strides = array<i32>} : memref<2x128x64xf32, #tpu.memory_space<vmem>>, vector<16xf32>,
      %sub3A_433 = arith.subf %get3A_427, %get3A_432 : vector<16xf32>
      %mul3A_434 = arith.mulf %sub3A_433, %sub3A_433 : vector<16xf32>
      %add3A_435 = arith.addf %add3A_379, %mul3A_434 : vector<16xf32>
      %get3A_436 = arith.constant 1 : i32
      %get3A_437 = arith.index_cast %get3A_436 : i32 to index
      %get3A_438 = arith.index_cast %add3A_422 : i32 to index
      %get3A_439 = arith.constant 16 : index
      %get3A_440 = tpu.vector_load %arg7[%get3A_437, %get3A_438, %get3A_439] {strides = array<i32>} : memref<2x128x64xf32, #tpu.memory_space<vmem>>, vector<16xf32>,
      %get3A_441 = arith.constant 1 : i32
      %get3A_442 = arith.index_cast %get3A_441 : i32 to index
      %get3A_443 = arith.index_cast %add3A_422 : i32 to index
      %get3A_444 = arith.constant 16 : index
      %get3A_445 = tpu.vector_load %arg8[%get3A_442, %get3A_443, %get3A_444] {strides = array<i32>} : memref<2x128x64xf32, #tpu.memory_space<vmem>>, vector<16xf32>,
      %sub3A_446 = arith.subf %get3A_440, %get3A_445 : vector<16xf32>
      %mul3A_447 = arith.mulf %sub3A_446, %sub3A_446 : vector<16xf32>
      %add3A_448 = arith.addf %add3A_392, %mul3A_447 : vector<16xf32>
      %get3A_449 = arith.constant 1 : i32
      %get3A_450 = arith.index_cast %get3A_449 : i32 to index
      %get3A_451 = arith.index_cast %add3A_422 : i32 to index
      %get3A_452 = arith.constant 32 : index
      %get3A_453 = tpu.vector_load %arg7[%get3A_450, %get3A_451, %get3A_452] {strides = array<i32>} : memref<2x128x64xf32, #tpu.memory_space<vmem>>, vector<16xf32>,
      %get3A_454 = arith.constant 1 : i32
      %get3A_455 = arith.index_cast %get3A_454 : i32 to index
      %get3A_456 = arith.index_cast %add3A_422 : i32 to index
      %get3A_457 = arith.constant 32 : index
      %get3A_458 = tpu.vector_load %arg8[%get3A_455, %get3A_456, %get3A_457] {strides = array<i32>} : memref<2x128x64xf32, #tpu.memory_space<vmem>>, vector<16xf32>,
      %sub3A_459 = arith.subf %get3A_453, %get3A_458 : vector<16xf32>
      %mul3A_460 = arith.mulf %sub3A_459, %sub3A_459 : vector<16xf32>
      %add3A_461 = arith.addf %add3A_405, %mul3A_460 : vector<16xf32>
      %get3A_462 = arith.constant 1 : i32
      %get3A_463 = arith.index_cast %get3A_462 : i32 to index
      %get3A_464 = arith.index_cast %add3A_422 : i32 to index
      %get3A_465 = arith.constant 48 : index
      %get3A_466 = tpu.vector_load %arg7[%get3A_463, %get3A_464, %get3A_465] {strides = array<i32>} : memref<2x128x64xf32, #tpu.memory_space<vmem>>, vector<16xf32>,
      %get3A_467 = arith.constant 1 : i32
      %get3A_468 = arith.index_cast %get3A_467 : i32 to index
      %get3A_469 = arith.index_cast %add3A_422 : i32 to index
      %get3A_470 = arith.constant 48 : index
      %get3A_471 = tpu.vector_load %arg8[%get3A_468, %get3A_469, %get3A_470] {strides = array<i32>} : memref<2x128x64xf32, #tpu.memory_space<vmem>>, vector<16xf32>,
      %sub3A_472 = arith.subf %get3A_466, %get3A_471 : vector<16xf32>
      %mul3A_473 = arith.mulf %sub3A_472, %sub3A_472 : vector<16xf32>
      %add3A_474 = arith.addf %add3A_418, %mul3A_473 : vector<16xf32>
      %mul3A_475 = arith.constant 16 : i32
      %mul3A_476 = arith.muli %scan3A_248, %mul3A_475 : i32
      %add3A_477 = arith.constant 4 : i32
      %add3A_478 = arith.addi %mul3A_476, %add3A_477 : i32
      %get3A_479 = arith.constant 1 : i32
      %get3A_480 = arith.index_cast %get3A_479 : i32 to index
      %get3A_481 = arith.index_cast %add3A_478 : i32 to index
      %get3A_482 = arith.constant 0 : index
      %get3A_483 = tpu.vector_load %arg7[%get3A_480, %get3A_481, %get3A_482] {strides = array<i32>} : memref<2x128x64xf32, #tpu.memory_space<vmem>>, vector<16xf32>,
      %get3A_484 = arith.constant 1 : i32
      %get3A_485 = arith.index_cast %get3A_484 : i32 to index
      %get3A_486 = arith.index_cast %add3A_478 : i32 to index
      %get3A_487 = arith.constant 0 : index
      %get3A_488 = tpu.vector_load %arg8[%get3A_485, %get3A_486, %get3A_487] {strides = array<i32>} : memref<2x128x64xf32, #tpu.memory_space<vmem>>, vector<16xf32>,
      %sub3A_489 = arith.subf %get3A_483, %get3A_488 : vector<16xf32>
      %mul3A_490 = arith.mulf %sub3A_489, %sub3A_489 : vector<16xf32>
      %add3A_491 = arith.addf %add3A_435, %mul3A_490 : vector<16xf32>
      %get3A_492 = arith.constant 1 : i32
      %get3A_493 = arith.index_cast %get3A_492 : i32 to index
      %get3A_494 = arith.index_cast %add3A_478 : i32 to index
      %get3A_495 = arith.constant 16 : index
      %get3A_496 = tpu.vector_load %arg7[%get3A_493, %get3A_494, %get3A_495] {strides = array<i32>} : memref<2x128x64xf32, #tpu.memory_space<vmem>>, vector<16xf32>,
      %get3A_497 = arith.constant 1 : i32
      %get3A_498 = arith.index_cast %get3A_497 : i32 to index
      %get3A_499 = arith.index_cast %add3A_478 : i32 to index
      %get3A_500 = arith.constant 16 : index
      %get3A_501 = tpu.vector_load %arg8[%get3A_498, %get3A_499, %get3A_500] {strides = array<i32>} : memref<2x128x64xf32, #tpu.memory_space<vmem>>, vector<16xf32>,
      %sub3A_502 = arith.subf %get3A_496, %get3A_501 : vector<16xf32>
      %mul3A_503 = arith.mulf %sub3A_502, %sub3A_502 : vector<16xf32>
      %add3A_504 = arith.addf %add3A_448, %mul3A_503 : vector<16xf32>
      %get3A_505 = arith.constant 1 : i32
      %get3A_506 = arith.index_cast %get3A_505 : i32 to index
      %get3A_507 = arith.index_cast %add3A_478 : i32 to index
      %get3A_508 = arith.constant 32 : index
      %get3A_509 = tpu.vector_load %arg7[%get3A_506, %get3A_507, %get3A_508] {strides = array<i32>} : memref<2x128x64xf32, #tpu.memory_space<vmem>>, vector<16xf32>,
      %get3A_510 = arith.constant 1 : i32
      %get3A_511 = arith.index_cast %get3A_510 : i32 to index
      %get3A_512 = arith.index_cast %add3A_478 : i32 to index
      %get3A_513 = arith.constant 32 : index
      %get3A_514 = tpu.vector_load %arg8[%get3A_511, %get3A_512, %get3A_513] {strides = array<i32>} : memref<2x128x64xf32, #tpu.memory_space<vmem>>, vector<16xf32>,
      %sub3A_515 = arith.subf %get3A_509, %get3A_514 : vector<16xf32>
      %mul3A_516 = arith.mulf %sub3A_515, %sub3A_515 : vector<16xf32>
      %add3A_517 = arith.addf %add3A_461, %mul3A_516 : vector<16xf32>
      %get3A_518 = arith.constant 1 : i32
      %get3A_519 = arith.index_cast %get3A_518 : i32 to index
      %get3A_520 = arith.index_cast %add3A_478 : i32 to index
      %get3A_521 = arith.constant 48 : index
      %get3A_522 = tpu.vector_load %arg7[%get3A_519, %get3A_520, %get3A_521] {strides = array<i32>} : memref<2x128x64xf32, #tpu.memory_space<vmem>>, vector<16xf32>,
      %get3A_523 = arith.constant 1 : i32
      %get3A_524 = arith.index_cast %get3A_523 : i32 to index
      %get3A_525 = arith.index_cast %add3A_478 : i32 to index
      %get3A_526 = arith.constant 48 : index
      %get3A_527 = tpu.vector_load %arg8[%get3A_524, %get3A_525, %get3A_526] {strides = array<i32>} : memref<2x128x64xf32, #tpu.memory_space<vmem>>, vector<16xf32>,
      %sub3A_528 = arith.subf %get3A_522, %get3A_527 : vector<16xf32>
      %mul3A_529 = arith.mulf %sub3A_528, %sub3A_528 : vector<16xf32>
      %add3A_530 = arith.addf %add3A_474, %mul3A_529 : vector<16xf32>
      %mul3A_531 = arith.constant 16 : i32
      %mul3A_532 = arith.muli %scan3A_248, %mul3A_531 : i32
      %add3A_533 = arith.constant 5 : i32
      %add3A_534 = arith.addi %mul3A_532, %add3A_533 : i32
      %get3A_535 = arith.constant 1 : i32
      %get3A_536 = arith.index_cast %get3A_535 : i32 to index
      %get3A_537 = arith.index_cast %add3A_534 : i32 to index
      %get3A_538 = arith.constant 0 : index
      %get3A_539 = tpu.vector_load %arg7[%get3A_536, %get3A_537, %get3A_538] {strides = array<i32>} : memref<2x128x64xf32, #tpu.memory_space<vmem>>, vector<16xf32>,
      %get3A_540 = arith.constant 1 : i32
      %get3A_541 = arith.index_cast %get3A_540 : i32 to index
      %get3A_542 = arith.index_cast %add3A_534 : i32 to index
      %get3A_543 = arith.constant 0 : index
      %get3A_544 = tpu.vector_load %arg8[%get3A_541, %get3A_542, %get3A_543] {strides = array<i32>} : memref<2x128x64xf32, #tpu.memory_space<vmem>>, vector<16xf32>,
      %sub3A_545 = arith.subf %get3A_539, %get3A_544 : vector<16xf32>
      %mul3A_546 = arith.mulf %sub3A_545, %sub3A_545 : vector<16xf32>
      %add3A_547 = arith.addf %add3A_491, %mul3A_546 : vector<16xf32>
      %get3A_548 = arith.constant 1 : i32
      %get3A_549 = arith.index_cast %get3A_548 : i32 to index
      %get3A_550 = arith.index_cast %add3A_534 : i32 to index
      %get3A_551 = arith.constant 16 : index
      %get3A_552 = tpu.vector_load %arg7[%get3A_549, %get3A_550, %get3A_551] {strides = array<i32>} : memref<2x128x64xf32, #tpu.memory_space<vmem>>, vector<16xf32>,
      %get3A_553 = arith.constant 1 : i32
      %get3A_554 = arith.index_cast %get3A_553 : i32 to index
      %get3A_555 = arith.index_cast %add3A_534 : i32 to index
      %get3A_556 = arith.constant 16 : index
      %get3A_557 = tpu.vector_load %arg8[%get3A_554, %get3A_555, %get3A_556] {strides = array<i32>} : memref<2x128x64xf32, #tpu.memory_space<vmem>>, vector<16xf32>,
      %sub3A_558 = arith.subf %get3A_552, %get3A_557 : vector<16xf32>
      %mul3A_559 = arith.mulf %sub3A_558, %sub3A_558 : vector<16xf32>
      %add3A_560 = arith.addf %add3A_504, %mul3A_559 : vector<16xf32>
      %get3A_561 = arith.constant 1 : i32
      %get3A_562 = arith.index_cast %get3A_561 : i32 to index
      %get3A_563 = arith.index_cast %add3A_534 : i32 to index
      %get3A_564 = arith.constant 32 : index
      %get3A_565 = tpu.vector_load %arg7[%get3A_562, %get3A_563, %get3A_564] {strides = array<i32>} : memref<2x128x64xf32, #tpu.memory_space<vmem>>, vector<16xf32>,
      %get3A_566 = arith.constant 1 : i32
      %get3A_567 = arith.index_cast %get3A_566 : i32 to index
      %get3A_568 = arith.index_cast %add3A_534 : i32 to index
      %get3A_569 = arith.constant 32 : index
      %get3A_570 = tpu.vector_load %arg8[%get3A_567, %get3A_568, %get3A_569] {strides = array<i32>} : memref<2x128x64xf32, #tpu.memory_space<vmem>>, vector<16xf32>,
      %sub3A_571 = arith.subf %get3A_565, %get3A_570 : vector<16xf32>
      %mul3A_572 = arith.mulf %sub3A_571, %sub3A_571 : vector<16xf32>
      %add3A_573 = arith.addf %add3A_517, %mul3A_572 : vector<16xf32>
      %get3A_574 = arith.constant 1 : i32
      %get3A_575 = arith.index_cast %get3A_574 : i32 to index
      %get3A_576 = arith.index_cast %add3A_534 : i32 to index
      %get3A_577 = arith.constant 48 : index
      %get3A_578 = tpu.vector_load %arg7[%get3A_575, %get3A_576, %get3A_577] {strides = array<i32>} : memref<2x128x64xf32, #tpu.memory_space<vmem>>, vector<16xf32>,
      %get3A_579 = arith.constant 1 : i32
      %get3A_580 = arith.index_cast %get3A_579 : i32 to index
      %get3A_581 = arith.index_cast %add3A_534 : i32 to index
      %get3A_582 = arith.constant 48 : index
      %get3A_583 = tpu.vector_load %arg8[%get3A_580, %get3A_581, %get3A_582] {strides = array<i32>} : memref<2x128x64xf32, #tpu.memory_space<vmem>>, vector<16xf32>,
      %sub3A_584 = arith.subf %get3A_578, %get3A_583 : vector<16xf32>
      %mul3A_585 = arith.mulf %sub3A_584, %sub3A_584 : vector<16xf32>
      %add3A_586 = arith.addf %add3A_530, %mul3A_585 : vector<16xf32>
      %mul3A_587 = arith.constant 16 : i32
      %mul3A_588 = arith.muli %scan3A_248, %mul3A_587 : i32
      %add3A_589 = arith.constant 6 : i32
      %add3A_590 = arith.addi %mul3A_588, %add3A_589 : i32
      %get3A_591 = arith.constant 1 : i32
      %get3A_592 = arith.index_cast %get3A_591 : i32 to index
      %get3A_593 = arith.index_cast %add3A_590 : i32 to index
      %get3A_594 = arith.constant 0 : index
      %get3A_595 = tpu.vector_load %arg7[%get3A_592, %get3A_593, %get3A_594] {strides = array<i32>} : memref<2x128x64xf32, #tpu.memory_space<vmem>>, vector<16xf32>,
      %get3A_596 = arith.constant 1 : i32
      %get3A_597 = arith.index_cast %get3A_596 : i32 to index
      %get3A_598 = arith.index_cast %add3A_590 : i32 to index
      %get3A_599 = arith.constant 0 : index
      %get3A_600 = tpu.vector_load %arg8[%get3A_597, %get3A_598, %get3A_599] {strides = array<i32>} : memref<2x128x64xf32, #tpu.memory_space<vmem>>, vector<16xf32>,
      %sub3A_601 = arith.subf %get3A_595, %get3A_600 : vector<16xf32>
      %mul3A_602 = arith.mulf %sub3A_601, %sub3A_601 : vector<16xf32>
      %add3A_603 = arith.addf %add3A_547, %mul3A_602 : vector<16xf32>
      %get3A_604 = arith.constant 1 : i32
      %get3A_605 = arith.index_cast %get3A_604 : i32 to index
      %get3A_606 = arith.index_cast %add3A_590 : i32 to index
      %get3A_607 = arith.constant 16 : index
      %get3A_608 = tpu.vector_load %arg7[%get3A_605, %get3A_606, %get3A_607] {strides = array<i32>} : memref<2x128x64xf32, #tpu.memory_space<vmem>>, vector<16xf32>,
      %get3A_609 = arith.constant 1 : i32
      %get3A_610 = arith.index_cast %get3A_609 : i32 to index
      %get3A_611 = arith.index_cast %add3A_590 : i32 to index
      %get3A_612 = arith.constant 16 : index
      %get3A_613 = tpu.vector_load %arg8[%get3A_610, %get3A_611, %get3A_612] {strides = array<i32>} : memref<2x128x64xf32, #tpu.memory_space<vmem>>, vector<16xf32>,
      %sub3A_614 = arith.subf %get3A_608, %get3A_613 : vector<16xf32>
      %mul3A_615 = arith.mulf %sub3A_614, %sub3A_614 : vector<16xf32>
      %add3A_616 = arith.addf %add3A_560, %mul3A_615 : vector<16xf32>
      %get3A_617 = arith.constant 1 : i32
      %get3A_618 = arith.index_cast %get3A_617 : i32 to index
      %get3A_619 = arith.index_cast %add3A_590 : i32 to index
      %get3A_620 = arith.constant 32 : index
      %get3A_621 = tpu.vector_load %arg7[%get3A_618, %get3A_619, %get3A_620] {strides = array<i32>} : memref<2x128x64xf32, #tpu.memory_space<vmem>>, vector<16xf32>,
      %get3A_622 = arith.constant 1 : i32
      %get3A_623 = arith.index_cast %get3A_622 : i32 to index
      %get3A_624 = arith.index_cast %add3A_590 : i32 to index
      %get3A_625 = arith.constant 32 : index
      %get3A_626 = tpu.vector_load %arg8[%get3A_623, %get3A_624, %get3A_625] {strides = array<i32>} : memref<2x128x64xf32, #tpu.memory_space<vmem>>, vector<16xf32>,
      %sub3A_627 = arith.subf %get3A_621, %get3A_626 : vector<16xf32>
      %mul3A_628 = arith.mulf %sub3A_627, %sub3A_627 : vector<16xf32>
      %add3A_629 = arith.addf %add3A_573, %mul3A_628 : vector<16xf32>
      %get3A_630 = arith.constant 1 : i32
      %get3A_631 = arith.index_cast %get3A_630 : i32 to index
      %get3A_632 = arith.index_cast %add3A_590 : i32 to index
      %get3A_633 = arith.constant 48 : index
      %get3A_634 = tpu.vector_load %arg7[%get3A_631, %get3A_632, %get3A_633] {strides = array<i32>} : memref<2x128x64xf32, #tpu.memory_space<vmem>>, vector<16xf32>,
      %get3A_635 = arith.constant 1 : i32
      %get3A_636 = arith.index_cast %get3A_635 : i32 to index
      %get3A_637 = arith.index_cast %add3A_590 : i32 to index
      %get3A_638 = arith.constant 48 : index
      %get3A_639 = tpu.vector_load %arg8[%get3A_636, %get3A_637, %get3A_638] {strides = array<i32>} : memref<2x128x64xf32, #tpu.memory_space<vmem>>, vector<16xf32>,
      %sub3A_640 = arith.subf %get3A_634, %get3A_639 : vector<16xf32>
      %mul3A_641 = arith.mulf %sub3A_640, %sub3A_640 : vector<16xf32>
      %add3A_642 = arith.addf %add3A_586, %mul3A_641 : vector<16xf32>
      %mul3A_643 = arith.constant 16 : i32
      %mul3A_644 = arith.muli %scan3A_248, %mul3A_643 : i32
      %add3A_645 = arith.constant 7 : i32
      %add3A_646 = arith.addi %mul3A_644, %add3A_645 : i32
      %get3A_647 = arith.constant 1 : i32
      %get3A_648 = arith.index_cast %get3A_647 : i32 to index
      %get3A_649 = arith.index_cast %add3A_646 : i32 to index
      %get3A_650 = arith.constant 0 : index
      %get3A_651 = tpu.vector_load %arg7[%get3A_648, %get3A_649, %get3A_650] {strides = array<i32>} : memref<2x128x64xf32, #tpu.memory_space<vmem>>, vector<16xf32>,
      %get3A_652 = arith.constant 1 : i32
      %get3A_653 = arith.index_cast %get3A_652 : i32 to index
      %get3A_654 = arith.index_cast %add3A_646 : i32 to index
      %get3A_655 = arith.constant 0 : index
      %get3A_656 = tpu.vector_load %arg8[%get3A_653, %get3A_654, %get3A_655] {strides = array<i32>} : memref<2x128x64xf32, #tpu.memory_space<vmem>>, vector<16xf32>,
      %sub3A_657 = arith.subf %get3A_651, %get3A_656 : vector<16xf32>
      %mul3A_658 = arith.mulf %sub3A_657, %sub3A_657 : vector<16xf32>
      %add3A_659 = arith.addf %add3A_603, %mul3A_658 : vector<16xf32>
      %get3A_660 = arith.constant 1 : i32
      %get3A_661 = arith.index_cast %get3A_660 : i32 to index
      %get3A_662 = arith.index_cast %add3A_646 : i32 to index
      %get3A_663 = arith.constant 16 : index
      %get3A_664 = tpu.vector_load %arg7[%get3A_661, %get3A_662, %get3A_663] {strides = array<i32>} : memref<2x128x64xf32, #tpu.memory_space<vmem>>, vector<16xf32>,
      %get3A_665 = arith.constant 1 : i32
      %get3A_666 = arith.index_cast %get3A_665 : i32 to index
      %get3A_667 = arith.index_cast %add3A_646 : i32 to index
      %get3A_668 = arith.constant 16 : index
      %get3A_669 = tpu.vector_load %arg8[%get3A_666, %get3A_667, %get3A_668] {strides = array<i32>} : memref<2x128x64xf32, #tpu.memory_space<vmem>>, vector<16xf32>,
      %sub3A_670 = arith.subf %get3A_664, %get3A_669 : vector<16xf32>
      %mul3A_671 = arith.mulf %sub3A_670, %sub3A_670 : vector<16xf32>
      %add3A_672 = arith.addf %add3A_616, %mul3A_671 : vector<16xf32>
      %get3A_673 = arith.constant 1 : i32
      %get3A_674 = arith.index_cast %get3A_673 : i32 to index
      %get3A_675 = arith.index_cast %add3A_646 : i32 to index
      %get3A_676 = arith.constant 32 : index
      %get3A_677 = tpu.vector_load %arg7[%get3A_674, %get3A_675, %get3A_676] {strides = array<i32>} : memref<2x128x64xf32, #tpu.memory_space<vmem>>, vector<16xf32>,
      %get3A_678 = arith.constant 1 : i32
      %get3A_679 = arith.index_cast %get3A_678 : i32 to index
      %get3A_680 = arith.index_cast %add3A_646 : i32 to index
      %get3A_681 = arith.constant 32 : index
      %get3A_682 = tpu.vector_load %arg8[%get3A_679, %get3A_680, %get3A_681] {strides = array<i32>} : memref<2x128x64xf32, #tpu.memory_space<vmem>>, vector<16xf32>,
      %sub3A_683 = arith.subf %get3A_677, %get3A_682 : vector<16xf32>
      %mul3A_684 = arith.mulf %sub3A_683, %sub3A_683 : vector<16xf32>
      %add3A_685 = arith.addf %add3A_629, %mul3A_684 : vector<16xf32>
      %get3A_686 = arith.constant 1 : i32
      %get3A_687 = arith.index_cast %get3A_686 : i32 to index
      %get3A_688 = arith.index_cast %add3A_646 : i32 to index
      %get3A_689 = arith.constant 48 : index
      %get3A_690 = tpu.vector_load %arg7[%get3A_687, %get3A_688, %get3A_689] {strides = array<i32>} : memref<2x128x64xf32, #tpu.memory_space<vmem>>, vector<16xf32>,
      %get3A_691 = arith.constant 1 : i32
      %get3A_692 = arith.index_cast %get3A_691 : i32 to index
      %get3A_693 = arith.index_cast %add3A_646 : i32 to index
      %get3A_694 = arith.constant 48 : index
      %get3A_695 = tpu.vector_load %arg8[%get3A_692, %get3A_693, %get3A_694] {strides = array<i32>} : memref<2x128x64xf32, #tpu.memory_space<vmem>>, vector<16xf32>,
      %sub3A_696 = arith.subf %get3A_690, %get3A_695 : vector<16xf32>
      %mul3A_697 = arith.mulf %sub3A_696, %sub3A_696 : vector<16xf32>
      %add3A_698 = arith.addf %add3A_642, %mul3A_697 : vector<16xf32>
      %mul3A_699 = arith.constant 16 : i32
      %mul3A_700 = arith.muli %scan3A_248, %mul3A_699 : i32
      %add3A_701 = arith.constant 8 : i32
      %add3A_702 = arith.addi %mul3A_700, %add3A_701 : i32
      %get3A_703 = arith.constant 1 : i32
      %get3A_704 = arith.index_cast %get3A_703 : i32 to index
      %get3A_705 = arith.index_cast %add3A_702 : i32 to index
      %get3A_706 = arith.constant 0 : index
      %get3A_707 = tpu.vector_load %arg7[%get3A_704, %get3A_705, %get3A_706] {strides = array<i32>} : memref<2x128x64xf32, #tpu.memory_space<vmem>>, vector<16xf32>,
      %get3A_708 = arith.constant 1 : i32
      %get3A_709 = arith.index_cast %get3A_708 : i32 to index
      %get3A_710 = arith.index_cast %add3A_702 : i32 to index
      %get3A_711 = arith.constant 0 : index
      %get3A_712 = tpu.vector_load %arg8[%get3A_709, %get3A_710, %get3A_711] {strides = array<i32>} : memref<2x128x64xf32, #tpu.memory_space<vmem>>, vector<16xf32>,
      %sub3A_713 = arith.subf %get3A_707, %get3A_712 : vector<16xf32>
      %mul3A_714 = arith.mulf %sub3A_713, %sub3A_713 : vector<16xf32>
      %add3A_715 = arith.addf %add3A_659, %mul3A_714 : vector<16xf32>
      %get3A_716 = arith.constant 1 : i32
      %get3A_717 = arith.index_cast %get3A_716 : i32 to index
      %get3A_718 = arith.index_cast %add3A_702 : i32 to index
      %get3A_719 = arith.constant 16 : index
      %get3A_720 = tpu.vector_load %arg7[%get3A_717, %get3A_718, %get3A_719] {strides = array<i32>} : memref<2x128x64xf32, #tpu.memory_space<vmem>>, vector<16xf32>,
      %get3A_721 = arith.constant 1 : i32
      %get3A_722 = arith.index_cast %get3A_721 : i32 to index
      %get3A_723 = arith.index_cast %add3A_702 : i32 to index
      %get3A_724 = arith.constant 16 : index
      %get3A_725 = tpu.vector_load %arg8[%get3A_722, %get3A_723, %get3A_724] {strides = array<i32>} : memref<2x128x64xf32, #tpu.memory_space<vmem>>, vector<16xf32>,
      %sub3A_726 = arith.subf %get3A_720, %get3A_725 : vector<16xf32>
      %mul3A_727 = arith.mulf %sub3A_726, %sub3A_726 : vector<16xf32>
      %add3A_728 = arith.addf %add3A_672, %mul3A_727 : vector<16xf32>
      %get3A_729 = arith.constant 1 : i32
      %get3A_730 = arith.index_cast %get3A_729 : i32 to index
      %get3A_731 = arith.index_cast %add3A_702 : i32 to index
      %get3A_732 = arith.constant 32 : index
      %get3A_733 = tpu.vector_load %arg7[%get3A_730, %get3A_731, %get3A_732] {strides = array<i32>} : memref<2x128x64xf32, #tpu.memory_space<vmem>>, vector<16xf32>,
      %get3A_734 = arith.constant 1 : i32
      %get3A_735 = arith.index_cast %get3A_734 : i32 to index
      %get3A_736 = arith.index_cast %add3A_702 : i32 to index
      %get3A_737 = arith.constant 32 : index
      %get3A_738 = tpu.vector_load %arg8[%get3A_735, %get3A_736, %get3A_737] {strides = array<i32>} : memref<2x128x64xf32, #tpu.memory_space<vmem>>, vector<16xf32>,
      %sub3A_739 = arith.subf %get3A_733, %get3A_738 : vector<16xf32>
      %mul3A_740 = arith.mulf %sub3A_739, %sub3A_739 : vector<16xf32>
      %add3A_741 = arith.addf %add3A_685, %mul3A_740 : vector<16xf32>
      %get3A_742 = arith.constant 1 : i32
      %get3A_743 = arith.index_cast %get3A_742 : i32 to index
      %get3A_744 = arith.index_cast %add3A_702 : i32 to index
      %get3A_745 = arith.constant 48 : index
      %get3A_746 = tpu.vector_load %arg7[%get3A_743, %get3A_744, %get3A_745] {strides = array<i32>} : memref<2x128x64xf32, #tpu.memory_space<vmem>>, vector<16xf32>,
      %get3A_747 = arith.constant 1 : i32
      %get3A_748 = arith.index_cast %get3A_747 : i32 to index
      %get3A_749 = arith.index_cast %add3A_702 : i32 to index
      %get3A_750 = arith.constant 48 : index
      %get3A_751 = tpu.vector_load %arg8[%get3A_748, %get3A_749, %get3A_750] {strides = array<i32>} : memref<2x128x64xf32, #tpu.memory_space<vmem>>, vector<16xf32>,
      %sub3A_752 = arith.subf %get3A_746, %get3A_751 : vector<16xf32>
      %mul3A_753 = arith.mulf %sub3A_752, %sub3A_752 : vector<16xf32>
      %add3A_754 = arith.addf %add3A_698, %mul3A_753 : vector<16xf32>
      %mul3A_755 = arith.constant 16 : i32
      %mul3A_756 = arith.muli %scan3A_248, %mul3A_755 : i32
      %add3A_757 = arith.constant 9 : i32
      %add3A_758 = arith.addi %mul3A_756, %add3A_757 : i32
      %get3A_759 = arith.constant 1 : i32
      %get3A_760 = arith.index_cast %get3A_759 : i32 to index
      %get3A_761 = arith.index_cast %add3A_758 : i32 to index
      %get3A_762 = arith.constant 0 : index
      %get3A_763 = tpu.vector_load %arg7[%get3A_760, %get3A_761, %get3A_762] {strides = array<i32>} : memref<2x128x64xf32, #tpu.memory_space<vmem>>, vector<16xf32>,
      %get3A_764 = arith.constant 1 : i32
      %get3A_765 = arith.index_cast %get3A_764 : i32 to index
      %get3A_766 = arith.index_cast %add3A_758 : i32 to index
      %get3A_767 = arith.constant 0 : index
      %get3A_768 = tpu.vector_load %arg8[%get3A_765, %get3A_766, %get3A_767] {strides = array<i32>} : memref<2x128x64xf32, #tpu.memory_space<vmem>>, vector<16xf32>,
      %sub3A_769 = arith.subf %get3A_763, %get3A_768 : vector<16xf32>
      %mul3A_770 = arith.mulf %sub3A_769, %sub3A_769 : vector<16xf32>
      %add3A_771 = arith.addf %add3A_715, %mul3A_770 : vector<16xf32>
      %get3A_772 = arith.constant 1 : i32
      %get3A_773 = arith.index_cast %get3A_772 : i32 to index
      %get3A_774 = arith.index_cast %add3A_758 : i32 to index
      %get3A_775 = arith.constant 16 : index
      %get3A_776 = tpu.vector_load %arg7[%get3A_773, %get3A_774, %get3A_775] {strides = array<i32>} : memref<2x128x64xf32, #tpu.memory_space<vmem>>, vector<16xf32>,
      %get3A_777 = arith.constant 1 : i32
      %get3A_778 = arith.index_cast %get3A_777 : i32 to index
      %get3A_779 = arith.index_cast %add3A_758 : i32 to index
      %get3A_780 = arith.constant 16 : index
      %get3A_781 = tpu.vector_load %arg8[%get3A_778, %get3A_779, %get3A_780] {strides = array<i32>} : memref<2x128x64xf32, #tpu.memory_space<vmem>>, vector<16xf32>,
      %sub3A_782 = arith.subf %get3A_776, %get3A_781 : vector<16xf32>
      %mul3A_783 = arith.mulf %sub3A_782, %sub3A_782 : vector<16xf32>
      %add3A_784 = arith.addf %add3A_728, %mul3A_783 : vector<16xf32>
      %get3A_785 = arith.constant 1 : i32
      %get3A_786 = arith.index_cast %get3A_785 : i32 to index
      %get3A_787 = arith.index_cast %add3A_758 : i32 to index
      %get3A_788 = arith.constant 32 : index
      %get3A_789 = tpu.vector_load %arg7[%get3A_786, %get3A_787, %get3A_788] {strides = array<i32>} : memref<2x128x64xf32, #tpu.memory_space<vmem>>, vector<16xf32>,
      %get3A_790 = arith.constant 1 : i32
      %get3A_791 = arith.index_cast %get3A_790 : i32 to index
      %get3A_792 = arith.index_cast %add3A_758 : i32 to index
      %get3A_793 = arith.constant 32 : index
      %get3A_794 = tpu.vector_load %arg8[%get3A_791, %get3A_792, %get3A_793] {strides = array<i32>} : memref<2x128x64xf32, #tpu.memory_space<vmem>>, vector<16xf32>,
      %sub3A_795 = arith.subf %get3A_789, %get3A_794 : vector<16xf32>
      %mul3A_796 = arith.mulf %sub3A_795, %sub3A_795 : vector<16xf32>
      %add3A_797 = arith.addf %add3A_741, %mul3A_796 : vector<16xf32>
      %get3A_798 = arith.constant 1 : i32
      %get3A_799 = arith.index_cast %get3A_798 : i32 to index
      %get3A_800 = arith.index_cast %add3A_758 : i32 to index
      %get3A_801 = arith.constant 48 : index
      %get3A_802 = tpu.vector_load %arg7[%get3A_799, %get3A_800, %get3A_801] {strides = array<i32>} : memref<2x128x64xf32, #tpu.memory_space<vmem>>, vector<16xf32>,
      %get3A_803 = arith.constant 1 : i32
      %get3A_804 = arith.index_cast %get3A_803 : i32 to index
      %get3A_805 = arith.index_cast %add3A_758 : i32 to index
      %get3A_806 = arith.constant 48 : index
      %get3A_807 = tpu.vector_load %arg8[%get3A_804, %get3A_805, %get3A_806] {strides = array<i32>} : memref<2x128x64xf32, #tpu.memory_space<vmem>>, vector<16xf32>,
      %sub3A_808 = arith.subf %get3A_802, %get3A_807 : vector<16xf32>
      %mul3A_809 = arith.mulf %sub3A_808, %sub3A_808 : vector<16xf32>
      %add3A_810 = arith.addf %add3A_754, %mul3A_809 : vector<16xf32>
      %mul3A_811 = arith.constant 16 : i32
      %mul3A_812 = arith.muli %scan3A_248, %mul3A_811 : i32
      %add3A_813 = arith.constant 10 : i32
      %add3A_814 = arith.addi %mul3A_812, %add3A_813 : i32
      %get3A_815 = arith.constant 1 : i32
      %get3A_816 = arith.index_cast %get3A_815 : i32 to index
      %get3A_817 = arith.index_cast %add3A_814 : i32 to index
      %get3A_818 = arith.constant 0 : index
      %get3A_819 = tpu.vector_load %arg7[%get3A_816, %get3A_817, %get3A_818] {strides = array<i32>} : memref<2x128x64xf32, #tpu.memory_space<vmem>>, vector<16xf32>,
      %get3A_820 = arith.constant 1 : i32
      %get3A_821 = arith.index_cast %get3A_820 : i32 to index
      %get3A_822 = arith.index_cast %add3A_814 : i32 to index
      %get3A_823 = arith.constant 0 : index
      %get3A_824 = tpu.vector_load %arg8[%get3A_821, %get3A_822, %get3A_823] {strides = array<i32>} : memref<2x128x64xf32, #tpu.memory_space<vmem>>, vector<16xf32>,
      %sub3A_825 = arith.subf %get3A_819, %get3A_824 : vector<16xf32>
      %mul3A_826 = arith.mulf %sub3A_825, %sub3A_825 : vector<16xf32>
      %add3A_827 = arith.addf %add3A_771, %mul3A_826 : vector<16xf32>
      %get3A_828 = arith.constant 1 : i32
      %get3A_829 = arith.index_cast %get3A_828 : i32 to index
      %get3A_830 = arith.index_cast %add3A_814 : i32 to index
      %get3A_831 = arith.constant 16 : index
      %get3A_832 = tpu.vector_load %arg7[%get3A_829, %get3A_830, %get3A_831] {strides = array<i32>} : memref<2x128x64xf32, #tpu.memory_space<vmem>>, vector<16xf32>,
      %get3A_833 = arith.constant 1 : i32
      %get3A_834 = arith.index_cast %get3A_833 : i32 to index
      %get3A_835 = arith.index_cast %add3A_814 : i32 to index
      %get3A_836 = arith.constant 16 : index
      %get3A_837 = tpu.vector_load %arg8[%get3A_834, %get3A_835, %get3A_836] {strides = array<i32>} : memref<2x128x64xf32, #tpu.memory_space<vmem>>, vector<16xf32>,
      %sub3A_838 = arith.subf %get3A_832, %get3A_837 : vector<16xf32>
      %mul3A_839 = arith.mulf %sub3A_838, %sub3A_838 : vector<16xf32>
      %add3A_840 = arith.addf %add3A_784, %mul3A_839 : vector<16xf32>
      %get3A_841 = arith.constant 1 : i32
      %get3A_842 = arith.index_cast %get3A_841 : i32 to index
      %get3A_843 = arith.index_cast %add3A_814 : i32 to index
      %get3A_844 = arith.constant 32 : index
      %get3A_845 = tpu.vector_load %arg7[%get3A_842, %get3A_843, %get3A_844] {strides = array<i32>} : memref<2x128x64xf32, #tpu.memory_space<vmem>>, vector<16xf32>,
      %get3A_846 = arith.constant 1 : i32
      %get3A_847 = arith.index_cast %get3A_846 : i32 to index
      %get3A_848 = arith.index_cast %add3A_814 : i32 to index
      %get3A_849 = arith.constant 32 : index
      %get3A_850 = tpu.vector_load %arg8[%get3A_847, %get3A_848, %get3A_849] {strides = array<i32>} : memref<2x128x64xf32, #tpu.memory_space<vmem>>, vector<16xf32>,
      %sub3A_851 = arith.subf %get3A_845, %get3A_850 : vector<16xf32>
      %mul3A_852 = arith.mulf %sub3A_851, %sub3A_851 : vector<16xf32>
      %add3A_853 = arith.addf %add3A_797, %mul3A_852 : vector<16xf32>
      %get3A_854 = arith.constant 1 : i32
      %get3A_855 = arith.index_cast %get3A_854 : i32 to index
      %get3A_856 = arith.index_cast %add3A_814 : i32 to index
      %get3A_857 = arith.constant 48 : index
      %get3A_858 = tpu.vector_load %arg7[%get3A_855, %get3A_856, %get3A_857] {strides = array<i32>} : memref<2x128x64xf32, #tpu.memory_space<vmem>>, vector<16xf32>,
      %get3A_859 = arith.constant 1 : i32
      %get3A_860 = arith.index_cast %get3A_859 : i32 to index
      %get3A_861 = arith.index_cast %add3A_814 : i32 to index
      %get3A_862 = arith.constant 48 : index
      %get3A_863 = tpu.vector_load %arg8[%get3A_860, %get3A_861, %get3A_862] {strides = array<i32>} : memref<2x128x64xf32, #tpu.memory_space<vmem>>, vector<16xf32>,
      %sub3A_864 = arith.subf %get3A_858, %get3A_863 : vector<16xf32>
      %mul3A_865 = arith.mulf %sub3A_864, %sub3A_864 : vector<16xf32>
      %add3A_866 = arith.addf %add3A_810, %mul3A_865 : vector<16xf32>
      %mul3A_867 = arith.constant 16 : i32
      %mul3A_868 = arith.muli %scan3A_248, %mul3A_867 : i32
      %add3A_869 = arith.constant 11 : i32
      %add3A_870 = arith.addi %mul3A_868, %add3A_869 : i32
      %get3A_871 = arith.constant 1 : i32
      %get3A_872 = arith.index_cast %get3A_871 : i32 to index
      %get3A_873 = arith.index_cast %add3A_870 : i32 to index
      %get3A_874 = arith.constant 0 : index
      %get3A_875 = tpu.vector_load %arg7[%get3A_872, %get3A_873, %get3A_874] {strides = array<i32>} : memref<2x128x64xf32, #tpu.memory_space<vmem>>, vector<16xf32>,
      %get3A_876 = arith.constant 1 : i32
      %get3A_877 = arith.index_cast %get3A_876 : i32 to index
      %get3A_878 = arith.index_cast %add3A_870 : i32 to index
      %get3A_879 = arith.constant 0 : index
      %get3A_880 = tpu.vector_load %arg8[%get3A_877, %get3A_878, %get3A_879] {strides = array<i32>} : memref<2x128x64xf32, #tpu.memory_space<vmem>>, vector<16xf32>,
      %sub3A_881 = arith.subf %get3A_875, %get3A_880 : vector<16xf32>
      %mul3A_882 = arith.mulf %sub3A_881, %sub3A_881 : vector<16xf32>
      %add3A_883 = arith.addf %add3A_827, %mul3A_882 : vector<16xf32>
      %get3A_884 = arith.constant 1 : i32
      %get3A_885 = arith.index_cast %get3A_884 : i32 to index
      %get3A_886 = arith.index_cast %add3A_870 : i32 to index
      %get3A_887 = arith.constant 16 : index
      %get3A_888 = tpu.vector_load %arg7[%get3A_885, %get3A_886, %get3A_887] {strides = array<i32>} : memref<2x128x64xf32, #tpu.memory_space<vmem>>, vector<16xf32>,
      %get3A_889 = arith.constant 1 : i32
      %get3A_890 = arith.index_cast %get3A_889 : i32 to index
      %get3A_891 = arith.index_cast %add3A_870 : i32 to index
      %get3A_892 = arith.constant 16 : index
      %get3A_893 = tpu.vector_load %arg8[%get3A_890, %get3A_891, %get3A_892] {strides = array<i32>} : memref<2x128x64xf32, #tpu.memory_space<vmem>>, vector<16xf32>,
      %sub3A_894 = arith.subf %get3A_888, %get3A_893 : vector<16xf32>
      %mul3A_895 = arith.mulf %sub3A_894, %sub3A_894 : vector<16xf32>
      %add3A_896 = arith.addf %add3A_840, %mul3A_895 : vector<16xf32>
      %get3A_897 = arith.constant 1 : i32
      %get3A_898 = arith.index_cast %get3A_897 : i32 to index
      %get3A_899 = arith.index_cast %add3A_870 : i32 to index
      %get3A_900 = arith.constant 32 : index
      %get3A_901 = tpu.vector_load %arg7[%get3A_898, %get3A_899, %get3A_900] {strides = array<i32>} : memref<2x128x64xf32, #tpu.memory_space<vmem>>, vector<16xf32>,
      %get3A_902 = arith.constant 1 : i32
      %get3A_903 = arith.index_cast %get3A_902 : i32 to index
      %get3A_904 = arith.index_cast %add3A_870 : i32 to index
      %get3A_905 = arith.constant 32 : index
      %get3A_906 = tpu.vector_load %arg8[%get3A_903, %get3A_904, %get3A_905] {strides = array<i32>} : memref<2x128x64xf32, #tpu.memory_space<vmem>>, vector<16xf32>,
      %sub3A_907 = arith.subf %get3A_901, %get3A_906 : vector<16xf32>
      %mul3A_908 = arith.mulf %sub3A_907, %sub3A_907 : vector<16xf32>
      %add3A_909 = arith.addf %add3A_853, %mul3A_908 : vector<16xf32>
      %get3A_910 = arith.constant 1 : i32
      %get3A_911 = arith.index_cast %get3A_910 : i32 to index
      %get3A_912 = arith.index_cast %add3A_870 : i32 to index
      %get3A_913 = arith.constant 48 : index
      %get3A_914 = tpu.vector_load %arg7[%get3A_911, %get3A_912, %get3A_913] {strides = array<i32>} : memref<2x128x64xf32, #tpu.memory_space<vmem>>, vector<16xf32>,
      %get3A_915 = arith.constant 1 : i32
      %get3A_916 = arith.index_cast %get3A_915 : i32 to index
      %get3A_917 = arith.index_cast %add3A_870 : i32 to index
      %get3A_918 = arith.constant 48 : index
      %get3A_919 = tpu.vector_load %arg8[%get3A_916, %get3A_917, %get3A_918] {strides = array<i32>} : memref<2x128x64xf32, #tpu.memory_space<vmem>>, vector<16xf32>,
      %sub3A_920 = arith.subf %get3A_914, %get3A_919 : vector<16xf32>
      %mul3A_921 = arith.mulf %sub3A_920, %sub3A_920 : vector<16xf32>
      %add3A_922 = arith.addf %add3A_866, %mul3A_921 : vector<16xf32>
      %mul3A_923 = arith.constant 16 : i32
      %mul3A_924 = arith.muli %scan3A_248, %mul3A_923 : i32
      %add3A_925 = arith.constant 12 : i32
      %add3A_926 = arith.addi %mul3A_924, %add3A_925 : i32
      %get3A_927 = arith.constant 1 : i32
      %get3A_928 = arith.index_cast %get3A_927 : i32 to index
      %get3A_929 = arith.index_cast %add3A_926 : i32 to index
      %get3A_930 = arith.constant 0 : index
      %get3A_931 = tpu.vector_load %arg7[%get3A_928, %get3A_929, %get3A_930] {strides = array<i32>} : memref<2x128x64xf32, #tpu.memory_space<vmem>>, vector<16xf32>,
      %get3A_932 = arith.constant 1 : i32
      %get3A_933 = arith.index_cast %get3A_932 : i32 to index
      %get3A_934 = arith.index_cast %add3A_926 : i32 to index
      %get3A_935 = arith.constant 0 : index
      %get3A_936 = tpu.vector_load %arg8[%get3A_933, %get3A_934, %get3A_935] {strides = array<i32>} : memref<2x128x64xf32, #tpu.memory_space<vmem>>, vector<16xf32>,
      %sub3A_937 = arith.subf %get3A_931, %get3A_936 : vector<16xf32>
      %mul3A_938 = arith.mulf %sub3A_937, %sub3A_937 : vector<16xf32>
      %add3A_939 = arith.addf %add3A_883, %mul3A_938 : vector<16xf32>
      %get3A_940 = arith.constant 1 : i32
      %get3A_941 = arith.index_cast %get3A_940 : i32 to index
      %get3A_942 = arith.index_cast %add3A_926 : i32 to index
      %get3A_943 = arith.constant 16 : index
      %get3A_944 = tpu.vector_load %arg7[%get3A_941, %get3A_942, %get3A_943] {strides = array<i32>} : memref<2x128x64xf32, #tpu.memory_space<vmem>>, vector<16xf32>,
      %get3A_945 = arith.constant 1 : i32
      %get3A_946 = arith.index_cast %get3A_945 : i32 to index
      %get3A_947 = arith.index_cast %add3A_926 : i32 to index
      %get3A_948 = arith.constant 16 : index
      %get3A_949 = tpu.vector_load %arg8[%get3A_946, %get3A_947, %get3A_948] {strides = array<i32>} : memref<2x128x64xf32, #tpu.memory_space<vmem>>, vector<16xf32>,
      %sub3A_950 = arith.subf %get3A_944, %get3A_949 : vector<16xf32>
      %mul3A_951 = arith.mulf %sub3A_950, %sub3A_950 : vector<16xf32>
      %add3A_952 = arith.addf %add3A_896, %mul3A_951 : vector<16xf32>
      %get3A_953 = arith.constant 1 : i32
      %get3A_954 = arith.index_cast %get3A_953 : i32 to index
      %get3A_955 = arith.index_cast %add3A_926 : i32 to index
      %get3A_956 = arith.constant 32 : index
      %get3A_957 = tpu.vector_load %arg7[%get3A_954, %get3A_955, %get3A_956] {strides = array<i32>} : memref<2x128x64xf32, #tpu.memory_space<vmem>>, vector<16xf32>,
      %get3A_958 = arith.constant 1 : i32
      %get3A_959 = arith.index_cast %get3A_958 : i32 to index
      %get3A_960 = arith.index_cast %add3A_926 : i32 to index
      %get3A_961 = arith.constant 32 : index
      %get3A_962 = tpu.vector_load %arg8[%get3A_959, %get3A_960, %get3A_961] {strides = array<i32>} : memref<2x128x64xf32, #tpu.memory_space<vmem>>, vector<16xf32>,
      %sub3A_963 = arith.subf %get3A_957, %get3A_962 : vector<16xf32>
      %mul3A_964 = arith.mulf %sub3A_963, %sub3A_963 : vector<16xf32>
      %add3A_965 = arith.addf %add3A_909, %mul3A_964 : vector<16xf32>
      %get3A_966 = arith.constant 1 : i32
      %get3A_967 = arith.index_cast %get3A_966 : i32 to index
      %get3A_968 = arith.index_cast %add3A_926 : i32 to index
      %get3A_969 = arith.constant 48 : index
      %get3A_970 = tpu.vector_load %arg7[%get3A_967, %get3A_968, %get3A_969] {strides = array<i32>} : memref<2x128x64xf32, #tpu.memory_space<vmem>>, vector<16xf32>,
      %get3A_971 = arith.constant 1 : i32
      %get3A_972 = arith.index_cast %get3A_971 : i32 to index
      %get3A_973 = arith.index_cast %add3A_926 : i32 to index
      %get3A_974 = arith.constant 48 : index
      %get3A_975 = tpu.vector_load %arg8[%get3A_972, %get3A_973, %get3A_974] {strides = array<i32>} : memref<2x128x64xf32, #tpu.memory_space<vmem>>, vector<16xf32>,
      %sub3A_976 = arith.subf %get3A_970, %get3A_975 : vector<16xf32>
      %mul3A_977 = arith.mulf %sub3A_976, %sub3A_976 : vector<16xf32>
      %add3A_978 = arith.addf %add3A_922, %mul3A_977 : vector<16xf32>
      %mul3A_979 = arith.constant 16 : i32
      %mul3A_980 = arith.muli %scan3A_248, %mul3A_979 : i32
      %add3A_981 = arith.constant 13 : i32
      %add3A_982 = arith.addi %mul3A_980, %add3A_981 : i32
      %get3A_983 = arith.constant 1 : i32
      %get3A_984 = arith.index_cast %get3A_983 : i32 to index
      %get3A_985 = arith.index_cast %add3A_982 : i32 to index
      %get3A_986 = arith.constant 0 : index
      %get3A_987 = tpu.vector_load %arg7[%get3A_984, %get3A_985, %get3A_986] {strides = array<i32>} : memref<2x128x64xf32, #tpu.memory_space<vmem>>, vector<16xf32>,
      %get3A_988 = arith.constant 1 : i32
      %get3A_989 = arith.index_cast %get3A_988 : i32 to index
      %get3A_990 = arith.index_cast %add3A_982 : i32 to index
      %get3A_991 = arith.constant 0 : index
      %get3A_992 = tpu.vector_load %arg8[%get3A_989, %get3A_990, %get3A_991] {strides = array<i32>} : memref<2x128x64xf32, #tpu.memory_space<vmem>>, vector<16xf32>,
      %sub3A_993 = arith.subf %get3A_987, %get3A_992 : vector<16xf32>
      %mul3A_994 = arith.mulf %sub3A_993, %sub3A_993 : vector<16xf32>
      %add3A_995 = arith.addf %add3A_939, %mul3A_994 : vector<16xf32>
      %get3A_996 = arith.constant 1 : i32
      %get3A_997 = arith.index_cast %get3A_996 : i32 to index
      %get3A_998 = arith.index_cast %add3A_982 : i32 to index
      %get3A_999 = arith.constant 16 : index
      %get3A_1000 = tpu.vector_load %arg7[%get3A_997, %get3A_998, %get3A_999] {strides = array<i32>} : memref<2x128x64xf32, #tpu.memory_space<vmem>>, vector<16xf32>,
      %get3A_1001 = arith.constant 1 : i32
      %get3A_1002 = arith.index_cast %get3A_1001 : i32 to index
      %get3A_1003 = arith.index_cast %add3A_982 : i32 to index
      %get3A_1004 = arith.constant 16 : index
      %get3A_1005 = tpu.vector_load %arg8[%get3A_1002, %get3A_1003, %get3A_1004] {strides = array<i32>} : memref<2x128x64xf32, #tpu.memory_space<vmem>>, vector<16xf32>,
      %sub3A_1006 = arith.subf %get3A_1000, %get3A_1005 : vector<16xf32>
      %mul3A_1007 = arith.mulf %sub3A_1006, %sub3A_1006 : vector<16xf32>
      %add3A_1008 = arith.addf %add3A_952, %mul3A_1007 : vector<16xf32>
      %get3A_1009 = arith.constant 1 : i32
      %get3A_1010 = arith.index_cast %get3A_1009 : i32 to index
      %get3A_1011 = arith.index_cast %add3A_982 : i32 to index
      %get3A_1012 = arith.constant 32 : index
      %get3A_1013 = tpu.vector_load %arg7[%get3A_1010, %get3A_1011, %get3A_1012] {strides = array<i32>} : memref<2x128x64xf32, #tpu.memory_space<vmem>>, vector<16xf32>,
      %get3A_1014 = arith.constant 1 : i32
      %get3A_1015 = arith.index_cast %get3A_1014 : i32 to index
      %get3A_1016 = arith.index_cast %add3A_982 : i32 to index
      %get3A_1017 = arith.constant 32 : index
      %get3A_1018 = tpu.vector_load %arg8[%get3A_1015, %get3A_1016, %get3A_1017] {strides = array<i32>} : memref<2x128x64xf32, #tpu.memory_space<vmem>>, vector<16xf32>,
      %sub3A_1019 = arith.subf %get3A_1013, %get3A_1018 : vector<16xf32>
      %mul3A_1020 = arith.mulf %sub3A_1019, %sub3A_1019 : vector<16xf32>
      %add3A_1021 = arith.addf %add3A_965, %mul3A_1020 : vector<16xf32>
      %get3A_1022 = arith.constant 1 : i32
      %get3A_1023 = arith.index_cast %get3A_1022 : i32 to index
      %get3A_1024 = arith.index_cast %add3A_982 : i32 to index
      %get3A_1025 = arith.constant 48 : index
      %get3A_1026 = tpu.vector_load %arg7[%get3A_1023, %get3A_1024, %get3A_1025] {strides = array<i32>} : memref<2x128x64xf32, #tpu.memory_space<vmem>>, vector<16xf32>,
      %get3A_1027 = arith.constant 1 : i32
      %get3A_1028 = arith.index_cast %get3A_1027 : i32 to index
      %get3A_1029 = arith.index_cast %add3A_982 : i32 to index
      %get3A_1030 = arith.constant 48 : index
      %get3A_1031 = tpu.vector_load %arg8[%get3A_1028, %get3A_1029, %get3A_1030] {strides = array<i32>} : memref<2x128x64xf32, #tpu.memory_space<vmem>>, vector<16xf32>,
      %sub3A_1032 = arith.subf %get3A_1026, %get3A_1031 : vector<16xf32>
      %mul3A_1033 = arith.mulf %sub3A_1032, %sub3A_1032 : vector<16xf32>
      %add3A_1034 = arith.addf %add3A_978, %mul3A_1033 : vector<16xf32>
      %mul3A_1035 = arith.constant 16 : i32
      %mul3A_1036 = arith.muli %scan3A_248, %mul3A_1035 : i32
      %add3A_1037 = arith.constant 14 : i32
      %add3A_1038 = arith.addi %mul3A_1036, %add3A_1037 : i32
      %get3A_1039 = arith.constant 1 : i32
      %get3A_1040 = arith.index_cast %get3A_1039 : i32 to index
      %get3A_1041 = arith.index_cast %add3A_1038 : i32 to index
      %get3A_1042 = arith.constant 0 : index
      %get3A_1043 = tpu.vector_load %arg7[%get3A_1040, %get3A_1041, %get3A_1042] {strides = array<i32>} : memref<2x128x64xf32, #tpu.memory_space<vmem>>, vector<16xf32>,
      %get3A_1044 = arith.constant 1 : i32
      %get3A_1045 = arith.index_cast %get3A_1044 : i32 to index
      %get3A_1046 = arith.index_cast %add3A_1038 : i32 to index
      %get3A_1047 = arith.constant 0 : index
      %get3A_1048 = tpu.vector_load %arg8[%get3A_1045, %get3A_1046, %get3A_1047] {strides = array<i32>} : memref<2x128x64xf32, #tpu.memory_space<vmem>>, vector<16xf32>,
      %sub3A_1049 = arith.subf %get3A_1043, %get3A_1048 : vector<16xf32>
      %mul3A_1050 = arith.mulf %sub3A_1049, %sub3A_1049 : vector<16xf32>
      %add3A_1051 = arith.addf %add3A_995, %mul3A_1050 : vector<16xf32>
      %get3A_1052 = arith.constant 1 : i32
      %get3A_1053 = arith.index_cast %get3A_1052 : i32 to index
      %get3A_1054 = arith.index_cast %add3A_1038 : i32 to index
      %get3A_1055 = arith.constant 16 : index
      %get3A_1056 = tpu.vector_load %arg7[%get3A_1053, %get3A_1054, %get3A_1055] {strides = array<i32>} : memref<2x128x64xf32, #tpu.memory_space<vmem>>, vector<16xf32>,
      %get3A_1057 = arith.constant 1 : i32
      %get3A_1058 = arith.index_cast %get3A_1057 : i32 to index
      %get3A_1059 = arith.index_cast %add3A_1038 : i32 to index
      %get3A_1060 = arith.constant 16 : index
      %get3A_1061 = tpu.vector_load %arg8[%get3A_1058, %get3A_1059, %get3A_1060] {strides = array<i32>} : memref<2x128x64xf32, #tpu.memory_space<vmem>>, vector<16xf32>,
      %sub3A_1062 = arith.subf %get3A_1056, %get3A_1061 : vector<16xf32>
      %mul3A_1063 = arith.mulf %sub3A_1062, %sub3A_1062 : vector<16xf32>
      %add3A_1064 = arith.addf %add3A_1008, %mul3A_1063 : vector<16xf32>
      %get3A_1065 = arith.constant 1 : i32
      %get3A_1066 = arith.index_cast %get3A_1065 : i32 to index
      %get3A_1067 = arith.index_cast %add3A_1038 : i32 to index
      %get3A_1068 = arith.constant 32 : index
      %get3A_1069 = tpu.vector_load %arg7[%get3A_1066, %get3A_1067, %get3A_1068] {strides = array<i32>} : memref<2x128x64xf32, #tpu.memory_space<vmem>>, vector<16xf32>,
      %get3A_1070 = arith.constant 1 : i32
      %get3A_1071 = arith.index_cast %get3A_1070 : i32 to index
      %get3A_1072 = arith.index_cast %add3A_1038 : i32 to index
      %get3A_1073 = arith.constant 32 : index
      %get3A_1074 = tpu.vector_load %arg8[%get3A_1071, %get3A_1072, %get3A_1073] {strides = array<i32>} : memref<2x128x64xf32, #tpu.memory_space<vmem>>, vector<16xf32>,
      %sub3A_1075 = arith.subf %get3A_1069, %get3A_1074 : vector<16xf32>
      %mul3A_1076 = arith.mulf %sub3A_1075, %sub3A_1075 : vector<16xf32>
      %add3A_1077 = arith.addf %add3A_1021, %mul3A_1076 : vector<16xf32>
      %get3A_1078 = arith.constant 1 : i32
      %get3A_1079 = arith.index_cast %get3A_1078 : i32 to index
      %get3A_1080 = arith.index_cast %add3A_1038 : i32 to index
      %get3A_1081 = arith.constant 48 : index
      %get3A_1082 = tpu.vector_load %arg7[%get3A_1079, %get3A_1080, %get3A_1081] {strides = array<i32>} : memref<2x128x64xf32, #tpu.memory_space<vmem>>, vector<16xf32>,
      %get3A_1083 = arith.constant 1 : i32
      %get3A_1084 = arith.index_cast %get3A_1083 : i32 to index
      %get3A_1085 = arith.index_cast %add3A_1038 : i32 to index
      %get3A_1086 = arith.constant 48 : index
      %get3A_1087 = tpu.vector_load %arg8[%get3A_1084, %get3A_1085, %get3A_1086] {strides = array<i32>} : memref<2x128x64xf32, #tpu.memory_space<vmem>>, vector<16xf32>,
      %sub3A_1088 = arith.subf %get3A_1082, %get3A_1087 : vector<16xf32>
      %mul3A_1089 = arith.mulf %sub3A_1088, %sub3A_1088 : vector<16xf32>
      %add3A_1090 = arith.addf %add3A_1034, %mul3A_1089 : vector<16xf32>
      %mul3A_1091 = arith.constant 16 : i32
      %mul3A_1092 = arith.muli %scan3A_248, %mul3A_1091 : i32
      %add3A_1093 = arith.constant 15 : i32
      %add3A_1094 = arith.addi %mul3A_1092, %add3A_1093 : i32
      %get3A_1095 = arith.constant 1 : i32
      %get3A_1096 = arith.index_cast %get3A_1095 : i32 to index
      %get3A_1097 = arith.index_cast %add3A_1094 : i32 to index
      %get3A_1098 = arith.constant 0 : index
      %get3A_1099 = tpu.vector_load %arg7[%get3A_1096, %get3A_1097, %get3A_1098] {strides = array<i32>} : memref<2x128x64xf32, #tpu.memory_space<vmem>>, vector<16xf32>,
      %get3A_1100 = arith.constant 1 : i32
      %get3A_1101 = arith.index_cast %get3A_1100 : i32 to index
      %get3A_1102 = arith.index_cast %add3A_1094 : i32 to index
      %get3A_1103 = arith.constant 0 : index
      %get3A_1104 = tpu.vector_load %arg8[%get3A_1101, %get3A_1102, %get3A_1103] {strides = array<i32>} : memref<2x128x64xf32, #tpu.memory_space<vmem>>, vector<16xf32>,
      %sub3A_1105 = arith.subf %get3A_1099, %get3A_1104 : vector<16xf32>
      %mul3A_1106 = arith.mulf %sub3A_1105, %sub3A_1105 : vector<16xf32>
      %add3A_1107 = arith.addf %add3A_1051, %mul3A_1106 : vector<16xf32>
      %get3A_1108 = arith.constant 1 : i32
      %get3A_1109 = arith.index_cast %get3A_1108 : i32 to index
      %get3A_1110 = arith.index_cast %add3A_1094 : i32 to index
      %get3A_1111 = arith.constant 16 : index
      %get3A_1112 = tpu.vector_load %arg7[%get3A_1109, %get3A_1110, %get3A_1111] {strides = array<i32>} : memref<2x128x64xf32, #tpu.memory_space<vmem>>, vector<16xf32>,
      %get3A_1113 = arith.constant 1 : i32
      %get3A_1114 = arith.index_cast %get3A_1113 : i32 to index
      %get3A_1115 = arith.index_cast %add3A_1094 : i32 to index
      %get3A_1116 = arith.constant 16 : index
      %get3A_1117 = tpu.vector_load %arg8[%get3A_1114, %get3A_1115, %get3A_1116] {strides = array<i32>} : memref<2x128x64xf32, #tpu.memory_space<vmem>>, vector<16xf32>,
      %sub3A_1118 = arith.subf %get3A_1112, %get3A_1117 : vector<16xf32>
      %mul3A_1119 = arith.mulf %sub3A_1118, %sub3A_1118 : vector<16xf32>
      %add3A_1120 = arith.addf %add3A_1064, %mul3A_1119 : vector<16xf32>
      %get3A_1121 = arith.constant 1 : i32
      %get3A_1122 = arith.index_cast %get3A_1121 : i32 to index
      %get3A_1123 = arith.index_cast %add3A_1094 : i32 to index
      %get3A_1124 = arith.constant 32 : index
      %get3A_1125 = tpu.vector_load %arg7[%get3A_1122, %get3A_1123, %get3A_1124] {strides = array<i32>} : memref<2x128x64xf32, #tpu.memory_space<vmem>>, vector<16xf32>,
      %get3A_1126 = arith.constant 1 : i32
      %get3A_1127 = arith.index_cast %get3A_1126 : i32 to index
      %get3A_1128 = arith.index_cast %add3A_1094 : i32 to index
      %get3A_1129 = arith.constant 32 : index
      %get3A_1130 = tpu.vector_load %arg8[%get3A_1127, %get3A_1128, %get3A_1129] {strides = array<i32>} : memref<2x128x64xf32, #tpu.memory_space<vmem>>, vector<16xf32>,
      %sub3A_1131 = arith.subf %get3A_1125, %get3A_1130 : vector<16xf32>
      %mul3A_1132 = arith.mulf %sub3A_1131, %sub3A_1131 : vector<16xf32>
      %add3A_1133 = arith.addf %add3A_1077, %mul3A_1132 : vector<16xf32>
      %get3A_1134 = arith.constant 1 : i32
      %get3A_1135 = arith.index_cast %get3A_1134 : i32 to index
      %get3A_1136 = arith.index_cast %add3A_1094 : i32 to index
      %get3A_1137 = arith.constant 48 : index
      %get3A_1138 = tpu.vector_load %arg7[%get3A_1135, %get3A_1136, %get3A_1137] {strides = array<i32>} : memref<2x128x64xf32, #tpu.memory_space<vmem>>, vector<16xf32>,
      %get3A_1139 = arith.constant 1 : i32
      %get3A_1140 = arith.index_cast %get3A_1139 : i32 to index
      %get3A_1141 = arith.index_cast %add3A_1094 : i32 to index
      %get3A_1142 = arith.constant 48 : index
      %get3A_1143 = tpu.vector_load %arg8[%get3A_1140, %get3A_1141, %get3A_1142] {strides = array<i32>} : memref<2x128x64xf32, #tpu.memory_space<vmem>>, vector<16xf32>,
      %sub3A_1144 = arith.subf %get3A_1138, %get3A_1143 : vector<16xf32>
      %mul3A_1145 = arith.mulf %sub3A_1144, %sub3A_1144 : vector<16xf32>
      %add3A_1146 = arith.addf %add3A_1090, %mul3A_1145 : vector<16xf32>
      scf.yield %add3A_1107, %add3A_1120, %add3A_1133, %add3A_1146 : vector<16xf32>, vector<16xf32>, vector<16xf32>, vector<16xf32>
    }
    %scan3A_243 = arith.constant 8 : i32
    %add3A_244 = arith.addf %scan3A_242#0, %scan3A_242#1 : vector<16xf32>
    %add3A_245 = arith.addf %scan3A_242#2, %scan3A_242#3 : vector<16xf32>
    %add3A_246 = arith.addf %add3A_244, %add3A_245 : vector<16xf32>
    %swap3A = arith.constant 0 : index
    %swap3A_247 = tpu.vector_load %arg9[%swap3A] {strides = array<i32>} : memref<16xf32, #tpu.memory_space<vmem>>, vector<16xf32>,
    tpu.vector_store %arg9[%swap3A], %add3A_246 {strides = array<i32>} : memref<16xf32, #tpu.memory_space<vmem>>, vector<16xf32>,
    "tpu.region"() ({
      %run_scoped3A_248 = tpu.sem_alloc : memref<!tpu.dma_semaphore, #tpu.memory_space<semaphore_mem>>
      %dma_start3A_249 = arith.constant 0 : i32
      %dma_start3A_250 = tpu.memref_slice %arg5[%add3A, %dma_start3A_249] : memref<32x16xf32, #tpu.memory_space<hbm>> -> memref<1x16xf32, #tpu.memory_space<hbm>>
      %dma_start3A_251 = tpu.memref_squeeze %dma_start3A_250 : memref<1x16xf32, #tpu.memory_space<hbm>> -> memref<16xf32, #tpu.memory_space<hbm>>
      %dma_start3A_252 = arith.constant 0 : i32
      %dma_start3A_253 = tpu.memref_slice %arg5[%add3A, %dma_start3A_252] : memref<32x16xf32, #tpu.memory_space<hbm>> -> memref<1x16xf32, #tpu.memory_space<hbm>>
      %dma_start3A_254 = tpu.memref_squeeze %dma_start3A_253 : memref<1x16xf32, #tpu.memory_space<hbm>> -> memref<16xf32, #tpu.memory_space<hbm>>
      tpu.enqueue_dma source(%arg9 : memref<16xf32, #tpu.memory_space<vmem>>) target(%dma_start3A_254 : memref<16xf32, #tpu.memory_space<hbm>>) target_semaphore(%run_scoped3A_248 : memref<!tpu.dma_semaphore, #tpu.memory_space<semaphore_mem>>)
      %dma_wait3A_255 = arith.constant 0 : i32
      %dma_wait3A_256 = tpu.memref_slice %arg5[%add3A, %dma_wait3A_255] : memref<32x16xf32, #tpu.memory_space<hbm>> -> memref<1x16xf32, #tpu.memory_space<hbm>>
      %dma_wait3A_257 = tpu.memref_squeeze %dma_wait3A_256 : memref<1x16xf32, #tpu.memory_space<hbm>> -> memref<16xf32, #tpu.memory_space<hbm>>
      %dma_wait3A_258 = arith.constant 0 : i32
      %dma_wait3A_259 = tpu.memref_slice %arg5[%add3A, %dma_wait3A_258] : memref<32x16xf32, #tpu.memory_space<hbm>> -> memref<1x16xf32, #tpu.memory_space<hbm>>
      %dma_wait3A_260 = tpu.memref_squeeze %dma_wait3A_259 : memref<1x16xf32, #tpu.memory_space<hbm>> -> memref<16xf32, #tpu.memory_space<hbm>>
      tpu.wait_dma2 semaphore(%run_scoped3A_248 : memref<!tpu.dma_semaphore, #tpu.memory_space<semaphore_mem>>) src(%arg9 : memref<16xf32, #tpu.memory_space<vmem>>) dst(%dma_wait3A_260 : memref<16xf32, #tpu.memory_space<hbm>>)
      tpu.yield
    }) : () -> ()
    return
  }
}

module attributes {stable_mosaic.version = 14 : i64} {
  func.func @_tc_sb_body(%arg0: i32, %arg1: memref<8192x64xf32, #tpu.memory_space<vmem>>, %arg2: memref<1x64xf32, #tpu.memory_space<vmem>>, %arg3: memref<1x1xf32, #tpu.memory_space<smem>>) attributes {dimension_semantics = [#tpu.dimension_semantics<arbitrary>], iteration_bounds = array<i64: 13>, scalar_prefetch = 0 : i64, scratch_operands = 0 : i64, tpu.core_type = #tpu.core_type<tc>, window_params = [{transform_indices = @transform_0, window_bounds = array<i64: 8192, 64>}, {pipeline_mode = #tpu.pipeline_mode<synchronous>, transform_indices = @transform_1, window_bounds = array<i64: 1, 64>}, {transform_indices = @transform_2, window_bounds = array<i64: 1, 1>}]} {
    %eq3A = arith.constant 0 : i32
    %eq3A_0 = arith.cmpi eq, %arg0, %eq3A : i32
    %convert_element_type3A = arith.extui %eq3A_0 : i1 to i32
    %cond3A = arith.constant 0 : i32
    %cond3A_1 = arith.cmpi ne, %convert_element_type3A, %cond3A : i32
    scf.if %cond3A_1 {
      %swap3A_23 = arith.constant 0.000000e+00 : f32
      %swap3A_24 = arith.constant 0 : index
      %swap3A_25 = arith.constant 0 : index
      %swap3A_26 = memref.load %arg3[%swap3A_24, %swap3A_25] : memref<1x1xf32, #tpu.memory_space<smem>>
      memref.store %swap3A_23, %arg3[%swap3A_24, %swap3A_25] : memref<1x1xf32, #tpu.memory_space<smem>>
    } else {
    }
    %get3A = arith.constant 0 : index
    %get3A_2 = arith.constant 0 : index
    %get3A_3 = vector.load %arg1[%get3A, %get3A_2] : memref<8192x64xf32, #tpu.memory_space<vmem>>, vector<8192x64xf32>
    %iota3A = tpu.iota {dimensions = array<i32: 0>} : vector<8192x64xi32>
    %mul3A = arith.constant 8192 : i32
    %mul3A_4 = arith.muli %arg0, %mul3A : i32
    %add3A = vector.broadcast %mul3A_4 : i32 to vector<8192x64xi32>
    %add3A_5 = arith.addi %iota3A, %add3A : vector<8192x64xi32>
    %get3A_6 = arith.constant 0 : index
    %get3A_7 = arith.constant 0 : index
    %get3A_8 = vector.load %arg2[%get3A_6, %get3A_7] : memref<1x64xf32, #tpu.memory_space<vmem>>, vector<1x64xf32>
    %sub3A = vector.broadcast %get3A_8 : vector<1x64xf32> to vector<8192x64xf32>
    %sub3A_9 = arith.subf %get3A_3, %sub3A : vector<8192x64xf32>
    %lt3A = arith.constant 100000 : i32
    %lt3A_10 = vector.broadcast %lt3A : i32 to vector<8192x64xi32>
    %lt3A_11 = arith.cmpi slt, %add3A_5, %lt3A_10 : vector<8192x64xi32>
    %jit3A = arith.constant 0.000000e+00 : f32
    %broadcast_in_dim3A = vector.broadcast %jit3A : f32 to vector<8192x64xf32>
    %select_n3A = arith.select %lt3A_11, %sub3A_9, %broadcast_in_dim3A : vector<8192x64xi1>, vector<8192x64xf32>
    %get3A_12 = arith.constant 0 : index
    %get3A_13 = arith.constant 0 : index
    %get3A_14 = memref.load %arg3[%get3A_12, %get3A_13] : memref<1x1xf32, #tpu.memory_space<smem>>
    %mul3A_15 = arith.mulf %select_n3A, %select_n3A : vector<8192x64xf32>
    %reduce_sum3A = vector.shape_cast %mul3A_15 : vector<8192x64xf32> to vector<1x8192x64xf32>
    %reduce_sum3A_16 = arith.constant dense<0.000000e+00> : vector<1xf32>
    %reduce_sum3A_17 = vector.multi_reduction <add>, %reduce_sum3A, %reduce_sum3A_16 [1, 2] : vector<1x8192x64xf32> to vector<1xf32>
    %reduce_sum3A_18 = vector.shape_cast %reduce_sum3A_17 : vector<1xf32> to vector<1x1x1xf32>
    %reduce_sum3A_19 = vector.extract %reduce_sum3A_18[0, 0, 0] : f32 from vector<1x1x1xf32>
    %add3A_20 = arith.addf %get3A_14, %reduce_sum3A_19 : f32
    %swap3A = arith.constant 0 : index
    %swap3A_21 = arith.constant 0 : index
    %swap3A_22 = memref.load %arg3[%swap3A, %swap3A_21] : memref<1x1xf32, #tpu.memory_space<smem>>
    memref.store %add3A_20, %arg3[%swap3A, %swap3A_21] : memref<1x1xf32, #tpu.memory_space<smem>>
    return
  }
  func.func @transform_0(%arg0: i32) -> (i32, i32) {
    %c0_i32 = arith.constant 0 : i32
    %c0_i32_0 = arith.constant 0 : i32
    return %arg0, %c0_i32 : i32, i32
  }
  func.func @transform_1(%arg0: i32) -> (i32, i32) {
    %c0_i32 = arith.constant 0 : i32
    %c0_i32_0 = arith.constant 0 : i32
    %c0_i32_1 = arith.constant 0 : i32
    return %c0_i32, %c0_i32_0 : i32, i32
  }
  func.func @transform_2(%arg0: i32) -> (i32, i32) {
    %c0_i32 = arith.constant 0 : i32
    %c0_i32_0 = arith.constant 0 : i32
    %c0_i32_1 = arith.constant 0 : i32
    return %c0_i32, %c0_i32_0 : i32, i32
  }
}

module attributes {stable_mosaic.version = 14 : i64} {
  func.func @_combine_body(%arg0: memref<32x16xf32, #tpu.memory_space<vmem>>, %arg1: memref<1x1xf32, #tpu.memory_space<smem>>, %arg2: memref<1x1xf32, #tpu.memory_space<smem>>) attributes {dimension_semantics = [], scalar_prefetch = 0 : i64, scratch_operands = 0 : i64, tpu.core_type = #tpu.core_type<tc>} {
    %get3A = arith.constant 0 : index
    %get3A_0 = arith.constant 0 : index
    %get3A_1 = vector.load %arg0[%get3A, %get3A_0] : memref<32x16xf32, #tpu.memory_space<vmem>>, vector<32x16xf32>
    %reduce_sum3A = vector.shape_cast %get3A_1 : vector<32x16xf32> to vector<1x32x16xf32>
    %reduce_sum3A_2 = arith.constant dense<0.000000e+00> : vector<1xf32>
    %reduce_sum3A_3 = vector.multi_reduction <add>, %reduce_sum3A, %reduce_sum3A_2 [1, 2] : vector<1x32x16xf32> to vector<1xf32>
    %reduce_sum3A_4 = vector.shape_cast %reduce_sum3A_3 : vector<1xf32> to vector<1x1x1xf32>
    %reduce_sum3A_5 = vector.extract %reduce_sum3A_4[0, 0, 0] : f32 from vector<1x1x1xf32>
    %mul3A = arith.constant 6.10351563E-5 : f32
    %mul3A_6 = arith.mulf %reduce_sum3A_5, %mul3A : f32
    %get3A_7 = arith.constant 0 : index
    %get3A_8 = arith.constant 0 : index
    %get3A_9 = memref.load %arg1[%get3A_7, %get3A_8] : memref<1x1xf32, #tpu.memory_space<smem>>
    %mul3A_10 = arith.constant 1.000000e-01 : f32
    %mul3A_11 = arith.mulf %get3A_9, %mul3A_10 : f32
    %mul3A_12 = arith.constant 1.000000e+01 : f32
    %mul3A_13 = arith.mulf %mul3A_11, %mul3A_12 : f32
    %log3A = math.log %mul3A_6 : f32
    %log3A_14 = math.log %mul3A_13 : f32
    %sub3A = arith.subf %log3A, %log3A_14 : f32
    %exp3A = math.exp %sub3A : f32
    %swap3A = arith.constant 0 : index
    %swap3A_15 = arith.constant 0 : index
    %swap3A_16 = memref.load %arg2[%swap3A, %swap3A_15] : memref<1x1xf32, #tpu.memory_space<smem>>
    memref.store %exp3A, %arg2[%swap3A, %swap3A_15] : memref<1x1xf32, #tpu.memory_space<smem>>
    return
  }
}

</mosaic_0001>

<sc_bundles>
// kernel: kernel.5.cloned.1.call-start
scs
__scs_entry_jumppad:
0x0: {  	(pc) =	sbr.rel $0x88, $3  }
0x1: {  	(tag) =	ssettag $0x0;
	lr =	simm.s32 $0x1  }
0x2: {  	[smem:$0x3F9D] =	sst lr;
	_ =	strace $0xD0000000  }
0x3: {  	_ = 	snop  }
0x4: {  	_ = 	snop  }
0x5: {  	_ = 	snop  }
0x6: {  	_ = 	snop  }
0x7: {  	_ = 	snop  }
__scs_overlays_trampoline_lowered:
0x8: {  	[smem:$0x3FAC] =	sst s0  }
0x9: {  	[smem:$0x3FAD] =	sst s1  }
0xa: {  	[smem:$0x3FAE] =	sst s2  }
0xb: {  	[smem:$0x3FAF] =	sst s3  }
0xc: {  	[smem:$0x3FB0] =	sst s4  }
0xd: {  	[smem:$0x3FB1] =	sst s5  }
0xe: {  	[smem:$0x3FB2] =	sst s6  }
0xf: {  	[smem:$0x3FB3] =	sst s7  }
0x10: {  	[smem:$0x3FB4] =	sst s8  }
0x11: {  	[smem:$0x3FB5] =	sst s9;
	s0 =	simm.s32 @!p0 $0x0  }
0x12: {  	s1 =	sld [smem:$0x3F9B];
	s0 =	simm.s32 @p0 $0x1  }
0x13: {  	[smem:$0x3FB6] =	sst s0;
	s0 =	simm.s32 @!p1 $0x0  }
0x14: {  	s2 =	sld [smem:$0x3F9A];
	s0 =	simm.s32 @p1 $0x1  }
0x15: {  	[smem:$0x3FB7] =	sst s0;
	s0 =	simm.s32 @!p2 $0x0  }
0x16: {  	s3 =	sld [smem:$0x3FDB];
	s0 =	simm.s32 @p2 $0x1  }
0x17: {  	s4 =	simm.s32 $0x1BF5;
	[smem:$0x3FB9] =	sst s0  }
0x18: {  	s0 =	sld [smem:$0x3F9C];
	_ =	swait.ge [sflag:s4], $0x0  }
0x19: {  	s7 =	sld [smem:$0x3F9D]  }
0x1a: {  	s8 =	sadd.s32 $0xFFFFE003, lr  }
0x1b: {  	s9 =	sadd.s32 $0xFFFFFEF7, lr;
	s5 =	simm.s32 $0xFFFFFFFF;
	p2 =	slt.u32 s8, $0xFFFFF086  }
0x1c: {  	p1 =	slt.u32 s9, $0xF7A;
	s5 =	simm.s32 @!p2 $0x0  }
0x1d: {  	s5 =	simm.s32 @p1 $0x1;
	p0 =	seq.s32 s7, s2  }
0x1e: {  	s7 =	smul.u32 @!p0 $0xF7A, s2;
	p2 =	seq.s32 @!p0 s5, $0x0  }
0x1f: {  	s9 =	smul.u32 $0xF7A, s1;
	s8 =	simm.s32 @!p0 $0x1BF5;
	p2 =	por !p2, p0  }
0x20: {  	[sflag:s8] =	ssyncset.s32 @!p0 $0xFFFFF086;
	s6 =	sadd.s32 @!p0 s3, s7;
	s7 =	simm.s32 @!p0 $0x108  }
0x21: {  	s3 =	sadd.s32 s3, s9;
	s6 =	sadd.s32 @!p0 $0x88, s6;
	s7 =	simm.s32 @p2 $0x1082  }
0x22: {  	[simem:s7], [sflag:s8] =	dma.local @!p0 [hbm:s6], $0xF7A  }
0x23: {  	s9 =	sor.u32 $0xD0000000, s2;
	s6 =	simm.s32 $0x108;
	_ =	swait.ge @!p0 [sflag:s8], $0x0  }
0x24: {  	s3 =	sadd.s32 $0x88, s3;
	s6 =	simm.s32 @!p1 $0x1082;
	[sflag:s4] =	ssyncset.s32 $0xFFFFF086  }
0x25: {  	[simem:s6], [sflag:s4] =	dma.local [hbm:s3], $0xF7A  }
0x26: {  	[smem:$0x3F9D] =	sst s1;
	(tag) =	ssettag s2;
	_ =	strace s9  }
0x27: {  	s1 =	sld [smem:$0x3FAD]  }
0x28: {  	s2 =	sld [smem:$0x3FAE]  }
0x29: {  	s4 =	sld [smem:$0x3FB0]  }
0x2a: {  	p0 =	seq.s32 s5, $0x0;
	s5 =	sld [smem:$0x3FB1]  }
0x2b: {  	s6 =	sld [smem:$0x3FB2]  }
0x2c: {  	s7 =	sld [smem:$0x3FB3]  }
0x2d: {  	s3 =	simm.s32 $0x108;
	s8 =	sld [smem:$0x3FB4]  }
0x2e: {  	s3 =	simm.s32 @!p0 $0x1082;
	s9 =	sld [smem:$0x3FB5]  }
0x2f: {  	lr =	sadd.s32 s0, s3;
	s0 =	sld [smem:$0x3FAC]  }
0x30: {  	s3 =	sld [smem:$0x3FAF]  }
0x31: {  	[smem:$0x3FB8] =	sst s10  }
0x32: {  	s10 =	sld [smem:$0x3FB6];
	_ =	sdelay $0x3  }
0x33: {  	p0 =	seq.s32 s10, $0x1;
	s10 =	sld [smem:$0x3FB8];
	_ =	sdelay $0x3  }
0x34: {  	[smem:$0x3FB8] =	sst s10  }
0x35: {  	s10 =	sld [smem:$0x3FB7];
	_ =	sdelay $0x3  }
0x36: {  	p1 =	seq.s32 s10, $0x1;
	s10 =	sld [smem:$0x3FB8];
	_ =	sdelay $0x3  }
0x37: {  	[smem:$0x3FB8] =	sst s10  }
0x38: {  	s10 =	sld [smem:$0x3FB9]  }
0x39: {  	_ = 	snop;
	(pc) =	sbr.ind lr, $3  }
0x3a: {  	_ = 	snop  }
0x3b: {  	_ = 	snop  }
0x3c: {  	p2 =	seq.s32 s10, $0x1;
	s10 =	sld [smem:$0x3FB8]  }
0x3d: {  	_ =	shalt  }
0x3e: {  	_ =	shalt  }
0x3f: {  	_ =	shalt  }
0x40: {  	_ =	shalt  }
0x41: {  	_ =	shalt  }
0x42: {  	_ =	shalt  }
0x43: {  	_ =	shalt  }
0x44: {  	_ =	shalt  }
0x45: {  	_ =	shalt  }
0x46: {  	_ =	shalt  }
0x47: {  	_ =	shalt  }
0x48: {  	_ =	shalt  }
0x49: {  	_ =	shalt  }
0x4a: {  	_ =	shalt  }
0x4b: {  	_ =	shalt  }
0x4c: {  	_ =	shalt  }
0x4d: {  	_ =	shalt  }
0x4e: {  	_ =	shalt  }
0x4f: {  	_ =	shalt  }
0x50: {  	_ =	shalt  }
0x51: {  	_ =	shalt  }
0x52: {  	_ =	shalt  }
0x53: {  	_ =	shalt  }
0x54: {  	_ =	shalt  }
0x55: {  	_ =	shalt  }
0x56: {  	_ =	shalt  }
0x57: {  	_ =	shalt  }
0x58: {  	_ =	shalt  }
0x59: {  	_ =	shalt  }
0x5a: {  	_ =	shalt  }
0x5b: {  	_ =	shalt  }
0x5c: {  	_ =	shalt  }
0x5d: {  	_ =	shalt  }
0x5e: {  	_ =	shalt  }
0x5f: {  	_ =	shalt  }
0x60: {  	_ =	shalt  }
0x61: {  	_ =	shalt  }
0x62: {  	_ =	shalt  }
0x63: {  	_ =	shalt  }
0x64: {  	_ =	shalt  }
0x65: {  	_ =	shalt  }
0x66: {  	_ =	shalt  }
0x67: {  	_ =	shalt  }
0x68: {  	_ =	shalt  }
0x69: {  	_ =	shalt  }
0x6a: {  	_ =	shalt  }
0x6b: {  	_ =	shalt  }
0x6c: {  	_ =	shalt  }
0x6d: {  	_ =	shalt  }
0x6e: {  	_ =	shalt  }
0x6f: {  	_ =	shalt  }
0x70: {  	_ =	shalt  }
0x71: {  	_ =	shalt  }
0x72: {  	_ =	shalt  }
0x73: {  	_ =	shalt  }
0x74: {  	_ =	shalt  }
0x75: {  	_ =	shalt  }
0x76: {  	_ =	shalt  }
0x77: {  	_ =	shalt  }
0x78: {  	_ =	shalt  }
0x79: {  	_ =	shalt  }
0x7a: {  	_ =	shalt  }
0x7b: {  	_ =	shalt  }
0x7c: {  	_ =	shalt  }
0x7d: {  	_ =	shalt  }
0x7e: {  	_ =	shalt  }
0x7f: {  	_ =	shalt  }
0x80: {  	_ =	shalt  }
0x81: {  	_ =	shalt  }
0x82: {  	_ =	shalt  }
0x83: {  	_ =	shalt  }
0x84: {  	_ =	shalt  }
0x85: {  	_ =	shalt  }
0x86: {  	_ =	shalt  }
0x87: {  	_ =	shalt  }
.Lfunc_end0:
.L_simem_size_0:
called_computation_lowered:
.L_overlay_start_0:
0x88: {  	s2 =	sld [smem:$0x3FD9]  }
0x89: {  	s3 =	sld [smem:$0x3FFE];
	_ =	sdelay $0x1  }
0x8a: {  	s1 =	srdreg.scid  }
0x8b: {  	s0 =	sand.u32 $0x1, s1  }
0x8c: {  	s17 =	sshll.u32 s0, $0xA;
	s2 =	sadd.s32 s3, s2  }
0x8d: {  	s2 =	sadd.s32 s2, s17  }
0x8e: {  	[smem:$0x3FC4] =	sst s2  }
0x8f: {  	_ = 	snop  }
0x90: {  	s2 =	sld [smem:$0x3FC8];
	(tm) =	ssettm $0x1  }
0x91: {  	s18 =	sld [smem:$0x3FFB];
	_ =	sdelay $0x3  }
0x92: {  	_ =	strace s18  }
0x93: {  	s3 =	sld [smem:$0x3FFC];
	_ =	sdelay $0x3  }
0x94: {  	_ =	strace s3  }
0x95: {  	s3 =	sld [smem:$0x3FFD];
	_ =	sdelay $0x3  }
0x96: {  	_ =	strace s3  }
0x97: {  	_ =	strace $0x8FFFFFFF  }
0x98: {  	s19 =	sld [smem:$0x3FDB];
	_ =	sdelay $0x1  }
0x99: {  	s4 =	simm.s32 $_scs_section_size  }
0x9a: {  	s5 =	simm.s32 $_size__tile_overlayer_lowered;
	s6 =	simm.s32 $_tile_overlayer_lowered  }
0x9b: {  	s22 =	simm.s32 $0x1BFF;
	s21 =	sshll.u32 s6, $0x1;
	s3 =	sadd.s32 s4, s19  }
0x9c: {  	s7 =	simm.s32 $0x0;
	s20 =	sshll.u32 s5, $0x1;
	s5 =	sadd.s32 s21, s3  }
0x9d: {  	[timem:s7], [sflag:s22] =	dma.local [hbm:s5], s20  }
0x9e: {  	_ =	swait.ge [sflag:s22], s20  }
0x9f: {  	s4 =	ssub.s32 $0x0, s20;
	[sflag:s22] =	ssyncset.done $0x0  }
0xa0: {  	[sflag:s22] =	ssyncadd.s32 s4;
	_ =	sdelay $0x1  }
0xa1: {  	s23 =	simm.s32 $0x1B8B  }
0xa2: {  	_ =	swait.ge [sflag:s23], $0x1  }
0xa3: {  	[sflag:s23] =	ssyncset.done $0x0  }
0xa4: {  	s25 =	simm.s32 $0x1B8E;
	s24 =	sld [smem:$0x3FFE];
	[sflag:s23] =	ssyncadd.s32 $0xFFFFFFFF  }
0xa5: {  	s26 =	simm.s32 $execute0_lowered;
	[smem:$0x3FD2] =	sst s25  }
0xa6: {  	s5 =	sshll.u32 s26, $0x1;
	_ =	strace $0x80000046;
	[dreg:$0x1] =	wrdreg $0xFFFFFFFF  }
0xa7: {  	s28 =	simm.s32 $_size_execute0_lowered;
	s3 =	sadd.s32 s3, s5;
	[dreg:$0x0] =	wrdreg $0x0  }
0xa8: {  	s5 =	sshll.u32 s28, $0x1;
	[dreg:$0x2] =	wrdreg s3  }
0xa9: {  	[dreg:$0x3] =	wrdreg s5  }
0xaa: {  	[dreg:$0x4] =	wrdreg $0xC0  }
0xab: {  	_ =	task [dreg:s7], $0x5FFFF  }
0xac: {  	[dreg:$0x1] =	wrdreg $0xFFFFFFFF  }
0xad: {  	[dreg:$0x0] =	wrdreg $0x60  }
0xae: {  	[dreg:$0x2] =	wrdreg s24  }
0xaf: {  	[dreg:$0x3] =	wrdreg s2  }
0xb0: {  	[dreg:$0x4] =	wrdreg $0x9  }
0xb1: {  	_ =	task.clear_ibuf [dreg:s7], $0x5FFFF;
	_ =	strace $0x90000046  }
0xb2: {  	s29 =	simm.s32 $0x9;
	_ =	strace $0x80000048  }
0xb3: {  	_ =	swait.ge [sflag:s29], $0x1  }
0xb4: {  	[sflag:s29] =	ssyncadd.s32 $0xFFFFFFFF  }
0xb5: {  	_ =	strace $0x90000048  }
0xb6: {  	_ =	sfence  }
0xb7: {  	s30 =	sld [smem:$0x0];
	_ =	sdelay $0x2  }
0xb8: {  	s31 =	sshll.u32 s1, $0xD;
	s1 =	sshrl.u32 s1, $0x2  }
0xb9: {  	s3 =	sand.u32 $0x4000, s31;
	s1 =	sadd.s32 s1, s30  }
0xba: {  	s0 =	sor.u32 s3, s0;
	s1 =	sshll.u32 s1, $0x11  }
0xbb: {  	s0 =	sor.u32 s1, s0  }
0xbc: {  	s0 =	sadd.s32 $0x8F2B, s0  }
0xbd: {  	[sflag:s0] =	ssyncadd.remote.s32 $0x1  }
0xbe: {  	_ =	sfence.sel $0xFFFF  }
0xbf: {  	[dreg:$0x0] =	wrdreg $0xFFFFFFFF;
	(pc) =	sbr.abs _section_cstart, $3  }
0xc0: {  	[dreg:$0x1] =	wrdreg $0xFFFFFFFF  }
0xc1: {  	_ =	task.clear_ibuf [dreg:s7], $0x2FFFF;
	_ =	strace $0x9FFFFFFF  }
0xc2: {  	(tm) =	ssettm $0x7FFFFFFF  }
0xc3: {  	_ =	shalt  }
tec
execute0_lowered:
.L_overlay_start_1:
0x0: {  	(tag) =	ssettag $0x1  }
0x1: {  	s4 =	rddreg [dreg:$0x0]  }
0x2: {  	s7 =	rddreg [dreg:$0x1]  }
0x3: {  	s0 =	rddreg [dreg:$0x2];
	s3 =	srdreg.scid  }
0x4: {  	s1 =	stileid.u32;
	s2 =	simm.s32 $0x0;
	s16 =	simm.s32 $0x100  }
0x5: {  	s17 =	simm.s32 $0x180;
	s18 =	simm.s32 $0x200;
	s19 =	simm.s32 $0x4200  }
0x6: {  	s20 =	simm.s32 $0x2200;
	s21 =	simm.s32 $0x6200;
	s22 =	simm.s32 $0x1  }
0x7: {  	s23 =	simm.s32 $0x2;
	s24 =	simm.s32 $0x8200;
	s5 =	sand.u32 $0x1, s3  }
0x8: {  	s25 =	sshll.u32 s1, $0x1;
	[smem:$0x7FF] =	sst s2;
	s11 =	sadd.s32 $0x600, s4  }
0x9: {  	s3 =	sadd.s32 $0x1A7000, s4;
	s8 =	sor.u32 s5, s25;
	_ =	strace $0x80000047  }
0xa: {  	s26 =	ssub.s32 $0x2, s5;
	s25 =	simm.s32 $0x0;
	s6 =	sshll.u32 s8, $0x1  }
0xb: {  	s5 =	sshrl.u32 s26, $0x1;
	s28 =	sshll.u32 s8, $0x9;
	s9 =	sshll.u32 s8, $0x6  }
0xc: {  	s8 =	sshll.u32 s8, $0xC;
	s12 =	sadd.s32 s6, s4;
	s13 =	ssub.s32 s26, s5  }
0xd: {  	s4 =	sadd.s32 s7, s9;
	s29 =	sor.u32 $0x80, s28;
	s10 =	sor.u32 $0x100, s28  }
0xe: {  	s14 =	sor.u32 $0x180, s28;
	s8 =	sadd.s32 s11, s8;
	s30 =	sshrl.u32 s29, $0x3  }
0xf: {  	s31 =	sshrl.u32 s10, $0x3;
	s15 =	sshrl.u32 s14, $0x3;
	s9 =	sshll.u32 s29, $0x3  }
0x10: {  	s10 =	sshll.u32 s10, $0x3;
	s14 =	sshll.u32 s14, $0x3;
	s12 =	sadd.s32 $0x26A600, s12  }
0x11: {  	s13 =	smax.u32 s13, $0x1;
	s5 =	sadd.s32 s7, s30;
	s6 =	sadd.s32 s7, s31  }
0x12: {  	s7 =	sadd.s32 s7, s15;
	s9 =	sadd.s32 s11, s9;
	s10 =	sadd.s32 s11, s10  }
0x13: {  	s11 =	sadd.s32 s11, s14;
	s14 =	simm.s32 $0x3;
	s15 =	simm.s32 $0x80  }
.LBB2_1:
0x14: {  	[tilespmem:s2], [sflag:$0x3] =	stream.linear.gather [hbm4b:s4+s2], $0x80, $0x38;
	[tilespmem:$0x8210] =	vst v63  }
0x15: {  	_ =	swait.ge [sflag:s14], $0x80  }
0x16: {  	[sflag:s14] =	ssyncset.done $0x0  }
0x17: {  	[sflag:s14] =	ssyncadd.s32 $0xFFFFFF80  }
0x18: {  	[tilespmem:s15], [sflag:$0x3] =	stream.linear.gather [hbm4b:s5+s2], $0x80, $0x38;
	[tilespmem:$0x8210] =	vst v63  }
0x19: {  	_ =	swait.ge [sflag:s14], $0x80  }
0x1a: {  	[sflag:s14] =	ssyncset.done $0x0  }
0x1b: {  	[sflag:s14] =	ssyncadd.s32 $0xFFFFFF80  }
0x1c: {  	[tilespmem:s16], [sflag:$0x3] =	stream.linear.gather [hbm4b:s6+s2], $0x80, $0x38;
	[tilespmem:$0x8210] =	vst v63  }
0x1d: {  	_ =	swait.ge [sflag:s14], $0x80  }
0x1e: {  	[sflag:s14] =	ssyncset.done $0x0  }
0x1f: {  	[sflag:s14] =	ssyncadd.s32 $0xFFFFFF80  }
0x20: {  	[tilespmem:s17], [sflag:$0x3] =	stream.linear.gather [hbm4b:s7+s2], $0x80, $0x38;
	[tilespmem:$0x8210] =	vst v63  }
0x21: {  	_ =	swait.ge [sflag:s14], $0x80  }
0x22: {  	[sflag:s14] =	ssyncset.done $0x0  }
0x23: {  	[sflag:s14] =	ssyncadd.s32 $0xFFFFFF80  }
0x24: {  	[tilespmem:s18], [sflag:$0x1] =	stream.linear.gather [hbm4b:s8+s2], $0x2000, $0x38;
	[tilespmem:$0x8210] =	vst v63  }
0x25: {  	_ = 	snop  }
0x26: {  	[tilespmem:s19], [sflag:$0x1] =	stream.indirect.gather [hbm4b:s3+s15], $0x40, s2, s15, $0xb8;
	[tilespmem:$0x8210] =	vst v63  }
0x27: {  	_ = 	snop  }
0x28: {  	[tilespmem:s20], [sflag:$0x2] =	stream.linear.gather [hbm4b:s9+s2], $0x2000, $0x38;
	[tilespmem:$0x8210] =	vst v63  }
0x29: {  	_ = 	snop  }
0x2a: {  	[tilespmem:s21], [sflag:$0x2] =	stream.indirect.gather [hbm4b:s3+s15], $0x40, s15, s15, $0xb8;
	[tilespmem:$0x8210] =	vst v63  }
0x2b: {  	_ =	swait.ge [sflag:s22], $0x2000  }
0x2c: {  	[sflag:s22] =	ssyncset.done $0x0  }
0x2d: {  	[sflag:s22] =	ssyncadd.s32 $0xFFFFE000  }
0x2e: {  	_ =	swait.ge [sflag:s22], $0x2000  }
0x2f: {  	[sflag:s22] =	ssyncset.done $0x0  }
0x30: {  	s26 =	simm.s32 $0x0;
	[sflag:s22] =	ssyncadd.s32 $0xFFFFE000  }
0x31: {  	v0 =	vld [tilespmem:s26+$0x500];
	_ =	sdelay $0x4  }
0x32: {  	[tilespmem:$0x1FCF0] =	vst v0;
	v0 =	vld [tilespmem:s26+$0x4500]  }
0x33: {  	v4 =	vld [tilespmem:s26+$0x5C0]  }
0x34: {  	v10 =	vld [tilespmem:s26+$0x45C0]  }
0x35: {  	v13 =	vld [tilespmem:s26+$0x5E0]  }
0x36: {  	v18 =	vld [tilespmem:s26+$0x45E0]  }
0x37: {  	[tilespmem:$0x1FD00] =	vst v0;
	v0 =	vld [tilespmem:s26+$0x4510]  }
0x38: {  	v23 =	vld [tilespmem:s26+$0x580]  }
0x39: {  	v30 =	vld [tilespmem:s26+$0x4580]  }
0x3a: {  	v8 =	vld [tilespmem:s26+$0x5F0]  }
0x3b: {  	v15 =	vld [tilespmem:s26+$0x45F0]  }
0x3c: {  	v55 =	vsub.f32 v4, v10;
	v4 =	vsub.f32 v13, v18;
	[tilespmem:$0x1FD20] =	vst v0;
	v0 =	vld [tilespmem:s26+$0x4520]  }
0x3d: {  	v26 =	vld [tilespmem:s26+$0x5A0]  }
0x3e: {  	v32 =	vld [tilespmem:s26+$0x45A0];
	[tilespmem:$0x1FCA0] =	vst v4;
	v4 =	vsub.f32 v23, v30  }
0x3f: {  	v22 =	vld [tilespmem:s26+$0x5B0]  }
0x40: {  	v27 =	vld [tilespmem:s26+$0x45B0];
	[tilespmem:$0x1FFF0] =	vst v4  }
0x41: {  	v4 =	vsub.f32 v8, v15;
	[tilespmem:$0x1FD30] =	vst v0;
	v0 =	vld [tilespmem:s26+$0x4530]  }
0x42: {  	v38 =	vld [tilespmem:s26+$0x560]  }
0x43: {  	v45 =	vld [tilespmem:s26+$0x4560];
	[tilespmem:$0x1FCB0] =	vst v4;
	v4 =	vsub.f32 v26, v32  }
0x44: {  	v42 =	vld [tilespmem:s26+$0x540]  }
0x45: {  	v49 =	vld [tilespmem:s26+$0x4540];
	[tilespmem:$0x1FCC0] =	vst v4  }
0x46: {  	v4 =	vsub.f32 v22, v27;
	[tilespmem:$0x1FD60] =	vst v0;
	v0 =	vld [tilespmem:s26+$0x4C0]  }
0x47: {  	v36 =	vld [tilespmem:s26+$0x570]  }
0x48: {  	v41 =	vld [tilespmem:s26+$0x4570];
	[tilespmem:$0x1FCD0] =	vst v4;
	v4 =	vsub.f32 v38, v45  }
0x49: {  	v8 =	vld [tilespmem:$0x1FD00]  }
0x4a: {  	[tilespmem:$0x1FCE0] =	vst v4;
	v4 =	vld [tilespmem:$0x1FCF0]  }
0x4b: {  	[tilespmem:$0x1FD50] =	vst v0;
	v0 =	vld [tilespmem:s26+$0x4D0];
	_ =	sdelay $0x2  }
0x4c: {  	v11 =	vld [tilespmem:s26+$0x5D0]  }
0x4d: {  	v16 =	vld [tilespmem:s26+$0x45D0];
	v59 =	vsub.f32 v42, v49  }
0x4e: {  	v49 =	vsub.f32 v4, v8;
	v4 =	vsub.f32 v36, v41;
	[tilespmem:$0x1FD80] =	vst v0;
	v0 =	vld [tilespmem:s26+$0x44D0]  }
0x4f: {  	v56 =	vld [tilespmem:s26+$0x510]  }
0x50: {  	[tilespmem:$0x1FD10] =	vst v4;
	v4 =	vld [tilespmem:$0x1FD20];
	_ =	sdelay $0x2  }
0x51: {  	[tilespmem:$0x1FD90] =	vst v0;
	v0 =	vld [tilespmem:s26+$0x4E0]  }
0x52: {  	v63 =	vld [tilespmem:s26+$0x520]  }
0x53: {  	v60 =	vsub.f32 v11, v16;
	v16 =	vsub.f32 v56, v4;
	v4 =	vld [tilespmem:$0x1FD30];
	_ =	sdelay $0x2  }
0x54: {  	[tilespmem:$0x1FDA0] =	vst v0;
	v0 =	vld [tilespmem:s26+$0x44E0];
	_ =	sdelay $0x1  }
0x55: {  	v19 =	vld [tilespmem:s26+$0x590];
	v4 =	vsub.f32 v63, v4  }
0x56: {  	v9 =	vld [tilespmem:s26+$0x44C0]  }
0x57: {  	[tilespmem:$0x1FD40] =	vst v4;
	v4 =	vld [tilespmem:$0x1FD50]  }
0x58: {  	[tilespmem:$0x1FDB0] =	vst v0;
	v0 =	vld [tilespmem:s26+$0x4F0]  }
0x59: {  	v29 =	vld [tilespmem:s26+$0x4590]  }
0x5a: {  	v37 =	vld [tilespmem:s26+$0x550]  }
0x5b: {  	v47 =	vld [tilespmem:s26+$0x530]  }
0x5c: {  	v41 =	vsub.f32 v4, v9;
	v4 =	vld [tilespmem:$0x1FD60]  }
0x5d: {  	[tilespmem:$0x1FDE0] =	vst v0;
	v0 =	vld [tilespmem:s26+$0x44F0]  }
0x5e: {  	v44 =	vld [tilespmem:s26+$0x4550]  }
0x5f: {  	v1 =	vld [tilespmem:s26+$0x4480]  }
0x60: {  	v2 =	vld [tilespmem:s26+$0x440]  }
0x61: {  	v8 =	vld [tilespmem:$0x1FD90];
	v4 =	vsub.f32 v47, v4  }
0x62: {  	[tilespmem:$0x1FDF0] =	vst v0;
	v0 =	vld [tilespmem:s26+$0x480]  }
0x63: {  	[tilespmem:$0x1FD70] =	vst v4;
	v4 =	vld [tilespmem:$0x1FD80]  }
0x64: {  	v12 =	vld [tilespmem:s26+$0x4440]  }
0x65: {  	v21 =	vld [tilespmem:s26+$0x400]  }
0x66: {  	v3 =	vld [tilespmem:s26+$0x4400]  }
0x67: {  	[tilespmem:$0x1FDD0] =	vst v0;
	v0 =	vld [tilespmem:s26+$0x490]  }
0x68: {  	v56 =	vsub.f32 v4, v8;
	v4 =	vld [tilespmem:$0x1FDA0]  }
0x69: {  	v8 =	vld [tilespmem:$0x1FDB0]  }
0x6a: {  	v5 =	vld [tilespmem:s26+$0x420]  }
0x6b: {  	v28 =	vld [tilespmem:s26+$0x3C0]  }
0x6c: {  	[tilespmem:$0x1FE10] =	vst v0;
	v0 =	vld [tilespmem:s26+$0x4490]  }
0x6d: {  	v20 =	vld [tilespmem:s26+$0x43C0]  }
0x6e: {  	v7 =	vld [tilespmem:s26+$0x43D0];
	v4 =	vsub.f32 v4, v8  }
0x6f: {  	v61 =	vld [tilespmem:s26+$0x43E0]  }
0x70: {  	[tilespmem:$0x1FDC0] =	vst v4;
	v4 =	vld [tilespmem:$0x1FDD0]  }
0x71: {  	[tilespmem:$0x1FE20] =	vst v0;
	v0 =	vld [tilespmem:s26+$0x4A0]  }
0x72: {  	v6 =	vld [tilespmem:s26+$0x3F0]  }
0x73: {  	v43 =	vld [tilespmem:s26+$0x380]  }
0x74: {  	v17 =	vld [tilespmem:s26+$0x4380]  }
0x75: {  	v45 =	vsub.f32 v4, v1;
	v1 =	vld [tilespmem:$0x1FDE0]  }
0x76: {  	[tilespmem:$0x1FE30] =	vst v0;
	v0 =	vld [tilespmem:s26+$0x44A0]  }
0x77: {  	v4 =	vld [tilespmem:$0x1FDF0]  }
0x78: {  	v24 =	vld [tilespmem:s26+$0x390]  }
0x79: {  	v35 =	vld [tilespmem:s26+$0x4390]  }
0x7a: {  	v46 =	vld [tilespmem:s26+$0x43A0]  }
0x7b: {  	[tilespmem:$0x1FE40] =	vst v0;
	v0 =	vld [tilespmem:s26+$0x4B0]  }
0x7c: {  	v58 =	vld [tilespmem:s26+$0x3B0];
	v1 =	vsub.f32 v1, v4  }
0x7d: {  	v4 =	vld [tilespmem:$0x1FE20]  }
0x7e: {  	[tilespmem:$0x1FE00] =	vst v1;
	v1 =	vld [tilespmem:$0x1FE10]  }
0x7f: {  	v53 =	vld [tilespmem:s26+$0x43B0]  }
0x80: {  	[tilespmem:$0x1FE60] =	vst v0;
	v0 =	vld [tilespmem:s26+$0x44B0]  }
0x81: {  	v39 =	vld [tilespmem:s26+$0x340]  }
0x82: {  	v33 =	vld [tilespmem:s26+$0x4340]  }
0x83: {  	v32 =	vsub.f32 v1, v4;
	v1 =	vld [tilespmem:$0x1FE30]  }
0x84: {  	v4 =	vld [tilespmem:$0x1FE40]  }
0x85: {  	[tilespmem:$0x1FE70] =	vst v0;
	v0 =	vld [tilespmem:s26+$0x450]  }
0x86: {  	v48 =	vld [tilespmem:s26+$0x350]  }
0x87: {  	v25 =	vld [tilespmem:s26+$0x4350]  }
0x88: {  	v50 =	vld [tilespmem:s26+$0x360]  }
0x89: {  	v34 =	vld [tilespmem:s26+$0x4360];
	v1 =	vsub.f32 v1, v4  }
0x8a: {  	[tilespmem:$0x1FE90] =	vst v0;
	v0 =	vld [tilespmem:s26+$0x4450]  }
0x8b: {  	[tilespmem:$0x1FE50] =	vst v1;
	v1 =	vld [tilespmem:$0x1FE60]  }
0x8c: {  	v57 =	vsub.f32 v37, v44;
	v37 =	vsub.f32 v2, v12;
	v2 =	vld [tilespmem:$0x1FE70]  }
0x8d: {  	v52 =	vld [tilespmem:s26+$0x370]  }
0x8e: {  	v51 =	vld [tilespmem:s26+$0x4370]  }
0x8f: {  	[tilespmem:$0x1FEA0] =	vst v0;
	v0 =	vld [tilespmem:s26+$0x460]  }
0x90: {  	v14 =	vld [tilespmem:s26+$0x300]  }
0x91: {  	v31 =	vld [tilespmem:s26+$0x4300];
	v1 =	vsub.f32 v1, v2  }
0x92: {  	v62 =	vld [tilespmem:s26+$0x310]  }
0x93: {  	[tilespmem:$0x1FE80] =	vst v1;
	v1 =	vld [tilespmem:$0x1FE90]  }
0x94: {  	[tilespmem:$0x1FEB0] =	vst v0;
	v0 =	vld [tilespmem:s26+$0x4460]  }
0x95: {  	v2 =	vld [tilespmem:$0x1FEA0]  }
0x96: {  	v54 =	vld [tilespmem:s26+$0x4310]  }
0x97: {  	[tilespmem:$0x1FF20] =	vst v5;
	v5 =	vld [tilespmem:s26+$0x4420]  }
0x98: {  	[tilespmem:$0x1FFB0] =	vst v6;
	v6 =	vld [tilespmem:s26+$0x43F0]  }
0x99: {  	[tilespmem:$0x1FEC0] =	vst v0;
	v0 =	vld [tilespmem:s26+$0x470]  }
0x9a: {  	v36 =	vsub.f32 v1, v2;
	v1 =	vld [tilespmem:$0x1FEB0]  }
0x9b: {  	v4 =	vld [tilespmem:$0x1FEC0]  }
0x9c: {  	v40 =	vsub.f32 v19, v29;
	v19 =	vld [tilespmem:s26+$0x330]  }
0x9d: {  	v13 =	vld [tilespmem:s26+$0x4330]  }
0x9e: {  	[tilespmem:$0x1FEE0] =	vst v0;
	v0 =	vld [tilespmem:s26+$0x4470]  }
0x9f: {  	v11 =	vld [tilespmem:s26+$0x2C0]  }
0xa0: {  	v10 =	vld [tilespmem:s26+$0x42C0];
	v1 =	vsub.f32 v1, v4  }
0xa1: {  	v18 =	vld [tilespmem:s26+$0x2E0];
	[tilespmem:$0x1FF30] =	vst v5  }
0xa2: {  	v5 =	vld [tilespmem:s26+$0x430];
	[tilespmem:$0x1FED0] =	vst v1  }
0xa3: {  	v1 =	vld [tilespmem:$0x1FEE0];
	[tilespmem:$0x1FEF0] =	vst v0  }
0xa4: {  	v4 =	vld [tilespmem:$0x1FEF0]  }
0xa5: {  	v0 =	vld [tilespmem:s26+$0x410]  }
0xa6: {  	v30 =	vld [tilespmem:s26+$0x320]  }
0xa7: {  	[tilespmem:$0x1FF50] =	vst v5;
	v5 =	vld [tilespmem:s26+$0x4430]  }
0xa8: {  	v23 =	vld [tilespmem:s26+$0x4320]  }
0xa9: {  	v15 =	vsub.f32 v21, v3;
	v3 =	vld [tilespmem:s26+$0x280];
	v1 =	vsub.f32 v1, v4  }
0xaa: {  	[tilespmem:$0x1FF10] =	vst v0;
	v0 =	vld [tilespmem:s26+$0x4410]  }
0xab: {  	[tilespmem:$0x1FF00] =	vst v1;
	v1 =	vld [tilespmem:$0x1FF10]  }
0xac: {  	[tilespmem:$0x1FF60] =	vst v5;
	v5 =	vld [tilespmem:s26+$0x3D0]  }
0xad: {  	[tilespmem:$0x1FFC0] =	vst v6;
	v6 =	vld [tilespmem:s26+$0x3A0]  }
0xae: {  	v26 =	vsub.f32 v28, v20;
	v28 =	vmul.f32 v40, v40;
	v40 =	vld [tilespmem:s26+$0x260]  }
0xaf: {  	v4 =	vld [tilespmem:$0x1FF30]  }
0xb0: {  	v27 =	vsub.f32 v1, v0;
	v1 =	vld [tilespmem:$0x1FF20]  }
0xb1: {  	[tilespmem:$0x1FF80] =	vst v5;
	v5 =	vld [tilespmem:s26+$0x3E0]  }
0xb2: {  	v22 =	vld [tilespmem:s26+$0x2F0];
	v6 =	vsub.f32 v6, v46  }
0xb3: {  	v46 =	vmul.f32 v55, v55;
	v55 =	vld [tilespmem:s26+$0x4250]  }
0xb4: {  	[tilespmem:$0x1FFE0] =	vst v6;
	v6 =	vld [tilespmem:s26+$0x42B0]  }
0xb5: {  	v12 =	vld [tilespmem:$0x1FF60];
	v1 =	vsub.f32 v1, v4  }
0xb6: {  	v5 =	vsub.f32 v5, v61;
	v61 =	vld [tilespmem:s26+$0x2A0]  }
0xb7: {  	[tilespmem:$0x1FF40] =	vst v1;
	v1 =	vld [tilespmem:$0x1FF50]  }
0xb8: {  	[tilespmem:$0x1FF90] =	vst v5;
	v5 =	vsub.f32 v43, v17;
	v43 =	vsub.f32 v58, v53;
	v53 =	vld [tilespmem:s26+$0x240]  }
0xb9: {  	v58 =	vld [tilespmem:s26+$0x250]  }
0xba: {  	v63 =	vld [tilespmem:s26+$0x42D0]  }
0xbb: {  	v9 =	vld [tilespmem:s26+$0x2D0]  }
0xbc: {  	[tilespmem:$0x1FFA0] =	vst v5;
	v5 =	vld [tilespmem:$0x1FFB0];
	v1 =	vsub.f32 v1, v12  }
0xbd: {  	v8 =	vld [tilespmem:s26+$0x42E0]  }
0xbe: {  	v47 =	vsub.f32 v24, v35;
	[tilespmem:$0x1FF70] =	vst v1;
	v1 =	vld [tilespmem:$0x1FF80]  }
0xbf: {  	v35 =	vsub.f32 v52, v51;
	v51 =	vsub.f32 v62, v54;
	v54 =	vld [tilespmem:s26+$0x4240]  }
0xc0: {  	v44 =	vsub.f32 v9, v63;
	v9 =	vld [tilespmem:$0x1FFF0]  }
0xc1: {  	v52 =	vsub.f32 v11, v10;
	v10 =	vmul.f32 v60, v60;
	v60 =	vld [tilespmem:s26+$0x4260]  }
0xc2: {  	v48 =	vsub.f32 v48, v25;
	v25 =	vsub.f32 v18, v8;
	v8 =	vld [tilespmem:s26+$0x4220]  }
0xc3: {  	v12 =	vsub.f32 v1, v7;
	v7 =	vld [tilespmem:$0x1FFC0]  }
0xc4: {  	v2 =	vld [tilespmem:s26+$0x42F0]  }
0xc5: {  	v42 =	vsub.f32 v39, v33;
	v0 =	vld [tilespmem:s26+$0x4280]  }
0xc6: {  	v39 =	vsub.f32 v50, v34;
	v29 =	vsub.f32 v14, v31;
	v4 =	vld [tilespmem:s26+$0x290]  }
0xc7: {  	v37 =	vmul.f32 v37, v37;
	v21 =	vmul.f32 v57, v57;
	v34 =	vsub.f32 v19, v13;
	v1 =	vld [tilespmem:s26+$0x4290]  }
0xc8: {  	v57 =	vimm.f32 $0.0e+00;
	v38 =	vsub.f32 v30, v23;
	v5 =	vsub.f32 v5, v7;
	v7 =	vld [tilespmem:s26+$0x2B0]  }
0xc9: {  	v23 =	vmul.f32 v49, v49;
	v49 =	vmul.f32 v26, v26;
	v24 =	vsub.f32 v22, v2;
	v2 =	vld [tilespmem:s26+$0x200]  }
0xca: {  	v26 =	vimm.f32 $0.0e+00;
	v17 =	vmul.f32 v59, v59;
	v31 =	vmul.f32 v41, v41;
	[tilespmem:$0x1FFD0] =	vst v5;
	v5 =	vld [tilespmem:s26+$0x42A0]  }
0xcb: {  	v41 =	vmul.f32 v15, v15;
	v33 =	vmul.f32 v9, v9;
	v20 =	vsub.f32 v3, v0;
	v3 =	vld [tilespmem:s26+$0x4200]  }
0xcc: {  	v30 =	vmul.f32 v56, v56;
	v56 =	vimm.f32 $0.0e+00;
	v1 =	vsub.f32 v4, v1;
	v4 =	vld [tilespmem:s26+$0x210]  }
0xcd: {  	v32 =	vmul.f32 v32, v32;
	v36 =	vmul.f32 v36, v36;
	v59 =	vsub.f32 v7, v6;
	v6 =	vld [tilespmem:s26+$0x220]  }
0xce: {  	v18 =	vimm.f32 $0.0e+00;
	v22 =	vmul.f32 v16, v16;
	v16 =	vmul.f32 v45, v45;
	v7 =	vld [tilespmem:s26+$0x230]  }
0xcf: {  	s28 =	simm.s32 $0x1000;
	v14 =	vmul.f32 v27, v27;
	v27 =	vmovc v10;
	v15 =	vmul.f32 v12, v12;
	v19 =	vsub.f32 v61, v5;
	v5 =	vld [tilespmem:s26+$0x4210]  }
.LBB2_2:
0xd0: {  	v0 =	vld [tilespmem:$0x1FFA0];
	_ =	sdelay $0x1  }
0xd1: {  	v9 =	vld [tilespmem:s26+$0x4230]  }
0xd2: {  	v45 =	vmul.f32 v47, v47;
	v47 =	vld [tilespmem:s26+$0x270]  }
0xd3: {  	v2 =	vsub.f32 v2, v3;
	v3 =	vld [tilespmem:s26+$0x4270];
	s26 =	sshra.s32 s28, $0x2  }
0xd4: {  	v63 =	vmul.f32 v0, v0;
	v0 =	vld [tilespmem:s26+$0x5C0];
	_ =	sdelay $0x2  }
0xd5: {  	v53 =	vsub.f32 v53, v54;
	v4 =	vsub.f32 v4, v5  }
0xd6: {  	v55 =	vsub.f32 v58, v55;
	v6 =	vsub.f32 v6, v8  }
0xd7: {  	v61 =	vsub.f32 v40, v60;
	v2 =	vmul.f32 v2, v2;
	v4 =	vmul.f32 v4, v4;
	[tilespmem:$0x1F9A0] =	vst v0;
	v0 =	vld [tilespmem:s26+$0x45C0]  }
0xd8: {  	v7 =	vsub.f32 v7, v9;
	v8 =	vmul.f32 v53, v53;
	v6 =	vmul.f32 v6, v6  }
0xd9: {  	v9 =	vmul.f32 v55, v55;
	v2 =	vadd.f32 v2, v26;
	v4 =	vadd.f32 v4, v57  }
0xda: {  	v26 =	vmul.f32 v61, v61;
	v6 =	vadd.f32 v6, v56  }
0xdb: {  	v1 =	vmul.f32 v1, v1;
	v2 =	vadd.f32 v8, v2;
	v4 =	vadd.f32 v9, v4  }
0xdc: {  	v8 =	vmul.f32 v19, v19;
	v6 =	vadd.f32 v26, v6;
	[tilespmem:$0x1F9B0] =	vst v0;
	v0 =	vmul.f32 v20, v20  }
0xdd: {  	v5 =	vmul.f32 v52, v52;
	v1 =	vadd.f32 v1, v4  }
0xde: {  	v4 =	vadd.f32 v8, v6;
	v0 =	vadd.f32 v0, v2;
	v2 =	vmul.f32 v25, v25;
	_ =	sdelay $0x1  }
0xdf: {  	v0 =	vadd.f32 v5, v0;
	v5 =	vmul.f32 v38, v38;
	v2 =	vadd.f32 v2, v4;
	_ =	sdelay $0x1  }
0xe0: {  	v7 =	vmul.f32 v7, v7;
	v3 =	vsub.f32 v47, v3;
	v2 =	vadd.f32 v5, v2;
	v5 =	vld [tilespmem:s26+$0x45B0];
	_ =	sdelay $0x1  }
0xe1: {  	v7 =	vadd.f32 v7, v18;
	v3 =	vmul.f32 v3, v3;
	_ =	sdelay $0x1  }
0xe2: {  	v3 =	vadd.f32 v3, v7;
	v7 =	vmul.f32 v59, v59  }
0xe3: {  	[tilespmem:$0x1FA20] =	vst v5;
	v5 =	vld [tilespmem:$0x1FFE0]  }
0xe4: {  	v6 =	vmul.f32 v24, v24;
	v3 =	vadd.f32 v7, v3;
	_ =	sdelay $0x1  }
0xe5: {  	v3 =	vadd.f32 v6, v3;
	v6 =	vmul.f32 v39, v39;
	_ =	sdelay $0x1  }
0xe6: {  	v2 =	vadd.f32 v6, v2;
	v6 =	vld [tilespmem:s26+$0x4540];
	v5 =	vmul.f32 v5, v5;
	_ =	sdelay $0x1  }
0xe7: {  	v2 =	vadd.f32 v5, v2;
	v5 =	vld [tilespmem:s26+$0x4550]  }
0xe8: {  	v4 =	vmul.f32 v34, v34;
	_ =	sdelay $0x1  }
0xe9: {  	v3 =	vadd.f32 v4, v3;
	v4 =	vmul.f32 v35, v35;
	[tilespmem:$0x1FA10] =	vst v6;
	v6 =	vld [tilespmem:$0x1FF90];
	_ =	sdelay $0x1  }
0xea: {  	v3 =	vadd.f32 v4, v3;
	v4 =	vmul.f32 v43, v43;
	[tilespmem:$0x1FA40] =	vst v5;
	v5 =	vld [tilespmem:$0x1FF40];
	_ =	sdelay $0x1  }
0xeb: {  	v3 =	vadd.f32 v4, v3;
	v4 =	vld [tilespmem:$0x1FFD0]  }
0xec: {  	v6 =	vmul.f32 v6, v6;
	_ =	sdelay $0x1  }
0xed: {  	v2 =	vadd.f32 v6, v2;
	v6 =	vld [tilespmem:s26+$0x4560];
	v5 =	vmul.f32 v5, v5;
	_ =	sdelay $0x1  }
0xee: {  	v4 =	vmul.f32 v4, v4;
	v2 =	vadd.f32 v5, v2;
	v5 =	vld [tilespmem:s26+$0x4570];
	_ =	sdelay $0x1  }
0xef: {  	v3 =	vadd.f32 v4, v3;
	v4 =	vld [tilespmem:$0x1FF70]  }
0xf0: {  	[tilespmem:$0x1FA60] =	vst v6;
	v6 =	vld [tilespmem:$0x1FED0];
	_ =	sdelay $0x1  }
0xf1: {  	[tilespmem:$0x1FA90] =	vst v5;
	v5 =	vld [tilespmem:$0x1FE50];
	_ =	sdelay $0x1  }
0xf2: {  	v4 =	vmul.f32 v4, v4  }
0xf3: {  	v6 =	vmul.f32 v6, v6  }
0xf4: {  	v50 =	vmul.f32 v29, v29;
	v3 =	vadd.f32 v4, v3;
	v4 =	vld [tilespmem:$0x1FF00]  }
0xf5: {  	v2 =	vadd.f32 v6, v2;
	v6 =	vld [tilespmem:s26+$0x4500];
	v5 =	vmul.f32 v5, v5  }
0xf6: {  	v10 =	vmul.f32 v42, v42;
	v0 =	vadd.f32 v50, v0  }
0xf7: {  	v2 =	vadd.f32 v5, v2;
	v5 =	vld [tilespmem:s26+$0x4510]  }
0xf8: {  	v0 =	vadd.f32 v10, v0  }
0xf9: {  	v4 =	vmul.f32 v4, v4  }
0xfa: {  	v0 =	vadd.f32 v63, v0;
	[tilespmem:$0x1FA80] =	vst v6;
	v6 =	vld [tilespmem:$0x1FDC0]  }
0xfb: {  	v3 =	vadd.f32 v4, v3;
	v4 =	vld [tilespmem:$0x1FE80]  }
0xfc: {  	v0 =	vadd.f32 v49, v0;
	[tilespmem:$0x1FAA0] =	vst v5;
	v5 =	vld [tilespmem:$0x1FD40];
	_ =	sdelay $0x1  }
0xfd: {  	v0 =	vadd.f32 v41, v0  }
0xfe: {  	v6 =	vmul.f32 v6, v6  }
0xff: {  	v0 =	vadd.f32 v37, v0;
	v4 =	vmul.f32 v4, v4  }
0x100: {  	v2 =	vadd.f32 v6, v2;
	v5 =	vmul.f32 v5, v5  }
0x101: {  	v0 =	vadd.f32 v16, v0;
	v3 =	vadd.f32 v4, v3;
	v4 =	vld [tilespmem:$0x1FE00]  }
0x102: {  	v2 =	vadd.f32 v5, v2;
	v5 =	vld [tilespmem:s26+$0x4530]  }
0x103: {  	v0 =	vadd.f32 v31, v0;
	_ =	sdelay $0x1  }
0x104: {  	v0 =	vadd.f32 v23, v0  }
0x105: {  	v13 =	vmul.f32 v44, v44;
	v4 =	vmul.f32 v4, v4  }
0x106: {  	[tilespmem:$0x1FAF0] =	vst v5;
	v5 =	vadd.f32 v17, v0;
	v0 =	vld [tilespmem:$0x1FCC0]  }
0x107: {  	v12 =	vmul.f32 v51, v51;
	v1 =	vadd.f32 v13, v1;
	v3 =	vadd.f32 v4, v3;
	v4 =	vld [tilespmem:$0x1FD70];
	_ =	sdelay $0x1  }
0x108: {  	v11 =	vmul.f32 v48, v48;
	v1 =	vadd.f32 v12, v1;
	_ =	sdelay $0x1  }
0x109: {  	v1 =	vadd.f32 v11, v1;
	v11 =	vmul.f32 v0, v0;
	v0 =	vld [tilespmem:s26+$0x4C0]  }
0x10a: {  	v10 =	vld [tilespmem:s26+$0x540];
	v4 =	vmul.f32 v4, v4;
	_ =	sdelay $0x1  }
0x10b: {  	v3 =	vadd.f32 v4, v3;
	v4 =	vld [tilespmem:$0x1FD10];
	_ =	sdelay $0x1  }
0x10c: {  	[tilespmem:$0x1FAD0] =	vst v0;
	v0 =	vld [tilespmem:$0x1FCD0]  }
0x10d: {  	[tilespmem:$0x1FA00] =	vst v10;
	v10 =	vld [tilespmem:s26+$0x550];
	_ =	sdelay $0x1  }
0x10e: {  	v4 =	vmul.f32 v4, v4;
	_ =	sdelay $0x1  }
0x10f: {  	v3 =	vadd.f32 v4, v3;
	v4 =	vmul.f32 v0, v0;
	v0 =	vld [tilespmem:s26+$0x44C0]  }
0x110: {  	[tilespmem:$0x1FA30] =	vst v10;
	v10 =	vld [tilespmem:s26+$0x560];
	_ =	sdelay $0x1  }
0x111: {  	v1 =	vadd.f32 v45, v1;
	_ =	sdelay $0x1  }
0x112: {  	v1 =	vadd.f32 v15, v1;
	[tilespmem:$0x1FAE0] =	vst v0;
	v0 =	vld [tilespmem:$0x1FCA0]  }
0x113: {  	[tilespmem:$0x1FA50] =	vst v10;
	v10 =	vld [tilespmem:s26+$0x500]  }
0x114: {  	v1 =	vadd.f32 v14, v1;
	v6 =	vld [tilespmem:s26+$0x4520];
	_ =	sdelay $0x1  }
0x115: {  	v1 =	vadd.f32 v36, v1  }
0x116: {  	v15 =	vmul.f32 v0, v0;
	v0 =	vld [tilespmem:s26+$0x4D0]  }
0x117: {  	v1 =	vadd.f32 v32, v1;
	[tilespmem:$0x1FA70] =	vst v10;
	v10 =	vld [tilespmem:s26+$0x520]  }
0x118: {  	[tilespmem:$0x1FAC0] =	vst v6;
	v6 =	vld [tilespmem:$0x1FCE0]  }
0x119: {  	v1 =	vadd.f32 v30, v1;
	_ =	sdelay $0x1  }
0x11a: {  	v1 =	vadd.f32 v22, v1;
	[tilespmem:$0x1FB00] =	vst v0;
	v0 =	vld [tilespmem:$0x1FCB0];
	_ =	sdelay $0x1  }
0x11b: {  	v1 =	vadd.f32 v21, v1;
	[tilespmem:$0x1FAB0] =	vst v10;
	v10 =	vmul.f32 v6, v6  }
0x11c: {  	v5 =	vadd.f32 v33, v5  }
0x11d: {  	v2 =	vadd.f32 v10, v2;
	v10 =	vadd.f32 v28, v1  }
0x11e: {  	v3 =	vadd.f32 v4, v3;
	v4 =	vmul.f32 v0, v0;
	v0 =	vadd.f32 v46, v5;
	_ =	sdelay $0x1  }
0x11f: {  	v2 =	vadd.f32 v11, v2;
	[tilespmem:$0x1FC70] =	vst v0;
	v0 =	vadd.f32 v27, v10;
	_ =	sdelay $0x1  }
0x120: {  	[tilespmem:$0x1FC90] =	vst v0;
	v0 =	vadd.f32 v15, v2;
	_ =	sdelay $0x1  }
0x121: {  	[tilespmem:$0x1FC80] =	vst v0;
	v0 =	vadd.f32 v4, v3;
	_ =	sdelay $0x1  }
0x122: {  	[tilespmem:$0x1FC60] =	vst v0;
	v0 =	vld [tilespmem:s26+$0x44E0];
	_ =	sdelay $0x4  }
0x123: {  	[tilespmem:$0x1FB10] =	vst v0;
	v0 =	vld [tilespmem:s26+$0x44F0];
	_ =	sdelay $0x4  }
0x124: {  	[tilespmem:$0x1FB40] =	vst v0;
	v0 =	vld [tilespmem:s26+$0x480];
	_ =	sdelay $0x4  }
0x125: {  	[tilespmem:$0x1FB20] =	vst v0;
	v0 =	vld [tilespmem:s26+$0x4480];
	_ =	sdelay $0x4  }
0x126: {  	[tilespmem:$0x1FB30] =	vst v0;
	v0 =	vld [tilespmem:s26+$0x490];
	_ =	sdelay $0x4  }
0x127: {  	[tilespmem:$0x1FB50] =	vst v0;
	v0 =	vld [tilespmem:s26+$0x4490];
	_ =	sdelay $0x4  }
0x128: {  	[tilespmem:$0x1FB60] =	vst v0;
	v0 =	vld [tilespmem:s26+$0x4A0];
	_ =	sdelay $0x4  }
0x129: {  	[tilespmem:$0x1FB70] =	vst v0;
	v0 =	vld [tilespmem:s26+$0x44A0];
	_ =	sdelay $0x4  }
0x12a: {  	[tilespmem:$0x1FB80] =	vst v0;
	v0 =	vld [tilespmem:s26+$0x4B0];
	_ =	sdelay $0x4  }
0x12b: {  	[tilespmem:$0x1FBB0] =	vst v0;
	v0 =	vld [tilespmem:s26+$0x44B0];
	_ =	sdelay $0x4  }
0x12c: {  	[tilespmem:$0x1FBC0] =	vst v0;
	v0 =	vld [tilespmem:s26+$0x440];
	_ =	sdelay $0x4  }
0x12d: {  	[tilespmem:$0x1FB90] =	vst v0;
	v0 =	vld [tilespmem:s26+$0x4440];
	_ =	sdelay $0x4  }
0x12e: {  	[tilespmem:$0x1FBA0] =	vst v0;
	v0 =	vld [tilespmem:s26+$0x450];
	_ =	sdelay $0x4  }
0x12f: {  	[tilespmem:$0x1FBD0] =	vst v0;
	v0 =	vld [tilespmem:s26+$0x4450];
	_ =	sdelay $0x4  }
0x130: {  	[tilespmem:$0x1FBE0] =	vst v0;
	v0 =	vld [tilespmem:s26+$0x460];
	_ =	sdelay $0x4  }
0x131: {  	[tilespmem:$0x1FBF0] =	vst v0;
	v0 =	vld [tilespmem:s26+$0x4460];
	_ =	sdelay $0x4  }
0x132: {  	[tilespmem:$0x1FC00] =	vst v0;
	v0 =	vld [tilespmem:s26+$0x470];
	_ =	sdelay $0x4  }
0x133: {  	[tilespmem:$0x1FC10] =	vst v0;
	v0 =	vld [tilespmem:s26+$0x4470];
	_ =	sdelay $0x4  }
0x134: {  	[tilespmem:$0x1FC20] =	vst v0;
	v0 =	vld [tilespmem:s26+$0x410];
	_ =	sdelay $0x4  }
0x135: {  	[tilespmem:$0x1FC30] =	vst v0;
	v0 =	vld [tilespmem:s26+$0x4410];
	_ =	sdelay $0x2  }
0x136: {  	v29 =	vld [tilespmem:s26+$0x45D0];
	_ =	sdelay $0x1  }
0x137: {  	[tilespmem:$0x1FC40] =	vst v0;
	v0 =	vld [tilespmem:s26+$0x430];
	_ =	sdelay $0x2  }
0x138: {  	[tilespmem:$0x1F9C0] =	vst v29;
	v29 =	vld [tilespmem:s26+$0x5E0]  }
0x139: {  	v1 =	vld [tilespmem:$0x1F9B0]  }
0x13a: {  	[tilespmem:$0x1FC50] =	vst v0;
	v0 =	vld [tilespmem:$0x1F9A0];
	_ =	sdelay $0x2  }
0x13b: {  	[tilespmem:$0x1F9D0] =	vst v29;
	v29 =	vld [tilespmem:s26+$0x45E0]  }
0x13c: {  	v20 =	vld [tilespmem:s26+$0x5D0]  }
0x13d: {  	v31 =	vsub.f32 v0, v1;
	v0 =	vld [tilespmem:$0x1F9C0];
	_ =	sdelay $0x2  }
0x13e: {  	[tilespmem:$0x1F9E0] =	vst v29  }
0x13f: {  	v1 =	vld [tilespmem:$0x1F9E0]  }
0x140: {  	v28 =	vsub.f32 v20, v0;
	v0 =	vld [tilespmem:$0x1F9D0]  }
0x141: {  	v29 =	vld [tilespmem:s26+$0x5F0];
	_ =	sdelay $0x3  }
0x142: {  	v0 =	vsub.f32 v0, v1  }
0x143: {  	v18 =	vld [tilespmem:s26+$0x45F0];
	[tilespmem:$0x1F9F0] =	vst v29  }
0x144: {  	[tilespmem:$0x1FCA0] =	vst v0;
	v0 =	vld [tilespmem:$0x1F9F0]  }
0x145: {  	v8 =	vld [tilespmem:s26+$0x5A0]  }
0x146: {  	v13 =	vld [tilespmem:s26+$0x45A0];
	_ =	sdelay $0x2  }
0x147: {  	v0 =	vsub.f32 v0, v18  }
0x148: {  	v7 =	vld [tilespmem:s26+$0x4590]  }
0x149: {  	v25 =	vld [tilespmem:s26+$0x590];
	[tilespmem:$0x1FCB0] =	vst v0;
	v0 =	vsub.f32 v8, v13  }
0x14a: {  	v1 =	vld [tilespmem:$0x1FA10]  }
0x14b: {  	[tilespmem:$0x1FCC0] =	vst v0;
	v0 =	vld [tilespmem:$0x1FA00];
	_ =	sdelay $0x3  }
0x14c: {  	v12 =	vld [tilespmem:s26+$0x5B0]  }
0x14d: {  	v24 =	vsub.f32 v25, v7;
	v25 =	vsub.f32 v0, v1;
	v0 =	vld [tilespmem:$0x1FA20];
	_ =	sdelay $0x4  }
0x14e: {  	v0 =	vsub.f32 v12, v0  }
0x14f: {  	v1 =	vld [tilespmem:$0x1FA40]  }
0x150: {  	[tilespmem:$0x1FCD0] =	vst v0;
	v0 =	vld [tilespmem:$0x1FA30];
	_ =	sdelay $0x4  }
0x151: {  	v20 =	vsub.f32 v0, v1;
	v0 =	vld [tilespmem:$0x1FA50]  }
0x152: {  	v1 =	vld [tilespmem:$0x1FA60];
	_ =	sdelay $0x4  }
0x153: {  	v0 =	vsub.f32 v0, v1  }
0x154: {  	v1 =	vld [tilespmem:$0x1FA80]  }
0x155: {  	[tilespmem:$0x1FCE0] =	vst v0;
	v0 =	vld [tilespmem:$0x1FA70];
	_ =	sdelay $0x3  }
0x156: {  	v14 =	vld [tilespmem:s26+$0x570]  }
0x157: {  	v22 =	vsub.f32 v0, v1;
	v0 =	vld [tilespmem:$0x1FA90];
	_ =	sdelay $0x4  }
0x158: {  	v62 =	vld [tilespmem:s26+$0x420];
	v0 =	vsub.f32 v14, v0  }
0x159: {  	v16 =	vld [tilespmem:s26+$0x510]  }
0x15a: {  	[tilespmem:$0x1FD10] =	vst v0;
	v0 =	vld [tilespmem:$0x1FAA0]  }
0x15b: {  	v58 =	vld [tilespmem:s26+$0x4430]  }
0x15c: {  	v54 =	vld [tilespmem:s26+$0x43C0]  }
0x15d: {  	v52 =	vld [tilespmem:s26+$0x3F0]  }
0x15e: {  	v1 =	vld [tilespmem:$0x1FAC0]  }
0x15f: {  	v16 =	vsub.f32 v16, v0;
	v0 =	vld [tilespmem:$0x1FAB0]  }
0x160: {  	v51 =	vld [tilespmem:s26+$0x43F0]  }
0x161: {  	v48 =	vld [tilespmem:s26+$0x380]  }
0x162: {  	v42 =	vld [tilespmem:s26+$0x43A0]  }
0x163: {  	v44 =	vld [tilespmem:s26+$0x3B0]  }
0x164: {  	v40 =	vld [tilespmem:s26+$0x350];
	v0 =	vsub.f32 v0, v1  }
0x165: {  	v1 =	vld [tilespmem:$0x1FAE0]  }
0x166: {  	[tilespmem:$0x1FD40] =	vst v0;
	v0 =	vld [tilespmem:$0x1FAD0]  }
0x167: {  	v55 =	vld [tilespmem:s26+$0x43D0]  }
0x168: {  	v53 =	vld [tilespmem:s26+$0x3E0]  }
0x169: {  	v61 =	vld [tilespmem:s26+$0x4400]  }
0x16a: {  	v6 =	vld [tilespmem:s26+$0x530]  }
0x16b: {  	v18 =	vsub.f32 v0, v1;
	v0 =	vld [tilespmem:$0x1FAF0]  }
0x16c: {  	v56 =	vld [tilespmem:s26+$0x3C0]  }
0x16d: {  	v57 =	vld [tilespmem:s26+$0x3D0]  }
0x16e: {  	v47 =	vld [tilespmem:s26+$0x4390]  }
0x16f: {  	v9 =	vld [tilespmem:s26+$0x580]  }
0x170: {  	v19 =	vld [tilespmem:s26+$0x4580];
	v0 =	vsub.f32 v6, v0  }
0x171: {  	v11 =	vld [tilespmem:s26+$0x44D0]  }
0x172: {  	[tilespmem:$0x1FD70] =	vst v0;
	v0 =	vld [tilespmem:$0x1FB00]  }
0x173: {  	v26 =	vld [tilespmem:s26+$0x320]  }
0x174: {  	v59 =	vld [tilespmem:s26+$0x4420]  }
0x175: {  	v57 =	vsub.f32 v57, v55;
	v55 =	vld [tilespmem:s26+$0x4250]  }
0x176: {  	v5 =	vld [tilespmem:s26+$0x4E0]  }
0x177: {  	v13 =	vsub.f32 v0, v11;
	v0 =	vld [tilespmem:$0x1FB10]  }
0x178: {  	v39 =	vld [tilespmem:s26+$0x4350]  }
0x179: {  	v38 =	vld [tilespmem:s26+$0x4340]  }
0x17a: {  	v34 =	vld [tilespmem:s26+$0x4370]  }
0x17b: {  	v45 =	vld [tilespmem:s26+$0x3A0]  }
0x17c: {  	v50 =	vld [tilespmem:s26+$0x43E0];
	v0 =	vsub.f32 v5, v0  }
0x17d: {  	v1 =	vld [tilespmem:$0x1FB30]  }
0x17e: {  	[tilespmem:$0x1FDC0] =	vst v0;
	v0 =	vld [tilespmem:$0x1FB20]  }
0x17f: {  	v35 =	vld [tilespmem:s26+$0x4360]  }
0x180: {  	v43 =	vld [tilespmem:s26+$0x43B0]  }
0x181: {  	v63 =	vld [tilespmem:s26+$0x400]  }
0x182: {  	v10 =	vld [tilespmem:s26+$0x4F0]  }
0x183: {  	v14 =	vsub.f32 v0, v1;
	v0 =	vld [tilespmem:$0x1FB40]  }
0x184: {  	v29 =	vld [tilespmem:s26+$0x4300]  }
0x185: {  	v36 =	vld [tilespmem:s26+$0x370]  }
0x186: {  	v50 =	vsub.f32 v53, v50;
	v53 =	vld [tilespmem:s26+$0x240]  }
0x187: {  	v49 =	vld [tilespmem:s26+$0x390]  }
0x188: {  	v32 =	vld [tilespmem:s26+$0x310];
	v0 =	vsub.f32 v10, v0  }
0x189: {  	v1 =	vld [tilespmem:$0x1FB60]  }
0x18a: {  	[tilespmem:$0x1FE00] =	vst v0;
	v0 =	vld [tilespmem:$0x1FB50]  }
0x18b: {  	[tilespmem:$0x1FF90] =	vst v50;
	v50 =	vld [tilespmem:s26+$0x2B0]  }
0x18c: {  	v41 =	vld [tilespmem:s26+$0x340]  }
0x18d: {  	v30 =	vsub.f32 v9, v19;
	v19 =	vld [tilespmem:s26+$0x2C0]  }
0x18e: {  	v9 =	vld [tilespmem:s26+$0x2F0]  }
0x18f: {  	v10 =	vsub.f32 v0, v1;
	v0 =	vld [tilespmem:$0x1FB70]  }
0x190: {  	v1 =	vld [tilespmem:$0x1FB80]  }
0x191: {  	v37 =	vld [tilespmem:s26+$0x360]  }
0x192: {  	v59 =	vsub.f32 v62, v59;
	v21 =	vld [tilespmem:s26+$0x330]  }
0x193: {  	v23 =	vld [tilespmem:s26+$0x4320]  }
0x194: {  	[tilespmem:$0x1FF40] =	vst v59;
	v59 =	vld [tilespmem:s26+$0x2A0]  }
0x195: {  	v17 =	vld [tilespmem:s26+$0x4330];
	v0 =	vsub.f32 v0, v1  }
0x196: {  	v1 =	vld [tilespmem:$0x1FBA0]  }
0x197: {  	[tilespmem:$0x1FE50] =	vst v0;
	v0 =	vld [tilespmem:$0x1FB90]  }
0x198: {  	v33 =	vld [tilespmem:s26+$0x300]  }
0x199: {  	v46 =	vld [tilespmem:s26+$0x4380]  }
0x19a: {  	v27 =	vld [tilespmem:s26+$0x4310]  }
0x19b: {  	v2 =	vld [tilespmem:s26+$0x42C0]  }
0x19c: {  	v11 =	vsub.f32 v0, v1;
	v0 =	vld [tilespmem:$0x1FBB0]  }
0x19d: {  	v1 =	vld [tilespmem:$0x1FBC0]  }
0x19e: {  	v15 =	vld [tilespmem:s26+$0x2D0]  }
0x19f: {  	v46 =	vsub.f32 v48, v46;
	v48 =	vsub.f32 v40, v39;
	v40 =	vld [tilespmem:s26+$0x260]  }
0x1a0: {  	v3 =	vld [tilespmem:s26+$0x42D0]  }
0x1a1: {  	v4 =	vld [tilespmem:s26+$0x42E0]  }
0x1a2: {  	[tilespmem:$0x1FFA0] =	vst v46;
	v46 =	vld [tilespmem:s26+$0x42B0];
	v0 =	vsub.f32 v0, v1  }
0x1a3: {  	v56 =	vsub.f32 v56, v54;
	v7 =	vld [tilespmem:$0x1FBE0]  }
0x1a4: {  	[tilespmem:$0x1FE80] =	vst v0;
	v0 =	vld [tilespmem:$0x1FBD0]  }
0x1a5: {  	v47 =	vsub.f32 v49, v47;
	v49 =	vmul.f32 v56, v56;
	v56 =	vld [tilespmem:$0x1FC80]  }
0x1a6: {  	v43 =	vsub.f32 v44, v43;
	v44 =	vsub.f32 v15, v3;
	v3 =	vld [tilespmem:s26+$0x4200]  }
0x1a7: {  	v15 =	vmul.f32 v57, v57;
	v57 =	vld [tilespmem:$0x1FC90]  }
0x1a8: {  	v62 =	vld [tilespmem:$0x1FC50]  }
0x1a9: {  	v8 =	vsub.f32 v0, v7;
	v0 =	vld [tilespmem:$0x1FBF0]  }
0x1aa: {  	v7 =	vld [tilespmem:$0x1FC00]  }
0x1ab: {  	v61 =	vsub.f32 v63, v61;
	v63 =	vld [tilespmem:$0x1FC20]  }
0x1ac: {  	v60 =	vld [tilespmem:$0x1FC40]  }
0x1ad: {  	v54 =	vsub.f32 v62, v58;
	v62 =	vld [tilespmem:s26+$0x42A0]  }
0x1ae: {  	v58 =	vld [tilespmem:s26+$0x250]  }
0x1af: {  	v12 =	vld [tilespmem:s26+$0x2E0];
	v0 =	vsub.f32 v0, v7  }
0x1b0: {  	v42 =	vsub.f32 v45, v42;
	[tilespmem:$0x1FF70] =	vst v54;
	v54 =	vld [tilespmem:s26+$0x4240]  }
0x1b1: {  	[tilespmem:$0x1FED0] =	vst v0;
	v0 =	vld [tilespmem:$0x1FC10]  }
0x1b2: {  	[tilespmem:$0x1FFE0] =	vst v42;
	v42 =	vsub.f32 v41, v38;
	v6 =	vld [tilespmem:s26+$0x280]  }
0x1b3: {  	v39 =	vsub.f32 v37, v35;
	v35 =	vsub.f32 v36, v34;
	v1 =	vld [tilespmem:s26+$0x4280]  }
0x1b4: {  	v34 =	vsub.f32 v21, v17;
	v17 =	vmul.f32 v25, v25;
	v25 =	vsub.f32 v12, v4;
	v4 =	vld [tilespmem:s26+$0x210]  }
0x1b5: {  	v38 =	vsub.f32 v26, v23;
	v26 =	vmul.f32 v31, v31;
	v31 =	vmul.f32 v18, v18;
	v18 =	vld [tilespmem:$0x1FC60]  }
0x1b6: {  	v0 =	vsub.f32 v0, v63;
	v63 =	vld [tilespmem:$0x1FC30]  }
0x1b7: {  	v5 =	vld [tilespmem:s26+$0x42F0]  }
0x1b8: {  	v21 =	vmul.f32 v20, v20;
	v20 =	vsub.f32 v6, v1;
	v6 =	vld [tilespmem:s26+$0x220]  }
0x1b9: {  	v36 =	vmul.f32 v8, v8;
	v8 =	vld [tilespmem:s26+$0x4220]  }
0x1ba: {  	v41 =	vmul.f32 v61, v61;
	v29 =	vsub.f32 v33, v29;
	v33 =	vmul.f32 v30, v30;
	v7 =	vld [tilespmem:s26+$0x290]  }
0x1bb: {  	p0 =	sne.s32 s28, $0x7000;
	v23 =	vmul.f32 v22, v22;
	[tilespmem:$0x1FF00] =	vst v0;
	v0 =	vld [tilespmem:s26+$0x4290];
	v63 =	vsub.f32 v63, v60;
	v60 =	vsub.f32 v52, v51  }
.Ltmp0:
0x1bc: {  	v22 =	vmul.f32 v16, v16;
	v51 =	vsub.f32 v32, v27;
	v52 =	vsub.f32 v19, v2;
	v2 =	vld [tilespmem:s26+$0x200];
	(pc) =	sbr.rel @p0 .LBB2_2-.Ltmp0, $4  }
0x1bd: {  	v27 =	vmul.f32 v28, v28;
	v28 =	vmul.f32 v24, v24;
	v24 =	vsub.f32 v9, v5;
	v5 =	vld [tilespmem:s26+$0x4210]  }
0x1be: {  	v30 =	vmul.f32 v13, v13;
	v19 =	vsub.f32 v59, v62;
	v59 =	vsub.f32 v50, v46;
	v46 =	vmovc v26;
	v26 =	vld [tilespmem:$0x1FC70]  }
0x1bf: {  	v16 =	vmul.f32 v14, v14;
	v37 =	vmul.f32 v11, v11;
	[tilespmem:$0x1FFD0] =	vst v60;
	v60 =	vld [tilespmem:s26+$0x4260]  }
0x1c0: {  	s28 =	sadd.s32 $0x1000, s28;
	v32 =	vmul.f32 v10, v10;
	v1 =	vsub.f32 v7, v0;
	v14 =	vmul.f32 v63, v63;
	v7 =	vld [tilespmem:s26+$0x230]  }
0x1c1: {  	v0 =	vld [tilespmem:s26+$0x4230]  }
0x1c2: {  	v9 =	vld [tilespmem:s26+$0x270];
	s28 =	simm.s32 $0x0  }
0x1c3: {  	v10 =	vld [tilespmem:s26+$0x4270];
	[tilespmem:s18], [sflag:$0x1] =	stream.linear.gather [hbm4b:s10+s28], $0x2000, $0x38  }
0x1c4: {  	_ = 	snop  }
0x1c5: {  	[tilespmem:s19], [sflag:$0x1] =	stream.indirect.gather [hbm4b:s3+s15], $0x40, s16, s15, $0xb8;
	[tilespmem:$0x8210] =	vst v63  }
0x1c6: {  	_ =	swait.ge [sflag:s23], $0x2000  }
0x1c7: {  	[sflag:s23] =	ssyncset.done $0x0  }
0x1c8: {  	[sflag:s23] =	ssyncadd.s32 $0xFFFFE000  }
0x1c9: {  	_ =	swait.ge [sflag:s23], $0x2000  }
0x1ca: {  	[sflag:s23] =	ssyncset.done $0x0  }
0x1cb: {  	s26 =	simm.s32 $0x0;
	[sflag:s23] =	ssyncadd.s32 $0xFFFFE000  }
0x1cc: {  	v11 =	vld [tilespmem:s26+$0x65D0];
	_ =	sdelay $0x4  }
0x1cd: {  	[tilespmem:$0x1F440] =	vst v11;
	v11 =	vld [tilespmem:s26+$0x25E0];
	_ =	sdelay $0x4  }
0x1ce: {  	[tilespmem:$0x1F450] =	vst v11;
	v11 =	vld [tilespmem:s26+$0x65E0];
	_ =	sdelay $0x4  }
0x1cf: {  	[tilespmem:$0x1F460] =	vst v11;
	v11 =	vld [tilespmem:s26+$0x65F0];
	_ =	sdelay $0x4  }
0x1d0: {  	[tilespmem:$0x1F4A0] =	vst v11;
	v11 =	vld [tilespmem:s26+$0x2580];
	_ =	sdelay $0x4  }
0x1d1: {  	[tilespmem:$0x1F480] =	vst v11;
	v11 =	vld [tilespmem:s26+$0x6580];
	_ =	sdelay $0x4  }
0x1d2: {  	[tilespmem:$0x1F490] =	vst v11;
	v11 =	vld [tilespmem:s26+$0x2590];
	_ =	sdelay $0x4  }
0x1d3: {  	[tilespmem:$0x1F4B0] =	vst v11;
	v11 =	vld [tilespmem:s26+$0x6590];
	_ =	sdelay $0x4  }
0x1d4: {  	[tilespmem:$0x1F4C0] =	vst v11;
	v11 =	vld [tilespmem:s26+$0x25A0];
	_ =	sdelay $0x4  }
0x1d5: {  	[tilespmem:$0x1F4D0] =	vst v11;
	v11 =	vld [tilespmem:s26+$0x65A0];
	_ =	sdelay $0x4  }
0x1d6: {  	[tilespmem:$0x1F4E0] =	vst v11;
	v11 =	vld [tilespmem:s26+$0x25B0];
	_ =	sdelay $0x4  }
0x1d7: {  	[tilespmem:$0x1F520] =	vst v11;
	v11 =	vld [tilespmem:s26+$0x65B0];
	_ =	sdelay $0x4  }
0x1d8: {  	[tilespmem:$0x1F530] =	vst v11;
	v11 =	vld [tilespmem:s26+$0x2540];
	_ =	sdelay $0x4  }
0x1d9: {  	[tilespmem:$0x1F500] =	vst v11;
	v11 =	vld [tilespmem:s26+$0x6540];
	_ =	sdelay $0x4  }
0x1da: {  	[tilespmem:$0x1F510] =	vst v11;
	v11 =	vld [tilespmem:s26+$0x2550];
	_ =	sdelay $0x4  }
0x1db: {  	[tilespmem:$0x1F550] =	vst v11;
	v11 =	vld [tilespmem:s26+$0x6550];
	_ =	sdelay $0x4  }
0x1dc: {  	[tilespmem:$0x1F560] =	vst v11;
	v11 =	vld [tilespmem:s26+$0x2560];
	_ =	sdelay $0x4  }
0x1dd: {  	[tilespmem:$0x1F570] =	vst v11;
	v11 =	vld [tilespmem:s26+$0x6560];
	_ =	sdelay $0x4  }
0x1de: {  	[tilespmem:$0x1F580] =	vst v11;
	v11 =	vld [tilespmem:s26+$0x2570];
	_ =	sdelay $0x4  }
0x1df: {  	[tilespmem:$0x1F5C0] =	vst v11;
	v11 =	vld [tilespmem:s26+$0x6570];
	_ =	sdelay $0x4  }
0x1e0: {  	[tilespmem:$0x1F5D0] =	vst v11;
	v11 =	vld [tilespmem:s26+$0x2500];
	_ =	sdelay $0x4  }
0x1e1: {  	[tilespmem:$0x1F5A0] =	vst v11;
	v11 =	vld [tilespmem:s26+$0x6500];
	_ =	sdelay $0x4  }
0x1e2: {  	[tilespmem:$0x1F5B0] =	vst v11;
	v11 =	vld [tilespmem:s26+$0x2510];
	_ =	sdelay $0x4  }
0x1e3: {  	[tilespmem:$0x1F5F0] =	vst v11;
	v11 =	vld [tilespmem:s26+$0x6510];
	_ =	sdelay $0x4  }
0x1e4: {  	[tilespmem:$0x1F600] =	vst v11;
	v11 =	vld [tilespmem:s26+$0x2520];
	_ =	sdelay $0x4  }
0x1e5: {  	[tilespmem:$0x1F610] =	vst v11;
	v11 =	vld [tilespmem:s26+$0x6520];
	_ =	sdelay $0x4  }
0x1e6: {  	[tilespmem:$0x1F620] =	vst v11;
	v11 =	vld [tilespmem:s26+$0x2530];
	_ =	sdelay $0x4  }
0x1e7: {  	[tilespmem:$0x1F660] =	vst v11;
	v11 =	vld [tilespmem:s26+$0x6530];
	_ =	sdelay $0x4  }
0x1e8: {  	[tilespmem:$0x1F670] =	vst v11;
	v11 =	vld [tilespmem:s26+$0x24C0];
	_ =	sdelay $0x4  }
0x1e9: {  	[tilespmem:$0x1F640] =	vst v11;
	v11 =	vld [tilespmem:s26+$0x64C0];
	_ =	sdelay $0x4  }
0x1ea: {  	[tilespmem:$0x1F650] =	vst v11;
	v11 =	vld [tilespmem:s26+$0x24D0];
	_ =	sdelay $0x4  }
0x1eb: {  	[tilespmem:$0x1F690] =	vst v11;
	v11 =	vld [tilespmem:s26+$0x64D0];
	_ =	sdelay $0x4  }
0x1ec: {  	[tilespmem:$0x1F6A0] =	vst v11;
	v11 =	vld [tilespmem:s26+$0x24E0];
	_ =	sdelay $0x4  }
0x1ed: {  	[tilespmem:$0x1F6B0] =	vst v11;
	v11 =	vld [tilespmem:s26+$0x64E0];
	_ =	sdelay $0x4  }
0x1ee: {  	[tilespmem:$0x1F6C0] =	vst v11;
	v11 =	vld [tilespmem:s26+$0x24F0];
	_ =	sdelay $0x4  }
0x1ef: {  	[tilespmem:$0x1F700] =	vst v11;
	v11 =	vld [tilespmem:s26+$0x64F0];
	_ =	sdelay $0x4  }
0x1f0: {  	[tilespmem:$0x1F710] =	vst v11;
	v11 =	vld [tilespmem:s26+$0x2480];
	_ =	sdelay $0x4  }
0x1f1: {  	[tilespmem:$0x1F6E0] =	vst v11;
	v11 =	vld [tilespmem:s26+$0x6480];
	_ =	sdelay $0x4  }
0x1f2: {  	[tilespmem:$0x1F6F0] =	vst v11;
	v11 =	vld [tilespmem:s26+$0x2490];
	_ =	sdelay $0x4  }
0x1f3: {  	[tilespmem:$0x1F730] =	vst v11;
	v11 =	vld [tilespmem:s26+$0x6490];
	_ =	sdelay $0x4  }
0x1f4: {  	[tilespmem:$0x1F740] =	vst v11;
	v11 =	vld [tilespmem:s26+$0x24A0];
	_ =	sdelay $0x4  }
0x1f5: {  	[tilespmem:$0x1F750] =	vst v11;
	v11 =	vld [tilespmem:s26+$0x64A0];
	_ =	sdelay $0x4  }
0x1f6: {  	[tilespmem:$0x1F760] =	vst v11;
	v11 =	vld [tilespmem:s26+$0x24B0];
	_ =	sdelay $0x4  }
0x1f7: {  	[tilespmem:$0x1F7A0] =	vst v11;
	v11 =	vld [tilespmem:s26+$0x64B0];
	_ =	sdelay $0x4  }
0x1f8: {  	[tilespmem:$0x1F7B0] =	vst v11;
	v11 =	vld [tilespmem:s26+$0x2440]  }
0x1f9: {  	v2 =	vsub.f32 v2, v3;
	v3 =	vld [tilespmem:s26+$0x2460];
	_ =	sdelay $0x3  }
0x1fa: {  	[tilespmem:$0x1F780] =	vst v11;
	v11 =	vld [tilespmem:s26+$0x6440]  }
0x1fb: {  	[tilespmem:$0x1F7F0] =	vst v3;
	v3 =	vsub.f32 v4, v5;
	v4 =	vsub.f32 v6, v8;
	v6 =	vld [tilespmem:s26+$0x2470];
	_ =	sdelay $0x1  }
0x1fc: {  	v8 =	vld [tilespmem:s26+$0x2400]  }
0x1fd: {  	v0 =	vsub.f32 v7, v0  }
0x1fe: {  	v7 =	vsub.f32 v9, v10;
	[tilespmem:$0x1F790] =	vst v11;
	v11 =	vld [tilespmem:s26+$0x2450]  }
0x1ff: {  	v0 =	vmul.f32 v0, v0;
	v4 =	vmul.f32 v4, v4;
	[tilespmem:$0x1F840] =	vst v6;
	v6 =	vsub.f32 v40, v60  }
0x200: {  	v7 =	vmul.f32 v7, v7  }
0x201: {  	v0 =	vadd.f32 v0, v18;
	[tilespmem:$0x1F820] =	vst v8;
	v8 =	vadd.f32 v4, v56;
	v6 =	vmul.f32 v6, v6  }
0x202: {  	v5 =	vld [tilespmem:s26+$0x6460]  }
0x203: {  	v0 =	vadd.f32 v7, v0;
	v6 =	vadd.f32 v6, v8;
	v8 =	vmul.f32 v59, v59;
	[tilespmem:$0x1F7D0] =	vst v11;
	v11 =	vld [tilespmem:s26+$0x6450];
	_ =	sdelay $0x1  }
0x204: {  	v8 =	vadd.f32 v8, v0;
	v0 =	vld [tilespmem:s26+$0x23C0];
	_ =	sdelay $0x1  }
0x205: {  	v2 =	vmul.f32 v2, v2;
	[tilespmem:$0x1F800] =	vst v5  }
0x206: {  	v3 =	vmul.f32 v3, v3;
	v5 =	vsub.f32 v58, v55;
	[tilespmem:$0x1F7E0] =	vst v11;
	v11 =	vsub.f32 v53, v54  }
0x207: {  	v2 =	vadd.f32 v2, v26  }
0x208: {  	v3 =	vadd.f32 v3, v57;
	v10 =	vmul.f32 v5, v5;
	[tilespmem:$0x1F8B0] =	vst v0;
	v0 =	vld [tilespmem:s26+$0x63D0];
	v9 =	vmul.f32 v11, v11  }
0x209: {  	v1 =	vmul.f32 v1, v1  }
0x20a: {  	v3 =	vadd.f32 v10, v3;
	v2 =	vadd.f32 v9, v2;
	v9 =	vmul.f32 v20, v20;
	_ =	sdelay $0x1  }
0x20b: {  	v1 =	vadd.f32 v1, v3;
	v3 =	vmul.f32 v52, v52;
	v2 =	vadd.f32 v9, v2  }
0x20c: {  	[tilespmem:$0x1F8F0] =	vst v0;
	v0 =	vld [tilespmem:$0x1FFA0]  }
0x20d: {  	v2 =	vadd.f32 v3, v2;
	v3 =	vmul.f32 v24, v24;
	_ =	sdelay $0x1  }
0x20e: {  	v13 =	vmul.f32 v34, v34;
	v3 =	vadd.f32 v3, v8;
	_ =	sdelay $0x1  }
0x20f: {  	v3 =	vadd.f32 v13, v3;
	v13 =	vmul.f32 v0, v0;
	v0 =	vld [tilespmem:$0x1FFE0];
	_ =	sdelay $0x4  }
0x210: {  	v7 =	vmul.f32 v19, v19;
	v19 =	vmul.f32 v0, v0;
	v0 =	vld [tilespmem:s26+$0x63F0];
	_ =	sdelay $0x4  }
0x211: {  	v6 =	vadd.f32 v7, v6;
	v7 =	vmul.f32 v44, v44;
	[tilespmem:$0x1F920] =	vst v0;
	v0 =	vld [tilespmem:s26+$0x2380]  }
0x212: {  	v9 =	vmul.f32 v25, v25  }
0x213: {  	v10 =	vadd.f32 v7, v1;
	v7 =	vmul.f32 v29, v29  }
0x214: {  	v11 =	vmul.f32 v38, v38;
	v6 =	vadd.f32 v9, v6;
	v9 =	vmul.f32 v51, v51  }
0x215: {  	v12 =	vmul.f32 v42, v42;
	v2 =	vadd.f32 v7, v2  }
0x216: {  	v9 =	vadd.f32 v9, v10;
	v10 =	vadd.f32 v11, v6;
	[tilespmem:$0x1F910] =	vst v0;
	v0 =	vld [tilespmem:$0x1FF90]  }
0x217: {  	v6 =	vmul.f32 v48, v48;
	v11 =	vadd.f32 v12, v2;
	v12 =	vmul.f32 v39, v39;
	_ =	sdelay $0x1  }
0x218: {  	v9 =	vadd.f32 v6, v9;
	v10 =	vadd.f32 v12, v10;
	v12 =	vmul.f32 v47, v47;
	_ =	sdelay $0x1  }
0x219: {  	v9 =	vadd.f32 v12, v9;
	v12 =	vmul.f32 v0, v0;
	v0 =	vld [tilespmem:$0x1FFD0]  }
0x21a: {  	v18 =	vmul.f32 v35, v35;
	_ =	sdelay $0x1  }
0x21b: {  	v18 =	vadd.f32 v18, v3;
	v11 =	vadd.f32 v13, v11;
	v13 =	vmul.f32 v43, v43;
	_ =	sdelay $0x1  }
0x21c: {  	v13 =	vadd.f32 v13, v18;
	v18 =	vmul.f32 v0, v0;
	v0 =	vld [tilespmem:s26+$0x2390];
	_ =	sdelay $0x4  }
0x21d: {  	[tilespmem:$0x1F940] =	vst v0;
	v0 =	vld [tilespmem:$0x1FF40];
	_ =	sdelay $0x2  }
0x21e: {  	v10 =	vadd.f32 v19, v10;
	_ =	sdelay $0x1  }
0x21f: {  	v10 =	vadd.f32 v12, v10;
	v12 =	vmul.f32 v0, v0;
	v0 =	vld [tilespmem:$0x1FF70];
	_ =	sdelay $0x4  }
0x220: {  	v13 =	vadd.f32 v18, v13;
	v18 =	vmul.f32 v0, v0;
	v0 =	vld [tilespmem:s26+$0x23A0];
	_ =	sdelay $0x4  }
0x221: {  	[tilespmem:$0x1F950] =	vst v0;
	v0 =	vld [tilespmem:$0x1FED0];
	_ =	sdelay $0x4  }
0x222: {  	v10 =	vadd.f32 v12, v10;
	v12 =	vmul.f32 v0, v0;
	v0 =	vld [tilespmem:$0x1FF00];
	_ =	sdelay $0x4  }
0x223: {  	v13 =	vadd.f32 v18, v13;
	v18 =	vmul.f32 v0, v0;
	v0 =	vld [tilespmem:s26+$0x23B0];
	_ =	sdelay $0x4  }
0x224: {  	[tilespmem:$0x1F970] =	vst v0;
	v0 =	vld [tilespmem:$0x1FE50];
	_ =	sdelay $0x3  }
0x225: {  	v11 =	vadd.f32 v49, v11  }
0x226: {  	v10 =	vadd.f32 v12, v10;
	v12 =	vmul.f32 v0, v0;
	v0 =	vld [tilespmem:$0x1FE80]  }
0x227: {  	v11 =	vadd.f32 v41, v11;
	_ =	sdelay $0x1  }
0x228: {  	v11 =	vadd.f32 v37, v11;
	_ =	sdelay $0x1  }
0x229: {  	v11 =	vadd.f32 v16, v11;
	v16 =	vmul.f32 v0, v0;
	v0 =	vld [tilespmem:$0x1FDC0];
	_ =	sdelay $0x4  }
0x22a: {  	v10 =	vadd.f32 v12, v10;
	v12 =	vmul.f32 v0, v0;
	v0 =	vld [tilespmem:$0x1FE00];
	_ =	sdelay $0x2  }
0x22b: {  	v13 =	vadd.f32 v18, v13;
	_ =	sdelay $0x1  }
0x22c: {  	v13 =	vadd.f32 v16, v13;
	v16 =	vmul.f32 v0, v0;
	v0 =	vld [tilespmem:$0x1FD40];
	_ =	sdelay $0x4  }
0x22d: {  	v10 =	vadd.f32 v12, v10;
	v12 =	vmul.f32 v0, v0;
	v0 =	vld [tilespmem:$0x1FD70];
	_ =	sdelay $0x4  }
0x22e: {  	v13 =	vadd.f32 v16, v13;
	v16 =	vmul.f32 v0, v0;
	v0 =	vld [tilespmem:$0x1FCE0];
	_ =	sdelay $0x4  }
0x22f: {  	v10 =	vadd.f32 v12, v10;
	v12 =	vmul.f32 v0, v0;
	v0 =	vld [tilespmem:$0x1FD10];
	_ =	sdelay $0x4  }
0x230: {  	v13 =	vadd.f32 v16, v13;
	v16 =	vmul.f32 v0, v0;
	v0 =	vld [tilespmem:$0x1FCC0];
	_ =	sdelay $0x4  }
0x231: {  	v10 =	vadd.f32 v12, v10;
	v12 =	vmul.f32 v0, v0;
	v0 =	vld [tilespmem:$0x1FCD0]  }
0x232: {  	v9 =	vadd.f32 v15, v9  }
0x233: {  	v11 =	vadd.f32 v31, v11  }
0x234: {  	v9 =	vadd.f32 v14, v9  }
0x235: {  	v11 =	vadd.f32 v23, v11  }
0x236: {  	v9 =	vadd.f32 v36, v9;
	v13 =	vadd.f32 v16, v13;
	v16 =	vmul.f32 v0, v0;
	v0 =	vld [tilespmem:$0x1FCA0]  }
0x237: {  	v11 =	vadd.f32 v17, v11  }
0x238: {  	v9 =	vadd.f32 v32, v9  }
0x239: {  	v11 =	vadd.f32 v33, v11  }
0x23a: {  	v9 =	vadd.f32 v30, v9  }
0x23b: {  	v17 =	vmul.f32 v0, v0;
	v0 =	vadd.f32 v46, v11  }
0x23c: {  	v9 =	vadd.f32 v22, v9  }
0x23d: {  	[tilespmem:$0x1F410] =	vst v0;
	v0 =	vld [tilespmem:$0x1FCB0]  }
0x23e: {  	v9 =	vadd.f32 v21, v9;
	_ =	sdelay $0x1  }
0x23f: {  	v9 =	vadd.f32 v28, v9;
	_ =	sdelay $0x1  }
0x240: {  	v10 =	vadd.f32 v12, v10;
	v20 =	vmul.f32 v0, v0;
	v0 =	vadd.f32 v27, v9;
	_ =	sdelay $0x1  }
0x241: {  	[tilespmem:$0x1F420] =	vst v0;
	v0 =	vadd.f32 v17, v10  }
0x242: {  	v61 =	vld [tilespmem:s26+$0x25D0]  }
0x243: {  	[tilespmem:$0x1F430] =	vst v0;
	v0 =	vld [tilespmem:$0x1F440];
	_ =	sdelay $0x3  }
0x244: {  	v1 =	vld [tilespmem:$0x1F460]  }
0x245: {  	v60 =	vsub.f32 v61, v0;
	v0 =	vld [tilespmem:$0x1F450];
	_ =	sdelay $0x4  }
0x246: {  	v0 =	vsub.f32 v0, v1  }
0x247: {  	v1 =	vld [tilespmem:$0x1F490]  }
0x248: {  	[tilespmem:$0x1F470] =	vst v0;
	v0 =	vld [tilespmem:$0x1F480];
	_ =	sdelay $0x1  }
0x249: {  	v50 =	vld [tilespmem:s26+$0x25C0]  }
0x24a: {  	v62 =	vld [tilespmem:s26+$0x65C0];
	v16 =	vadd.f32 v16, v13  }
0x24b: {  	v63 =	vld [tilespmem:s26+$0x25F0]  }
0x24c: {  	v25 =	vadd.f32 v20, v16;
	v20 =	vsub.f32 v0, v1;
	v0 =	vld [tilespmem:$0x1F4A0];
	_ =	sdelay $0x3  }
0x24d: {  	v1 =	vld [tilespmem:$0x1F4C0]  }
0x24e: {  	v62 =	vsub.f32 v50, v62;
	v50 =	vsub.f32 v63, v0;
	v0 =	vld [tilespmem:$0x1F4B0];
	_ =	sdelay $0x4  }
0x24f: {  	v56 =	vsub.f32 v0, v1;
	v0 =	vld [tilespmem:$0x1F4D0]  }
0x250: {  	v1 =	vld [tilespmem:$0x1F4E0];
	_ =	sdelay $0x4  }
0x251: {  	v0 =	vsub.f32 v0, v1  }
0x252: {  	v1 =	vld [tilespmem:$0x1F510]  }
0x253: {  	[tilespmem:$0x1F4F0] =	vst v0;
	v0 =	vld [tilespmem:$0x1F500];
	_ =	sdelay $0x4  }
0x254: {  	v23 =	vsub.f32 v0, v1;
	v0 =	vld [tilespmem:$0x1F520]  }
0x255: {  	v1 =	vld [tilespmem:$0x1F530];
	_ =	sdelay $0x4  }
0x256: {  	v0 =	vsub.f32 v0, v1  }
0x257: {  	v1 =	vld [tilespmem:$0x1F560]  }
0x258: {  	[tilespmem:$0x1F540] =	vst v0;
	v0 =	vld [tilespmem:$0x1F550];
	_ =	sdelay $0x4  }
0x259: {  	v9 =	vsub.f32 v0, v1;
	v0 =	vld [tilespmem:$0x1F570]  }
0x25a: {  	v1 =	vld [tilespmem:$0x1F580];
	_ =	sdelay $0x4  }
0x25b: {  	v0 =	vsub.f32 v0, v1  }
0x25c: {  	v1 =	vld [tilespmem:$0x1F5B0]  }
0x25d: {  	[tilespmem:$0x1F590] =	vst v0;
	v0 =	vld [tilespmem:$0x1F5A0];
	_ =	sdelay $0x4  }
0x25e: {  	v27 =	vsub.f32 v0, v1;
	v0 =	vld [tilespmem:$0x1F5C0]  }
0x25f: {  	v1 =	vld [tilespmem:$0x1F5D0];
	_ =	sdelay $0x4  }
0x260: {  	v0 =	vsub.f32 v0, v1  }
0x261: {  	v1 =	vld [tilespmem:$0x1F600]  }
0x262: {  	[tilespmem:$0x1F5E0] =	vst v0;
	v0 =	vld [tilespmem:$0x1F5F0];
	_ =	sdelay $0x4  }
0x263: {  	v57 =	vsub.f32 v0, v1;
	v0 =	vld [tilespmem:$0x1F610]  }
0x264: {  	v1 =	vld [tilespmem:$0x1F620];
	_ =	sdelay $0x4  }
0x265: {  	v0 =	vsub.f32 v0, v1  }
0x266: {  	v1 =	vld [tilespmem:$0x1F650]  }
0x267: {  	[tilespmem:$0x1F630] =	vst v0;
	v0 =	vld [tilespmem:$0x1F640];
	_ =	sdelay $0x4  }
0x268: {  	v31 =	vsub.f32 v0, v1;
	v0 =	vld [tilespmem:$0x1F660]  }
0x269: {  	v1 =	vld [tilespmem:$0x1F670];
	_ =	sdelay $0x4  }
0x26a: {  	v0 =	vsub.f32 v0, v1  }
0x26b: {  	v1 =	vld [tilespmem:$0x1F6A0]  }
0x26c: {  	[tilespmem:$0x1F680] =	vst v0;
	v0 =	vld [tilespmem:$0x1F690];
	_ =	sdelay $0x4  }
0x26d: {  	v0 =	vsub.f32 v0, v1  }
0x26e: {  	v1 =	vld [tilespmem:$0x1F6C0]  }
0x26f: {  	[tilespmem:$0x1F980] =	vst v0;
	v0 =	vld [tilespmem:$0x1F6B0];
	_ =	sdelay $0x4  }
0x270: {  	v0 =	vsub.f32 v0, v1  }
0x271: {  	v1 =	vld [tilespmem:$0x1F6F0]  }
0x272: {  	[tilespmem:$0x1F6D0] =	vst v0;
	v0 =	vld [tilespmem:$0x1F6E0];
	_ =	sdelay $0x4  }
0x273: {  	v33 =	vsub.f32 v0, v1;
	v0 =	vld [tilespmem:$0x1F700]  }
0x274: {  	v1 =	vld [tilespmem:$0x1F710];
	_ =	sdelay $0x4  }
0x275: {  	v0 =	vsub.f32 v0, v1  }
0x276: {  	v1 =	vld [tilespmem:$0x1F740]  }
0x277: {  	[tilespmem:$0x1F720] =	vst v0;
	v0 =	vld [tilespmem:$0x1F730];
	_ =	sdelay $0x4  }
0x278: {  	v32 =	vsub.f32 v0, v1;
	v0 =	vld [tilespmem:$0x1F750]  }
0x279: {  	v1 =	vld [tilespmem:$0x1F760];
	_ =	sdelay $0x4  }
0x27a: {  	v4 =	vld [tilespmem:s26+$0x6400];
	v0 =	vsub.f32 v0, v1  }
0x27b: {  	v1 =	vld [tilespmem:$0x1F790]  }
0x27c: {  	[tilespmem:$0x1F770] =	vst v0;
	v0 =	vld [tilespmem:$0x1F780];
	_ =	sdelay $0x3  }
0x27d: {  	[tilespmem:$0x1F830] =	vst v4;
	v4 =	vld [tilespmem:s26+$0x2410]  }
0x27e: {  	v58 =	vsub.f32 v0, v1;
	v0 =	vld [tilespmem:$0x1F7A0]  }
0x27f: {  	v1 =	vld [tilespmem:$0x1F7B0];
	_ =	sdelay $0x4  }
0x280: {  	[tilespmem:$0x1F860] =	vst v4;
	v4 =	vld [tilespmem:s26+$0x6410];
	v0 =	vsub.f32 v0, v1  }
0x281: {  	v1 =	vld [tilespmem:$0x1F7E0]  }
0x282: {  	[tilespmem:$0x1F7C0] =	vst v0;
	v0 =	vld [tilespmem:$0x1F7D0];
	_ =	sdelay $0x3  }
0x283: {  	[tilespmem:$0x1F870] =	vst v4;
	v4 =	vld [tilespmem:s26+$0x2420]  }
0x284: {  	v10 =	vsub.f32 v0, v1;
	v0 =	vld [tilespmem:$0x1F7F0]  }
0x285: {  	v1 =	vld [tilespmem:$0x1F800]  }
0x286: {  	v42 =	vld [tilespmem:s26+$0x6380]  }
0x287: {  	v35 =	vld [tilespmem:s26+$0x63A0]  }
0x288: {  	[tilespmem:$0x1F880] =	vst v4;
	v4 =	vld [tilespmem:s26+$0x6420]  }
0x289: {  	v6 =	vld [tilespmem:$0x1F830]  }
0x28a: {  	v0 =	vsub.f32 v0, v1;
	v1 =	vld [tilespmem:$0x1F820]  }
0x28b: {  	v45 =	vld [tilespmem:s26+$0x2340]  }
0x28c: {  	v34 =	vld [tilespmem:s26+$0x6340]  }
0x28d: {  	v40 =	vld [tilespmem:s26+$0x6470]  }
0x28e: {  	[tilespmem:$0x1F890] =	vst v4;
	v4 =	vld [tilespmem:s26+$0x2430]  }
0x28f: {  	v41 =	vsub.f32 v1, v6;
	v1 =	vld [tilespmem:$0x1F840]  }
0x290: {  	v26 =	vld [tilespmem:s26+$0x22E0]  }
0x291: {  	v55 =	vld [tilespmem:s26+$0x2350]  }
0x292: {  	v5 =	vld [tilespmem:s26+$0x2280]  }
0x293: {  	v44 =	vld [tilespmem:s26+$0x6390]  }
0x294: {  	[tilespmem:$0x1F8C0] =	vst v4;
	v4 =	vld [tilespmem:s26+$0x6430];
	v1 =	vsub.f32 v1, v40  }
0x295: {  	v7 =	vld [tilespmem:$0x1F870]  }
0x296: {  	[tilespmem:$0x1F850] =	vst v1;
	v1 =	vld [tilespmem:$0x1F860]  }
0x297: {  	v52 =	vld [tilespmem:s26+$0x63B0]  }
0x298: {  	v29 =	vld [tilespmem:s26+$0x63E0]  }
0x299: {  	[tilespmem:$0x1F8D0] =	vst v4;
	v4 =	vld [tilespmem:s26+$0x62F0]  }
0x29a: {  	v54 =	vld [tilespmem:s26+$0x2360]  }
0x29b: {  	v59 =	vsub.f32 v1, v7;
	v1 =	vld [tilespmem:$0x1F880]  }
0x29c: {  	v7 =	vld [tilespmem:$0x1F890]  }
0x29d: {  	v53 =	vld [tilespmem:s26+$0x2370]  }
0x29e: {  	v38 =	vld [tilespmem:s26+$0x23D0]  }
0x29f: {  	v24 =	vld [tilespmem:s26+$0x63C0]  }
0x2a0: {  	v51 =	vld [tilespmem:s26+$0x6370]  }
0x2a1: {  	v1 =	vsub.f32 v1, v7;
	v7 =	vld [tilespmem:$0x1F8B0]  }
0x2a2: {  	v48 =	vld [tilespmem:s26+$0x23E0]  }
0x2a3: {  	v8 =	vld [tilespmem:$0x1F8D0]  }
0x2a4: {  	v39 =	vld [tilespmem:s26+$0x23F0]  }
0x2a5: {  	v2 =	vld [tilespmem:s26+$0x62D0]  }
0x2a6: {  	v11 =	vsub.f32 v7, v24;
	v7 =	vld [tilespmem:$0x1F8C0]  }
0x2a7: {  	v47 =	vld [tilespmem:s26+$0x6350]  }
0x2a8: {  	v43 =	vld [tilespmem:s26+$0x6310]  }
0x2a9: {  	v3 =	vld [tilespmem:s26+$0x62E0]  }
0x2aa: {  	v49 =	vld [tilespmem:s26+$0x2300]  }
0x2ab: {  	v15 =	vld [tilespmem:s26+$0x2320];
	v7 =	vsub.f32 v7, v8  }
0x2ac: {  	v19 =	vld [tilespmem:s26+$0x22C0]  }
0x2ad: {  	[tilespmem:$0x1F8E0] =	vst v7;
	v7 =	vld [tilespmem:$0x1F8F0]  }
0x2ae: {  	v47 =	vsub.f32 v55, v47;
	v55 =	vld [tilespmem:s26+$0x6250]  }
0x2af: {  	v8 =	vld [tilespmem:$0x1F910]  }
0x2b0: {  	v14 =	vld [tilespmem:s26+$0x6330]  }
0x2b1: {  	v37 =	vld [tilespmem:s26+$0x22D0]  }
0x2b2: {  	v30 =	vld [tilespmem:s26+$0x22F0];
	v7 =	vsub.f32 v38, v7  }
0x2b3: {  	v22 =	vld [tilespmem:s26+$0x6360]  }
0x2b4: {  	[tilespmem:$0x1F990] =	vst v7;
	v7 =	vsub.f32 v48, v29;
	v48 =	vsub.f32 v8, v42;
	v8 =	vld [tilespmem:$0x1F920]  }
0x2b5: {  	v28 =	vsub.f32 v53, v51;
	v53 =	vld [tilespmem:s26+$0x2250]  }
0x2b6: {  	v18 =	vld [tilespmem:s26+$0x62C0]  }
0x2b7: {  	v12 =	vld [tilespmem:s26+$0x6300]  }
0x2b8: {  	v13 =	vld [tilespmem:s26+$0x2310]  }
0x2b9: {  	v61 =	vld [tilespmem:s26+$0x6320];
	v8 =	vsub.f32 v39, v8  }
0x2ba: {  	v16 =	vld [tilespmem:s26+$0x22B0]  }
0x2bb: {  	[tilespmem:$0x1F930] =	vst v8;
	v8 =	vld [tilespmem:$0x1F940]  }
0x2bc: {  	v17 =	vld [tilespmem:$0x1F970]  }
0x2bd: {  	v36 =	vmul.f32 v60, v60;
	v60 =	vsub.f32 v37, v2;
	v2 =	vld [tilespmem:s26+$0x2200]  }
0x2be: {  	v45 =	vsub.f32 v45, v34;
	v34 =	vsub.f32 v15, v61;
	v61 =	vld [tilespmem:s26+$0x6260]  }
0x2bf: {  	v63 =	vld [tilespmem:s26+$0x2330]  }
0x2c0: {  	v46 =	vsub.f32 v8, v44;
	v8 =	vld [tilespmem:$0x1F950]  }
0x2c1: {  	v21 =	vsub.f32 v30, v4;
	v4 =	vld [tilespmem:$0x1F980]  }
0x2c2: {  	[tilespmem:$0x1F810] =	vst v0;
	v0 =	vld [tilespmem:s26+$0x6280]  }
0x2c3: {  	v6 =	vld [tilespmem:s26+$0x2290]  }
0x2c4: {  	v40 =	vld [tilespmem:s26+$0x22A0]  }
0x2c5: {  	[tilespmem:$0x1F8A0] =	vst v1;
	v1 =	vld [tilespmem:s26+$0x6290];
	v8 =	vsub.f32 v8, v35  }
0x2c6: {  	[tilespmem:$0x1F900] =	vst v7;
	v7 =	vld [tilespmem:s26+$0x62A0]  }
0x2c7: {  	[tilespmem:$0x1F960] =	vst v8;
	v8 =	vld [tilespmem:s26+$0x62B0]  }
0x2c8: {  	v30 =	vmul.f32 v4, v4;
	v4 =	vld [tilespmem:s26+$0x2210]  }
0x2c9: {  	v49 =	vsub.f32 v49, v12;
	v23 =	vmul.f32 v23, v23;
	v0 =	vsub.f32 v5, v0;
	v5 =	vld [tilespmem:s26+$0x6210]  }
0x2ca: {  	v27 =	vmul.f32 v27, v27;
	v31 =	vmul.f32 v31, v31;
	v24 =	vsub.f32 v26, v3;
	v3 =	vld [tilespmem:s26+$0x6200]  }
0x2cb: {  	v33 =	vmul.f32 v33, v33;
	v37 =	vmul.f32 v58, v58;
	v1 =	vsub.f32 v6, v1;
	v6 =	vld [tilespmem:s26+$0x2220]  }
0x2cc: {  	v58 =	vsub.f32 v40, v7;
	v40 =	vmul.f32 v59, v59;
	v59 =	vsub.f32 v16, v8;
	v8 =	vld [tilespmem:$0x1F990]  }
0x2cd: {  	v32 =	vmul.f32 v32, v32;
	v41 =	vmul.f32 v41, v41;
	v38 =	vsub.f32 v54, v22;
	v54 =	vld [tilespmem:s26+$0x6240]  }
0x2ce: {  	v26 =	vmul.f32 v57, v57;
	v15 =	vmul.f32 v11, v11;
	v42 =	vsub.f32 v17, v52;
	v52 =	vld [tilespmem:s26+$0x2240]  }
0x2cf: {  	v22 =	vmul.f32 v62, v62;
	v29 =	vsub.f32 v19, v18;
	v17 =	vmul.f32 v20, v20;
	v7 =	vld [tilespmem:s26+$0x6220]  }
0x2d0: {  	v19 =	vmul.f32 v56, v56;
	v20 =	vmul.f32 v9, v9;
	v39 =	vsub.f32 v13, v43;
	v35 =	vld [tilespmem:s26+$0x2260]  }
0x2d1: {  	s28 =	simm.s32 $0x1000;
	v43 =	vsub.f32 v63, v14;
	v14 =	vmul.f32 v10, v10;
	v16 =	vmul.f32 v8, v8;
	v8 =	vld [tilespmem:s26+$0x2230]  }
.LBB2_4:
0x2d2: {  	v9 =	vld [tilespmem:s26+$0x6230]  }
0x2d3: {  	v57 =	vld [tilespmem:s26+$0x2270]  }
0x2d4: {  	v2 =	vsub.f32 v2, v3;
	v3 =	vld [tilespmem:s26+$0x6270];
	s26 =	sshra.s32 s28, $0x2  }
0x2d5: {  	v13 =	vld [tilespmem:s26+$0x25E0];
	_ =	sdelay $0x4  }
0x2d6: {  	[tilespmem:$0x1F150] =	vst v13;
	v13 =	vld [tilespmem:s26+$0x65E0];
	_ =	sdelay $0x4  }
0x2d7: {  	[tilespmem:$0x1F160] =	vst v13;
	v13 =	vld [tilespmem:$0x1F410];
	_ =	sdelay $0x2  }
0x2d8: {  	v2 =	vmul.f32 v2, v2;
	_ =	sdelay $0x1  }
0x2d9: {  	v2 =	vadd.f32 v2, v13;
	v13 =	vld [tilespmem:$0x1F420]  }
0x2da: {  	v4 =	vsub.f32 v4, v5;
	_ =	sdelay $0x1  }
0x2db: {  	v4 =	vmul.f32 v4, v4;
	_ =	sdelay $0x1  }
0x2dc: {  	v4 =	vadd.f32 v4, v13;
	v13 =	vld [tilespmem:s26+$0x25F0];
	_ =	sdelay $0x4  }
0x2dd: {  	[tilespmem:$0x1F180] =	vst v13;
	v13 =	vld [tilespmem:$0x1F430]  }
0x2de: {  	v5 =	vsub.f32 v6, v7;
	_ =	sdelay $0x1  }
0x2df: {  	v5 =	vmul.f32 v5, v5;
	_ =	sdelay $0x1  }
0x2e0: {  	v13 =	vadd.f32 v5, v13;
	v5 =	vld [tilespmem:s26+$0x2580];
	_ =	sdelay $0x3  }
0x2e1: {  	v6 =	vld [tilespmem:s26+$0x25D0]  }
0x2e2: {  	[tilespmem:$0x1F170] =	vst v5;
	v5 =	vld [tilespmem:s26+$0x65A0];
	_ =	sdelay $0x3  }
0x2e3: {  	[tilespmem:$0x1F130] =	vst v6;
	v6 =	vsub.f32 v8, v9;
	v9 =	vld [tilespmem:s26+$0x65D0]  }
0x2e4: {  	[tilespmem:$0x1F190] =	vst v5;
	v5 =	vld [tilespmem:s26+$0x25B0];
	_ =	sdelay $0x3  }
0x2e5: {  	v52 =	vsub.f32 v52, v54;
	[tilespmem:$0x1F140] =	vst v9  }
0x2e6: {  	v53 =	vsub.f32 v53, v55;
	v9 =	vsub.f32 v35, v61;
	[tilespmem:$0x1F1C0] =	vst v5;
	v5 =	vld [tilespmem:s26+$0x65B0]  }
0x2e7: {  	v7 =	vmul.f32 v52, v52  }
0x2e8: {  	v8 =	vmul.f32 v53, v53;
	v9 =	vmul.f32 v9, v9  }
0x2e9: {  	v0 =	vmul.f32 v0, v0;
	v1 =	vmul.f32 v1, v1;
	v2 =	vadd.f32 v7, v2  }
0x2ea: {  	v7 =	vmul.f32 v58, v58;
	v4 =	vadd.f32 v8, v4;
	v8 =	vadd.f32 v9, v13  }
0x2eb: {  	v0 =	vadd.f32 v0, v2;
	[tilespmem:$0x1F1D0] =	vst v5;
	v5 =	vld [tilespmem:$0x1F960]  }
0x2ec: {  	v2 =	vmul.f32 v24, v24;
	v1 =	vadd.f32 v1, v4;
	v4 =	vadd.f32 v7, v8;
	_ =	sdelay $0x1  }
0x2ed: {  	v7 =	vmul.f32 v34, v34;
	v2 =	vadd.f32 v2, v4;
	_ =	sdelay $0x1  }
0x2ee: {  	v2 =	vadd.f32 v7, v2;
	v7 =	vmul.f32 v5, v5;
	v5 =	vld [tilespmem:s26+$0x2540];
	_ =	sdelay $0x4  }
0x2ef: {  	v3 =	vsub.f32 v57, v3;
	v6 =	vmul.f32 v6, v6;
	[tilespmem:$0x1F1A0] =	vst v5;
	v5 =	vld [tilespmem:s26+$0x6540];
	_ =	sdelay $0x1  }
0x2f0: {  	v3 =	vmul.f32 v3, v3;
	v6 =	vadd.f32 v6, v25;
	_ =	sdelay $0x1  }
0x2f1: {  	v3 =	vadd.f32 v3, v6;
	v6 =	vmul.f32 v59, v59  }
0x2f2: {  	[tilespmem:$0x1F1B0] =	vst v5;
	v5 =	vld [tilespmem:$0x1F900]  }
0x2f3: {  	v3 =	vadd.f32 v6, v3;
	v6 =	vmul.f32 v21, v21;
	_ =	sdelay $0x1  }
0x2f4: {  	v3 =	vadd.f32 v6, v3;
	v6 =	vmul.f32 v38, v38;
	_ =	sdelay $0x1  }
0x2f5: {  	v2 =	vadd.f32 v6, v2;
	v6 =	vmul.f32 v5, v5;
	v5 =	vld [tilespmem:s26+$0x2550];
	_ =	sdelay $0x4  }
0x2f6: {  	[tilespmem:$0x1F1E0] =	vst v5;
	v5 =	vld [tilespmem:s26+$0x6550];
	_ =	sdelay $0x4  }
0x2f7: {  	[tilespmem:$0x1F1F0] =	vst v5;
	v5 =	vld [tilespmem:$0x1F8A0];
	_ =	sdelay $0x4  }
0x2f8: {  	v2 =	vadd.f32 v7, v2;
	v7 =	vmul.f32 v5, v5;
	v5 =	vld [tilespmem:$0x1F810];
	_ =	sdelay $0x4  }
0x2f9: {  	v2 =	vadd.f32 v6, v2;
	v6 =	vmul.f32 v5, v5;
	v5 =	vld [tilespmem:s26+$0x2570]  }
0x2fa: {  	v4 =	vmul.f32 v43, v43;
	_ =	sdelay $0x1  }
0x2fb: {  	v3 =	vadd.f32 v4, v3;
	v4 =	vmul.f32 v28, v28;
	_ =	sdelay $0x1  }
0x2fc: {  	v3 =	vadd.f32 v4, v3;
	v4 =	vmul.f32 v42, v42;
	[tilespmem:$0x1F210] =	vst v5;
	v5 =	vld [tilespmem:s26+$0x6570];
	_ =	sdelay $0x1  }
0x2fd: {  	v3 =	vadd.f32 v4, v3;
	v4 =	vld [tilespmem:$0x1F930];
	_ =	sdelay $0x2  }
0x2fe: {  	[tilespmem:$0x1F220] =	vst v5;
	v5 =	vld [tilespmem:$0x1F770];
	_ =	sdelay $0x1  }
0x2ff: {  	v4 =	vmul.f32 v4, v4;
	_ =	sdelay $0x1  }
0x300: {  	v3 =	vadd.f32 v4, v3;
	v4 =	vld [tilespmem:$0x1F8E0]  }
0x301: {  	v2 =	vadd.f32 v7, v2;
	v7 =	vmul.f32 v5, v5;
	v5 =	vld [tilespmem:s26+$0x6500];
	_ =	sdelay $0x4  }
0x302: {  	v4 =	vmul.f32 v4, v4;
	[tilespmem:$0x1F200] =	vst v5;
	v5 =	vld [tilespmem:$0x1F6D0];
	_ =	sdelay $0x1  }
0x303: {  	v3 =	vadd.f32 v4, v3;
	v4 =	vld [tilespmem:$0x1F850];
	_ =	sdelay $0x2  }
0x304: {  	v2 =	vadd.f32 v6, v2;
	v6 =	vmul.f32 v5, v5;
	v5 =	vld [tilespmem:s26+$0x2510];
	_ =	sdelay $0x1  }
0x305: {  	v4 =	vmul.f32 v4, v4  }
0x306: {  	v12 =	vmul.f32 v29, v29  }
0x307: {  	v3 =	vadd.f32 v4, v3;
	v4 =	vld [tilespmem:$0x1F7C0]  }
0x308: {  	v49 =	vmul.f32 v49, v49;
	v0 =	vadd.f32 v12, v0;
	[tilespmem:$0x1F230] =	vst v5;
	v5 =	vld [tilespmem:$0x1F630];
	_ =	sdelay $0x1  }
0x309: {  	v10 =	vmul.f32 v45, v45;
	v0 =	vadd.f32 v49, v0;
	_ =	sdelay $0x1  }
0x30a: {  	v54 =	vmul.f32 v48, v48;
	v0 =	vadd.f32 v10, v0;
	v4 =	vmul.f32 v4, v4  }
0x30b: {  	v10 =	vmul.f32 v5, v5;
	v5 =	vld [tilespmem:s26+$0x2520]  }
0x30c: {  	v60 =	vmul.f32 v60, v60;
	v0 =	vadd.f32 v54, v0;
	v3 =	vadd.f32 v4, v3;
	v4 =	vld [tilespmem:$0x1F720];
	_ =	sdelay $0x1  }
0x30d: {  	v51 =	vmul.f32 v39, v39;
	v1 =	vadd.f32 v60, v1;
	v0 =	vadd.f32 v15, v0;
	_ =	sdelay $0x1  }
0x30e: {  	v11 =	vmul.f32 v47, v47;
	v1 =	vadd.f32 v51, v1;
	v0 =	vadd.f32 v41, v0;
	[tilespmem:$0x1F240] =	vst v5;
	v5 =	vld [tilespmem:$0x1F590]  }
0x30f: {  	v4 =	vmul.f32 v4, v4;
	v2 =	vadd.f32 v7, v2  }
0x310: {  	v1 =	vadd.f32 v11, v1;
	v0 =	vadd.f32 v37, v0  }
0x311: {  	v44 =	vmul.f32 v46, v46;
	v3 =	vadd.f32 v4, v3;
	v4 =	vld [tilespmem:$0x1F680];
	v2 =	vadd.f32 v6, v2  }
0x312: {  	v0 =	vadd.f32 v33, v0  }
0x313: {  	v1 =	vadd.f32 v44, v1;
	v2 =	vadd.f32 v10, v2;
	v11 =	vmul.f32 v5, v5  }
0x314: {  	v0 =	vadd.f32 v31, v0;
	v5 =	vld [tilespmem:s26+$0x2530]  }
0x315: {  	v1 =	vadd.f32 v16, v1;
	v2 =	vadd.f32 v11, v2;
	v11 =	vld [tilespmem:s26+$0x64C0]  }
0x316: {  	v0 =	vadd.f32 v27, v0;
	v4 =	vmul.f32 v4, v4  }
0x317: {  	v1 =	vadd.f32 v40, v1  }
0x318: {  	v0 =	vadd.f32 v23, v0;
	v3 =	vadd.f32 v4, v3;
	v4 =	vld [tilespmem:$0x1F5E0]  }
0x319: {  	[tilespmem:$0x1F260] =	vst v5;
	v5 =	vld [tilespmem:s26+$0x6530]  }
0x31a: {  	v1 =	vadd.f32 v14, v1;
	[tilespmem:$0x1F250] =	vst v11;
	v11 =	vadd.f32 v17, v0;
	v0 =	vld [tilespmem:$0x1F470];
	_ =	sdelay $0x1  }
0x31b: {  	v1 =	vadd.f32 v32, v1;
	_ =	sdelay $0x1  }
0x31c: {  	v1 =	vadd.f32 v30, v1;
	[tilespmem:$0x1F270] =	vst v5;
	v5 =	vld [tilespmem:$0x1F4F0]  }
0x31d: {  	v4 =	vmul.f32 v4, v4;
	v12 =	vmul.f32 v0, v0;
	v0 =	vld [tilespmem:s26+$0x24D0]  }
0x31e: {  	v1 =	vadd.f32 v26, v1  }
0x31f: {  	v3 =	vadd.f32 v4, v3;
	v4 =	vld [tilespmem:$0x1F540]  }
0x320: {  	v1 =	vadd.f32 v20, v1;
	_ =	sdelay $0x1  }
0x321: {  	v1 =	vadd.f32 v19, v1;
	v10 =	vmul.f32 v5, v5;
	[tilespmem:$0x1F280] =	vst v0;
	v0 =	vadd.f32 v22, v11;
	_ =	sdelay $0x1  }
0x322: {  	v4 =	vmul.f32 v4, v4;
	v2 =	vadd.f32 v10, v2;
	[tilespmem:$0x1F410] =	vst v0;
	v0 =	vadd.f32 v36, v1;
	_ =	sdelay $0x1  }
0x323: {  	v3 =	vadd.f32 v4, v3;
	v4 =	vmul.f32 v50, v50;
	[tilespmem:$0x1F420] =	vst v0;
	v0 =	vadd.f32 v12, v2;
	_ =	sdelay $0x1  }
0x324: {  	[tilespmem:$0x1F430] =	vst v0;
	v0 =	vadd.f32 v4, v3;
	_ =	sdelay $0x1  }
0x325: {  	[tilespmem:$0x1F3F0] =	vst v0;
	v0 =	vld [tilespmem:s26+$0x64E0];
	_ =	sdelay $0x4  }
0x326: {  	[tilespmem:$0x1F290] =	vst v0;
	v0 =	vld [tilespmem:s26+$0x24F0];
	_ =	sdelay $0x4  }
0x327: {  	[tilespmem:$0x1F2C0] =	vst v0;
	v0 =	vld [tilespmem:s26+$0x64F0];
	_ =	sdelay $0x4  }
0x328: {  	[tilespmem:$0x1F2D0] =	vst v0;
	v0 =	vld [tilespmem:s26+$0x2480];
	_ =	sdelay $0x4  }
0x329: {  	[tilespmem:$0x1F2A0] =	vst v0;
	v0 =	vld [tilespmem:s26+$0x6480];
	_ =	sdelay $0x4  }
0x32a: {  	[tilespmem:$0x1F2B0] =	vst v0;
	v0 =	vld [tilespmem:s26+$0x2490];
	_ =	sdelay $0x4  }
0x32b: {  	[tilespmem:$0x1F2E0] =	vst v0;
	v0 =	vld [tilespmem:s26+$0x6490];
	_ =	sdelay $0x4  }
0x32c: {  	[tilespmem:$0x1F2F0] =	vst v0;
	v0 =	vld [tilespmem:s26+$0x24A0];
	_ =	sdelay $0x4  }
0x32d: {  	[tilespmem:$0x1F300] =	vst v0;
	v0 =	vld [tilespmem:s26+$0x64A0];
	_ =	sdelay $0x4  }
0x32e: {  	[tilespmem:$0x1F310] =	vst v0;
	v0 =	vld [tilespmem:s26+$0x24B0];
	_ =	sdelay $0x4  }
0x32f: {  	[tilespmem:$0x1F340] =	vst v0;
	v0 =	vld [tilespmem:s26+$0x64B0];
	_ =	sdelay $0x4  }
0x330: {  	[tilespmem:$0x1F350] =	vst v0;
	v0 =	vld [tilespmem:s26+$0x2440];
	_ =	sdelay $0x4  }
0x331: {  	[tilespmem:$0x1F320] =	vst v0;
	v0 =	vld [tilespmem:s26+$0x6440];
	_ =	sdelay $0x4  }
0x332: {  	[tilespmem:$0x1F330] =	vst v0;
	v0 =	vld [tilespmem:s26+$0x2450];
	_ =	sdelay $0x4  }
0x333: {  	[tilespmem:$0x1F360] =	vst v0;
	v0 =	vld [tilespmem:s26+$0x6450];
	_ =	sdelay $0x4  }
0x334: {  	[tilespmem:$0x1F370] =	vst v0;
	v0 =	vld [tilespmem:s26+$0x2460];
	_ =	sdelay $0x4  }
0x335: {  	[tilespmem:$0x1F380] =	vst v0;
	v0 =	vld [tilespmem:s26+$0x6460];
	_ =	sdelay $0x4  }
0x336: {  	[tilespmem:$0x1F390] =	vst v0;
	v0 =	vld [tilespmem:s26+$0x2470];
	_ =	sdelay $0x4  }
0x337: {  	[tilespmem:$0x1F3A0] =	vst v0;
	v0 =	vld [tilespmem:s26+$0x6470];
	_ =	sdelay $0x4  }
0x338: {  	[tilespmem:$0x1F3B0] =	vst v0;
	v0 =	vld [tilespmem:s26+$0x2410];
	_ =	sdelay $0x4  }
0x339: {  	[tilespmem:$0x1F3C0] =	vst v0;
	v0 =	vld [tilespmem:s26+$0x6410];
	_ =	sdelay $0x4  }
0x33a: {  	[tilespmem:$0x1F3D0] =	vst v0;
	v0 =	vld [tilespmem:s26+$0x2430];
	_ =	sdelay $0x1  }
0x33b: {  	v18 =	vld [tilespmem:s26+$0x25C0]  }
0x33c: {  	v29 =	vld [tilespmem:s26+$0x65C0]  }
0x33d: {  	v1 =	vld [tilespmem:$0x1F140]  }
0x33e: {  	[tilespmem:$0x1F3E0] =	vst v0;
	v0 =	vld [tilespmem:$0x1F130];
	_ =	sdelay $0x4  }
0x33f: {  	v33 =	vsub.f32 v18, v29;
	v29 =	vsub.f32 v0, v1;
	v0 =	vld [tilespmem:$0x1F150]  }
0x340: {  	v1 =	vld [tilespmem:$0x1F160];
	_ =	sdelay $0x4  }
0x341: {  	v0 =	vsub.f32 v0, v1  }
0x342: {  	v9 =	vld [tilespmem:s26+$0x6580]  }
0x343: {  	[tilespmem:$0x1F470] =	vst v0;
	v0 =	vld [tilespmem:$0x1F170];
	_ =	sdelay $0x3  }
0x344: {  	v25 =	vld [tilespmem:s26+$0x65F0]  }
0x345: {  	v30 =	vsub.f32 v0, v9;
	v0 =	vld [tilespmem:$0x1F180];
	_ =	sdelay $0x4  }
0x346: {  	v0 =	vsub.f32 v0, v25  }
0x347: {  	v21 =	vld [tilespmem:s26+$0x25A0]  }
0x348: {  	[tilespmem:$0x1F400] =	vst v0;
	v0 =	vld [tilespmem:$0x1F190];
	_ =	sdelay $0x4  }
0x349: {  	v0 =	vsub.f32 v21, v0  }
0x34a: {  	v1 =	vld [tilespmem:$0x1F1B0]  }
0x34b: {  	[tilespmem:$0x1F4F0] =	vst v0;
	v0 =	vld [tilespmem:$0x1F1A0];
	_ =	sdelay $0x4  }
0x34c: {  	v25 =	vsub.f32 v0, v1;
	v0 =	vld [tilespmem:$0x1F1C0]  }
0x34d: {  	v1 =	vld [tilespmem:$0x1F1D0];
	_ =	sdelay $0x3  }
0x34e: {  	v15 =	vld [tilespmem:s26+$0x2560]  }
0x34f: {  	v16 =	vld [tilespmem:s26+$0x6560];
	v0 =	vsub.f32 v0, v1  }
0x350: {  	v1 =	vld [tilespmem:$0x1F1F0]  }
0x351: {  	[tilespmem:$0x1F540] =	vst v0;
	v0 =	vld [tilespmem:$0x1F1E0];
	_ =	sdelay $0x4  }
0x352: {  	v20 =	vsub.f32 v0, v1;
	v0 =	vsub.f32 v15, v16  }
0x353: {  	v14 =	vld [tilespmem:s26+$0x2500]  }
0x354: {  	[tilespmem:$0x1F590] =	vst v0;
	v0 =	vld [tilespmem:$0x1F200];
	_ =	sdelay $0x3  }
0x355: {  	v1 =	vld [tilespmem:$0x1F220]  }
0x356: {  	v21 =	vsub.f32 v14, v0;
	v0 =	vld [tilespmem:$0x1F210];
	_ =	sdelay $0x4  }
0x357: {  	v0 =	vsub.f32 v0, v1  }
0x358: {  	v7 =	vld [tilespmem:s26+$0x6510]  }
0x359: {  	[tilespmem:$0x1F5E0] =	vst v0;
	v0 =	vld [tilespmem:$0x1F230];
	_ =	sdelay $0x3  }
0x35a: {  	v6 =	vld [tilespmem:s26+$0x6520]  }
0x35b: {  	v16 =	vsub.f32 v0, v7;
	v0 =	vld [tilespmem:$0x1F240];
	_ =	sdelay $0x2  }
0x35c: {  	v63 =	vld [tilespmem:s26+$0x2400]  }
0x35d: {  	v62 =	vld [tilespmem:s26+$0x6400]  }
0x35e: {  	v55 =	vld [tilespmem:s26+$0x63C0];
	v0 =	vsub.f32 v0, v6  }
0x35f: {  	v5 =	vld [tilespmem:s26+$0x24C0]  }
0x360: {  	[tilespmem:$0x1F630] =	vst v0;
	v0 =	vld [tilespmem:$0x1F250]  }
0x361: {  	v56 =	vld [tilespmem:s26+$0x23D0]  }
0x362: {  	v48 =	vld [tilespmem:s26+$0x2380]  }
0x363: {  	v46 =	vld [tilespmem:s26+$0x6380]  }
0x364: {  	v1 =	vld [tilespmem:$0x1F270]  }
0x365: {  	v18 =	vsub.f32 v5, v0;
	v0 =	vld [tilespmem:$0x1F260]  }
0x366: {  	v47 =	vld [tilespmem:s26+$0x6390]  }
0x367: {  	v45 =	vld [tilespmem:s26+$0x23A0]  }
0x368: {  	v39 =	vld [tilespmem:s26+$0x6350]  }
0x369: {  	v13 =	vld [tilespmem:s26+$0x2590]  }
0x36a: {  	v8 =	vld [tilespmem:s26+$0x6590];
	v0 =	vsub.f32 v0, v1  }
0x36b: {  	v10 =	vld [tilespmem:s26+$0x64D0]  }
0x36c: {  	[tilespmem:$0x1F680] =	vst v0;
	v0 =	vld [tilespmem:$0x1F280]  }
0x36d: {  	v52 =	vld [tilespmem:s26+$0x23E0]  }
0x36e: {  	v57 =	vld [tilespmem:s26+$0x23C0]  }
0x36f: {  	v53 =	vld [tilespmem:s26+$0x23F0]  }
0x370: {  	v11 =	vld [tilespmem:s26+$0x24E0]  }
0x371: {  	v24 =	vsub.f32 v13, v8;
	v13 =	vsub.f32 v0, v10;
	v0 =	vld [tilespmem:$0x1F290]  }
0x372: {  	v61 =	vld [tilespmem:s26+$0x2420]  }
0x373: {  	v35 =	vld [tilespmem:s26+$0x6370]  }
0x374: {  	v59 =	vld [tilespmem:s26+$0x6420]  }
0x375: {  	v38 =	vld [tilespmem:s26+$0x6340]  }
0x376: {  	v58 =	vld [tilespmem:s26+$0x6430];
	v0 =	vsub.f32 v11, v0  }
0x377: {  	v1 =	vld [tilespmem:$0x1F2B0]  }
0x378: {  	[tilespmem:$0x1F6D0] =	vst v0;
	v0 =	vld [tilespmem:$0x1F2A0]  }
0x379: {  	v49 =	vld [tilespmem:s26+$0x2390]  }
0x37a: {  	v54 =	vld [tilespmem:s26+$0x63D0]  }
0x37b: {  	v51 =	vld [tilespmem:s26+$0x63E0]  }
0x37c: {  	v41 =	vld [tilespmem:s26+$0x2340]  }
0x37d: {  	v14 =	vsub.f32 v0, v1;
	v0 =	vld [tilespmem:$0x1F2C0]  }
0x37e: {  	v1 =	vld [tilespmem:$0x1F2D0]  }
0x37f: {  	v44 =	vld [tilespmem:s26+$0x23B0]  }
0x380: {  	v56 =	vsub.f32 v56, v54;
	v54 =	vld [tilespmem:s26+$0x6240]  }
0x381: {  	v37 =	vld [tilespmem:s26+$0x2360]  }
0x382: {  	v51 =	vsub.f32 v52, v51;
	v52 =	vld [tilespmem:s26+$0x2240]  }
0x383: {  	v34 =	vld [tilespmem:s26+$0x6360];
	v0 =	vsub.f32 v0, v1  }
0x384: {  	v1 =	vld [tilespmem:$0x1F2F0]  }
0x385: {  	[tilespmem:$0x1F720] =	vst v0;
	v0 =	vld [tilespmem:$0x1F2E0]  }
0x386: {  	v43 =	vld [tilespmem:s26+$0x63B0]  }
0x387: {  	v40 =	vld [tilespmem:s26+$0x2350]  }
0x388: {  	v31 =	vld [tilespmem:s26+$0x2310]  }
0x389: {  	v28 =	vld [tilespmem:s26+$0x6300]  }
0x38a: {  	v10 =	vsub.f32 v0, v1;
	v0 =	vld [tilespmem:$0x1F300]  }
0x38b: {  	v1 =	vld [tilespmem:$0x1F310]  }
0x38c: {  	v27 =	vld [tilespmem:s26+$0x6310]  }
0x38d: {  	v42 =	vld [tilespmem:s26+$0x63A0]  }
0x38e: {  	v32 =	vld [tilespmem:s26+$0x2300]  }
0x38f: {  	v23 =	vld [tilespmem:s26+$0x6320]  }
0x390: {  	v26 =	vld [tilespmem:s26+$0x2320];
	v0 =	vsub.f32 v0, v1  }
0x391: {  	v1 =	vld [tilespmem:$0x1F330]  }
0x392: {  	[tilespmem:$0x1F770] =	vst v0;
	v0 =	vld [tilespmem:$0x1F320]  }
0x393: {  	v19 =	vld [tilespmem:s26+$0x22C0]  }
0x394: {  	v59 =	vsub.f32 v61, v59;
	v50 =	vld [tilespmem:s26+$0x63F0]  }
0x395: {  	[tilespmem:$0x1F900] =	vst v51;
	v51 =	vld [tilespmem:s26+$0x22B0]  }
0x396: {  	[tilespmem:$0x1F8A0] =	vst v59;
	v59 =	vld [tilespmem:s26+$0x22A0]  }
0x397: {  	v11 =	vsub.f32 v0, v1;
	v0 =	vld [tilespmem:$0x1F340]  }
0x398: {  	v1 =	vld [tilespmem:$0x1F350]  }
0x399: {  	v61 =	vsub.f32 v53, v50;
	v50 =	vld [tilespmem:s26+$0x62B0]  }
0x39a: {  	v53 =	vld [tilespmem:s26+$0x2250]  }
0x39b: {  	[tilespmem:$0x1F930] =	vst v61;
	v61 =	vld [tilespmem:s26+$0x6260]  }
0x39c: {  	v7 =	vld [tilespmem:$0x1F370]  }
0x39d: {  	v0 =	vsub.f32 v0, v1;
	v1 =	vld [tilespmem:$0x1F360]  }
0x39e: {  	v17 =	vld [tilespmem:s26+$0x6330]  }
0x39f: {  	v22 =	vld [tilespmem:s26+$0x2330]  }
0x3a0: {  	v36 =	vld [tilespmem:s26+$0x2370]  }
0x3a1: {  	v2 =	vld [tilespmem:s26+$0x62C0]  }
0x3a2: {  	v8 =	vsub.f32 v1, v7;
	v1 =	vld [tilespmem:$0x1F380]  }
0x3a3: {  	v7 =	vld [tilespmem:$0x1F390]  }
0x3a4: {  	v12 =	vld [tilespmem:s26+$0x22E0]  }
0x3a5: {  	v3 =	vld [tilespmem:s26+$0x62D0]  }
0x3a6: {  	v48 =	vsub.f32 v48, v46;
	v46 =	vsub.f32 v49, v47;
	v4 =	vld [tilespmem:s26+$0x62E0]  }
0x3a7: {  	v49 =	vsub.f32 v32, v28;
	v28 =	vsub.f32 v36, v35;
	v35 =	vld [tilespmem:s26+$0x2260]  }
0x3a8: {  	v62 =	vsub.f32 v63, v62;
	v63 =	vld [tilespmem:$0x1F3B0];
	v1 =	vsub.f32 v1, v7  }
0x3a9: {  	v60 =	vld [tilespmem:$0x1F3D0]  }
0x3aa: {  	[tilespmem:$0x1F810] =	vst v1;
	v1 =	vld [tilespmem:$0x1F3A0]  }
0x3ab: {  	v36 =	vmul.f32 v29, v29;
	v29 =	vsub.f32 v19, v2;
	v2 =	vld [tilespmem:s26+$0x2200]  }
0x3ac: {  	v19 =	vmul.f32 v24, v24;
	v24 =	vsub.f32 v12, v4;
	v4 =	vld [tilespmem:s26+$0x2210]  }
0x3ad: {  	v42 =	vsub.f32 v45, v42;
	v45 =	vsub.f32 v41, v38;
	v9 =	vld [tilespmem:s26+$0x22F0]  }
0x3ae: {  	v38 =	vsub.f32 v37, v34;
	v34 =	vsub.f32 v26, v23;
	v23 =	vmul.f32 v25, v25;
	v25 =	vld [tilespmem:$0x1F3F0]  }
0x3af: {  	v1 =	vsub.f32 v1, v63;
	v63 =	vld [tilespmem:$0x1F3C0]  }
0x3b0: {  	v15 =	vld [tilespmem:s26+$0x22D0]  }
0x3b1: {  	v6 =	vld [tilespmem:s26+$0x2280]  }
0x3b2: {  	v5 =	vld [tilespmem:s26+$0x62F0]  }
0x3b3: {  	[tilespmem:$0x1F7C0] =	vst v0;
	v0 =	vld [tilespmem:s26+$0x6280]  }
0x3b4: {  	v63 =	vsub.f32 v63, v60;
	v60 =	vld [tilespmem:$0x1F3E0]  }
0x3b5: {  	v57 =	vsub.f32 v57, v55;
	v47 =	vsub.f32 v40, v39;
	[tilespmem:$0x1F960] =	vst v42;
	v7 =	vld [tilespmem:s26+$0x2290]  }
0x3b6: {  	v39 =	vsub.f32 v31, v27;
	v41 =	vmul.f32 v62, v62;
	v42 =	vsub.f32 v44, v43;
	[tilespmem:$0x1F850] =	vst v1;
	v1 =	vld [tilespmem:s26+$0x6290]  }
0x3b7: {  	v43 =	vsub.f32 v22, v17;
	v27 =	vmul.f32 v21, v21;
	v21 =	vsub.f32 v9, v5;
	v5 =	vld [tilespmem:s26+$0x6210]  }
0x3b8: {  	v22 =	vmul.f32 v33, v33;
	v17 =	vmul.f32 v30, v30;
	v0 =	vsub.f32 v6, v0;
	v6 =	vld [tilespmem:s26+$0x2220]  }
0x3b9: {  	p0 =	sne.s32 s28, $0x7000;
	v20 =	vmul.f32 v20, v20;
	v26 =	vmul.f32 v16, v16;
	v55 =	vsub.f32 v60, v58;
	v58 =	vld [tilespmem:s26+$0x62A0]  }
.Ltmp1:
0x3ba: {  	v33 =	vmul.f32 v14, v14;
	v14 =	vmul.f32 v8, v8;
	v8 =	vld [tilespmem:s26+$0x2230];
	(pc) =	sbr.rel @p0 .LBB2_4-.Ltmp1, $4  }
0x3bb: {  	v16 =	vmul.f32 v56, v56;
	v31 =	vmul.f32 v18, v18;
	v1 =	vsub.f32 v7, v1;
	v7 =	vld [tilespmem:s26+$0x6220]  }
0x3bc: {  	v30 =	vmul.f32 v13, v13;
	v32 =	vmul.f32 v10, v10;
	v60 =	vsub.f32 v15, v3;
	v3 =	vld [tilespmem:s26+$0x6200]  }
0x3bd: {  	v37 =	vmul.f32 v11, v11;
	v40 =	vmul.f32 v63, v63;
	[tilespmem:$0x1F8E0] =	vst v55;
	v55 =	vld [tilespmem:s26+$0x6250]  }
0x3be: {  	s28 =	sadd.s32 $0x1000, s28;
	v15 =	vmul.f32 v57, v57;
	v58 =	vsub.f32 v59, v58;
	v59 =	vsub.f32 v51, v50;
	v50 =	vld [tilespmem:$0x1F400]  }
0x3bf: {  	v9 =	vld [tilespmem:s26+$0x6230]  }
0x3c0: {  	v10 =	vld [tilespmem:s26+$0x2270];
	s28 =	simm.s32 $0x0  }
0x3c1: {  	v11 =	vld [tilespmem:s26+$0x6270];
	[tilespmem:s20], [sflag:$0x2] =	stream.linear.gather [hbm4b:s11+s28], $0x2000, $0x38  }
0x3c2: {  	_ = 	snop  }
0x3c3: {  	[tilespmem:s21], [sflag:$0x2] =	stream.indirect.gather [hbm4b:s3+s15], $0x40, s17, s15, $0xb8;
	[tilespmem:$0x8210] =	vst v63  }
0x3c4: {  	_ =	swait.ge [sflag:s22], $0x2000  }
0x3c5: {  	[sflag:s22] =	ssyncset.done $0x0  }
0x3c6: {  	[sflag:s22] =	ssyncadd.s32 $0xFFFFE000  }
0x3c7: {  	_ =	swait.ge [sflag:s22], $0x2000  }
0x3c8: {  	[sflag:s22] =	ssyncset.done $0x0  }
0x3c9: {  	s26 =	simm.s32 $0x0;
	[sflag:s22] =	ssyncadd.s32 $0xFFFFE000  }
0x3ca: {  	v12 =	vld [tilespmem:s26+$0x45E0];
	_ =	sdelay $0x4  }
0x3cb: {  	[tilespmem:$0x1EC40] =	vst v12;
	v12 =	vld [tilespmem:s26+$0x45F0];
	_ =	sdelay $0x4  }
0x3cc: {  	[tilespmem:$0x1EC70] =	vst v12;
	v12 =	vld [tilespmem:s26+$0x580];
	_ =	sdelay $0x4  }
0x3cd: {  	[tilespmem:$0x1EC50] =	vst v12;
	v12 =	vld [tilespmem:s26+$0x4580];
	_ =	sdelay $0x4  }
0x3ce: {  	[tilespmem:$0x1EC60] =	vst v12;
	v12 =	vld [tilespmem:s26+$0x590];
	_ =	sdelay $0x4  }
0x3cf: {  	[tilespmem:$0x1EC80] =	vst v12;
	v12 =	vld [tilespmem:s26+$0x4590];
	_ =	sdelay $0x4  }
0x3d0: {  	[tilespmem:$0x1EC90] =	vst v12;
	v12 =	vld [tilespmem:s26+$0x5A0];
	_ =	sdelay $0x4  }
0x3d1: {  	[tilespmem:$0x1ECA0] =	vst v12;
	v12 =	vld [tilespmem:s26+$0x45A0];
	_ =	sdelay $0x4  }
0x3d2: {  	[tilespmem:$0x1ECB0] =	vst v12;
	v12 =	vld [tilespmem:s26+$0x5B0];
	_ =	sdelay $0x4  }
0x3d3: {  	[tilespmem:$0x1ECF0] =	vst v12;
	v12 =	vld [tilespmem:s26+$0x45B0];
	_ =	sdelay $0x4  }
0x3d4: {  	[tilespmem:$0x1ED00] =	vst v12;
	v12 =	vld [tilespmem:s26+$0x540];
	_ =	sdelay $0x4  }
0x3d5: {  	[tilespmem:$0x1ECD0] =	vst v12;
	v12 =	vld [tilespmem:s26+$0x4540];
	_ =	sdelay $0x4  }
0x3d6: {  	[tilespmem:$0x1ECE0] =	vst v12;
	v12 =	vld [tilespmem:s26+$0x550];
	_ =	sdelay $0x4  }
0x3d7: {  	[tilespmem:$0x1ED20] =	vst v12;
	v12 =	vld [tilespmem:s26+$0x4550];
	_ =	sdelay $0x4  }
0x3d8: {  	[tilespmem:$0x1ED30] =	vst v12;
	v12 =	vld [tilespmem:s26+$0x560];
	_ =	sdelay $0x4  }
0x3d9: {  	[tilespmem:$0x1ED40] =	vst v12;
	v12 =	vld [tilespmem:s26+$0x4560];
	_ =	sdelay $0x4  }
0x3da: {  	[tilespmem:$0x1ED50] =	vst v12;
	v12 =	vld [tilespmem:s26+$0x570];
	_ =	sdelay $0x4  }
0x3db: {  	[tilespmem:$0x1ED90] =	vst v12;
	v12 =	vld [tilespmem:s26+$0x4570];
	_ =	sdelay $0x4  }
0x3dc: {  	[tilespmem:$0x1EDA0] =	vst v12;
	v12 =	vld [tilespmem:s26+$0x500];
	_ =	sdelay $0x4  }
0x3dd: {  	[tilespmem:$0x1ED70] =	vst v12;
	v12 =	vld [tilespmem:s26+$0x4500];
	_ =	sdelay $0x4  }
0x3de: {  	[tilespmem:$0x1ED80] =	vst v12;
	v12 =	vld [tilespmem:s26+$0x510];
	_ =	sdelay $0x4  }
0x3df: {  	[tilespmem:$0x1EDC0] =	vst v12;
	v12 =	vld [tilespmem:s26+$0x4510];
	_ =	sdelay $0x4  }
0x3e0: {  	[tilespmem:$0x1EDD0] =	vst v12;
	v12 =	vld [tilespmem:s26+$0x520];
	_ =	sdelay $0x4  }
0x3e1: {  	[tilespmem:$0x1EDE0] =	vst v12;
	v12 =	vld [tilespmem:s26+$0x4520];
	_ =	sdelay $0x4  }
0x3e2: {  	[tilespmem:$0x1EDF0] =	vst v12;
	v12 =	vld [tilespmem:s26+$0x530];
	_ =	sdelay $0x4  }
0x3e3: {  	[tilespmem:$0x1EE30] =	vst v12;
	v12 =	vld [tilespmem:s26+$0x4530];
	_ =	sdelay $0x4  }
0x3e4: {  	[tilespmem:$0x1EE40] =	vst v12;
	v12 =	vld [tilespmem:s26+$0x4C0];
	_ =	sdelay $0x4  }
0x3e5: {  	[tilespmem:$0x1EE10] =	vst v12;
	v12 =	vld [tilespmem:s26+$0x44C0];
	_ =	sdelay $0x4  }
0x3e6: {  	[tilespmem:$0x1EE20] =	vst v12;
	v12 =	vld [tilespmem:s26+$0x4D0];
	_ =	sdelay $0x4  }
0x3e7: {  	[tilespmem:$0x1EE60] =	vst v12;
	v12 =	vld [tilespmem:s26+$0x44D0];
	_ =	sdelay $0x4  }
0x3e8: {  	[tilespmem:$0x1EE70] =	vst v12;
	v12 =	vld [tilespmem:s26+$0x4E0];
	_ =	sdelay $0x4  }
0x3e9: {  	[tilespmem:$0x1EE80] =	vst v12;
	v12 =	vld [tilespmem:s26+$0x44E0];
	_ =	sdelay $0x4  }
0x3ea: {  	[tilespmem:$0x1EE90] =	vst v12;
	v12 =	vld [tilespmem:s26+$0x4F0];
	_ =	sdelay $0x4  }
0x3eb: {  	[tilespmem:$0x1EED0] =	vst v12;
	v12 =	vld [tilespmem:s26+$0x44F0];
	_ =	sdelay $0x4  }
0x3ec: {  	[tilespmem:$0x1EEE0] =	vst v12;
	v12 =	vld [tilespmem:s26+$0x480];
	_ =	sdelay $0x4  }
0x3ed: {  	[tilespmem:$0x1EEB0] =	vst v12;
	v12 =	vld [tilespmem:s26+$0x4480];
	_ =	sdelay $0x4  }
0x3ee: {  	[tilespmem:$0x1EEC0] =	vst v12;
	v12 =	vld [tilespmem:s26+$0x490];
	_ =	sdelay $0x4  }
0x3ef: {  	[tilespmem:$0x1EF00] =	vst v12;
	v12 =	vld [tilespmem:s26+$0x4490];
	_ =	sdelay $0x4  }
0x3f0: {  	[tilespmem:$0x1EF10] =	vst v12;
	v12 =	vld [tilespmem:s26+$0x4A0];
	_ =	sdelay $0x4  }
0x3f1: {  	[tilespmem:$0x1EF20] =	vst v12;
	v12 =	vld [tilespmem:s26+$0x44A0];
	_ =	sdelay $0x4  }
0x3f2: {  	[tilespmem:$0x1EF30] =	vst v12;
	v12 =	vld [tilespmem:s26+$0x4B0];
	_ =	sdelay $0x4  }
0x3f3: {  	[tilespmem:$0x1EF70] =	vst v12;
	v12 =	vld [tilespmem:s26+$0x44B0]  }
0x3f4: {  	v2 =	vsub.f32 v2, v3;
	v3 =	vld [tilespmem:s26+$0x460];
	_ =	sdelay $0x3  }
0x3f5: {  	[tilespmem:$0x1EF80] =	vst v12;
	v12 =	vld [tilespmem:s26+$0x440]  }
0x3f6: {  	[tilespmem:$0x1EFC0] =	vst v3;
	v3 =	vsub.f32 v4, v5  }
0x3f7: {  	v4 =	vsub.f32 v6, v7;
	v6 =	vsub.f32 v8, v9;
	v9 =	vld [tilespmem:$0x1F410];
	_ =	sdelay $0x2  }
0x3f8: {  	v2 =	vmul.f32 v2, v2;
	[tilespmem:$0x1EF50] =	vst v12;
	v12 =	vld [tilespmem:s26+$0x4440];
	_ =	sdelay $0x1  }
0x3f9: {  	v2 =	vadd.f32 v2, v9;
	v9 =	vld [tilespmem:s26+$0x400];
	_ =	sdelay $0x2  }
0x3fa: {  	[tilespmem:$0x1EF60] =	vst v12;
	v12 =	vld [tilespmem:s26+$0x450];
	_ =	sdelay $0x1  }
0x3fb: {  	[tilespmem:$0x1EFF0] =	vst v9;
	v9 =	vld [tilespmem:$0x1F420];
	_ =	sdelay $0x1  }
0x3fc: {  	v5 =	vld [tilespmem:s26+$0x4460]  }
0x3fd: {  	v3 =	vmul.f32 v3, v3;
	[tilespmem:$0x1EFA0] =	vst v12;
	v12 =	vld [tilespmem:s26+$0x4450];
	_ =	sdelay $0x1  }
0x3fe: {  	v3 =	vadd.f32 v3, v9;
	v9 =	vld [tilespmem:$0x1F430];
	_ =	sdelay $0x1  }
0x3ff: {  	[tilespmem:$0x1EFD0] =	vst v5  }
0x400: {  	v7 =	vld [tilespmem:s26+$0x470];
	v4 =	vmul.f32 v4, v4;
	v5 =	vsub.f32 v53, v55;
	[tilespmem:$0x1EFB0] =	vst v12;
	v12 =	vsub.f32 v52, v54;
	_ =	sdelay $0x1  }
0x401: {  	v8 =	vld [tilespmem:s26+$0x4470];
	v5 =	vmul.f32 v5, v5;
	v4 =	vadd.f32 v4, v9;
	v9 =	vmul.f32 v12, v12  }
0x402: {  	v0 =	vmul.f32 v0, v0  }
0x403: {  	v1 =	vmul.f32 v1, v1;
	v3 =	vadd.f32 v5, v3;
	v2 =	vadd.f32 v9, v2  }
0x404: {  	[tilespmem:$0x1F010] =	vst v7;
	v7 =	vsub.f32 v35, v61  }
0x405: {  	v5 =	vld [tilespmem:s26+$0x420];
	v1 =	vadd.f32 v1, v3;
	v3 =	vmul.f32 v29, v29;
	v0 =	vadd.f32 v0, v2  }
0x406: {  	v6 =	vmul.f32 v6, v6;
	[tilespmem:$0x1F020] =	vst v8;
	v8 =	vsub.f32 v10, v11;
	v7 =	vmul.f32 v7, v7  }
0x407: {  	v3 =	vadd.f32 v3, v0;
	v0 =	vld [tilespmem:s26+$0x3C0]  }
0x408: {  	v6 =	vadd.f32 v6, v25;
	v8 =	vmul.f32 v8, v8;
	v4 =	vadd.f32 v7, v4;
	v7 =	vld [tilespmem:s26+$0x430]  }
0x409: {  	v10 =	vld [tilespmem:s26+$0x4400]  }
0x40a: {  	[tilespmem:$0x1F060] =	vst v5;
	v5 =	vadd.f32 v8, v6;
	v8 =	vld [tilespmem:s26+$0x4430];
	v2 =	vmul.f32 v58, v58  }
0x40b: {  	v9 =	vld [tilespmem:s26+$0x4410]  }
0x40c: {  	v2 =	vadd.f32 v2, v4;
	v4 =	vmul.f32 v60, v60;
	[tilespmem:$0x1F080] =	vst v0;
	v0 =	vld [tilespmem:$0x1F960]  }
0x40d: {  	[tilespmem:$0x1F090] =	vst v7;
	v7 =	vmul.f32 v24, v24  }
0x40e: {  	[tilespmem:$0x1F000] =	vst v10;
	v4 =	vadd.f32 v4, v1;
	v1 =	vmul.f32 v49, v49  }
0x40f: {  	[tilespmem:$0x1F0A0] =	vst v8;
	v8 =	vmul.f32 v34, v34;
	v2 =	vadd.f32 v7, v2;
	v7 =	vmul.f32 v39, v39  }
0x410: {  	v10 =	vld [tilespmem:s26+$0x410];
	v6 =	vmul.f32 v59, v59;
	[tilespmem:$0x1F050] =	vst v9;
	v9 =	vmul.f32 v45, v45;
	v3 =	vadd.f32 v1, v3  }
0x411: {  	v7 =	vadd.f32 v7, v4;
	v8 =	vadd.f32 v8, v2;
	v12 =	vmul.f32 v0, v0;
	v0 =	vld [tilespmem:$0x1F900]  }
0x412: {  	v2 =	vmul.f32 v47, v47;
	v3 =	vadd.f32 v9, v3;
	v9 =	vmul.f32 v38, v38  }
0x413: {  	v5 =	vadd.f32 v6, v5;
	v6 =	vmul.f32 v21, v21  }
0x414: {  	v7 =	vadd.f32 v2, v7;
	v8 =	vadd.f32 v9, v8;
	v9 =	vmul.f32 v46, v46  }
0x415: {  	[tilespmem:$0x1F040] =	vst v10;
	v10 =	vmul.f32 v43, v43;
	v6 =	vadd.f32 v6, v5  }
0x416: {  	v7 =	vadd.f32 v9, v7;
	v9 =	vmul.f32 v0, v0;
	v0 =	vld [tilespmem:$0x1F930]  }
0x417: {  	v11 =	vmul.f32 v28, v28;
	v6 =	vadd.f32 v10, v6;
	_ =	sdelay $0x1  }
0x418: {  	v6 =	vadd.f32 v11, v6;
	v11 =	vmul.f32 v42, v42;
	_ =	sdelay $0x1  }
0x419: {  	v6 =	vadd.f32 v11, v6;
	v11 =	vmul.f32 v0, v0;
	v0 =	vld [tilespmem:$0x1F8A0];
	_ =	sdelay $0x2  }
0x41a: {  	v8 =	vadd.f32 v12, v8;
	_ =	sdelay $0x1  }
0x41b: {  	v8 =	vadd.f32 v9, v8;
	v9 =	vmul.f32 v0, v0;
	v0 =	vld [tilespmem:$0x1F8E0];
	_ =	sdelay $0x4  }
0x41c: {  	v6 =	vadd.f32 v11, v6;
	v11 =	vmul.f32 v0, v0;
	v0 =	vld [tilespmem:s26+$0x3A0];
	_ =	sdelay $0x4  }
0x41d: {  	[tilespmem:$0x1F0E0] =	vst v0;
	v0 =	vld [tilespmem:$0x1F810];
	_ =	sdelay $0x4  }
0x41e: {  	v8 =	vadd.f32 v9, v8;
	v9 =	vmul.f32 v0, v0;
	v0 =	vld [tilespmem:$0x1F850];
	_ =	sdelay $0x4  }
0x41f: {  	v6 =	vadd.f32 v11, v6;
	v11 =	vmul.f32 v0, v0;
	v0 =	vld [tilespmem:s26+$0x3B0];
	_ =	sdelay $0x4  }
0x420: {  	[tilespmem:$0x1F100] =	vst v0;
	v0 =	vld [tilespmem:$0x1F770];
	_ =	sdelay $0x4  }
0x421: {  	v8 =	vadd.f32 v9, v8;
	v9 =	vmul.f32 v0, v0;
	v0 =	vld [tilespmem:$0x1F7C0];
	_ =	sdelay $0x4  }
0x422: {  	v6 =	vadd.f32 v11, v6;
	v11 =	vmul.f32 v0, v0;
	v0 =	vld [tilespmem:$0x1F6D0];
	_ =	sdelay $0x4  }
0x423: {  	v8 =	vadd.f32 v9, v8;
	v9 =	vmul.f32 v0, v0;
	v0 =	vld [tilespmem:$0x1F720];
	_ =	sdelay $0x4  }
0x424: {  	v6 =	vadd.f32 v11, v6;
	v11 =	vmul.f32 v0, v0;
	v0 =	vld [tilespmem:$0x1F630];
	_ =	sdelay $0x4  }
0x425: {  	v8 =	vadd.f32 v9, v8;
	v9 =	vmul.f32 v0, v0;
	v0 =	vld [tilespmem:$0x1F680];
	_ =	sdelay $0x4  }
0x426: {  	v6 =	vadd.f32 v11, v6;
	v11 =	vmul.f32 v0, v0;
	v0 =	vld [tilespmem:$0x1F590];
	_ =	sdelay $0x4  }
0x427: {  	v10 =	vmul.f32 v48, v48;
	v8 =	vadd.f32 v9, v8;
	v9 =	vmul.f32 v0, v0;
	v0 =	vld [tilespmem:$0x1F5E0];
	_ =	sdelay $0x1  }
0x428: {  	v10 =	vadd.f32 v10, v3;
	_ =	sdelay $0x1  }
0x429: {  	v10 =	vadd.f32 v15, v10  }
0x42a: {  	v7 =	vadd.f32 v16, v7;
	v6 =	vadd.f32 v11, v6;
	v11 =	vmul.f32 v0, v0;
	v0 =	vld [tilespmem:$0x1F4F0]  }
0x42b: {  	v10 =	vadd.f32 v41, v10  }
0x42c: {  	v7 =	vadd.f32 v40, v7  }
0x42d: {  	v10 =	vadd.f32 v37, v10  }
0x42e: {  	v7 =	vadd.f32 v14, v7  }
0x42f: {  	v10 =	vadd.f32 v33, v10;
	v8 =	vadd.f32 v9, v8;
	v9 =	vmul.f32 v0, v0;
	v0 =	vld [tilespmem:$0x1F540]  }
0x430: {  	v7 =	vadd.f32 v32, v7  }
0x431: {  	v10 =	vadd.f32 v31, v10  }
0x432: {  	v7 =	vadd.f32 v30, v7  }
0x433: {  	v10 =	vadd.f32 v27, v10  }
0x434: {  	v7 =	vadd.f32 v26, v7;
	v6 =	vadd.f32 v11, v6;
	v11 =	vmul.f32 v0, v0;
	v0 =	vld [tilespmem:$0x1F470]  }
0x435: {  	v10 =	vadd.f32 v23, v10  }
0x436: {  	v7 =	vadd.f32 v20, v7  }
0x437: {  	v10 =	vadd.f32 v17, v10  }
0x438: {  	v7 =	vadd.f32 v19, v7  }
0x439: {  	v8 =	vadd.f32 v9, v8;
	v9 =	vmul.f32 v0, v0;
	v0 =	vadd.f32 v22, v10;
	_ =	sdelay $0x1  }
0x43a: {  	[tilespmem:$0x1EC00] =	vst v0;
	v0 =	vadd.f32 v36, v7;
	_ =	sdelay $0x1  }
0x43b: {  	v6 =	vadd.f32 v11, v6;
	v10 =	vmul.f32 v50, v50;
	[tilespmem:$0x1EC10] =	vst v0;
	v0 =	vadd.f32 v9, v8;
	_ =	sdelay $0x1  }
0x43c: {  	[tilespmem:$0x1EC20] =	vst v0;
	v0 =	vadd.f32 v10, v6  }
0x43d: {  	v63 =	vld [tilespmem:s26+$0x5E0]  }
0x43e: {  	[tilespmem:$0x1EC30] =	vst v0;
	v0 =	vld [tilespmem:$0x1EC40];
	_ =	sdelay $0x1  }
0x43f: {  	v18 =	vld [tilespmem:s26+$0x5C0]  }
0x440: {  	v57 =	vld [tilespmem:s26+$0x45C0]  }
0x441: {  	v1 =	vld [tilespmem:$0x1EC60]  }
0x442: {  	v40 =	vsub.f32 v63, v0;
	v0 =	vld [tilespmem:$0x1EC50];
	_ =	sdelay $0x3  }
0x443: {  	v56 =	vld [tilespmem:s26+$0x5F0]  }
0x444: {  	v36 =	vsub.f32 v18, v57;
	v57 =	vsub.f32 v0, v1;
	v0 =	vld [tilespmem:$0x1EC70];
	_ =	sdelay $0x3  }
0x445: {  	v1 =	vld [tilespmem:$0x1EC90]  }
0x446: {  	v21 =	vsub.f32 v56, v0;
	v0 =	vld [tilespmem:$0x1EC80];
	_ =	sdelay $0x4  }
0x447: {  	v18 =	vsub.f32 v0, v1;
	v0 =	vld [tilespmem:$0x1ECA0]  }
0x448: {  	v1 =	vld [tilespmem:$0x1ECB0];
	_ =	sdelay $0x4  }
0x449: {  	v0 =	vsub.f32 v0, v1  }
0x44a: {  	v1 =	vld [tilespmem:$0x1ECE0]  }
0x44b: {  	[tilespmem:$0x1ECC0] =	vst v0;
	v0 =	vld [tilespmem:$0x1ECD0];
	_ =	sdelay $0x4  }
0x44c: {  	v23 =	vsub.f32 v0, v1;
	v0 =	vld [tilespmem:$0x1ECF0]  }
0x44d: {  	v1 =	vld [tilespmem:$0x1ED00];
	_ =	sdelay $0x4  }
0x44e: {  	v0 =	vsub.f32 v0, v1  }
0x44f: {  	v1 =	vld [tilespmem:$0x1ED30]  }
0x450: {  	[tilespmem:$0x1ED10] =	vst v0;
	v0 =	vld [tilespmem:$0x1ED20];
	_ =	sdelay $0x4  }
0x451: {  	v56 =	vsub.f32 v0, v1;
	v0 =	vld [tilespmem:$0x1ED40]  }
0x452: {  	v1 =	vld [tilespmem:$0x1ED50];
	_ =	sdelay $0x4  }
0x453: {  	v0 =	vsub.f32 v0, v1  }
0x454: {  	v1 =	vld [tilespmem:$0x1ED80]  }
0x455: {  	[tilespmem:$0x1ED60] =	vst v0;
	v0 =	vld [tilespmem:$0x1ED70];
	_ =	sdelay $0x4  }
0x456: {  	v27 =	vsub.f32 v0, v1;
	v0 =	vld [tilespmem:$0x1ED90]  }
0x457: {  	v1 =	vld [tilespmem:$0x1EDA0];
	_ =	sdelay $0x4  }
0x458: {  	v0 =	vsub.f32 v0, v1  }
0x459: {  	v1 =	vld [tilespmem:$0x1EDD0]  }
0x45a: {  	[tilespmem:$0x1EDB0] =	vst v0;
	v0 =	vld [tilespmem:$0x1EDC0];
	_ =	sdelay $0x4  }
0x45b: {  	v31 =	vsub.f32 v0, v1;
	v0 =	vld [tilespmem:$0x1EDE0]  }
0x45c: {  	v1 =	vld [tilespmem:$0x1EDF0];
	_ =	sdelay $0x4  }
0x45d: {  	v0 =	vsub.f32 v0, v1  }
0x45e: {  	v1 =	vld [tilespmem:$0x1EE20]  }
0x45f: {  	[tilespmem:$0x1EE00] =	vst v0;
	v0 =	vld [tilespmem:$0x1EE10];
	_ =	sdelay $0x4  }
0x460: {  	v0 =	vsub.f32 v0, v1  }
0x461: {  	v1 =	vld [tilespmem:$0x1EE40]  }
0x462: {  	[tilespmem:$0x1F110] =	vst v0;
	v0 =	vld [tilespmem:$0x1EE30];
	_ =	sdelay $0x4  }
0x463: {  	v0 =	vsub.f32 v0, v1  }
0x464: {  	v1 =	vld [tilespmem:$0x1EE70]  }
0x465: {  	[tilespmem:$0x1EE50] =	vst v0;
	v0 =	vld [tilespmem:$0x1EE60];
	_ =	sdelay $0x4  }
0x466: {  	v33 =	vsub.f32 v0, v1;
	v0 =	vld [tilespmem:$0x1EE80]  }
0x467: {  	v1 =	vld [tilespmem:$0x1EE90];
	_ =	sdelay $0x3  }
0x468: {  	v44 =	vld [tilespmem:s26+$0x5D0]  }
0x469: {  	v62 =	vld [tilespmem:s26+$0x45D0];
	v0 =	vsub.f32 v0, v1  }
0x46a: {  	v1 =	vld [tilespmem:$0x1EEC0]  }
0x46b: {  	[tilespmem:$0x1EEA0] =	vst v0;
	v0 =	vld [tilespmem:$0x1EEB0];
	_ =	sdelay $0x4  }
0x46c: {  	v52 =	vsub.f32 v44, v62;
	v62 =	vsub.f32 v0, v1;
	v0 =	vld [tilespmem:$0x1EED0]  }
0x46d: {  	v1 =	vld [tilespmem:$0x1EEE0];
	_ =	sdelay $0x4  }
0x46e: {  	v0 =	vsub.f32 v0, v1  }
0x46f: {  	v1 =	vld [tilespmem:$0x1EF10]  }
0x470: {  	[tilespmem:$0x1EEF0] =	vst v0;
	v0 =	vld [tilespmem:$0x1EF00];
	_ =	sdelay $0x1  }
0x471: {  	v13 =	vld [tilespmem:s26+$0x4360]  }
0x472: {  	v51 =	vld [tilespmem:s26+$0x4370]  }
0x473: {  	v25 =	vld [tilespmem:s26+$0x4420]  }
0x474: {  	v32 =	vsub.f32 v0, v1;
	v0 =	vld [tilespmem:$0x1EF20]  }
0x475: {  	v1 =	vld [tilespmem:$0x1EF30]  }
0x476: {  	v28 =	vld [tilespmem:s26+$0x3F0]  }
0x477: {  	v35 =	vld [tilespmem:s26+$0x43A0]  }
0x478: {  	v53 =	vld [tilespmem:s26+$0x43B0]  }
0x479: {  	v55 =	vld [tilespmem:s26+$0x360]  }
0x47a: {  	v61 =	vld [tilespmem:s26+$0x42C0];
	v0 =	vsub.f32 v0, v1  }
0x47b: {  	v1 =	vld [tilespmem:$0x1EF60]  }
0x47c: {  	[tilespmem:$0x1EF40] =	vst v0;
	v0 =	vld [tilespmem:$0x1EF50]  }
0x47d: {  	v43 =	vld [tilespmem:s26+$0x4390]  }
0x47e: {  	v29 =	vld [tilespmem:s26+$0x43E0]  }
0x47f: {  	v5 =	vld [tilespmem:s26+$0x280]  }
0x480: {  	v24 =	vld [tilespmem:s26+$0x43C0]  }
0x481: {  	v37 =	vsub.f32 v0, v1;
	v0 =	vld [tilespmem:$0x1EF70]  }
0x482: {  	v1 =	vld [tilespmem:$0x1EF80]  }
0x483: {  	v34 =	vld [tilespmem:s26+$0x3D0]  }
0x484: {  	v48 =	vld [tilespmem:s26+$0x300]  }
0x485: {  	v42 =	vld [tilespmem:s26+$0x380]  }
0x486: {  	v54 =	vld [tilespmem:s26+$0x370]  }
0x487: {  	v44 =	vsub.f32 v55, v13;
	v55 =	vld [tilespmem:s26+$0x4240];
	v0 =	vsub.f32 v0, v1  }
0x488: {  	v1 =	vld [tilespmem:$0x1EFB0]  }
0x489: {  	[tilespmem:$0x1EF90] =	vst v0;
	v0 =	vld [tilespmem:$0x1EFA0]  }
0x48a: {  	v58 =	vld [tilespmem:s26+$0x350]  }
0x48b: {  	v60 =	vld [tilespmem:s26+$0x4330]  }
0x48c: {  	v45 =	vld [tilespmem:s26+$0x340]  }
0x48d: {  	v39 =	vld [tilespmem:s26+$0x43D0]  }
0x48e: {  	v9 =	vsub.f32 v0, v1;
	v0 =	vld [tilespmem:$0x1EFC0]  }
0x48f: {  	v1 =	vld [tilespmem:$0x1EFD0]  }
0x490: {  	v49 =	vld [tilespmem:s26+$0x3E0]  }
0x491: {  	v47 =	vld [tilespmem:s26+$0x4350]  }
0x492: {  	v4 =	vld [tilespmem:s26+$0x42F0]  }
0x493: {  	v6 =	vld [tilespmem:$0x1F000]  }
0x494: {  	v0 =	vsub.f32 v0, v1;
	v1 =	vld [tilespmem:$0x1EFF0]  }
0x495: {  	v38 =	vld [tilespmem:s26+$0x43F0]  }
0x496: {  	v2 =	vld [tilespmem:s26+$0x42D0]  }
0x497: {  	v46 =	vld [tilespmem:s26+$0x390]  }
0x498: {  	v3 =	vld [tilespmem:s26+$0x42E0]  }
0x499: {  	v41 =	vsub.f32 v1, v6;
	v1 =	vld [tilespmem:$0x1F010]  }
0x49a: {  	v6 =	vld [tilespmem:$0x1F020]  }
0x49b: {  	v47 =	vsub.f32 v58, v47;
	v58 =	vld [tilespmem:s26+$0x4250]  }
0x49c: {  	v15 =	vld [tilespmem:s26+$0x320]  }
0x49d: {  	v12 =	vld [tilespmem:s26+$0x4380]  }
0x49e: {  	v16 =	vld [tilespmem:s26+$0x4340]  }
0x49f: {  	v14 =	vld [tilespmem:s26+$0x330];
	v1 =	vsub.f32 v1, v6  }
0x4a0: {  	v7 =	vld [tilespmem:$0x1F050]  }
0x4a1: {  	[tilespmem:$0x1F030] =	vst v1;
	v1 =	vld [tilespmem:$0x1F040]  }
0x4a2: {  	v42 =	vsub.f32 v42, v12;
	v12 =	vld [tilespmem:s26+$0x2B0]  }
0x4a3: {  	v30 =	vld [tilespmem:s26+$0x2F0]  }
0x4a4: {  	v26 =	vld [tilespmem:s26+$0x2E0]  }
0x4a5: {  	v20 =	vld [tilespmem:s26+$0x4300]  }
0x4a6: {  	v59 =	vsub.f32 v1, v7;
	v7 =	vld [tilespmem:$0x1F080]  }
0x4a7: {  	v17 =	vld [tilespmem:s26+$0x310]  }
0x4a8: {  	v19 =	vld [tilespmem:s26+$0x4310]  }
0x4a9: {  	v11 =	vld [tilespmem:s26+$0x4320]  }
0x4aa: {  	v8 =	vld [tilespmem:$0x1F0A0]  }
0x4ab: {  	v50 =	vsub.f32 v7, v24;
	v7 =	vld [tilespmem:$0x1F090]  }
0x4ac: {  	v22 =	vld [tilespmem:s26+$0x2D0]  }
0x4ad: {  	v10 =	vld [tilespmem:s26+$0x2A0]  }
0x4ae: {  	[tilespmem:$0x1EFE0] =	vst v0;
	v0 =	vld [tilespmem:s26+$0x4280]  }
0x4af: {  	v63 =	vld [tilespmem:s26+$0x2C0]  }
0x4b0: {  	v1 =	vld [tilespmem:$0x1F060];
	v7 =	vsub.f32 v7, v8;
	v8 =	vsub.f32 v28, v38  }
0x4b1: {  	v48 =	vsub.f32 v48, v20;
	v20 =	vsub.f32 v30, v4;
	v4 =	vld [tilespmem:$0x1F110]  }
0x4b2: {  	[tilespmem:$0x1F0D0] =	vst v8;
	v8 =	vld [tilespmem:$0x1F0E0]  }
0x4b3: {  	v0 =	vsub.f32 v5, v0;
	v5 =	vld [tilespmem:s26+$0x4210]  }
0x4b4: {  	v6 =	vld [tilespmem:s26+$0x290]  }
0x4b5: {  	v1 =	vsub.f32 v1, v25;
	v24 =	vsub.f32 v22, v2;
	v2 =	vld [tilespmem:s26+$0x200]  }
0x4b6: {  	v25 =	vsub.f32 v26, v3;
	v3 =	vld [tilespmem:s26+$0x4200]  }
0x4b7: {  	[tilespmem:$0x1F070] =	vst v1;
	v1 =	vld [tilespmem:s26+$0x4290];
	v8 =	vsub.f32 v8, v35  }
0x4b8: {  	v38 =	vsub.f32 v45, v16;
	v16 =	vld [tilespmem:$0x1F100];
	[tilespmem:$0x1F0B0] =	vst v7  }
0x4b9: {  	v23 =	vmul.f32 v23, v23;
	v27 =	vmul.f32 v27, v27;
	v7 =	vsub.f32 v34, v39;
	[tilespmem:$0x1F0F0] =	vst v8;
	v8 =	vld [tilespmem:s26+$0x42B0]  }
0x4ba: {  	v26 =	vmul.f32 v31, v31;
	v31 =	vmul.f32 v4, v4;
	v4 =	vld [tilespmem:s26+$0x210]  }
0x4bb: {  	v30 =	vmul.f32 v33, v33;
	v39 =	vsub.f32 v14, v60;
	v60 =	vld [tilespmem:s26+$0x260];
	[tilespmem:$0x1F120] =	vst v7;
	v7 =	vsub.f32 v49, v29  }
0x4bc: {  	v33 =	vmul.f32 v62, v62;
	v32 =	vmul.f32 v32, v32;
	v1 =	vsub.f32 v6, v1;
	v6 =	vld [tilespmem:s26+$0x220]  }
0x4bd: {  	v37 =	vmul.f32 v37, v37;
	v41 =	vmul.f32 v41, v41;
	[tilespmem:$0x1F0C0] =	vst v7;
	v7 =	vld [tilespmem:s26+$0x42A0]  }
0x4be: {  	v45 =	vsub.f32 v16, v53;
	v16 =	vmul.f32 v59, v59;
	v59 =	vsub.f32 v12, v8;
	v8 =	vld [tilespmem:$0x1F120]  }
0x4bf: {  	v22 =	vmul.f32 v56, v56;
	v49 =	vsub.f32 v46, v43;
	v46 =	vsub.f32 v54, v51;
	v54 =	vld [tilespmem:s26+$0x250]  }
0x4c0: {  	v29 =	vmul.f32 v36, v36;
	v36 =	vmul.f32 v52, v52;
	v52 =	vld [tilespmem:s26+$0x4260]  }
0x4c1: {  	v50 =	vmul.f32 v50, v50;
	v28 =	vmul.f32 v57, v57;
	v34 =	vsub.f32 v15, v11;
	v53 =	vld [tilespmem:s26+$0x240]  }
0x4c2: {  	v14 =	vmul.f32 v9, v9;
	v35 =	vsub.f32 v17, v19;
	v62 =	vsub.f32 v10, v7;
	v7 =	vld [tilespmem:s26+$0x4220]  }
0x4c3: {  	s28 =	simm.s32 $0x1000;
	v19 =	vsub.f32 v63, v61;
	v17 =	vmul.f32 v18, v18;
	v15 =	vmul.f32 v8, v8;
	v8 =	vld [tilespmem:s26+$0x230]  }
.LBB2_6:
0x4c4: {  	v9 =	vld [tilespmem:s26+$0x4230]  }
0x4c5: {  	v57 =	vld [tilespmem:s26+$0x4270]  }
0x4c6: {  	v53 =	vsub.f32 v53, v55;
	v55 =	vld [tilespmem:s26+$0x270];
	s26 =	sshra.s32 s28, $0x2  }
0x4c7: {  	v54 =	vsub.f32 v54, v58;
	v58 =	vmul.f32 v38, v38;
	v38 =	vsub.f32 v4, v5;
	v4 =	vld [tilespmem:s26+$0x5E0];
	_ =	sdelay $0x4  }
0x4c8: {  	[tilespmem:$0x1E940] =	vst v4;
	v4 =	vld [tilespmem:s26+$0x45E0];
	_ =	sdelay $0x4  }
0x4c9: {  	[tilespmem:$0x1E950] =	vst v4;
	v4 =	vld [tilespmem:$0x1EC00]  }
0x4ca: {  	v2 =	vsub.f32 v2, v3;
	_ =	sdelay $0x1  }
0x4cb: {  	v2 =	vmul.f32 v2, v2;
	_ =	sdelay $0x1  }
0x4cc: {  	v2 =	vadd.f32 v2, v4;
	v4 =	vld [tilespmem:$0x1EC10];
	_ =	sdelay $0x2  }
0x4cd: {  	v43 =	vmul.f32 v49, v49;
	v49 =	vmul.f32 v38, v38;
	_ =	sdelay $0x1  }
0x4ce: {  	v12 =	vadd.f32 v49, v4;
	v4 =	vld [tilespmem:s26+$0x5F0];
	_ =	sdelay $0x4  }
0x4cf: {  	[tilespmem:$0x1E960] =	vst v4;
	v4 =	vld [tilespmem:$0x1EC20]  }
0x4d0: {  	v6 =	vsub.f32 v6, v7;
	_ =	sdelay $0x1  }
0x4d1: {  	v6 =	vmul.f32 v6, v6;
	_ =	sdelay $0x1  }
0x4d2: {  	v6 =	vadd.f32 v6, v4;
	v4 =	vld [tilespmem:$0x1EC30]  }
0x4d3: {  	v7 =	vsub.f32 v8, v9;
	_ =	sdelay $0x1  }
0x4d4: {  	v7 =	vmul.f32 v7, v7;
	_ =	sdelay $0x1  }
0x4d5: {  	v7 =	vadd.f32 v7, v4;
	v4 =	vld [tilespmem:s26+$0x45F0];
	_ =	sdelay $0x4  }
0x4d6: {  	[tilespmem:$0x1E970] =	vst v4;
	v4 =	vld [tilespmem:s26+$0x5A0];
	_ =	sdelay $0x4  }
0x4d7: {  	[tilespmem:$0x1E980] =	vst v4;
	v4 =	vld [tilespmem:s26+$0x45A0];
	_ =	sdelay $0x4  }
0x4d8: {  	[tilespmem:$0x1E990] =	vst v4;
	v4 =	vld [tilespmem:s26+$0x5B0]  }
0x4d9: {  	v0 =	vmul.f32 v0, v0  }
0x4da: {  	v1 =	vmul.f32 v1, v1;
	v52 =	vsub.f32 v60, v52;
	v57 =	vsub.f32 v55, v57  }
0x4db: {  	v8 =	vmul.f32 v53, v53;
	v9 =	vmul.f32 v54, v54  }
0x4dc: {  	v13 =	vmul.f32 v52, v52;
	v11 =	vmul.f32 v57, v57  }
0x4dd: {  	v2 =	vadd.f32 v8, v2;
	v8 =	vadd.f32 v9, v12;
	v9 =	vmul.f32 v62, v62;
	[tilespmem:$0x1E9B0] =	vst v4;
	v4 =	vld [tilespmem:$0x1F0F0]  }
0x4de: {  	v6 =	vadd.f32 v13, v6;
	v7 =	vadd.f32 v11, v7;
	v11 =	vmul.f32 v59, v59  }
0x4df: {  	v0 =	vadd.f32 v0, v2;
	v2 =	vmul.f32 v25, v25;
	v1 =	vadd.f32 v1, v8  }
0x4e0: {  	v10 =	vld [tilespmem:s26+$0x5C0];
	v8 =	vmul.f32 v20, v20;
	v6 =	vadd.f32 v9, v6;
	v7 =	vadd.f32 v11, v7;
	_ =	sdelay $0x1  }
0x4e1: {  	v2 =	vadd.f32 v2, v6;
	v6 =	vadd.f32 v8, v7;
	v8 =	vmul.f32 v4, v4;
	v4 =	vld [tilespmem:s26+$0x540];
	_ =	sdelay $0x2  }
0x4e2: {  	[tilespmem:$0x1E930] =	vst v10;
	v10 =	vmul.f32 v19, v19;
	_ =	sdelay $0x1  }
0x4e3: {  	v3 =	vmul.f32 v48, v48;
	v0 =	vadd.f32 v10, v0;
	[tilespmem:$0x1E9A0] =	vst v4;
	v4 =	vld [tilespmem:$0x1F0C0]  }
0x4e4: {  	v9 =	vmul.f32 v34, v34;
	v7 =	vmul.f32 v39, v39  }
0x4e5: {  	v0 =	vadd.f32 v3, v0;
	v3 =	vmul.f32 v44, v44  }
0x4e6: {  	v2 =	vadd.f32 v9, v2;
	v6 =	vadd.f32 v7, v6;
	v7 =	vmul.f32 v46, v46;
	_ =	sdelay $0x1  }
0x4e7: {  	v2 =	vadd.f32 v3, v2;
	v3 =	vadd.f32 v7, v6;
	v7 =	vmul.f32 v4, v4;
	v4 =	vld [tilespmem:s26+$0x550];
	_ =	sdelay $0x4  }
0x4e8: {  	[tilespmem:$0x1E9C0] =	vst v4;
	v4 =	vld [tilespmem:$0x1F0D0];
	_ =	sdelay $0x1  }
0x4e9: {  	v18 =	vmov v45  }
0x4ea: {  	v6 =	vmul.f32 v18, v18;
	_ =	sdelay $0x1  }
0x4eb: {  	v3 =	vadd.f32 v6, v3;
	v6 =	vmul.f32 v4, v4;
	v4 =	vld [tilespmem:s26+$0x4550];
	_ =	sdelay $0x4  }
0x4ec: {  	[tilespmem:$0x1E9D0] =	vst v4;
	v4 =	vld [tilespmem:$0x1F070];
	_ =	sdelay $0x4  }
0x4ed: {  	v2 =	vadd.f32 v8, v2;
	v8 =	vmul.f32 v4, v4;
	v4 =	vld [tilespmem:$0x1F0B0];
	_ =	sdelay $0x4  }
0x4ee: {  	v3 =	vadd.f32 v6, v3;
	v6 =	vmul.f32 v4, v4;
	v4 =	vld [tilespmem:s26+$0x4560];
	_ =	sdelay $0x4  }
0x4ef: {  	[tilespmem:$0x1E9E0] =	vst v4;
	v4 =	vld [tilespmem:$0x1EFE0];
	_ =	sdelay $0x4  }
0x4f0: {  	v2 =	vadd.f32 v7, v2;
	v7 =	vmul.f32 v4, v4;
	v4 =	vld [tilespmem:$0x1F030];
	_ =	sdelay $0x4  }
0x4f1: {  	v3 =	vadd.f32 v6, v3;
	v6 =	vmul.f32 v4, v4;
	v4 =	vld [tilespmem:s26+$0x4570];
	_ =	sdelay $0x4  }
0x4f2: {  	[tilespmem:$0x1E9F0] =	vst v4;
	v4 =	vld [tilespmem:$0x1EF40];
	_ =	sdelay $0x4  }
0x4f3: {  	v2 =	vadd.f32 v8, v2;
	v8 =	vmul.f32 v4, v4;
	v4 =	vld [tilespmem:$0x1EF90];
	_ =	sdelay $0x4  }
0x4f4: {  	v3 =	vadd.f32 v6, v3;
	v6 =	vmul.f32 v4, v4;
	v4 =	vld [tilespmem:$0x1EEA0];
	_ =	sdelay $0x4  }
0x4f5: {  	v10 =	vmul.f32 v4, v4;
	v4 =	vld [tilespmem:s26+$0x510];
	_ =	sdelay $0x4  }
0x4f6: {  	[tilespmem:$0x1EA00] =	vst v4;
	v4 =	vld [tilespmem:$0x1EEF0];
	_ =	sdelay $0x4  }
0x4f7: {  	v3 =	vadd.f32 v6, v3;
	v6 =	vmul.f32 v4, v4;
	v4 =	vld [tilespmem:s26+$0x4510];
	_ =	sdelay $0x4  }
0x4f8: {  	[tilespmem:$0x1EA10] =	vst v4;
	v4 =	vld [tilespmem:$0x1EE00];
	_ =	sdelay $0x4  }
0x4f9: {  	v11 =	vmul.f32 v4, v4;
	v4 =	vld [tilespmem:s26+$0x520];
	_ =	sdelay $0x4  }
0x4fa: {  	[tilespmem:$0x1EA20] =	vst v4;
	v4 =	vld [tilespmem:$0x1EE50]  }
0x4fb: {  	v2 =	vadd.f32 v7, v2;
	_ =	sdelay $0x1  }
0x4fc: {  	v2 =	vadd.f32 v8, v2;
	_ =	sdelay $0x1  }
0x4fd: {  	v2 =	vadd.f32 v10, v2;
	v10 =	vmul.f32 v4, v4;
	v4 =	vld [tilespmem:$0x1ED60];
	_ =	sdelay $0x3  }
0x4fe: {  	v61 =	vmul.f32 v24, v24  }
0x4ff: {  	v12 =	vmul.f32 v4, v4;
	v4 =	vld [tilespmem:s26+$0x530]  }
0x500: {  	v51 =	vmul.f32 v35, v35;
	v1 =	vadd.f32 v61, v1  }
0x501: {  	v42 =	vmul.f32 v42, v42;
	v0 =	vadd.f32 v58, v0  }
0x502: {  	v45 =	vmul.f32 v47, v47;
	v1 =	vadd.f32 v51, v1  }
0x503: {  	v0 =	vadd.f32 v42, v0  }
0x504: {  	v1 =	vadd.f32 v45, v1;
	[tilespmem:$0x1EA40] =	vst v4;
	v4 =	vld [tilespmem:$0x1EDB0]  }
0x505: {  	v0 =	vadd.f32 v50, v0  }
0x506: {  	v1 =	vadd.f32 v43, v1  }
0x507: {  	v0 =	vadd.f32 v41, v0;
	v3 =	vadd.f32 v6, v3  }
0x508: {  	v1 =	vadd.f32 v15, v1  }
0x509: {  	v0 =	vadd.f32 v37, v0;
	v3 =	vadd.f32 v10, v3;
	v10 =	vmul.f32 v4, v4;
	v4 =	vld [tilespmem:s26+$0x4530]  }
0x50a: {  	v1 =	vadd.f32 v16, v1  }
0x50b: {  	v0 =	vadd.f32 v33, v0  }
0x50c: {  	v1 =	vadd.f32 v14, v1  }
0x50d: {  	v0 =	vadd.f32 v31, v0  }
0x50e: {  	v1 =	vadd.f32 v32, v1;
	[tilespmem:$0x1EA50] =	vst v4;
	v4 =	vld [tilespmem:$0x1ECC0]  }
0x50f: {  	v0 =	vadd.f32 v27, v0  }
0x510: {  	v1 =	vadd.f32 v30, v1  }
0x511: {  	v0 =	vadd.f32 v23, v0  }
0x512: {  	v1 =	vadd.f32 v26, v1  }
0x513: {  	v0 =	vadd.f32 v28, v0;
	v2 =	vadd.f32 v11, v2;
	v11 =	vmul.f32 v4, v4;
	v4 =	vld [tilespmem:s26+$0x4C0]  }
0x514: {  	v1 =	vadd.f32 v22, v1  }
0x515: {  	v0 =	vadd.f32 v29, v0  }
0x516: {  	v1 =	vadd.f32 v17, v1  }
0x517: {  	[tilespmem:$0x1EC00] =	vst v0  }
0x518: {  	v0 =	vadd.f32 v36, v1;
	[tilespmem:$0x1EA30] =	vst v4;
	v4 =	vld [tilespmem:$0x1ED10];
	_ =	sdelay $0x1  }
0x519: {  	[tilespmem:$0x1EC10] =	vst v0;
	v0 =	vld [tilespmem:s26+$0x4E0]  }
0x51a: {  	v2 =	vadd.f32 v12, v2  }
0x51b: {  	v30 =	vmul.f32 v40, v40  }
0x51c: {  	v3 =	vadd.f32 v10, v3;
	v2 =	vadd.f32 v11, v2;
	v10 =	vmul.f32 v4, v4;
	_ =	sdelay $0x1  }
0x51d: {  	[tilespmem:$0x1EA70] =	vst v0;
	v0 =	vadd.f32 v30, v2;
	v3 =	vadd.f32 v10, v3;
	v10 =	vmul.f32 v21, v21;
	_ =	sdelay $0x1  }
0x51e: {  	[tilespmem:$0x1EC20] =	vst v0;
	v0 =	vadd.f32 v10, v3;
	_ =	sdelay $0x1  }
0x51f: {  	[tilespmem:$0x1EC30] =	vst v0;
	v0 =	vld [tilespmem:s26+$0x44E0];
	_ =	sdelay $0x4  }
0x520: {  	[tilespmem:$0x1EA80] =	vst v0;
	v0 =	vld [tilespmem:s26+$0x44F0];
	_ =	sdelay $0x4  }
0x521: {  	[tilespmem:$0x1EAB0] =	vst v0;
	v0 =	vld [tilespmem:s26+$0x480];
	_ =	sdelay $0x4  }
0x522: {  	[tilespmem:$0x1EA90] =	vst v0;
	v0 =	vld [tilespmem:s26+$0x4480];
	_ =	sdelay $0x4  }
0x523: {  	[tilespmem:$0x1EAA0] =	vst v0;
	v0 =	vld [tilespmem:s26+$0x490];
	_ =	sdelay $0x4  }
0x524: {  	[tilespmem:$0x1EAC0] =	vst v0;
	v0 =	vld [tilespmem:s26+$0x4490];
	_ =	sdelay $0x4  }
0x525: {  	[tilespmem:$0x1EAD0] =	vst v0;
	v0 =	vld [tilespmem:s26+$0x4A0];
	_ =	sdelay $0x4  }
0x526: {  	[tilespmem:$0x1EAE0] =	vst v0;
	v0 =	vld [tilespmem:s26+$0x44A0];
	_ =	sdelay $0x4  }
0x527: {  	[tilespmem:$0x1EAF0] =	vst v0;
	v0 =	vld [tilespmem:s26+$0x4B0];
	_ =	sdelay $0x4  }
0x528: {  	[tilespmem:$0x1EB20] =	vst v0;
	v0 =	vld [tilespmem:s26+$0x44B0];
	_ =	sdelay $0x4  }
0x529: {  	[tilespmem:$0x1EB30] =	vst v0;
	v0 =	vld [tilespmem:s26+$0x440];
	_ =	sdelay $0x4  }
0x52a: {  	[tilespmem:$0x1EB00] =	vst v0;
	v0 =	vld [tilespmem:s26+$0x4440];
	_ =	sdelay $0x4  }
0x52b: {  	[tilespmem:$0x1EB10] =	vst v0;
	v0 =	vld [tilespmem:s26+$0x450];
	_ =	sdelay $0x4  }
0x52c: {  	[tilespmem:$0x1EB40] =	vst v0;
	v0 =	vld [tilespmem:s26+$0x4450];
	_ =	sdelay $0x4  }
0x52d: {  	[tilespmem:$0x1EB50] =	vst v0;
	v0 =	vld [tilespmem:s26+$0x460];
	_ =	sdelay $0x4  }
0x52e: {  	[tilespmem:$0x1EB60] =	vst v0;
	v0 =	vld [tilespmem:s26+$0x4460];
	_ =	sdelay $0x4  }
0x52f: {  	[tilespmem:$0x1EB70] =	vst v0;
	v0 =	vld [tilespmem:s26+$0x470];
	_ =	sdelay $0x4  }
0x530: {  	[tilespmem:$0x1EB80] =	vst v0;
	v0 =	vld [tilespmem:s26+$0x4470];
	_ =	sdelay $0x4  }
0x531: {  	[tilespmem:$0x1EB90] =	vst v0;
	v0 =	vld [tilespmem:s26+$0x410];
	_ =	sdelay $0x4  }
0x532: {  	[tilespmem:$0x1EBA0] =	vst v0;
	v0 =	vld [tilespmem:s26+$0x4410];
	_ =	sdelay $0x4  }
0x533: {  	[tilespmem:$0x1EBB0] =	vst v0;
	v0 =	vld [tilespmem:s26+$0x420];
	_ =	sdelay $0x4  }
0x534: {  	[tilespmem:$0x1EBC0] =	vst v0;
	v0 =	vld [tilespmem:s26+$0x4420];
	_ =	sdelay $0x4  }
0x535: {  	[tilespmem:$0x1EBD0] =	vst v0;
	v0 =	vld [tilespmem:s26+$0x430];
	_ =	sdelay $0x4  }
0x536: {  	[tilespmem:$0x1EBE0] =	vst v0;
	v0 =	vld [tilespmem:s26+$0x4430];
	_ =	sdelay $0x3  }
0x537: {  	v5 =	vld [tilespmem:s26+$0x45C0]  }
0x538: {  	[tilespmem:$0x1EBF0] =	vst v0;
	v0 =	vld [tilespmem:$0x1E930];
	_ =	sdelay $0x3  }
0x539: {  	v1 =	vld [tilespmem:$0x1E950]  }
0x53a: {  	v32 =	vsub.f32 v0, v5;
	v0 =	vld [tilespmem:$0x1E940];
	_ =	sdelay $0x4  }
0x53b: {  	v43 =	vsub.f32 v0, v1;
	v0 =	vld [tilespmem:$0x1E960]  }
0x53c: {  	v1 =	vld [tilespmem:$0x1E970];
	_ =	sdelay $0x4  }
0x53d: {  	v40 =	vsub.f32 v0, v1;
	v0 =	vld [tilespmem:$0x1E980]  }
0x53e: {  	v1 =	vld [tilespmem:$0x1E990];
	_ =	sdelay $0x1  }
0x53f: {  	v24 =	vld [tilespmem:s26+$0x45D0]  }
0x540: {  	v19 =	vld [tilespmem:s26+$0x5D0]  }
0x541: {  	v25 =	vld [tilespmem:s26+$0x590]  }
0x542: {  	v20 =	vld [tilespmem:s26+$0x4590];
	v0 =	vsub.f32 v0, v1  }
0x543: {  	v18 =	vld [tilespmem:s26+$0x4540]  }
0x544: {  	[tilespmem:$0x1ECC0] =	vst v0;
	v0 =	vld [tilespmem:$0x1E9A0];
	_ =	sdelay $0x3  }
0x545: {  	v9 =	vld [tilespmem:s26+$0x45B0];
	v28 =	vsub.f32 v19, v24  }
0x546: {  	v24 =	vsub.f32 v25, v20;
	v25 =	vsub.f32 v0, v18;
	v0 =	vld [tilespmem:$0x1E9B0];
	_ =	sdelay $0x4  }
0x547: {  	v0 =	vsub.f32 v0, v9  }
0x548: {  	v1 =	vld [tilespmem:$0x1E9D0]  }
0x549: {  	[tilespmem:$0x1ED10] =	vst v0;
	v0 =	vld [tilespmem:$0x1E9C0];
	_ =	sdelay $0x3  }
0x54a: {  	v15 =	vld [tilespmem:s26+$0x560]  }
0x54b: {  	v20 =	vsub.f32 v0, v1;
	v0 =	vld [tilespmem:$0x1E9E0];
	_ =	sdelay $0x4  }
0x54c: {  	v0 =	vsub.f32 v15, v0  }
0x54d: {  	v16 =	vld [tilespmem:s26+$0x570]  }
0x54e: {  	[tilespmem:$0x1ED60] =	vst v0;
	v0 =	vld [tilespmem:$0x1E9F0];
	_ =	sdelay $0x4  }
0x54f: {  	v0 =	vsub.f32 v16, v0  }
0x550: {  	v1 =	vld [tilespmem:$0x1EA10]  }
0x551: {  	[tilespmem:$0x1EDB0] =	vst v0;
	v0 =	vld [tilespmem:$0x1EA00];
	_ =	sdelay $0x3  }
0x552: {  	v6 =	vld [tilespmem:s26+$0x4520]  }
0x553: {  	v16 =	vsub.f32 v0, v1;
	v0 =	vld [tilespmem:$0x1EA20];
	_ =	sdelay $0x2  }
0x554: {  	v63 =	vld [tilespmem:s26+$0x400]  }
0x555: {  	v56 =	vld [tilespmem:s26+$0x43C0]  }
0x556: {  	v60 =	vld [tilespmem:s26+$0x3D0];
	v0 =	vsub.f32 v0, v6  }
0x557: {  	v4 =	vld [tilespmem:s26+$0x44C0]  }
0x558: {  	[tilespmem:$0x1EE00] =	vst v0;
	v0 =	vld [tilespmem:$0x1EA30]  }
0x559: {  	v48 =	vld [tilespmem:s26+$0x4380]  }
0x55a: {  	v47 =	vld [tilespmem:s26+$0x3A0]  }
0x55b: {  	v35 =	vld [tilespmem:s26+$0x4370]  }
0x55c: {  	v1 =	vld [tilespmem:$0x1EA50]  }
0x55d: {  	v18 =	vsub.f32 v0, v4;
	v0 =	vld [tilespmem:$0x1EA40]  }
0x55e: {  	v8 =	vld [tilespmem:s26+$0x4D0]  }
0x55f: {  	v54 =	vld [tilespmem:s26+$0x3F0]  }
0x560: {  	v53 =	vld [tilespmem:s26+$0x43F0]  }
0x561: {  	v62 =	vld [tilespmem:s26+$0x580]  }
0x562: {  	v13 =	vld [tilespmem:s26+$0x4580];
	v0 =	vsub.f32 v0, v1  }
0x563: {  	[tilespmem:$0x1EA60] =	vst v8;
	v11 =	vld [tilespmem:s26+$0x44D0]  }
0x564: {  	[tilespmem:$0x1EE50] =	vst v0;
	v0 =	vld [tilespmem:$0x1EA60]  }
0x565: {  	v52 =	vld [tilespmem:s26+$0x390]  }
0x566: {  	v38 =	vld [tilespmem:s26+$0x4340]  }
0x567: {  	v55 =	vld [tilespmem:s26+$0x3E0]  }
0x568: {  	v1 =	vld [tilespmem:$0x1EA80]  }
0x569: {  	v30 =	vsub.f32 v62, v13;
	v13 =	vsub.f32 v0, v11;
	v0 =	vld [tilespmem:$0x1EA70]  }
0x56a: {  	v57 =	vld [tilespmem:s26+$0x3C0]  }
0x56b: {  	v49 =	vld [tilespmem:s26+$0x4390]  }
0x56c: {  	v44 =	vld [tilespmem:s26+$0x43A0]  }
0x56d: {  	v14 =	vld [tilespmem:s26+$0x500]  }
0x56e: {  	v7 =	vld [tilespmem:s26+$0x4500];
	v0 =	vsub.f32 v0, v1  }
0x56f: {  	v1 =	vld [tilespmem:$0x1EAA0]  }
0x570: {  	[tilespmem:$0x1EEA0] =	vst v0;
	v0 =	vld [tilespmem:$0x1EA90]  }
0x571: {  	v58 =	vld [tilespmem:s26+$0x43D0]  }
0x572: {  	v49 =	vsub.f32 v52, v49;
	v52 =	vld [tilespmem:s26+$0x4260]  }
0x573: {  	v42 =	vld [tilespmem:s26+$0x350]  }
0x574: {  	v10 =	vld [tilespmem:s26+$0x4F0]  }
0x575: {  	v21 =	vsub.f32 v14, v7;
	v14 =	vsub.f32 v0, v1;
	v0 =	vld [tilespmem:$0x1EAB0]  }
0x576: {  	v51 =	vld [tilespmem:s26+$0x43E0]  }
0x577: {  	v50 =	vld [tilespmem:s26+$0x380]  }
0x578: {  	v45 =	vld [tilespmem:s26+$0x43B0]  }
0x579: {  	v41 =	vld [tilespmem:s26+$0x340]  }
0x57a: {  	v37 =	vld [tilespmem:s26+$0x360];
	v0 =	vsub.f32 v10, v0  }
0x57b: {  	v1 =	vld [tilespmem:$0x1EAD0]  }
0x57c: {  	[tilespmem:$0x1EEF0] =	vst v0;
	v0 =	vld [tilespmem:$0x1EAC0]  }
0x57d: {  	v51 =	vsub.f32 v55, v51;
	v55 =	vld [tilespmem:s26+$0x4240]  }
0x57e: {  	v34 =	vld [tilespmem:s26+$0x4360]  }
0x57f: {  	v33 =	vld [tilespmem:s26+$0x300]  }
0x580: {  	v31 =	vld [tilespmem:s26+$0x310]  }
0x581: {  	v10 =	vsub.f32 v0, v1;
	v0 =	vld [tilespmem:$0x1EAE0]  }
0x582: {  	v1 =	vld [tilespmem:$0x1EAF0]  }
0x583: {  	v27 =	vld [tilespmem:s26+$0x4310]  }
0x584: {  	v39 =	vld [tilespmem:s26+$0x4350]  }
0x585: {  	v23 =	vld [tilespmem:s26+$0x4320]  }
0x586: {  	v46 =	vld [tilespmem:s26+$0x3B0]  }
0x587: {  	v19 =	vld [tilespmem:s26+$0x2C0];
	v0 =	vsub.f32 v0, v1  }
0x588: {  	v1 =	vld [tilespmem:$0x1EB10]  }
0x589: {  	[tilespmem:$0x1EF40] =	vst v0;
	v0 =	vld [tilespmem:$0x1EB00]  }
0x58a: {  	v26 =	vld [tilespmem:s26+$0x320]  }
0x58b: {  	v29 =	vld [tilespmem:s26+$0x4300]  }
0x58c: {  	v22 =	vld [tilespmem:s26+$0x330]  }
0x58d: {  	v8 =	vld [tilespmem:s26+$0x4400]  }
0x58e: {  	v11 =	vsub.f32 v0, v1;
	v0 =	vld [tilespmem:$0x1EB20]  }
0x58f: {  	v1 =	vld [tilespmem:$0x1EB30]  }
0x590: {  	v17 =	vld [tilespmem:s26+$0x4330]  }
0x591: {  	v36 =	vld [tilespmem:s26+$0x370]  }
0x592: {  	[tilespmem:$0x1F0C0] =	vst v51;
	v51 =	vld [tilespmem:s26+$0x2B0]  }
0x593: {  	v8 =	vsub.f32 v63, v8;
	v7 =	vld [tilespmem:$0x1EB50]  }
0x594: {  	v0 =	vsub.f32 v0, v1;
	v1 =	vld [tilespmem:$0x1EB40]  }
0x595: {  	v38 =	vsub.f32 v41, v38;
	v41 =	vmul.f32 v8, v8;
	v8 =	vld [tilespmem:s26+$0x230]  }
0x596: {  	v2 =	vld [tilespmem:s26+$0x42C0]  }
0x597: {  	v12 =	vld [tilespmem:s26+$0x2E0]  }
0x598: {  	v62 =	vld [tilespmem:s26+$0x2F0]  }
0x599: {  	v9 =	vsub.f32 v1, v7;
	v1 =	vld [tilespmem:$0x1EB60]  }
0x59a: {  	v7 =	vld [tilespmem:$0x1EB70]  }
0x59b: {  	v19 =	vsub.f32 v19, v2;
	v2 =	vld [tilespmem:s26+$0x200]  }
0x59c: {  	v63 =	vld [tilespmem:$0x1EBA0]  }
0x59d: {  	v61 =	vld [tilespmem:$0x1EBB0]  }
0x59e: {  	v3 =	vld [tilespmem:s26+$0x42D0]  }
0x59f: {  	v59 =	vld [tilespmem:$0x1EB90];
	v1 =	vsub.f32 v1, v7  }
0x5a0: {  	v5 =	vld [tilespmem:s26+$0x42F0]  }
0x5a1: {  	[tilespmem:$0x1EFE0] =	vst v1;
	v1 =	vld [tilespmem:$0x1EB80]  }
0x5a2: {  	v63 =	vsub.f32 v63, v61;
	v61 =	vld [tilespmem:$0x1EBD0]  }
0x5a3: {  	v57 =	vsub.f32 v57, v56;
	v15 =	vld [tilespmem:s26+$0x2D0]  }
0x5a4: {  	v44 =	vsub.f32 v47, v44;
	v47 =	vsub.f32 v42, v39;
	v56 =	vld [tilespmem:$0x1EBE0]  }
0x5a5: {  	v39 =	vsub.f32 v22, v17;
	v22 =	vmul.f32 v20, v20;
	v20 =	vsub.f32 v62, v5;
	v5 =	vld [tilespmem:s26+$0x4210]  }
0x5a6: {  	v1 =	vsub.f32 v1, v59;
	v59 =	vld [tilespmem:$0x1EBC0]  }
0x5a7: {  	v4 =	vld [tilespmem:s26+$0x42E0]  }
0x5a8: {  	v17 =	vmul.f32 v24, v24;
	v24 =	vsub.f32 v15, v3;
	v3 =	vld [tilespmem:s26+$0x4200]  }
0x5a9: {  	v6 =	vld [tilespmem:s26+$0x280]  }
0x5aa: {  	[tilespmem:$0x1EF90] =	vst v0;
	v0 =	vld [tilespmem:s26+$0x4280]  }
0x5ab: {  	[tilespmem:$0x1F0F0] =	vst v44;
	v44 =	vsub.f32 v37, v34;
	v59 =	vsub.f32 v59, v61;
	v61 =	vld [tilespmem:$0x1EBF0]  }
0x5ac: {  	v34 =	vsub.f32 v26, v23;
	v23 =	vmul.f32 v25, v25;
	v25 =	vsub.f32 v12, v4;
	v4 =	vld [tilespmem:s26+$0x210]  }
0x5ad: {  	v7 =	vld [tilespmem:s26+$0x290]  }
0x5ae: {  	v45 =	vsub.f32 v46, v45;
	v46 =	vsub.f32 v36, v35;
	[tilespmem:$0x1F030] =	vst v1;
	v1 =	vld [tilespmem:s26+$0x4290]  }
0x5af: {  	v35 =	vsub.f32 v31, v27;
	v36 =	vmul.f32 v28, v28;
	v0 =	vsub.f32 v6, v0;
	v6 =	vld [tilespmem:s26+$0x220]  }
0x5b0: {  	v28 =	vmul.f32 v30, v30;
	v27 =	vmul.f32 v21, v21;
	[tilespmem:$0x1F070] =	vst v59;
	v59 =	vld [tilespmem:s26+$0x2A0];
	v56 =	vsub.f32 v56, v61  }
0x5b1: {  	v26 =	vmul.f32 v16, v16;
	v16 =	vmul.f32 v63, v63;
	v61 =	vld [tilespmem:s26+$0x42A0]  }
0x5b2: {  	p0 =	sne.s32 s28, $0x7000;
	v31 =	vmul.f32 v18, v18;
	[tilespmem:$0x1F0B0] =	vst v56;
	v56 =	vsub.f32 v60, v58;
	v58 =	vsub.f32 v50, v48;
	v50 =	vld [tilespmem:s26+$0x42B0]  }
.Ltmp2:
0x5b3: {  	v30 =	vmul.f32 v13, v13;
	v37 =	vmul.f32 v11, v11;
	v1 =	vsub.f32 v7, v1;
	v7 =	vld [tilespmem:s26+$0x4220];
	(pc) =	sbr.rel @p0 .LBB2_6-.Ltmp2, $4  }
0x5b4: {  	v60 =	vsub.f32 v54, v53;
	v53 =	vld [tilespmem:s26+$0x240];
	v48 =	vsub.f32 v33, v29;
	v29 =	vmul.f32 v32, v32  }
0x5b5: {  	v54 =	vld [tilespmem:s26+$0x250];
	v33 =	vmul.f32 v14, v14;
	v32 =	vmul.f32 v10, v10  }
0x5b6: {  	v21 =	vmovc v40;
	v40 =	vmovc v43;
	v14 =	vmul.f32 v9, v9;
	v42 =	vmov v58;
	v58 =	vld [tilespmem:s26+$0x4250];
	v15 =	vmul.f32 v56, v56  }
0x5b7: {  	s28 =	sadd.s32 $0x1000, s28;
	[tilespmem:$0x1F0D0] =	vst v60;
	v60 =	vld [tilespmem:s26+$0x260];
	v62 =	vsub.f32 v59, v61;
	v59 =	vsub.f32 v51, v50;
	v50 =	vmul.f32 v57, v57  }
0x5b8: {  	v9 =	vld [tilespmem:s26+$0x4230]  }
0x5b9: {  	v10 =	vld [tilespmem:s26+$0x270]  }
0x5ba: {  	v11 =	vld [tilespmem:s26+$0x4270];
	_ =	swait.ge [sflag:s23], $0x2000  }
0x5bb: {  	[sflag:s23] =	ssyncset.done $0x0  }
0x5bc: {  	[sflag:s23] =	ssyncadd.s32 $0xFFFFE000  }
0x5bd: {  	_ =	swait.ge [sflag:s23], $0x2000  }
0x5be: {  	[sflag:s23] =	ssyncset.done $0x0  }
0x5bf: {  	s26 =	simm.s32 $0x0;
	[sflag:s23] =	ssyncadd.s32 $0xFFFFE000  }
0x5c0: {  	v12 =	vld [tilespmem:s26+$0x65E0];
	_ =	sdelay $0x4  }
0x5c1: {  	[tilespmem:$0x1E410] =	vst v12;
	v12 =	vld [tilespmem:s26+$0x65F0];
	_ =	sdelay $0x4  }
0x5c2: {  	[tilespmem:$0x1E440] =	vst v12;
	v12 =	vld [tilespmem:s26+$0x2580];
	_ =	sdelay $0x4  }
0x5c3: {  	[tilespmem:$0x1E420] =	vst v12;
	v12 =	vld [tilespmem:s26+$0x6580];
	_ =	sdelay $0x4  }
0x5c4: {  	[tilespmem:$0x1E430] =	vst v12;
	v12 =	vld [tilespmem:s26+$0x2590];
	_ =	sdelay $0x4  }
0x5c5: {  	[tilespmem:$0x1E460] =	vst v12;
	v12 =	vld [tilespmem:s26+$0x6590];
	_ =	sdelay $0x4  }
0x5c6: {  	[tilespmem:$0x1E470] =	vst v12;
	v12 =	vld [tilespmem:s26+$0x25A0];
	_ =	sdelay $0x4  }
0x5c7: {  	[tilespmem:$0x1E480] =	vst v12;
	v12 =	vld [tilespmem:s26+$0x65A0];
	_ =	sdelay $0x4  }
0x5c8: {  	[tilespmem:$0x1E490] =	vst v12;
	v12 =	vld [tilespmem:s26+$0x25B0];
	_ =	sdelay $0x4  }
0x5c9: {  	[tilespmem:$0x1E4C0] =	vst v12;
	v12 =	vld [tilespmem:s26+$0x65B0];
	_ =	sdelay $0x4  }
0x5ca: {  	[tilespmem:$0x1E4D0] =	vst v12;
	v12 =	vld [tilespmem:s26+$0x2540];
	_ =	sdelay $0x4  }
0x5cb: {  	[tilespmem:$0x1E4A0] =	vst v12;
	v12 =	vld [tilespmem:s26+$0x6540];
	_ =	sdelay $0x4  }
0x5cc: {  	[tilespmem:$0x1E4B0] =	vst v12;
	v12 =	vld [tilespmem:s26+$0x2550];
	_ =	sdelay $0x4  }
0x5cd: {  	[tilespmem:$0x1E4E0] =	vst v12;
	v12 =	vld [tilespmem:s26+$0x6550];
	_ =	sdelay $0x4  }
0x5ce: {  	[tilespmem:$0x1E4F0] =	vst v12;
	v12 =	vld [tilespmem:s26+$0x2560];
	_ =	sdelay $0x4  }
0x5cf: {  	[tilespmem:$0x1E500] =	vst v12;
	v12 =	vld [tilespmem:s26+$0x6560];
	_ =	sdelay $0x4  }
0x5d0: {  	[tilespmem:$0x1E510] =	vst v12;
	v12 =	vld [tilespmem:s26+$0x2570];
	_ =	sdelay $0x4  }
0x5d1: {  	[tilespmem:$0x1E540] =	vst v12;
	v12 =	vld [tilespmem:s26+$0x6570];
	_ =	sdelay $0x4  }
0x5d2: {  	[tilespmem:$0x1E550] =	vst v12;
	v12 =	vld [tilespmem:s26+$0x2500];
	_ =	sdelay $0x4  }
0x5d3: {  	[tilespmem:$0x1E520] =	vst v12;
	v12 =	vld [tilespmem:s26+$0x6500];
	_ =	sdelay $0x4  }
0x5d4: {  	[tilespmem:$0x1E530] =	vst v12;
	v12 =	vld [tilespmem:s26+$0x2510];
	_ =	sdelay $0x4  }
0x5d5: {  	[tilespmem:$0x1E560] =	vst v12;
	v12 =	vld [tilespmem:s26+$0x6510];
	_ =	sdelay $0x4  }
0x5d6: {  	[tilespmem:$0x1E570] =	vst v12;
	v12 =	vld [tilespmem:s26+$0x2520];
	_ =	sdelay $0x4  }
0x5d7: {  	[tilespmem:$0x1E580] =	vst v12;
	v12 =	vld [tilespmem:s26+$0x6520];
	_ =	sdelay $0x4  }
0x5d8: {  	[tilespmem:$0x1E590] =	vst v12;
	v12 =	vld [tilespmem:s26+$0x2530];
	_ =	sdelay $0x4  }
0x5d9: {  	[tilespmem:$0x1E5C0] =	vst v12;
	v12 =	vld [tilespmem:s26+$0x6530];
	_ =	sdelay $0x4  }
0x5da: {  	[tilespmem:$0x1E5D0] =	vst v12;
	v12 =	vld [tilespmem:s26+$0x24C0];
	_ =	sdelay $0x4  }
0x5db: {  	[tilespmem:$0x1E5A0] =	vst v12;
	v12 =	vld [tilespmem:s26+$0x64C0];
	_ =	sdelay $0x4  }
0x5dc: {  	[tilespmem:$0x1E5B0] =	vst v12;
	v12 =	vld [tilespmem:s26+$0x24D0];
	_ =	sdelay $0x4  }
0x5dd: {  	[tilespmem:$0x1E5E0] =	vst v12;
	v12 =	vld [tilespmem:s26+$0x64D0];
	_ =	sdelay $0x4  }
0x5de: {  	[tilespmem:$0x1E5F0] =	vst v12;
	v12 =	vld [tilespmem:s26+$0x24E0];
	_ =	sdelay $0x4  }
0x5df: {  	[tilespmem:$0x1E600] =	vst v12;
	v12 =	vld [tilespmem:s26+$0x64E0];
	_ =	sdelay $0x4  }
0x5e0: {  	[tilespmem:$0x1E610] =	vst v12;
	v12 =	vld [tilespmem:s26+$0x24F0];
	_ =	sdelay $0x4  }
0x5e1: {  	[tilespmem:$0x1E650] =	vst v12;
	v12 =	vld [tilespmem:s26+$0x64F0];
	_ =	sdelay $0x4  }
0x5e2: {  	[tilespmem:$0x1E660] =	vst v12;
	v12 =	vld [tilespmem:s26+$0x2480];
	_ =	sdelay $0x4  }
0x5e3: {  	[tilespmem:$0x1E630] =	vst v12;
	v12 =	vld [tilespmem:s26+$0x6480];
	_ =	sdelay $0x4  }
0x5e4: {  	[tilespmem:$0x1E640] =	vst v12;
	v12 =	vld [tilespmem:s26+$0x2490];
	_ =	sdelay $0x4  }
0x5e5: {  	[tilespmem:$0x1E680] =	vst v12;
	v12 =	vld [tilespmem:s26+$0x6490];
	_ =	sdelay $0x4  }
0x5e6: {  	[tilespmem:$0x1E690] =	vst v12;
	v12 =	vld [tilespmem:s26+$0x24A0];
	_ =	sdelay $0x4  }
0x5e7: {  	[tilespmem:$0x1E6A0] =	vst v12;
	v12 =	vld [tilespmem:s26+$0x64A0];
	_ =	sdelay $0x4  }
0x5e8: {  	[tilespmem:$0x1E6B0] =	vst v12;
	v12 =	vld [tilespmem:s26+$0x24B0];
	_ =	sdelay $0x4  }
0x5e9: {  	[tilespmem:$0x1E6F0] =	vst v12;
	v12 =	vld [tilespmem:s26+$0x64B0];
	_ =	sdelay $0x2  }
0x5ea: {  	v2 =	vsub.f32 v2, v3;
	v3 =	vsub.f32 v4, v5  }
0x5eb: {  	v4 =	vsub.f32 v6, v7;
	v6 =	vsub.f32 v8, v9;
	v9 =	vld [tilespmem:$0x1EC00]  }
0x5ec: {  	[tilespmem:$0x1E700] =	vst v12;
	v12 =	vld [tilespmem:s26+$0x2440];
	_ =	sdelay $0x1  }
0x5ed: {  	v2 =	vmul.f32 v2, v2;
	_ =	sdelay $0x1  }
0x5ee: {  	v2 =	vadd.f32 v2, v9;
	v9 =	vld [tilespmem:s26+$0x2400]  }
0x5ef: {  	[tilespmem:$0x1E6D0] =	vst v12;
	v12 =	vld [tilespmem:s26+$0x6440];
	_ =	sdelay $0x1  }
0x5f0: {  	v5 =	vld [tilespmem:s26+$0x6460]  }
0x5f1: {  	v8 =	vsub.f32 v10, v11;
	v10 =	vld [tilespmem:s26+$0x6400]  }
0x5f2: {  	[tilespmem:$0x1E760] =	vst v9;
	v9 =	vld [tilespmem:$0x1EC10]  }
0x5f3: {  	[tilespmem:$0x1E6E0] =	vst v12;
	v12 =	vld [tilespmem:s26+$0x2450];
	_ =	sdelay $0x1  }
0x5f4: {  	v3 =	vmul.f32 v3, v3;
	[tilespmem:$0x1E740] =	vst v5;
	v5 =	vsub.f32 v54, v58  }
0x5f5: {  	[tilespmem:$0x1E770] =	vst v10;
	v10 =	vld [tilespmem:$0x1EC30]  }
0x5f6: {  	v5 =	vmul.f32 v5, v5;
	v3 =	vadd.f32 v3, v9;
	v9 =	vld [tilespmem:$0x1EC20]  }
0x5f7: {  	[tilespmem:$0x1E720] =	vst v12;
	v12 =	vld [tilespmem:s26+$0x6450]  }
0x5f8: {  	v3 =	vadd.f32 v5, v3;
	v5 =	vld [tilespmem:s26+$0x2420]  }
0x5f9: {  	v6 =	vmul.f32 v6, v6  }
0x5fa: {  	v4 =	vmul.f32 v4, v4;
	v7 =	vsub.f32 v60, v52  }
0x5fb: {  	v8 =	vmul.f32 v8, v8;
	v6 =	vadd.f32 v6, v10  }
0x5fc: {  	v7 =	vmul.f32 v7, v7;
	v4 =	vadd.f32 v4, v9;
	[tilespmem:$0x1E730] =	vst v12;
	v12 =	vsub.f32 v53, v55  }
0x5fd: {  	[tilespmem:$0x1E7B0] =	vst v5;
	v5 =	vadd.f32 v8, v6;
	v6 =	vld [tilespmem:s26+$0x6420]  }
0x5fe: {  	v4 =	vadd.f32 v7, v4;
	v7 =	vld [tilespmem:s26+$0x2430];
	v9 =	vmul.f32 v12, v12  }
0x5ff: {  	v1 =	vmul.f32 v1, v1;
	v8 =	vld [tilespmem:s26+$0x6430]  }
0x600: {  	v0 =	vmul.f32 v0, v0;
	v2 =	vadd.f32 v9, v2  }
0x601: {  	v1 =	vadd.f32 v1, v3  }
0x602: {  	v3 =	vmul.f32 v19, v19;
	[tilespmem:$0x1E7C0] =	vst v6;
	v0 =	vadd.f32 v0, v2;
	v2 =	vmul.f32 v62, v62  }
0x603: {  	v6 =	vmul.f32 v59, v59;
	[tilespmem:$0x1E7E0] =	vst v7;
	v7 =	vmul.f32 v25, v25  }
0x604: {  	[tilespmem:$0x1E7F0] =	vst v8;
	v8 =	vmul.f32 v34, v34;
	v2 =	vadd.f32 v2, v4;
	v4 =	vmul.f32 v24, v24  }
0x605: {  	v5 =	vadd.f32 v6, v5;
	v6 =	vmul.f32 v48, v48;
	v0 =	vadd.f32 v3, v0  }
0x606: {  	v1 =	vadd.f32 v4, v1;
	v2 =	vadd.f32 v7, v2;
	v7 =	vmul.f32 v35, v35  }
0x607: {  	v0 =	vadd.f32 v6, v0;
	v6 =	vmul.f32 v38, v38  }
0x608: {  	v7 =	vadd.f32 v7, v1;
	v2 =	vadd.f32 v8, v2;
	v8 =	vmul.f32 v47, v47;
	_ =	sdelay $0x1  }
0x609: {  	v0 =	vadd.f32 v6, v0;
	v7 =	vadd.f32 v8, v7;
	v8 =	vmul.f32 v42, v42;
	_ =	sdelay $0x1  }
0x60a: {  	v8 =	vadd.f32 v8, v0;
	v0 =	vld [tilespmem:s26+$0x2380];
	_ =	sdelay $0x2  }
0x60b: {  	v10 =	vld [tilespmem:s26+$0x2410];
	_ =	sdelay $0x1  }
0x60c: {  	[tilespmem:$0x1E860] =	vst v0;
	v0 =	vld [tilespmem:$0x1F0C0]  }
0x60d: {  	v1 =	vld [tilespmem:s26+$0x23E0];
	_ =	sdelay $0x1  }
0x60e: {  	[tilespmem:$0x1E790] =	vst v10;
	v10 =	vmul.f32 v49, v49  }
0x60f: {  	v9 =	vld [tilespmem:s26+$0x6410]  }
0x610: {  	v7 =	vadd.f32 v10, v7;
	v10 =	vmul.f32 v0, v0;
	v0 =	vld [tilespmem:s26+$0x6380]  }
0x611: {  	[tilespmem:$0x1E830] =	vst v1;
	v1 =	vld [tilespmem:s26+$0x63E0]  }
0x612: {  	v3 =	vmul.f32 v20, v20;
	_ =	sdelay $0x1  }
0x613: {  	[tilespmem:$0x1E7A0] =	vst v9;
	v9 =	vmul.f32 v39, v39;
	v5 =	vadd.f32 v3, v5  }
0x614: {  	[tilespmem:$0x1E870] =	vst v0;
	v0 =	vld [tilespmem:$0x1F0D0]  }
0x615: {  	v5 =	vadd.f32 v9, v5;
	v9 =	vmul.f32 v46, v46;
	[tilespmem:$0x1E840] =	vst v1;
	v1 =	vld [tilespmem:s26+$0x23F0];
	_ =	sdelay $0x1  }
0x616: {  	v5 =	vadd.f32 v9, v5;
	v9 =	vmul.f32 v45, v45;
	_ =	sdelay $0x1  }
0x617: {  	v5 =	vadd.f32 v9, v5;
	v9 =	vmul.f32 v0, v0;
	v0 =	vld [tilespmem:s26+$0x2390]  }
0x618: {  	[tilespmem:$0x1E880] =	vst v1;
	v1 =	vld [tilespmem:$0x1F0F0];
	_ =	sdelay $0x2  }
0x619: {  	v6 =	vmul.f32 v44, v44  }
0x61a: {  	[tilespmem:$0x1E8B0] =	vst v0;
	v0 =	vld [tilespmem:$0x1F070]  }
0x61b: {  	v6 =	vadd.f32 v6, v2;
	v11 =	vmul.f32 v1, v1;
	_ =	sdelay $0x1  }
0x61c: {  	v6 =	vadd.f32 v11, v6;
	_ =	sdelay $0x1  }
0x61d: {  	v6 =	vadd.f32 v10, v6;
	v10 =	vmul.f32 v0, v0;
	v0 =	vld [tilespmem:s26+$0x6390];
	_ =	sdelay $0x4  }
0x61e: {  	[tilespmem:$0x1E8C0] =	vst v0;
	v0 =	vld [tilespmem:$0x1F0B0];
	_ =	sdelay $0x4  }
0x61f: {  	v5 =	vadd.f32 v9, v5;
	v9 =	vmul.f32 v0, v0;
	v0 =	vld [tilespmem:s26+$0x23A0];
	_ =	sdelay $0x4  }
0x620: {  	[tilespmem:$0x1E8D0] =	vst v0;
	v0 =	vld [tilespmem:$0x1EFE0];
	_ =	sdelay $0x4  }
0x621: {  	v6 =	vadd.f32 v10, v6;
	v10 =	vmul.f32 v0, v0;
	v0 =	vld [tilespmem:$0x1F030];
	_ =	sdelay $0x4  }
0x622: {  	v5 =	vadd.f32 v9, v5;
	v9 =	vmul.f32 v0, v0;
	v0 =	vld [tilespmem:s26+$0x23B0];
	_ =	sdelay $0x4  }
0x623: {  	[tilespmem:$0x1E8F0] =	vst v0;
	v0 =	vld [tilespmem:$0x1EF40];
	_ =	sdelay $0x4  }
0x624: {  	v6 =	vadd.f32 v10, v6;
	v10 =	vmul.f32 v0, v0;
	v0 =	vld [tilespmem:$0x1EF90];
	_ =	sdelay $0x4  }
0x625: {  	v5 =	vadd.f32 v9, v5;
	v9 =	vmul.f32 v0, v0;
	v0 =	vld [tilespmem:$0x1EEA0];
	_ =	sdelay $0x4  }
0x626: {  	v6 =	vadd.f32 v10, v6;
	v10 =	vmul.f32 v0, v0;
	v0 =	vld [tilespmem:$0x1EEF0];
	_ =	sdelay $0x4  }
0x627: {  	v5 =	vadd.f32 v9, v5;
	v9 =	vmul.f32 v0, v0;
	v0 =	vld [tilespmem:$0x1EE00];
	_ =	sdelay $0x3  }
0x628: {  	v1 =	vld [tilespmem:s26+$0x63F0]  }
0x629: {  	v6 =	vadd.f32 v10, v6;
	v10 =	vmul.f32 v0, v0;
	v0 =	vld [tilespmem:$0x1EE50];
	_ =	sdelay $0x2  }
0x62a: {  	v61 =	vld [tilespmem:s26+$0x25E0]  }
0x62b: {  	[tilespmem:$0x1E890] =	vst v1;
	v1 =	vld [tilespmem:$0x1E410]  }
0x62c: {  	v5 =	vadd.f32 v9, v5;
	v9 =	vmul.f32 v0, v0;
	v0 =	vld [tilespmem:$0x1ED60];
	_ =	sdelay $0x2  }
0x62d: {  	v2 =	vld [tilespmem:$0x1E430]  }
0x62e: {  	v7 =	vadd.f32 v15, v7;
	v15 =	vsub.f32 v61, v1;
	v1 =	vld [tilespmem:$0x1E420]  }
0x62f: {  	v6 =	vadd.f32 v10, v6;
	v10 =	vmul.f32 v0, v0;
	v0 =	vld [tilespmem:$0x1EDB0]  }
0x630: {  	v7 =	vadd.f32 v16, v7;
	_ =	sdelay $0x1  }
0x631: {  	v51 =	vld [tilespmem:s26+$0x25F0];
	v7 =	vadd.f32 v14, v7  }
0x632: {  	v45 =	vsub.f32 v1, v2;
	v1 =	vld [tilespmem:$0x1E440]  }
0x633: {  	v7 =	vadd.f32 v32, v7;
	v5 =	vadd.f32 v9, v5;
	v9 =	vmul.f32 v0, v0;
	v0 =	vld [tilespmem:$0x1ECC0];
	_ =	sdelay $0x1  }
0x634: {  	v7 =	vadd.f32 v30, v7;
	_ =	sdelay $0x1  }
0x635: {  	v7 =	vadd.f32 v26, v7  }
0x636: {  	v1 =	vsub.f32 v51, v1;
	v6 =	vadd.f32 v10, v6;
	v10 =	vmul.f32 v0, v0;
	v0 =	vld [tilespmem:$0x1ED10]  }
0x637: {  	v7 =	vadd.f32 v22, v7;
	v2 =	vld [tilespmem:$0x1E470]  }
0x638: {  	[tilespmem:$0x1E450] =	vst v1;
	v1 =	vld [tilespmem:$0x1E460]  }
0x639: {  	v7 =	vadd.f32 v17, v7  }
0x63a: {  	v5 =	vadd.f32 v9, v5;
	v6 =	vadd.f32 v10, v6  }
0x63b: {  	v10 =	vmul.f32 v40, v40;
	v9 =	vmul.f32 v0, v0;
	v0 =	vadd.f32 v36, v7  }
0x63c: {  	v8 =	vadd.f32 v50, v8  }
0x63d: {  	[tilespmem:$0x1E3E0] =	vst v0;
	v0 =	vadd.f32 v10, v6;
	v10 =	vsub.f32 v1, v2;
	v1 =	vld [tilespmem:$0x1E480]  }
0x63e: {  	v2 =	vld [tilespmem:$0x1E490]  }
0x63f: {  	v8 =	vadd.f32 v41, v8;
	_ =	sdelay $0x1  }
0x640: {  	v8 =	vadd.f32 v37, v8;
	_ =	sdelay $0x1  }
0x641: {  	v8 =	vadd.f32 v33, v8;
	v25 =	vsub.f32 v1, v2;
	v1 =	vld [tilespmem:$0x1E4A0]  }
0x642: {  	v2 =	vld [tilespmem:$0x1E4B0]  }
0x643: {  	v8 =	vadd.f32 v31, v8;
	_ =	sdelay $0x1  }
0x644: {  	v8 =	vadd.f32 v27, v8;
	_ =	sdelay $0x1  }
0x645: {  	v8 =	vadd.f32 v23, v8;
	v23 =	vsub.f32 v1, v2;
	v1 =	vld [tilespmem:$0x1E4C0]  }
0x646: {  	v2 =	vld [tilespmem:$0x1E4D0];
	_ =	sdelay $0x4  }
0x647: {  	v24 =	vsub.f32 v1, v2;
	v1 =	vld [tilespmem:$0x1E4E0]  }
0x648: {  	v2 =	vld [tilespmem:$0x1E4F0];
	_ =	sdelay $0x4  }
0x649: {  	v46 =	vsub.f32 v1, v2;
	v1 =	vld [tilespmem:$0x1E500]  }
0x64a: {  	v2 =	vld [tilespmem:$0x1E510];
	_ =	sdelay $0x2  }
0x64b: {  	v8 =	vadd.f32 v28, v8;
	_ =	sdelay $0x1  }
0x64c: {  	v42 =	vadd.f32 v29, v8;
	v29 =	vsub.f32 v1, v2;
	v1 =	vld [tilespmem:$0x1E520]  }
0x64d: {  	v2 =	vld [tilespmem:$0x1E530];
	_ =	sdelay $0x4  }
0x64e: {  	v27 =	vsub.f32 v1, v2;
	v1 =	vld [tilespmem:$0x1E540]  }
0x64f: {  	v2 =	vld [tilespmem:$0x1E550];
	_ =	sdelay $0x3  }
0x650: {  	v3 =	vld [tilespmem:s26+$0x23D0]  }
0x651: {  	v28 =	vsub.f32 v1, v2;
	v1 =	vld [tilespmem:$0x1E560]  }
0x652: {  	v2 =	vld [tilespmem:$0x1E570];
	_ =	sdelay $0x3  }
0x653: {  	[tilespmem:$0x1E810] =	vst v3;
	v3 =	vld [tilespmem:s26+$0x63D0]  }
0x654: {  	v32 =	vsub.f32 v1, v2;
	v1 =	vld [tilespmem:$0x1E580]  }
0x655: {  	v2 =	vld [tilespmem:$0x1E590];
	_ =	sdelay $0x3  }
0x656: {  	[tilespmem:$0x1E820] =	vst v3;
	v3 =	vld [tilespmem:$0x1E5B0]  }
0x657: {  	v41 =	vsub.f32 v1, v2;
	v1 =	vld [tilespmem:$0x1E5A0];
	_ =	sdelay $0x4  }
0x658: {  	v30 =	vsub.f32 v1, v3;
	v1 =	vld [tilespmem:$0x1E5C0]  }
0x659: {  	v3 =	vld [tilespmem:$0x1E5D0];
	_ =	sdelay $0x2  }
0x65a: {  	v43 =	vld [tilespmem:s26+$0x25D0]  }
0x65b: {  	v57 =	vld [tilespmem:s26+$0x65D0]  }
0x65c: {  	v37 =	vsub.f32 v1, v3;
	v1 =	vld [tilespmem:$0x1E5E0]  }
0x65d: {  	v3 =	vld [tilespmem:$0x1E5F0];
	_ =	sdelay $0x4  }
0x65e: {  	v17 =	vsub.f32 v43, v57;
	v43 =	vsub.f32 v1, v3;
	v1 =	vld [tilespmem:$0x1E600]  }
0x65f: {  	v3 =	vld [tilespmem:$0x1E610];
	_ =	sdelay $0x3  }
0x660: {  	v13 =	vld [tilespmem:s26+$0x25C0]  }
0x661: {  	v56 =	vld [tilespmem:s26+$0x65C0];
	v1 =	vsub.f32 v1, v3  }
0x662: {  	v4 =	vld [tilespmem:$0x1E640]  }
0x663: {  	[tilespmem:$0x1E620] =	vst v1;
	v1 =	vld [tilespmem:$0x1E630];
	_ =	sdelay $0x4  }
0x664: {  	v40 =	vsub.f32 v13, v56;
	v13 =	vsub.f32 v1, v4;
	v1 =	vld [tilespmem:$0x1E650]  }
0x665: {  	v4 =	vld [tilespmem:$0x1E660];
	_ =	sdelay $0x4  }
0x666: {  	v1 =	vsub.f32 v1, v4  }
0x667: {  	v4 =	vld [tilespmem:$0x1E690]  }
0x668: {  	[tilespmem:$0x1E670] =	vst v1;
	v1 =	vld [tilespmem:$0x1E680];
	_ =	sdelay $0x4  }
0x669: {  	v1 =	vsub.f32 v1, v4  }
0x66a: {  	v4 =	vld [tilespmem:$0x1E6B0]  }
0x66b: {  	[tilespmem:$0x1E910] =	vst v1;
	v1 =	vld [tilespmem:$0x1E6A0];
	_ =	sdelay $0x3  }
0x66c: {  	v8 =	vmul.f32 v21, v21;
	v5 =	vadd.f32 v9, v5  }
0x66d: {  	v1 =	vsub.f32 v1, v4  }
0x66e: {  	[tilespmem:$0x1E3F0] =	vst v0;
	v0 =	vadd.f32 v8, v5;
	v5 =	vld [tilespmem:$0x1E6E0]  }
0x66f: {  	[tilespmem:$0x1E6C0] =	vst v1;
	v1 =	vld [tilespmem:$0x1E6D0];
	_ =	sdelay $0x4  }
0x670: {  	v14 =	vsub.f32 v1, v5;
	v1 =	vld [tilespmem:$0x1E6F0]  }
0x671: {  	v5 =	vld [tilespmem:$0x1E700];
	_ =	sdelay $0x4  }
0x672: {  	v1 =	vsub.f32 v1, v5  }
0x673: {  	v5 =	vld [tilespmem:$0x1E730]  }
0x674: {  	[tilespmem:$0x1E710] =	vst v1;
	v1 =	vld [tilespmem:$0x1E720];
	_ =	sdelay $0x3  }
0x675: {  	v55 =	vld [tilespmem:s26+$0x2460]  }
0x676: {  	v51 =	vsub.f32 v1, v5;
	v1 =	vld [tilespmem:$0x1E740];
	_ =	sdelay $0x3  }
0x677: {  	v52 =	vld [tilespmem:s26+$0x6470]  }
0x678: {  	v54 =	vld [tilespmem:s26+$0x2470];
	v1 =	vsub.f32 v55, v1  }
0x679: {  	v6 =	vld [tilespmem:$0x1E770]  }
0x67a: {  	[tilespmem:$0x1E750] =	vst v1;
	v1 =	vld [tilespmem:$0x1E760];
	_ =	sdelay $0x3  }
0x67b: {  	v18 =	vld [tilespmem:s26+$0x63C0]  }
0x67c: {  	v63 =	vld [tilespmem:s26+$0x2350];
	v55 =	vsub.f32 v1, v6;
	v1 =	vsub.f32 v54, v52  }
0x67d: {  	v7 =	vld [tilespmem:$0x1E7A0]  }
0x67e: {  	[tilespmem:$0x1E780] =	vst v1;
	v1 =	vld [tilespmem:$0x1E790]  }
0x67f: {  	v60 =	vld [tilespmem:s26+$0x2360]  }
0x680: {  	v58 =	vld [tilespmem:s26+$0x63B0]  }
0x681: {  	v49 =	vld [tilespmem:s26+$0x2300]  }
0x682: {  	v19 =	vld [tilespmem:s26+$0x22C0]  }
0x683: {  	v62 =	vsub.f32 v1, v7;
	v1 =	vld [tilespmem:$0x1E7B0]  }
0x684: {  	v7 =	vld [tilespmem:$0x1E7C0]  }
0x685: {  	v34 =	vld [tilespmem:s26+$0x6340]  }
0x686: {  	v59 =	vld [tilespmem:s26+$0x2370]  }
0x687: {  	v48 =	vld [tilespmem:s26+$0x6300]  }
0x688: {  	v8 =	vld [tilespmem:$0x1E7F0]  }
0x689: {  	v1 =	vsub.f32 v1, v7;
	v7 =	vld [tilespmem:$0x1E7E0]  }
0x68a: {  	v53 =	vld [tilespmem:s26+$0x6370]  }
0x68b: {  	v12 =	vld [tilespmem:s26+$0x2280]  }
0x68c: {  	v20 =	vld [tilespmem:s26+$0x23C0]  }
0x68d: {  	v39 =	vld [tilespmem:s26+$0x2310]  }
0x68e: {  	v35 =	vld [tilespmem:s26+$0x6350];
	v7 =	vsub.f32 v7, v8  }
0x68f: {  	v8 =	vld [tilespmem:$0x1E820]  }
0x690: {  	[tilespmem:$0x1E800] =	vst v7;
	v7 =	vld [tilespmem:$0x1E810]  }
0x691: {  	v38 =	vld [tilespmem:s26+$0x63A0]  }
0x692: {  	v44 =	vld [tilespmem:s26+$0x6320]  }
0x693: {  	v47 =	vld [tilespmem:s26+$0x2330]  }
0x694: {  	v50 =	vld [tilespmem:s26+$0x6360]  }
0x695: {  	v35 =	vsub.f32 v63, v35;
	v63 =	vld [tilespmem:s26+$0x6250];
	v7 =	vsub.f32 v7, v8  }
0x696: {  	v8 =	vld [tilespmem:$0x1E840]  }
0x697: {  	[tilespmem:$0x1E920] =	vst v7;
	v7 =	vld [tilespmem:$0x1E830]  }
0x698: {  	v16 =	vld [tilespmem:s26+$0x6310]  }
0x699: {  	v50 =	vsub.f32 v60, v50;
	v60 =	vld [tilespmem:s26+$0x6240]  }
0x69a: {  	v11 =	vld [tilespmem:s26+$0x2340]  }
0x69b: {  	v57 =	vsub.f32 v20, v18;
	v18 =	vld [tilespmem:$0x1E870]  }
0x69c: {  	v7 =	vsub.f32 v7, v8;
	v8 =	vld [tilespmem:$0x1E860]  }
0x69d: {  	v31 =	vld [tilespmem:s26+$0x22F0]  }
0x69e: {  	v26 =	vld [tilespmem:s26+$0x22E0]  }
0x69f: {  	v34 =	vsub.f32 v11, v34;
	v11 =	vld [tilespmem:$0x1E8F0]  }
0x6a0: {  	v22 =	vld [tilespmem:s26+$0x22D0]  }
0x6a1: {  	v52 =	vsub.f32 v8, v18;
	v8 =	vld [tilespmem:$0x1E880]  }
0x6a2: {  	v18 =	vld [tilespmem:$0x1E890]  }
0x6a3: {  	v61 =	vld [tilespmem:s26+$0x6330]  }
0x6a4: {  	v11 =	vsub.f32 v11, v58;
	v58 =	vld [tilespmem:s26+$0x2240]  }
0x6a5: {  	v56 =	vld [tilespmem:s26+$0x22B0]  }
0x6a6: {  	v36 =	vsub.f32 v49, v48;
	v49 =	vsub.f32 v59, v53;
	v59 =	vld [tilespmem:s26+$0x2250]  }
0x6a7: {  	[tilespmem:$0x1E400] =	vst v0;
	v0 =	vld [tilespmem:s26+$0x2320];
	v8 =	vsub.f32 v8, v18  }
0x6a8: {  	v18 =	vld [tilespmem:$0x1E8C0]  }
0x6a9: {  	[tilespmem:$0x1E8A0] =	vst v8;
	v8 =	vld [tilespmem:$0x1E8B0]  }
0x6aa: {  	v2 =	vld [tilespmem:s26+$0x62D0]  }
0x6ab: {  	v3 =	vld [tilespmem:s26+$0x62E0]  }
0x6ac: {  	v4 =	vld [tilespmem:s26+$0x62F0]  }
0x6ad: {  	v5 =	vld [tilespmem:s26+$0x6280]  }
0x6ae: {  	v33 =	vsub.f32 v8, v18;
	v8 =	vld [tilespmem:$0x1E8D0]  }
0x6af: {  	v9 =	vld [tilespmem:s26+$0x62C0]  }
0x6b0: {  	v48 =	vsub.f32 v0, v44;
	v0 =	vld [tilespmem:s26+$0x2260]  }
0x6b1: {  	v53 =	vsub.f32 v47, v61;
	v44 =	vsub.f32 v22, v2;
	v2 =	vld [tilespmem:s26+$0x2200]  }
0x6b2: {  	v22 =	vmul.f32 v46, v46;
	v46 =	vsub.f32 v26, v3;
	v3 =	vld [tilespmem:s26+$0x6200];
	v47 =	vsub.f32 v31, v4  }
0x6b3: {  	v31 =	vmul.f32 v43, v43;
	v43 =	vsub.f32 v12, v5;
	v5 =	vld [tilespmem:$0x1E910];
	v8 =	vsub.f32 v8, v38  }
0x6b4: {  	v6 =	vld [tilespmem:s26+$0x2290]  }
0x6b5: {  	[tilespmem:$0x1E8E0] =	vst v8;
	v8 =	vld [tilespmem:s26+$0x62B0]  }
0x6b6: {  	v54 =	vld [tilespmem:s26+$0x22A0]  }
0x6b7: {  	[tilespmem:$0x1E7D0] =	vst v1;
	v1 =	vld [tilespmem:s26+$0x6290]  }
0x6b8: {  	v20 =	vmul.f32 v17, v17;
	v57 =	vmul.f32 v57, v57;
	[tilespmem:$0x1E850] =	vst v7;
	v7 =	vld [tilespmem:s26+$0x62A0]  }
0x6b9: {  	v21 =	vmul.f32 v40, v40;
	v23 =	vmul.f32 v23, v23;
	v4 =	vld [tilespmem:s26+$0x2210]  }
0x6ba: {  	v27 =	vmul.f32 v27, v27;
	v12 =	vmul.f32 v62, v62;
	v62 =	vsub.f32 v56, v8;
	v8 =	vld [tilespmem:$0x1E920]  }
0x6bb: {  	v39 =	vsub.f32 v39, v16;
	v16 =	vmul.f32 v13, v13;
	v13 =	vmul.f32 v5, v5;
	v5 =	vld [tilespmem:s26+$0x6210]  }
0x6bc: {  	v26 =	vmul.f32 v32, v32;
	v32 =	vmul.f32 v30, v30;
	v1 =	vsub.f32 v6, v1;
	v6 =	vld [tilespmem:s26+$0x2220]  }
0x6bd: {  	v14 =	vmul.f32 v14, v14;
	v51 =	vmul.f32 v51, v51;
	v61 =	vsub.f32 v54, v7;
	v7 =	vld [tilespmem:s26+$0x6220]  }
0x6be: {  	v55 =	vmul.f32 v55, v55;
	v38 =	vmul.f32 v45, v45;
	v45 =	vld [tilespmem:s26+$0x6260]  }
0x6bf: {  	s28 =	simm.s32 $0x1000;
	[tilespmem:$0x1E900] =	vst v11;
	v40 =	vsub.f32 v19, v9;
	v18 =	vmul.f32 v10, v10;
	v56 =	vmul.f32 v8, v8;
	v8 =	vld [tilespmem:s26+$0x2230]  }
.LBB2_8:
0x6c0: {  	v9 =	vld [tilespmem:s26+$0x6230];
	_ =	sdelay $0x3  }
0x6c1: {  	v30 =	vsub.f32 v59, v63  }
0x6c2: {  	v59 =	vld [tilespmem:s26+$0x2270];
	v54 =	vsub.f32 v4, v5;
	v5 =	vmul.f32 v1, v1;
	v1 =	vsub.f32 v8, v9  }
0x6c3: {  	v3 =	vsub.f32 v2, v3;
	v2 =	vld [tilespmem:s26+$0x6270];
	s26 =	sshra.s32 s28, $0x2;
	v6 =	vsub.f32 v6, v7;
	v7 =	vmul.f32 v43, v43  }
0x6c4: {  	v43 =	vmul.f32 v54, v54;
	v54 =	vmul.f32 v1, v1;
	v1 =	vld [tilespmem:s26+$0x65E0];
	_ =	sdelay $0x4  }
0x6c5: {  	[tilespmem:$0x1E0D0] =	vst v1;
	v1 =	vld [tilespmem:$0x1E3E0];
	_ =	sdelay $0x4  }
0x6c6: {  	v11 =	vadd.f32 v43, v1;
	v1 =	vld [tilespmem:$0x1E3F0];
	_ =	sdelay $0x2  }
0x6c7: {  	v6 =	vmul.f32 v6, v6;
	_ =	sdelay $0x1  }
0x6c8: {  	v6 =	vadd.f32 v6, v1;
	v1 =	vld [tilespmem:$0x1E400];
	_ =	sdelay $0x4  }
0x6c9: {  	v10 =	vadd.f32 v54, v1;
	v1 =	vld [tilespmem:s26+$0x65F0];
	_ =	sdelay $0x4  }
0x6ca: {  	[tilespmem:$0x1E0F0] =	vst v1;
	v1 =	vld [tilespmem:s26+$0x6580];
	_ =	sdelay $0x4  }
0x6cb: {  	[tilespmem:$0x1E0E0] =	vst v1;
	v1 =	vld [tilespmem:s26+$0x2590];
	_ =	sdelay $0x4  }
0x6cc: {  	[tilespmem:$0x1E100] =	vst v1;
	v1 =	vld [tilespmem:s26+$0x6590];
	_ =	sdelay $0x4  }
0x6cd: {  	[tilespmem:$0x1E110] =	vst v1;
	v1 =	vld [tilespmem:s26+$0x25A0];
	_ =	sdelay $0x4  }
0x6ce: {  	[tilespmem:$0x1E120] =	vst v1;
	v1 =	vld [tilespmem:s26+$0x65A0];
	_ =	sdelay $0x4  }
0x6cf: {  	[tilespmem:$0x1E130] =	vst v1;
	v1 =	vld [tilespmem:s26+$0x25B0]  }
0x6d0: {  	v63 =	vmul.f32 v34, v34;
	v4 =	vmul.f32 v44, v44  }
0x6d1: {  	v58 =	vsub.f32 v58, v60;
	v44 =	vmul.f32 v30, v30;
	v30 =	vmul.f32 v3, v3  }
0x6d2: {  	v34 =	vmul.f32 v35, v35;
	v35 =	vmul.f32 v36, v36  }
0x6d3: {  	v36 =	vmul.f32 v39, v39;
	v9 =	vmul.f32 v58, v58;
	v39 =	vadd.f32 v30, v42  }
0x6d4: {  	v0 =	vsub.f32 v0, v45;
	v2 =	vsub.f32 v59, v2;
	[tilespmem:$0x1E160] =	vst v1;
	v1 =	vld [tilespmem:s26+$0x65B0]  }
0x6d5: {  	v9 =	vadd.f32 v9, v39  }
0x6d6: {  	v0 =	vmul.f32 v0, v0;
	v2 =	vmul.f32 v2, v2  }
0x6d7: {  	v40 =	vmul.f32 v40, v40;
	v7 =	vadd.f32 v7, v9  }
0x6d8: {  	v0 =	vadd.f32 v0, v6;
	v6 =	vmul.f32 v62, v62;
	v2 =	vadd.f32 v2, v10  }
0x6d9: {  	[tilespmem:$0x1E170] =	vst v1;
	v1 =	vld [tilespmem:$0x1E8E0]  }
0x6da: {  	v7 =	vadd.f32 v40, v7;
	v2 =	vadd.f32 v6, v2;
	v6 =	vmul.f32 v47, v47;
	_ =	sdelay $0x1  }
0x6db: {  	v7 =	vadd.f32 v35, v7;
	v2 =	vadd.f32 v6, v2;
	v6 =	vmul.f32 v53, v53;
	_ =	sdelay $0x1  }
0x6dc: {  	v2 =	vadd.f32 v6, v2;
	v6 =	vadd.f32 v63, v7;
	v7 =	vmul.f32 v1, v1;
	v1 =	vld [tilespmem:s26+$0x2540];
	_ =	sdelay $0x1  }
0x6dd: {  	v45 =	vmul.f32 v61, v61;
	v11 =	vadd.f32 v44, v11;
	_ =	sdelay $0x1  }
0x6de: {  	v9 =	vmul.f32 v46, v46;
	v5 =	vadd.f32 v5, v11;
	v0 =	vadd.f32 v45, v0  }
0x6df: {  	[tilespmem:$0x1E140] =	vst v1;
	v1 =	vld [tilespmem:$0x1E900]  }
0x6e0: {  	v4 =	vadd.f32 v4, v5;
	v5 =	vmul.f32 v48, v48;
	v0 =	vadd.f32 v9, v0;
	_ =	sdelay $0x1  }
0x6e1: {  	v0 =	vadd.f32 v5, v0;
	v5 =	vmul.f32 v49, v49;
	_ =	sdelay $0x1  }
0x6e2: {  	v2 =	vadd.f32 v5, v2;
	v5 =	vmul.f32 v1, v1;
	v1 =	vld [tilespmem:s26+$0x6540];
	_ =	sdelay $0x4  }
0x6e3: {  	[tilespmem:$0x1E150] =	vst v1;
	v1 =	vld [tilespmem:$0x1E850];
	_ =	sdelay $0x2  }
0x6e4: {  	v9 =	vmul.f32 v50, v50;
	_ =	sdelay $0x1  }
0x6e5: {  	v0 =	vadd.f32 v9, v0;
	v9 =	vmul.f32 v1, v1;
	v1 =	vld [tilespmem:s26+$0x2550];
	_ =	sdelay $0x4  }
0x6e6: {  	[tilespmem:$0x1E180] =	vst v1;
	v1 =	vld [tilespmem:$0x1E8A0];
	_ =	sdelay $0x4  }
0x6e7: {  	v2 =	vadd.f32 v5, v2;
	v5 =	vmul.f32 v1, v1;
	v1 =	vld [tilespmem:s26+$0x6550];
	_ =	sdelay $0x4  }
0x6e8: {  	[tilespmem:$0x1E190] =	vst v1;
	v1 =	vld [tilespmem:$0x1E7D0];
	_ =	sdelay $0x4  }
0x6e9: {  	v0 =	vadd.f32 v7, v0;
	v7 =	vmul.f32 v1, v1;
	v1 =	vld [tilespmem:s26+$0x2560];
	_ =	sdelay $0x4  }
0x6ea: {  	[tilespmem:$0x1E1A0] =	vst v1;
	v1 =	vld [tilespmem:$0x1E800];
	_ =	sdelay $0x4  }
0x6eb: {  	v2 =	vadd.f32 v5, v2;
	v5 =	vmul.f32 v1, v1;
	v1 =	vld [tilespmem:s26+$0x6560];
	_ =	sdelay $0x4  }
0x6ec: {  	[tilespmem:$0x1E1B0] =	vst v1;
	v1 =	vld [tilespmem:$0x1E750];
	_ =	sdelay $0x4  }
0x6ed: {  	v0 =	vadd.f32 v9, v0;
	v9 =	vmul.f32 v1, v1;
	v1 =	vld [tilespmem:$0x1E780];
	_ =	sdelay $0x4  }
0x6ee: {  	v2 =	vadd.f32 v5, v2;
	v5 =	vmul.f32 v1, v1;
	v1 =	vld [tilespmem:s26+$0x6570];
	_ =	sdelay $0x4  }
0x6ef: {  	[tilespmem:$0x1E1D0] =	vst v1;
	v1 =	vld [tilespmem:$0x1E6C0];
	_ =	sdelay $0x4  }
0x6f0: {  	v0 =	vadd.f32 v7, v0;
	v7 =	vmul.f32 v1, v1;
	v1 =	vld [tilespmem:$0x1E710];
	_ =	sdelay $0x4  }
0x6f1: {  	v2 =	vadd.f32 v5, v2;
	v5 =	vmul.f32 v1, v1;
	v1 =	vld [tilespmem:s26+$0x6500];
	_ =	sdelay $0x4  }
0x6f2: {  	[tilespmem:$0x1E1C0] =	vst v1;
	v1 =	vld [tilespmem:$0x1E620];
	_ =	sdelay $0x4  }
0x6f3: {  	v0 =	vadd.f32 v9, v0;
	v9 =	vmul.f32 v1, v1;
	v1 =	vld [tilespmem:$0x1E670];
	_ =	sdelay $0x3  }
0x6f4: {  	v60 =	vmul.f32 v52, v52  }
0x6f5: {  	v2 =	vadd.f32 v5, v2;
	v5 =	vmul.f32 v1, v1;
	v1 =	vld [tilespmem:s26+$0x6530]  }
0x6f6: {  	v6 =	vadd.f32 v60, v6;
	_ =	sdelay $0x1  }
0x6f7: {  	v6 =	vadd.f32 v57, v6;
	_ =	sdelay $0x1  }
0x6f8: {  	v6 =	vadd.f32 v55, v6;
	[tilespmem:$0x1E200] =	vst v1;
	v1 =	vld [tilespmem:s26+$0x24C0];
	_ =	sdelay $0x1  }
0x6f9: {  	v6 =	vadd.f32 v14, v6;
	_ =	sdelay $0x1  }
0x6fa: {  	v6 =	vadd.f32 v16, v6  }
0x6fb: {  	v0 =	vadd.f32 v7, v0;
	[tilespmem:$0x1E1E0] =	vst v1;
	v1 =	vld [tilespmem:s26+$0x64C0]  }
0x6fc: {  	v10 =	vadd.f32 v32, v6  }
0x6fd: {  	v11 =	vmul.f32 v41, v41;
	v0 =	vadd.f32 v9, v0  }
0x6fe: {  	v9 =	vadd.f32 v27, v10;
	v10 =	vmul.f32 v29, v29  }
0x6ff: {  	v0 =	vadd.f32 v11, v0;
	v2 =	vadd.f32 v5, v2;
	v5 =	vmul.f32 v37, v37  }
0x700: {  	v11 =	vmul.f32 v25, v25;
	[tilespmem:$0x1E1F0] =	vst v1;
	v1 =	vld [tilespmem:$0x1E450]  }
0x701: {  	v8 =	vld [tilespmem:s26+$0x65D0];
	v0 =	vadd.f32 v10, v0;
	v2 =	vadd.f32 v5, v2;
	v5 =	vmul.f32 v28, v28  }
0x702: {  	v10 =	vmul.f32 v15, v15  }
0x703: {  	v0 =	vadd.f32 v11, v0;
	v2 =	vadd.f32 v5, v2;
	v5 =	vmul.f32 v24, v24;
	_ =	sdelay $0x1  }
0x704: {  	v0 =	vadd.f32 v10, v0;
	v2 =	vadd.f32 v5, v2;
	v5 =	vmul.f32 v1, v1  }
0x705: {  	v19 =	vld [tilespmem:s26+$0x25D0];
	[tilespmem:$0x1E0C0] =	vst v8  }
0x706: {  	[tilespmem:$0x1E3F0] =	vst v0;
	v0 =	vadd.f32 v5, v2;
	v2 =	vld [tilespmem:$0x1E0C0];
	_ =	sdelay $0x2  }
0x707: {  	v9 =	vadd.f32 v23, v9  }
0x708: {  	v3 =	vld [tilespmem:s26+$0x25E0]  }
0x709: {  	v9 =	vadd.f32 v38, v9;
	v38 =	vsub.f32 v19, v2;
	v2 =	vld [tilespmem:$0x1E0D0];
	_ =	sdelay $0x1  }
0x70a: {  	v52 =	vld [tilespmem:s26+$0x25C0]  }
0x70b: {  	[tilespmem:$0x1E400] =	vst v0;
	v0 =	vld [tilespmem:s26+$0x64E0]  }
0x70c: {  	v17 =	vld [tilespmem:s26+$0x65C0]  }
0x70d: {  	v61 =	vld [tilespmem:s26+$0x2580];
	v2 =	vsub.f32 v3, v2  }
0x70e: {  	v58 =	vld [tilespmem:s26+$0x23A0]  }
0x70f: {  	[tilespmem:$0x1E3D0] =	vst v2;
	v2 =	vld [tilespmem:$0x1E0E0]  }
0x710: {  	v4 =	vadd.f32 v36, v4;
	[tilespmem:$0x1E210] =	vst v0;
	v0 =	vld [tilespmem:s26+$0x64F0]  }
0x711: {  	v30 =	vld [tilespmem:s26+$0x6380]  }
0x712: {  	v33 =	vmul.f32 v33, v33;
	v59 =	vld [tilespmem:s26+$0x63B0];
	v4 =	vadd.f32 v34, v4  }
0x713: {  	v43 =	vld [tilespmem:s26+$0x25F0]  }
0x714: {  	v4 =	vadd.f32 v33, v4;
	v42 =	vsub.f32 v61, v2;
	v2 =	vld [tilespmem:$0x1E0F0]  }
0x715: {  	[tilespmem:$0x1E240] =	vst v0;
	v0 =	vld [tilespmem:s26+$0x2480]  }
0x716: {  	v8 =	vld [tilespmem:s26+$0x6410];
	v4 =	vadd.f32 v56, v4  }
0x717: {  	v39 =	vld [tilespmem:s26+$0x2300]  }
0x718: {  	v46 =	vld [tilespmem:s26+$0x2360];
	v4 =	vadd.f32 v12, v4  }
0x719: {  	v3 =	vld [tilespmem:$0x1E110];
	v2 =	vsub.f32 v43, v2  }
0x71a: {  	v4 =	vadd.f32 v51, v4;
	[tilespmem:$0x1E220] =	vst v0;
	v0 =	vld [tilespmem:s26+$0x6480]  }
0x71b: {  	[tilespmem:$0x1E450] =	vst v2;
	v2 =	vld [tilespmem:$0x1E100]  }
0x71c: {  	v40 =	vsub.f32 v52, v17;
	v17 =	vld [tilespmem:s26+$0x22D0];
	v4 =	vadd.f32 v13, v4  }
0x71d: {  	v35 =	vld [tilespmem:s26+$0x6350]  }
0x71e: {  	v44 =	vld [tilespmem:s26+$0x2310];
	v4 =	vadd.f32 v31, v4  }
0x71f: {  	[tilespmem:$0x1E230] =	vst v0;
	v0 =	vld [tilespmem:s26+$0x2490]  }
0x720: {  	v4 =	vadd.f32 v26, v4;
	v26 =	vsub.f32 v2, v3;
	v2 =	vld [tilespmem:$0x1E120]  }
0x721: {  	v3 =	vld [tilespmem:$0x1E130]  }
0x722: {  	v48 =	vld [tilespmem:s26+$0x2370]  }
0x723: {  	v62 =	vld [tilespmem:s26+$0x6400]  }
0x724: {  	v36 =	vld [tilespmem:s26+$0x6300]  }
0x725: {  	[tilespmem:$0x1E250] =	vst v0;
	v0 =	vld [tilespmem:s26+$0x6490]  }
0x726: {  	v31 =	vsub.f32 v2, v3;
	v2 =	vld [tilespmem:$0x1E140]  }
0x727: {  	v3 =	vld [tilespmem:$0x1E150]  }
0x728: {  	v45 =	vld [tilespmem:s26+$0x6360]  }
0x729: {  	v54 =	vld [tilespmem:s26+$0x63C0]  }
0x72a: {  	[tilespmem:$0x1E260] =	vst v0;
	v0 =	vld [tilespmem:s26+$0x24A0]  }
0x72b: {  	v34 =	vld [tilespmem:s26+$0x6340]  }
0x72c: {  	v25 =	vsub.f32 v2, v3;
	v2 =	vld [tilespmem:$0x1E160]  }
0x72d: {  	v4 =	vadd.f32 v22, v4;
	v3 =	vld [tilespmem:$0x1E170]  }
0x72e: {  	v50 =	vld [tilespmem:s26+$0x2380]  }
0x72f: {  	v4 =	vadd.f32 v18, v4;
	v1 =	vadd.f32 v21, v9;
	[tilespmem:$0x1E270] =	vst v0;
	v0 =	vld [tilespmem:s26+$0x64A0]  }
0x730: {  	v33 =	vld [tilespmem:s26+$0x6390]  }
0x731: {  	[tilespmem:$0x1E3C0] =	vst v1;
	v1 =	vadd.f32 v20, v4;
	v4 =	vld [tilespmem:$0x1E190]  }
0x732: {  	v43 =	vsub.f32 v2, v3;
	v3 =	vld [tilespmem:$0x1E180]  }
0x733: {  	v49 =	vld [tilespmem:s26+$0x63E0]  }
0x734: {  	[tilespmem:$0x1E280] =	vst v0;
	v0 =	vld [tilespmem:s26+$0x24B0]  }
0x735: {  	v56 =	vld [tilespmem:s26+$0x63D0]  }
0x736: {  	v47 =	vld [tilespmem:s26+$0x2340]  }
0x737: {  	v22 =	vsub.f32 v3, v4;
	v3 =	vld [tilespmem:$0x1E1A0]  }
0x738: {  	v4 =	vld [tilespmem:$0x1E1B0]  }
0x739: {  	[tilespmem:$0x1E2B0] =	vst v0;
	v0 =	vld [tilespmem:s26+$0x64B0]  }
0x73a: {  	v12 =	vld [tilespmem:s26+$0x2570]  }
0x73b: {  	v13 =	vld [tilespmem:s26+$0x2510]  }
0x73c: {  	v5 =	vld [tilespmem:$0x1E1F0]  }
0x73d: {  	v29 =	vsub.f32 v3, v4;
	v4 =	vld [tilespmem:$0x1E1E0]  }
0x73e: {  	[tilespmem:$0x1E2C0] =	vst v0;
	v0 =	vld [tilespmem:s26+$0x2440]  }
0x73f: {  	v16 =	vld [tilespmem:s26+$0x6520]  }
0x740: {  	v6 =	vld [tilespmem:s26+$0x2520]  }
0x741: {  	v9 =	vld [tilespmem:s26+$0x24E0]  }
0x742: {  	v19 =	vsub.f32 v4, v5;
	v5 =	vld [tilespmem:$0x1E210]  }
0x743: {  	[tilespmem:$0x1E290] =	vst v0;
	v0 =	vld [tilespmem:s26+$0x6440]  }
0x744: {  	v7 =	vld [tilespmem:s26+$0x6510]  }
0x745: {  	v15 =	vld [tilespmem:s26+$0x24D0]  }
0x746: {  	v11 =	vld [tilespmem:s26+$0x64D0]  }
0x747: {  	v41 =	vsub.f32 v6, v16;
	v6 =	vld [tilespmem:$0x1E230];
	v5 =	vsub.f32 v9, v5  }
0x748: {  	[tilespmem:$0x1E2A0] =	vst v0;
	v0 =	vld [tilespmem:s26+$0x2450]  }
0x749: {  	[tilespmem:$0x1E620] =	vst v5;
	v5 =	vld [tilespmem:$0x1E220]  }
0x74a: {  	v53 =	vld [tilespmem:s26+$0x2350]  }
0x74b: {  	v51 =	vld [tilespmem:s26+$0x63A0]  }
0x74c: {  	v20 =	vsub.f32 v13, v7;
	v7 =	vld [tilespmem:$0x1E260]  }
0x74d: {  	[tilespmem:$0x1E2D0] =	vst v0;
	v0 =	vld [tilespmem:s26+$0x6450]  }
0x74e: {  	v16 =	vsub.f32 v15, v11;
	v15 =	vsub.f32 v5, v6;
	v6 =	vld [tilespmem:$0x1E250]  }
0x74f: {  	v63 =	vld [tilespmem:s26+$0x6370]  }
0x750: {  	v14 =	vld [tilespmem:s26+$0x2500]  }
0x751: {  	v3 =	vld [tilespmem:$0x1E1C0]  }
0x752: {  	[tilespmem:$0x1E2E0] =	vst v0;
	v0 =	vld [tilespmem:s26+$0x2460]  }
0x753: {  	v13 =	vsub.f32 v6, v7;
	v6 =	vld [tilespmem:$0x1E270]  }
0x754: {  	v7 =	vld [tilespmem:$0x1E280]  }
0x755: {  	v60 =	vld [tilespmem:s26+$0x23B0]  }
0x756: {  	v57 =	vld [tilespmem:s26+$0x6420]  }
0x757: {  	v51 =	vsub.f32 v58, v51;
	v58 =	vld [tilespmem:s26+$0x2240]  }
0x758: {  	v24 =	vsub.f32 v14, v3;
	v3 =	vld [tilespmem:$0x1E1D0]  }
0x759: {  	[tilespmem:$0x1E2F0] =	vst v0;
	v0 =	vld [tilespmem:s26+$0x6460];
	v6 =	vsub.f32 v6, v7  }
0x75a: {  	v7 =	vld [tilespmem:$0x1E2A0]  }
0x75b: {  	[tilespmem:$0x1E6C0] =	vst v6;
	v6 =	vld [tilespmem:$0x1E290]  }
0x75c: {  	v55 =	vld [tilespmem:s26+$0x23C0]  }
0x75d: {  	v18 =	vld [tilespmem:s26+$0x6330]  }
0x75e: {  	[tilespmem:$0x1E300] =	vst v0;
	v0 =	vld [tilespmem:s26+$0x2470]  }
0x75f: {  	v32 =	vld [tilespmem:s26+$0x6310]  }
0x760: {  	v28 =	vsub.f32 v12, v3;
	v12 =	vsub.f32 v6, v7;
	v6 =	vld [tilespmem:$0x1E2B0]  }
0x761: {  	v7 =	vld [tilespmem:$0x1E2C0]  }
0x762: {  	v10 =	vld [tilespmem:s26+$0x24F0]  }
0x763: {  	[tilespmem:$0x1E310] =	vst v0;
	v0 =	vld [tilespmem:s26+$0x6470]  }
0x764: {  	v5 =	vld [tilespmem:$0x1E240]  }
0x765: {  	v9 =	vld [tilespmem:$0x1E2E0]  }
0x766: {  	v6 =	vsub.f32 v6, v7;
	v7 =	vld [tilespmem:$0x1E2D0]  }
0x767: {  	v27 =	vld [tilespmem:s26+$0x2320]  }
0x768: {  	[tilespmem:$0x1E320] =	vst v0;
	v0 =	vld [tilespmem:s26+$0x2410]  }
0x769: {  	v23 =	vld [tilespmem:s26+$0x2330]  }
0x76a: {  	[tilespmem:$0x1E3E0] =	vst v1;
	v1 =	vld [tilespmem:s26+$0x2400]  }
0x76b: {  	v5 =	vsub.f32 v10, v5;
	v10 =	vsub.f32 v7, v9;
	v7 =	vld [tilespmem:$0x1E2F0]  }
0x76c: {  	v9 =	vld [tilespmem:$0x1E300]  }
0x76d: {  	[tilespmem:$0x1E330] =	vst v0;
	v0 =	vld [tilespmem:s26+$0x2420]  }
0x76e: {  	v37 =	vld [tilespmem:s26+$0x2530]  }
0x76f: {  	v11 =	vld [tilespmem:s26+$0x22F0]  }
0x770: {  	v62 =	vsub.f32 v1, v62;
	v1 =	vld [tilespmem:$0x1E310]  }
0x771: {  	v7 =	vsub.f32 v7, v9;
	v9 =	vld [tilespmem:$0x1E320]  }
0x772: {  	[tilespmem:$0x1E340] =	vst v0;
	v0 =	vld [tilespmem:s26+$0x2430]  }
0x773: {  	v21 =	vld [tilespmem:s26+$0x22C0]  }
0x774: {  	v2 =	vld [tilespmem:s26+$0x62C0]  }
0x775: {  	v61 =	vld [tilespmem:s26+$0x2280]  }
0x776: {  	v1 =	vsub.f32 v1, v9;
	v9 =	vld [tilespmem:$0x1E330]  }
0x777: {  	[tilespmem:$0x1E350] =	vst v0;
	v0 =	vld [tilespmem:s26+$0x6430]  }
0x778: {  	v35 =	vsub.f32 v53, v35;
	[tilespmem:$0x1E8E0] =	vst v51;
	v51 =	vmul.f32 v38, v38;
	v38 =	vmul.f32 v42, v42;
	v42 =	vld [tilespmem:$0x1E3C0]  }
0x779: {  	v53 =	vsub.f32 v23, v18;
	v23 =	vmul.f32 v40, v40;
	v40 =	vsub.f32 v21, v2;
	v2 =	vld [tilespmem:s26+$0x2200]  }
0x77a: {  	v14 =	vld [tilespmem:s26+$0x22E0]  }
0x77b: {  	v8 =	vsub.f32 v9, v8;
	v9 =	vld [tilespmem:$0x1E340]  }
0x77c: {  	[tilespmem:$0x1E360] =	vst v0;
	v0 =	vld [tilespmem:s26+$0x23D0]  }
0x77d: {  	v4 =	vld [tilespmem:$0x1E200]  }
0x77e: {  	v3 =	vld [tilespmem:s26+$0x62D0]  }
0x77f: {  	v52 =	vld [tilespmem:$0x1E360]  }
0x780: {  	v57 =	vsub.f32 v9, v57;
	v9 =	vld [tilespmem:$0x1E350]  }
0x781: {  	[tilespmem:$0x1E370] =	vst v0;
	v0 =	vld [tilespmem:s26+$0x23E0]  }
0x782: {  	v36 =	vsub.f32 v39, v36;
	v37 =	vsub.f32 v37, v4;
	v4 =	vld [tilespmem:s26+$0x62E0]  }
0x783: {  	v39 =	vsub.f32 v44, v32;
	v21 =	vmovc v23;
	v23 =	vmul.f32 v25, v25;
	v44 =	vsub.f32 v17, v3;
	v3 =	vld [tilespmem:s26+$0x6200]  }
0x784: {  	v25 =	vmov v31;
	v31 =	vmul.f32 v16, v16;
	v16 =	vmul.f32 v15, v15;
	v15 =	vld [tilespmem:$0x1E3D0]  }
0x785: {  	v54 =	vsub.f32 v55, v54;
	v55 =	vsub.f32 v9, v52;
	v9 =	vld [tilespmem:$0x1E370]  }
0x786: {  	[tilespmem:$0x1E380] =	vst v0;
	v0 =	vld [tilespmem:s26+$0x23F0]  }
0x787: {  	[tilespmem:$0x1E670] =	vst v5;
	v5 =	vld [tilespmem:s26+$0x62F0]  }
0x788: {  	[tilespmem:$0x1E750] =	vst v7;
	v7 =	vld [tilespmem:s26+$0x2290]  }
0x789: {  	[tilespmem:$0x1E780] =	vst v1;
	v1 =	vld [tilespmem:s26+$0x6290]  }
0x78a: {  	v56 =	vsub.f32 v9, v56;
	v9 =	vld [tilespmem:$0x1E380]  }
0x78b: {  	[tilespmem:$0x1E390] =	vst v0;
	v0 =	vld [tilespmem:s26+$0x63F0]  }
0x78c: {  	v34 =	vsub.f32 v47, v34;
	v47 =	vsub.f32 v11, v5;
	v5 =	vld [tilespmem:s26+$0x6210]  }
0x78d: {  	[tilespmem:$0x1E710] =	vst v6;
	v6 =	vld [tilespmem:s26+$0x6280]  }
0x78e: {  	v1 =	vsub.f32 v7, v1;
	v7 =	vld [tilespmem:s26+$0x6220]  }
0x78f: {  	v52 =	vsub.f32 v50, v30;
	v30 =	vld [tilespmem:$0x1E390];
	v49 =	vsub.f32 v9, v49  }
0x790: {  	[tilespmem:$0x1E3A0] =	vst v0;
	v0 =	vld [tilespmem:s26+$0x2390]  }
0x791: {  	[tilespmem:$0x1E850] =	vst v49;
	v49 =	vld [tilespmem:$0x1E3A0]  }
0x792: {  	[tilespmem:$0x1E7D0] =	vst v57;
	v57 =	vld [tilespmem:s26+$0x22A0]  }
0x793: {  	[tilespmem:$0x1E800] =	vst v55;
	v55 =	vld [tilespmem:s26+$0x62A0]  }
0x794: {  	v9 =	vld [tilespmem:s26+$0x22B0]  }
0x795: {  	[tilespmem:$0x1E3B0] =	vst v0;
	v0 =	vld [tilespmem:s26+$0x6320]  }
0x796: {  	v50 =	vsub.f32 v30, v49;
	v30 =	vld [tilespmem:s26+$0x62B0]  }
0x797: {  	v49 =	vld [tilespmem:$0x1E3B0]  }
0x798: {  	[tilespmem:$0x1E8A0] =	vst v50;
	v50 =	vsub.f32 v60, v59;
	v60 =	vld [tilespmem:s26+$0x6240]  }
0x799: {  	v18 =	vmul.f32 v26, v26;
	v26 =	vmul.f32 v20, v20;
	v59 =	vld [tilespmem:s26+$0x2250]  }
0x79a: {  	p0 =	sne.s32 s28, $0x7000;
	v22 =	vmul.f32 v22, v22;
	v32 =	vmul.f32 v19, v19;
	[tilespmem:$0x1E900] =	vst v50;
	v50 =	vsub.f32 v46, v45;
	v45 =	vld [tilespmem:s26+$0x6260]  }
.Ltmp3:
0x79b: {  	v20 =	vmovc v51;
	v13 =	vmul.f32 v13, v13;
	v51 =	vmul.f32 v10, v10;
	v46 =	vsub.f32 v14, v4;
	v4 =	vld [tilespmem:s26+$0x2210];
	(pc) =	sbr.rel @p0 .LBB2_8-.Ltmp3, $4  }
0x79c: {  	v14 =	vmul.f32 v12, v12;
	v12 =	vmul.f32 v8, v8;
	v8 =	vld [tilespmem:s26+$0x2230];
	v33 =	vsub.f32 v49, v33  }
0x79d: {  	v56 =	vmul.f32 v56, v56;
	v49 =	vsub.f32 v48, v63;
	v63 =	vld [tilespmem:s26+$0x6250];
	v48 =	vsub.f32 v27, v0  }
0x79e: {  	v0 =	vld [tilespmem:s26+$0x2260];
	v27 =	vmul.f32 v24, v24;
	v24 =	vmovc v43;
	v43 =	vsub.f32 v61, v6;
	v61 =	vsub.f32 v57, v55  }
0x79f: {  	s28 =	sadd.s32 $0x1000, s28;
	v6 =	vld [tilespmem:s26+$0x2220];
	v55 =	vmul.f32 v62, v62;
	v62 =	vsub.f32 v9, v30;
	v57 =	vmul.f32 v54, v54  }
0x7a0: {  	v9 =	vld [tilespmem:s26+$0x6230];
	v17 =	vsub.f32 v58, v60;
	v2 =	vsub.f32 v2, v3  }
0x7a1: {  	v10 =	vld [tilespmem:s26+$0x2270];
	v58 =	vsub.f32 v4, v5;
	v1 =	vmul.f32 v1, v1;
	v35 =	vmul.f32 v35, v35  }
0x7a2: {  	v11 =	vld [tilespmem:s26+$0x6270];
	v62 =	vmul.f32 v62, v62;
	v2 =	vmul.f32 v2, v2  }
0x7a3: {  	v30 =	vld [tilespmem:$0x1E3E0];
	v63 =	vsub.f32 v59, v63;
	v3 =	vmul.f32 v58, v58;
	v58 =	vmul.f32 v43, v43  }
0x7a4: {  	v0 =	vsub.f32 v0, v45;
	v45 =	vmul.f32 v17, v17;
	v2 =	vadd.f32 v2, v42;
	v42 =	vld [tilespmem:$0x1E3F0]  }
0x7a5: {  	v54 =	vld [tilespmem:$0x1E400];
	v17 =	vmul.f32 v39, v39;
	v39 =	vmul.f32 v52, v52;
	v60 =	vsub.f32 v6, v7  }
0x7a6: {  	v5 =	vmul.f32 v63, v63;
	v63 =	vmul.f32 v44, v44;
	v9 =	vsub.f32 v8, v9  }
0x7a7: {  	v19 =	vsub.f32 v10, v11;
	v0 =	vmul.f32 v0, v0;
	v4 =	vmul.f32 v60, v60  }
0x7a8: {  	v3 =	vadd.f32 v3, v30;
	v10 =	vmul.f32 v47, v47;
	v6 =	vmul.f32 v9, v9  }
0x7a9: {  	v11 =	vmul.f32 v36, v36;
	v30 =	vmul.f32 v34, v34;
	v4 =	vadd.f32 v4, v42  }
0x7aa: {  	v2 =	vadd.f32 v45, v2;
	v7 =	vmul.f32 v19, v19;
	v6 =	vadd.f32 v6, v54  }
0x7ab: {  	v60 =	vmul.f32 v61, v61;
	v3 =	vadd.f32 v5, v3;
	v0 =	vadd.f32 v0, v4  }
0x7ac: {  	v61 =	vmul.f32 v40, v40;
	v2 =	vadd.f32 v58, v2;
	v59 =	vadd.f32 v7, v6  }
0x7ad: {  	v9 =	vmul.f32 v46, v46;
	v1 =	vadd.f32 v1, v3;
	v0 =	vadd.f32 v60, v0  }
0x7ae: {  	v43 =	vld [tilespmem:$0x1E8E0];
	v34 =	vmul.f32 v53, v53;
	v2 =	vadd.f32 v61, v2;
	v4 =	vadd.f32 v62, v59  }
0x7af: {  	v44 =	vld [tilespmem:$0x1E900];
	v19 =	vmul.f32 v48, v48;
	v1 =	vadd.f32 v63, v1;
	v0 =	vadd.f32 v9, v0  }
0x7b0: {  	v36 =	vmul.f32 v50, v50;
	v45 =	vld [tilespmem:$0x1E850];
	v2 =	vadd.f32 v11, v2;
	v3 =	vadd.f32 v10, v4  }
0x7b1: {  	v40 =	vmul.f32 v49, v49;
	v46 =	vld [tilespmem:$0x1E8A0];
	v1 =	vadd.f32 v17, v1;
	v0 =	vadd.f32 v19, v0  }
0x7b2: {  	v47 =	vld [tilespmem:$0x1E7D0];
	v42 =	vmul.f32 v33, v33;
	v2 =	vadd.f32 v30, v2;
	v3 =	vadd.f32 v34, v3  }
0x7b3: {  	v48 =	vld [tilespmem:$0x1E800];
	v7 =	vmul.f32 v43, v43;
	v1 =	vadd.f32 v35, v1;
	v0 =	vadd.f32 v36, v0  }
0x7b4: {  	v49 =	vld [tilespmem:$0x1E750];
	v4 =	vmul.f32 v44, v44;
	v2 =	vadd.f32 v39, v2;
	v3 =	vadd.f32 v40, v3  }
0x7b5: {  	v50 =	vld [tilespmem:$0x1E780];
	v5 =	vmul.f32 v45, v45;
	v1 =	vadd.f32 v42, v1;
	v0 =	vadd.f32 v7, v0  }
0x7b6: {  	v52 =	vld [tilespmem:$0x1E6C0];
	v2 =	vadd.f32 v57, v2;
	v3 =	vadd.f32 v4, v3;
	v4 =	vmul.f32 v46, v46  }
0x7b7: {  	v53 =	vld [tilespmem:$0x1E710];
	v1 =	vadd.f32 v56, v1;
	v0 =	vadd.f32 v5, v0;
	v5 =	vmul.f32 v47, v47  }
0x7b8: {  	v54 =	vld [tilespmem:$0x1E620];
	v2 =	vadd.f32 v55, v2;
	v3 =	vadd.f32 v4, v3;
	v4 =	vmul.f32 v48, v48  }
0x7b9: {  	v55 =	vld [tilespmem:$0x1E670];
	v1 =	vadd.f32 v12, v1;
	v0 =	vadd.f32 v5, v0;
	v5 =	vmul.f32 v49, v49  }
0x7ba: {  	v2 =	vadd.f32 v14, v2;
	v3 =	vadd.f32 v4, v3;
	v4 =	vmul.f32 v50, v50  }
0x7bb: {  	v1 =	vadd.f32 v51, v1;
	v0 =	vadd.f32 v5, v0;
	v5 =	vmul.f32 v52, v52  }
0x7bc: {  	v2 =	vadd.f32 v16, v2;
	v3 =	vadd.f32 v4, v3;
	v4 =	vmul.f32 v53, v53  }
0x7bd: {  	v1 =	vadd.f32 v13, v1;
	v0 =	vadd.f32 v5, v0  }
0x7be: {  	v5 =	vmul.f32 v54, v54;
	v3 =	vadd.f32 v4, v3;
	v4 =	vmul.f32 v55, v55  }
0x7bf: {  	v57 =	vmul.f32 v37, v37;
	v2 =	vadd.f32 v32, v2;
	v1 =	vadd.f32 v31, v1  }
0x7c0: {  	v56 =	vmul.f32 v41, v41;
	v0 =	vadd.f32 v5, v0;
	v3 =	vadd.f32 v4, v3  }
0x7c1: {  	v58 =	vmul.f32 v29, v29;
	v63 =	vld [tilespmem:$0x1E450];
	v2 =	vadd.f32 v27, v2;
	v1 =	vadd.f32 v26, v1  }
0x7c2: {  	v59 =	vmul.f32 v28, v28;
	v0 =	vadd.f32 v56, v0;
	v3 =	vadd.f32 v57, v3  }
0x7c3: {  	v61 =	vmul.f32 v24, v24;
	v2 =	vadd.f32 v23, v2;
	v1 =	vadd.f32 v22, v1  }
0x7c4: {  	v60 =	vmul.f32 v25, v25;
	v0 =	vadd.f32 v58, v0;
	v3 =	vadd.f32 v59, v3  }
0x7c5: {  	v62 =	vmul.f32 v15, v15;
	v2 =	vadd.f32 v38, v2;
	v1 =	vadd.f32 v18, v1  }
0x7c6: {  	v5 =	vmul.f32 v63, v63;
	v0 =	vadd.f32 v60, v0;
	v3 =	vadd.f32 v61, v3  }
0x7c7: {  	v2 =	vadd.f32 v21, v2;
	v1 =	vadd.f32 v20, v1  }
0x7c8: {  	v0 =	vadd.f32 v62, v0;
	v3 =	vadd.f32 v5, v3;
	_ =	sdelay $0x1  }
0x7c9: {  	v1 =	vadd.f32 v1, v2;
	v0 =	vadd.f32 v3, v0;
	_ =	sdelay $0x1  }
0x7ca: {  	s25 =	sadd.s32 $0x1, s25;
	v0 =	vadd.f32 v0, v1  }
0x7cb: {  	p0 =	sne.s32 s25, s13  }
.Ltmp4:
0x7cc: {  	[tilespmem:$0x8200] =	vst v0;
	(pc) =	sbr.rel @p0 .LBB2_1-.Ltmp4, $4  }
0x7cd: {  	[hbm4b:s12+s2] =	stream.linear.scatter [tilespmem:s24], [sflag:$0x3], $0x10, $0x38;
	[tilespmem:$0x8210] =	vst v63  }
0x7ce: {  	_ =	swait.ge [sflag:s14], $0x10  }
0x7cf: {  	[sflag:s14] =	ssyncset.done $0x0  }
0x7d0: {  	[sflag:s14] =	ssyncadd.s32 $0xFFFFFFF0  }
0x7d1: {  	_ =	sfence.sel $0x180000  }
0x7d2: {  	[bflag:$0x0] =	sbarrier.arrive $0xFFFF  }
0x7d3: {  	p0 =	sne.s32 s1, $0x0;
	_ =	strace $0x90000047  }
0x7d4: {  	s0 =	sadd.s32 @!p0 $0x100000, s0;
	[bflag:$0x2] =	sbarrier.arrive $0xFFFF  }
0x7d5: {  	[sflag:s0] =	ssyncadd.tile.s32 @!p0 $0x1;
	_ =	shalt  }
.Lfunc_end2:
_tile_overlayer_lowered:
.L_overlay_start_2:
0x7d6: {  	(tag) =	ssettag $0x2  }
0x7d7: {  	s0 =	rddreg [dreg:$0x0];
	s2 =	stileid.u32  }
0x7d8: {  	s1 =	rddreg [dreg:$0x1];
	p0 =	sne.s32 s2, $0x0  }
0x7d9: {  	s3 =	rddreg [dreg:$0x2];
	[bflag:$0x3] =	sbarrier.arrive $0xFFFF;
	s2 =	simm.s32 @!p0 $0x1C03  }
0x7da: {  	[timem:s3], [sflag:s2] =	dma.local @!p0 [hbm:s0], s1  }
0x7db: {  	s0 =	simm.s32 @!p0 $0x3  }
0x7dc: {  	_ =	swait.ge @!p0 [sflag:s0], s1  }
0x7dd: {  	s1 =	ssub.s32 @!p0 $0x0, s1;
	[sflag:s0] =	ssyncset.done @!p0 $0x0  }
0x7de: {  	[sflag:s0] =	ssyncadd.s32 @!p0 s1  }
0x7df: {  	[bflag:$0x3] =	sbarrier.arrive $0xFFFF  }
0x7e0: {  	_ =	shalt  }

</sc_bundles>
